<compile_context>
chip_gen: v7x
topology: tpu7x:2x2x1
jax: 0.10.2.dev20260603
libtpu: 0.0.44.dev20260713+nightly
codegen_flags: <defaults>
</compile_context>

<pallas_src>
import functools
import jax
import jax.numpy as jnp
from jax import lax
from jax.experimental import pallas as pl
from jax.experimental.pallas import tpu as pltpu
from jax.experimental.pallas import tpu_sc as plsc

N = 10000
E = 320000
NW = 32
TN = 1000
TE = 4000
S1_C = 80
S2_C = 2000

f32 = jnp.float32


def _dot(a, b):
    return jax.lax.dot_general(a, b, (((1,), (0,)), ((), ())),
                               preferred_element_type=f32)


def _t0_body(in10_ref, geo_ref, wall_ref, cat_ref, bat_ref,
             ew_ref, cw_ref, iw_ref, gw_ref, ww_ref, dw_ref, sw_ref,
             a_ref, b_ref, cond_ref):
    in10 = in10_ref[...]
    geo = geo_ref[...]
    wb = wall_ref[...]
    cat = cat_ref[0, 0, :]
    bat = bat_ref[0, 0, :]

    cat_oh = (cat[:, None] ==
              lax.broadcasted_iota(jnp.int32, (TN, 10), 1)).astype(f32)
    bat_oh = (bat[:, None] ==
              lax.broadcasted_iota(jnp.int32, (TN, 100), 1)).astype(f32)

    for net in range(2):
        emb = ew_ref[net]
        cW, cb = cw_ref[net, 0], cw_ref[net, 1]
        ctab = _dot(jnp.tanh(emb), cW)
        cf = jnp.tanh(_dot(cat_oh, ctab) + cb[0:1, :])

        w1, b1 = ww_ref[net, 0, 0:1, :], ww_ref[net, 1, 0:1, :]
        w2, b2 = ww_ref[net, 2, :, :], ww_ref[net, 3, 0:1, :]
        wtab = jnp.tanh(_dot(jnp.tanh(wb * w1 + b1), w2) + b2)
        wf = _dot(bat_oh, wtab)

        g1, gb1 = gw_ref[net, 0, 0:8, :], gw_ref[net, 1, 0:1, :]
        g2, gb2 = gw_ref[net, 2, :, :], gw_ref[net, 3, 0:1, :]
        gf = jnp.tanh(_dot(jnp.tanh(_dot(geo, g1) + gb1), g2) + gb2)

        i1, ib1 = iw_ref[net, 0, 0:16, :], iw_ref[net, 1, 0:1, :]
        i2, ib2 = iw_ref[net, 2, :, :], iw_ref[net, 3, 0:1, :]
        h0 = jnp.tanh(_dot(jnp.tanh(_dot(in10, i1) + ib1), i2) + ib2)

        cond = jnp.concatenate([cf, wf, gf], axis=-1)
        g1cat = jnp.concatenate([h0, cond], axis=-1)

        wd, bd = dw_ref[net, :, :], dw_ref[net + 2, 0:1, 0:64]
        ws = sw_ref[net, :, :]
        a_ref[:, net * 64:(net + 1) * 64] = _dot(g1cat, wd) + bd
        b_ref[:, net * 64:(net + 1) * 64] = _dot(g1cat, ws)
        cond_ref[:, net * 96:(net + 1) * 96] = cond


def _t0(in10, geo, wall, cat3, bat3, ew, cw, iw, gw, ww, dw, sw):
    g = N // TN
    full = lambda s: pl.BlockSpec(s, lambda i: tuple(0 for _ in s))
    return pl.pallas_call(
        _t0_body,
        grid=(g,),
        in_specs=[
            pl.BlockSpec((TN, 16), lambda i: (i, 0)),
            pl.BlockSpec((TN, 8), lambda i: (i, 0)),
            full((100, 1)),
            pl.BlockSpec((1, 1, TN), lambda i: (i, 0, 0)),
            pl.BlockSpec((1, 1, TN), lambda i: (i, 0, 0)),
            full(ew.shape), full(cw.shape), full(iw.shape),
            full(gw.shape), full(ww.shape), full(dw.shape), full(sw.shape),
        ],
        out_specs=[
            pl.BlockSpec((TN, 128), lambda i: (i, 0)),
            pl.BlockSpec((TN, 128), lambda i: (i, 0)),
            pl.BlockSpec((TN, 192), lambda i: (i, 0)),
        ],
        out_shape=[
            jax.ShapeDtypeStruct((N, 128), f32),
            jax.ShapeDtypeStruct((N, 128), f32),
            jax.ShapeDtypeStruct((N, 192), f32),
        ],
    )(in10, geo, wall, cat3, bat3, ew, cw, iw, gw, ww, dw, sw)


def _s1_body(a_hbm, b_hbm, src_hbm, dst_hbm, p_hbm,
             dstv0, srcv0, ga0, gb0, dstv1, srcv1, ga1, gb1,
             sg0, sg1, sw0, sw1):
    wid = lax.axis_index("s") * 2 + lax.axis_index("c")
    per_w = E // NW
    nch = per_w // S1_C
    slots = ((dstv0, srcv0, ga0, gb0, sg0, sw0),
             (dstv1, srcv1, ga1, gb1, sg1, sw1))

    def fetch(c, b):
        dv, sv, ga, gb, sg, _ = slots[b]
        base = pl.multiple_of(wid * per_w + c * S1_C, 16)
        pltpu.sync_copy(dst_hbm.at[pl.ds(base, S1_C)], dv)
        pltpu.sync_copy(src_hbm.at[pl.ds(base, S1_C)], sv)
        pltpu.async_copy(a_hbm.at[dv], ga, sg)
        pltpu.async_copy(b_hbm.at[sv], gb, sg)

    def drain_g(b):
        _, _, ga, gb, sg, _ = slots[b]
        pltpu.make_async_copy(a_hbm.at[pl.ds(0, S1_C)], ga, sg).wait()
        pltpu.make_async_copy(b_hbm.at[pl.ds(0, S1_C)], gb, sg).wait()

    def process(c, b):
        _, _, ga, gb, _, sw = slots[b]
        drain_g(b)

        def addrow(r, _):
            for cg in range(8):
                s = pl.ds(cg * 16, 16)
                ga[r, s] = ga[r, s] + gb[r, s]
            return 0
        lax.fori_loop(0, S1_C, addrow, 0)
        base = pl.multiple_of(wid * per_w + c * S1_C, 16)
        pltpu.async_copy(ga, p_hbm.at[pl.ds(base, S1_C), :], sw)

    def wait_w(b):
        _, _, ga, _, _, sw = slots[b]
        pltpu.make_async_copy(ga, p_hbm.at[pl.ds(0, S1_C), :], sw).wait()

    fetch(0, 0)

    def pair(i, _):
        c = 2 * i

        @pl.when(c + 1 < nch)
        def _():
            @pl.when(c > 0)
            def _():
                wait_w(1)
            fetch(c + 1, 1)
        process(c, 0)

        @pl.when(c + 2 < nch)
        def _():
            wait_w(0)
            fetch(c + 2, 0)

        @pl.when(c + 1 < nch)
        def _():
            process(c + 1, 1)
        return 0
    lax.fori_loop(0, (nch + 1) // 2, pair, 0)
    wait_w(0)

    @pl.when(nch > 1)
    def _():
        wait_w(1)


def _s1(a, b, src, dst):
    mesh = plsc.VectorSubcoreMesh(core_axis_name="c", subcore_axis_name="s")
    k = functools.partial(
        pl.kernel, mesh=mesh,
        compiler_params=pltpu.CompilerParams(use_tc_tiling_on_sc=False, needs_layout_passes=False),
        out_type=jax.ShapeDtypeStruct((E, 128), f32),
        scratch_types=[
            pltpu.VMEM((S1_C,), jnp.int32),
            pltpu.VMEM((S1_C,), jnp.int32),
            pltpu.VMEM((S1_C, 128), f32),
            pltpu.VMEM((S1_C, 128), f32),
            pltpu.VMEM((S1_C,), jnp.int32),
            pltpu.VMEM((S1_C,), jnp.int32),
            pltpu.VMEM((S1_C, 128), f32),
            pltpu.VMEM((S1_C, 128), f32),
            pltpu.SemaphoreType.DMA,
            pltpu.SemaphoreType.DMA,
            pltpu.SemaphoreType.DMA,
            pltpu.SemaphoreType.DMA,
        ],
    )(_s1_body)
    return k(a, b, src, dst)


def _t1_body(p_ref, w_ref, b_ref, m_ref):
    t = jnp.tanh(p_ref[...])
    m_ref[...] = _dot(t, w_ref[...]) + b_ref[0:1, :]


def _t1(p, w2blk, b2cat):
    g = E // TE
    return pl.pallas_call(
        _t1_body,
        grid=(g,),
        in_specs=[
            pl.BlockSpec((TE, 128), lambda i: (i, 0)),
            pl.BlockSpec((128, 128), lambda i: (0, 0)),
            pl.BlockSpec((1, 128), lambda i: (0, 0)),
        ],
        out_specs=pl.BlockSpec((TE, 128), lambda i: (i, 0)),
        out_shape=jax.ShapeDtypeStruct((E, 128), f32),
    )(p, w2blk, b2cat)


def _s2_body(m_hbm, dst_hbm, neg_hbm, o_hbm, acc, mbuf, dbuf):
    wid = lax.axis_index("s") * 2 + lax.axis_index("c")
    cg = wid % 16
    h = wid // 16
    half = E // 2
    pltpu.sync_copy(neg_hbm, acc)
    i16 = lax.iota(jnp.int32, 16)
    hi = i16 >> 3
    col = i16 & 7

    def chunk(k, _):
        base = pl.multiple_of(h * half + k * S2_C, 16)
        pltpu.sync_copy(dst_hbm.at[pl.ds(base, S2_C)], dbuf)
        pltpu.sync_copy(m_hbm.at[pl.ds(base, S2_C), pl.ds(cg * 8, 8)], mbuf)

        def pair(p, _):
            ri = 2 * p + hi
            dv = plsc.load_gather(dbuf, [ri])
            dw = plsc.load_gather(dbuf, [ri ^ 1])
            mv = plsc.load_gather(mbuf, [ri, col])
            mw = plsc.load_gather(mbuf, [ri ^ 1, col])
            mv = jnp.where(dv == dw, jnp.maximum(mv, mw), mv)
            old = plsc.load_gather(acc, [dv, col])
            plsc.store_scatter(acc, [dv, col], jnp.maximum(old, mv))
            return 0
        lax.fori_loop(0, S2_C // 2, pair, 0)
        return 0
    lax.fori_loop(0, half // S2_C, chunk, 0)
    pltpu.sync_copy(acc, o_hbm.at[wid])


def _s2(m, dst, neg):
    mesh = plsc.VectorSubcoreMesh(core_axis_name="c", subcore_axis_name="s")
    k = functools.partial(
        pl.kernel, mesh=mesh,
        compiler_params=pltpu.CompilerParams(use_tc_tiling_on_sc=False, needs_layout_passes=False),
        out_type=jax.ShapeDtypeStruct((NW, N, 8), f32),
        scratch_types=[
            pltpu.VMEM((N, 8), f32),
            pltpu.VMEM((S2_C, 8), f32),
            pltpu.VMEM((S2_C,), jnp.int32),
        ],
    )(_s2_body)
    return k(m, dst, neg)


def _strips(o):
    out = []
    for cg in range(16):
        v = jnp.maximum(o[cg], o[cg + 16])
        v = jnp.where(jnp.isfinite(v), v, 0.0)
        out.append(jnp.tanh(v))
    return out


def _tmid_body(o_ref, cond_ref, dw_ref, sw_ref, a_ref, b_ref):
    s = _strips(o_ref[...])
    cond = cond_ref[...]
    for net in range(2):
        cn = cond[:, net * 96:(net + 1) * 96]
        wd, bd = dw_ref[net, :, :], dw_ref[net + 2, 0:1, 0:64]
        ws = sw_ref[net, :, :]
        a = _dot(cn, wd[64:160, :]) + bd
        b = _dot(cn, ws[64:160, :])
        for j in range(8):
            st = s[net * 8 + j]
            a = a + _dot(st, wd[8 * j:8 * j + 8, :])
            b = b + _dot(st, ws[8 * j:8 * j + 8, :])
        a_ref[:, net * 64:(net + 1) * 64] = a
        b_ref[:, net * 64:(net + 1) * 64] = b


def _tmid(o, cond, dw, sw):
    g = N // TN
    return pl.pallas_call(
        _tmid_body,
        grid=(g,),
        in_specs=[
            pl.BlockSpec((NW, TN, 8), lambda i: (0, i, 0)),
            pl.BlockSpec((TN, 192), lambda i: (i, 0)),
            pl.BlockSpec(dw.shape, lambda i: (0, 0, 0)),
            pl.BlockSpec(sw.shape, lambda i: (0, 0, 0)),
        ],
        out_specs=[
            pl.BlockSpec((TN, 128), lambda i: (i, 0)),
            pl.BlockSpec((TN, 128), lambda i: (i, 0)),
        ],
        out_shape=[
            jax.ShapeDtypeStruct((N, 128), f32),
            jax.ShapeDtypeStruct((N, 128), f32),
        ],
    )(o, cond, dw, sw)


def _ttail_body(o_ref, cond_ref, tw_ref, fw_ref, q1_ref, q2_ref):
    s = _strips(o_ref[...])
    cond = cond_ref[...]
    for net in range(2):
        cn = cond[:, net * 96:(net + 1) * 96]
        w3, b3 = tw_ref[net, :, :], tw_ref[net + 2, 0:1, 0:64]
        t = _dot(cn, w3[64:160, :]) + b3
        for j in range(8):
            t = t + _dot(s[net * 8 + j], w3[8 * j:8 * j + 8, :])
        t = jnp.tanh(t)
        w4, b4 = fw_ref[net, :, :], fw_ref[net + 2, 0:1, :]
        q = _dot(t, w4) + b4
        if net == 0:
            q1_ref[...] = q
        else:
            q2_ref[...] = q


def _ttail(o, cond, tw, fw):
    g = N // TN
    return pl.pallas_call(
        _ttail_body,
        grid=(g,),
        in_specs=[
            pl.BlockSpec((NW, TN, 8), lambda i: (0, i, 0)),
            pl.BlockSpec((TN, 192), lambda i: (i, 0)),
            pl.BlockSpec(tw.shape, lambda i: (0, 0, 0)),
            pl.BlockSpec(fw.shape, lambda i: (0, 0, 0)),
        ],
        out_specs=[
            pl.BlockSpec((TN, 8), lambda i: (i, 0)),
            pl.BlockSpec((TN, 8), lambda i: (i, 0)),
        ],
        out_shape=[
            jax.ShapeDtypeStruct((N, 8), f32),
            jax.ShapeDtypeStruct((N, 8), f32),
        ],
    )(o, cond, tw, fw)


def kernel(x, actions, tar_scores, geo, wall_batch, category, batch,
           edge_index, params1, params2):
    in10 = jnp.concatenate([x, actions, tar_scores], axis=-1)
    in10 = jnp.pad(in10, ((0, 0), (0, 6)))
    geo8 = jnp.pad(geo.astype(f32), ((0, 0), (0, 6)))
    cat3 = category.astype(jnp.int32).reshape(N // TN, 1, TN)
    bat3 = batch.astype(jnp.int32).reshape(N // TN, 1, TN)
    src = edge_index[0].astype(jnp.int32)
    dst = edge_index[1].astype(jnp.int32)
    neg = jnp.full((N, 8), -jnp.inf, f32)

    ps = (params1, params2)
    ew = jnp.stack([p['embed_table'] for p in ps])
    cw = jnp.stack([jnp.stack([p['embed_lin'][0],
                               jnp.broadcast_to(p['embed_lin'][1], (32, 32))])
                    for p in ps])

    def pack2(key, d1pad):
        mats = []
        for p in ps:
            (w1, b1), (w2, b2) = p[key]
            d = w1.shape[0]
            w1p = jnp.zeros((d1pad, w1.shape[1]), f32).at[:d, :].set(w1)
            w2p = jnp.zeros((d1pad, w2.shape[1]), f32).at[:w2.shape[0], :].set(w2)
            b1p = jnp.broadcast_to(b1, (d1pad, w1.shape[1]))
            b2p = jnp.broadcast_to(b2, (d1pad, w2.shape[1]))
            mats.append(jnp.stack([w1p, b1p, w2p, b2p]))
        return jnp.stack(mats)

    iw = pack2('init_enc', 64)
    gw = pack2('geo_enc', 32)
    ww = pack2('wall_enc', 32)

    def split_conv(key):
        wds, wss, bds = [], [], []
        for p in ps:
            (w1, b1), _ = p[key]
            wds.append(w1[:160] - w1[160:])
            wss.append(w1[160:])
            bds.append(jnp.broadcast_to(b1, (160, 64)))
        return (jnp.stack(wds + bds), jnp.stack(wss + bds))

    dw1, sw1 = split_conv('mlp1')
    dw2, sw2 = split_conv('mlp2')

    def blk(key):
        w = jnp.zeros((128, 128), f32)
        w = w.at[:64, :64].set(ps[0][key][1][0])
        w = w.at[64:, 64:].set(ps[1][key][1][0])
        b = jnp.concatenate([ps[0][key][1][1], ps[1][key][1][1]])
        return w, b.reshape(1, 128)

    w2blk1, b2cat1 = blk('mlp1')
    w2blk2, b2cat2 = blk('mlp2')

    tws, fws = [], []
    for p in ps:
        (w3, b3), (w4, b4) = p['tail']
        tws.append(w3)
        fws.append(jnp.zeros((64, 8), f32).at[:, 0].set(w4[:, 0]))
    tw = jnp.stack(tws + [jnp.broadcast_to(b3i, (160, 64))
                          for b3i in [ps[0]['tail'][0][1], ps[1]['tail'][0][1]]])
    fw = jnp.stack(fws + [jnp.zeros((64, 8), f32).at[:, 0].set(p['tail'][1][1][0])
                          for p in ps])

    ww_in = wall_batch.astype(f32)

    a1, b1arr, cond = _t0(in10, geo8, ww_in, cat3, bat3,
                          ew, cw, iw, gw, ww, dw1, sw1)
    p1 = _s1(a1, b1arr, src, dst)
    m1 = _t1(p1, w2blk1, b2cat1)
    o1 = _s2(m1, dst, neg)
    a2, b2arr = _tmid(o1, cond, dw2, sw2)
    p2 = _s1(a2, b2arr, src, dst)
    m2 = _t1(p2, w2blk2, b2cat2)
    o2 = _s2(m2, dst, neg)
    q1p, q2p = _ttail(o2, cond, tw, fw)
    return (q1p[:, :1], q2p[:, :1])

# --- scband reference (transcript-rebuilt; emitter-appended) ---
"""Pipeline reference for scband-critic-84456236908768 (READ-ONLY COPY).

The authoritative reference and input builder live on the scoring server;
editing this copy changes nothing except your own understanding.
"""

import jax, jax.numpy as jnp
import numpy as np

H = 64
E_DIM = 32
COND = 3 * E_DIM
INIT_DIM = 10
CLASS_NUM = 10
N_NODES = 10000
N_EDGES = 320000
N_GRAPHS = 100


def _lin(key, din, dout):
    k1, k2 = jax.random.split(key)
    s = 1.0 / np.sqrt(din)
    W = jax.random.uniform(k1, (din, dout), minval=-s, maxval=s, dtype=jnp.float32)
    b = jax.random.uniform(k2, (dout,), minval=-s, maxval=s, dtype=jnp.float32)
    return (W, b)


def _mlp2p(key, din, dh, dout):
    k1, k2 = jax.random.split(key)
    return [_lin(k1, din, dh), _lin(k2, dh, dout)]


def _qnet_params(key):
    ks = jax.random.split(key, 8)
    return {
        'init_enc': _mlp2p(ks[0], INIT_DIM, H, H),
        'wall_enc': _mlp2p(ks[1], 1, E_DIM, E_DIM),
        'geo_enc': _mlp2p(ks[2], 2, E_DIM, E_DIM),
        'embed_table': jax.random.normal(ks[3], (CLASS_NUM, E_DIM), dtype=jnp.float32) * 0.05,
        'embed_lin': _lin(ks[4], E_DIM, E_DIM),
        'mlp1': _mlp2p(ks[5], (H + COND) * 2, H, H),
        'mlp2': _mlp2p(ks[6], (H + COND) * 2, H, H),
        'tail': _mlp2p(ks[7], H + COND, H, 1),
    }


def _apply_mlp(p, x):
    # Sequential(Linear, Tanh, Linear)
    h = jnp.tanh(x @ p[0][0] + p[0][1])
    return h @ p[1][0] + p[1][1]


def _edge_conv(p, x, edge_index):
    # PyG EdgeConv: msg = nn([x_i, x_j - x_i]) for edge j->i, aggr='max' over incoming edges
    src = edge_index[0]
    dst = edge_index[1]
    xi = x[dst]
    xj = x[src]
    msg = _apply_mlp(p, jnp.concatenate([xi, xj - xi], axis=-1))
    out = jax.ops.segment_max(msg, dst, num_segments=x.shape[0])
    return jnp.where(jnp.isfinite(out), out, 0.0)


def _q(p, x, actions, tar_scores, geo, wall_batch, category, batch, edge_index):
    class_feat = jnp.tanh(jnp.tanh(p['embed_table'][category]) @ p['embed_lin'][0] + p['embed_lin'][1])
    wall_feat = jnp.tanh(_apply_mlp(p['wall_enc'], wall_batch)[batch])
    geo_feat = jnp.tanh(_apply_mlp(p['geo_enc'], geo))
    cond = jnp.concatenate([class_feat, wall_feat, geo_feat], axis=-1)
    h = jnp.tanh(_apply_mlp(p['init_enc'], jnp.concatenate([x, actions, tar_scores], axis=-1)))
    h = jnp.concatenate([h, cond], axis=-1)
    h = jnp.tanh(_edge_conv(p['mlp1'], h, edge_index))
    h = jnp.concatenate([h, cond], axis=-1)
    h = jnp.tanh(_edge_conv(p['mlp2'], h, edge_index))
    h = jnp.concatenate([h, cond], axis=-1)
    return _apply_mlp(p['tail'], h)


def setup_inputs(seed: int = 0) -> dict:
    key = jax.random.key(seed)
    ks = jax.random.split(key, 10)
    x = jax.random.normal(ks[0], (N_NODES, 4), dtype=jnp.float32)
    actions = jax.random.normal(ks[1], (N_NODES, 3), dtype=jnp.float32)
    tar_scores = jax.random.normal(ks[2], (N_NODES, 3), dtype=jnp.float32)
    geo = jax.random.uniform(ks[3], (N_NODES, 2), dtype=jnp.float32)
    wall_batch = jax.random.uniform(ks[4], (N_GRAPHS, 1), dtype=jnp.float32)
    category = jax.random.randint(ks[5], (N_NODES,), 0, CLASS_NUM)
    batch = jnp.sort(jax.random.randint(ks[6], (N_NODES,), 0, N_GRAPHS))
    edge_index = jax.random.randint(ks[7], (2, N_EDGES), 0, N_NODES)
    params1 = _qnet_params(ks[8])
    params2 = _qnet_params(ks[9])
    return {'x': x, 'actions': actions, 'tar_scores': tar_scores, 'geo': geo,
            'wall_batch': wall_batch, 'category': category, 'batch': batch,
            'edge_index': edge_index, 'params1': params1, 'params2': params2}


def reference(x, actions, tar_scores, geo, wall_batch, category, batch, edge_index, params1, params2):
    q1 = _q(params1, x, actions, tar_scores, geo, wall_batch, category, batch, edge_index)
    q2 = _q(params2, x, actions, tar_scores, geo, wall_batch, category, batch, edge_index)
    return (q1, q2)

if __name__ == "__main__":
    import jax
    _d = setup_inputs()
    print(jax.jit(kernel)(*tuple(_d.values())))

</pallas_src>

<mosaic_0001>
#map = affine_map<(d0, d1) -> (0, 0)>
#map1 = affine_map<(d0, d1) -> (0)>
module attributes {stable_mosaic.version = 14 : i64} {
  func.func @_s1_body(%arg0: i32, %arg1: i32, %arg2: memref<10000x128xf32, #tpu.memory_space<hbm>>, %arg3: memref<10000x128xf32, #tpu.memory_space<hbm>>, %arg4: memref<320000xi32, #tpu.memory_space<hbm>>, %arg5: memref<320000xi32, #tpu.memory_space<hbm>>, %arg6: memref<320000x128xf32, #tpu.memory_space<hbm>>, %arg7: memref<80xi32, #tpu.memory_space<vmem>>, %arg8: memref<80xi32, #tpu.memory_space<vmem>>, %arg9: memref<80x128xf32, #tpu.memory_space<vmem>>, %arg10: memref<80x128xf32, #tpu.memory_space<vmem>>, %arg11: memref<80xi32, #tpu.memory_space<vmem>>, %arg12: memref<80xi32, #tpu.memory_space<vmem>>, %arg13: memref<80x128xf32, #tpu.memory_space<vmem>>, %arg14: memref<80x128xf32, #tpu.memory_space<vmem>>, %arg15: memref<!tpu.dma_semaphore, #tpu.memory_space<semaphore_mem>>, %arg16: memref<!tpu.dma_semaphore, #tpu.memory_space<semaphore_mem>>, %arg17: memref<!tpu.dma_semaphore, #tpu.memory_space<semaphore_mem>>, %arg18: memref<!tpu.dma_semaphore, #tpu.memory_space<semaphore_mem>>) attributes {dimension_semantics = [#tpu.dimension_semantics<core_parallel>, #tpu.dimension_semantics<subcore_parallel>], iteration_bounds = array<i64: 2, 16>, scalar_prefetch = 0 : i64, scratch_operands = 12 : i64, tpu.core_type = #tpu.core_type<sc_vector_subcore>, window_params = [{transform_indices = #map}, {transform_indices = #map}, {transform_indices = #map1}, {transform_indices = #map1}, {transform_indices = #map}]} {
    %mul3A = arith.constant 2 : i32
    %mul3A_0 = arith.muli %arg1, %mul3A : i32
    %add3A = arith.addi %mul3A_0, %arg0 : i32
    %mul3A_1 = arith.constant 10000 : i32
    %mul3A_2 = arith.muli %add3A, %mul3A_1 : i32
    %add3A_3 = arith.constant 0 : i32
    %add3A_4 = arith.addi %mul3A_2, %add3A_3 : i32
    %multiple_of3A = tpu.assume_multiple %add3A_4, 16 : i32
    "tpu.region"() ({
      %run_scoped3A = tpu.sem_alloc : memref<!tpu.dma_semaphore, #tpu.memory_space<semaphore_mem>>
      %dma_start3A_27 = tpu.memref_slice %arg5[%multiple_of3A] : memref<320000xi32, #tpu.memory_space<hbm>> -> memref<80xi32, #tpu.memory_space<hbm>>
      %dma_start3A_28 = tpu.memref_slice %arg5[%multiple_of3A] : memref<320000xi32, #tpu.memory_space<hbm>> -> memref<80xi32, #tpu.memory_space<hbm>>
      tpu.enqueue_dma source(%dma_start3A_28 : memref<80xi32, #tpu.memory_space<hbm>>) target(%arg7 : memref<80xi32, #tpu.memory_space<vmem>>) target_semaphore(%run_scoped3A : memref<!tpu.dma_semaphore, #tpu.memory_space<semaphore_mem>>)
      %dma_wait3A_29 = tpu.memref_slice %arg5[%multiple_of3A] : memref<320000xi32, #tpu.memory_space<hbm>> -> memref<80xi32, #tpu.memory_space<hbm>>
      %dma_wait3A_30 = tpu.memref_slice %arg5[%multiple_of3A] : memref<320000xi32, #tpu.memory_space<hbm>> -> memref<80xi32, #tpu.memory_space<hbm>>
      tpu.wait_dma2 semaphore(%run_scoped3A : memref<!tpu.dma_semaphore, #tpu.memory_space<semaphore_mem>>) src(%dma_wait3A_30 : memref<80xi32, #tpu.memory_space<hbm>>) dst(%arg7 : memref<80xi32, #tpu.memory_space<vmem>>)
      tpu.yield
    }) : () -> ()
    "tpu.region"() ({
      %run_scoped3A = tpu.sem_alloc : memref<!tpu.dma_semaphore, #tpu.memory_space<semaphore_mem>>
      %dma_start3A_27 = tpu.memref_slice %arg4[%multiple_of3A] : memref<320000xi32, #tpu.memory_space<hbm>> -> memref<80xi32, #tpu.memory_space<hbm>>
      %dma_start3A_28 = tpu.memref_slice %arg4[%multiple_of3A] : memref<320000xi32, #tpu.memory_space<hbm>> -> memref<80xi32, #tpu.memory_space<hbm>>
      tpu.enqueue_dma source(%dma_start3A_28 : memref<80xi32, #tpu.memory_space<hbm>>) target(%arg8 : memref<80xi32, #tpu.memory_space<vmem>>) target_semaphore(%run_scoped3A : memref<!tpu.dma_semaphore, #tpu.memory_space<semaphore_mem>>)
      %dma_wait3A_29 = tpu.memref_slice %arg4[%multiple_of3A] : memref<320000xi32, #tpu.memory_space<hbm>> -> memref<80xi32, #tpu.memory_space<hbm>>
      %dma_wait3A_30 = tpu.memref_slice %arg4[%multiple_of3A] : memref<320000xi32, #tpu.memory_space<hbm>> -> memref<80xi32, #tpu.memory_space<hbm>>
      tpu.wait_dma2 semaphore(%run_scoped3A : memref<!tpu.dma_semaphore, #tpu.memory_space<semaphore_mem>>) src(%dma_wait3A_30 : memref<80xi32, #tpu.memory_space<hbm>>) dst(%arg8 : memref<80xi32, #tpu.memory_space<vmem>>)
      tpu.yield
    }) : () -> ()
    %dma_start3A = arith.constant 0 : i32
    %dma_start3A_5 = arith.constant 0 : i32
    %dma_start3A_6 = tpu.memref_slice %arg2[%dma_start3A, %dma_start3A_5] : memref<10000x128xf32, #tpu.memory_space<hbm>> -> memref<10000x128xf32, #tpu.memory_space<hbm>>
    tpu.enqueue_indirect_dma source(%dma_start3A_6 : memref<10000x128xf32, #tpu.memory_space<hbm>>) target(%arg9 : memref<80x128xf32, #tpu.memory_space<vmem>>) offsets(%arg7 : memref<80xi32, #tpu.memory_space<vmem>>) semaphore(%arg15 : memref<!tpu.dma_semaphore, #tpu.memory_space<semaphore_mem>>)
    %dma_start3A_7 = arith.constant 0 : i32
    %dma_start3A_8 = arith.constant 0 : i32
    %dma_start3A_9 = tpu.memref_slice %arg3[%dma_start3A_7, %dma_start3A_8] : memref<10000x128xf32, #tpu.memory_space<hbm>> -> memref<10000x128xf32, #tpu.memory_space<hbm>>
    tpu.enqueue_indirect_dma source(%dma_start3A_9 : memref<10000x128xf32, #tpu.memory_space<hbm>>) target(%arg10 : memref<80x128xf32, #tpu.memory_space<vmem>>) offsets(%arg8 : memref<80xi32, #tpu.memory_space<vmem>>) semaphore(%arg15 : memref<!tpu.dma_semaphore, #tpu.memory_space<semaphore_mem>>)
    %scan3A = arith.constant 0 : i32
    %scan3A_10 = arith.constant 0 : i32
    %scan3A_11 = arith.constant 63 : i32
    %scan3A_12 = arith.addi %scan3A_10, %scan3A_11 : i32
    %scan3A_13 = arith.constant 1 : i32
    %scan3A_14 = scf.for %scan3A_27 = %scan3A_10 to %scan3A_12 step %scan3A_13 iter_args(%scan3A_28 = %scan3A) -> (i32)  : i32 {
      %mul3A_29 = arith.constant 2 : i32
      %mul3A_30 = arith.muli %mul3A_29, %scan3A_27 : i32
      %add3A_31 = arith.constant 1 : i32
      %add3A_32 = arith.addi %mul3A_30, %add3A_31 : i32
      %lt3A = arith.constant 125 : i32
      %lt3A_33 = arith.cmpi slt, %add3A_32, %lt3A : i32
      %convert_element_type3A = arith.extui %lt3A_33 : i1 to i32
      %cond3A = arith.constant 0 : i32
      %cond3A_34 = arith.cmpi ne, %convert_element_type3A, %cond3A : i32
      scf.if %cond3A_34 {
        %gt3A = arith.constant 0 : i32
        %gt3A_79 = arith.cmpi sgt, %mul3A_30, %gt3A : i32
        %convert_element_type3A_80 = arith.extui %gt3A_79 : i1 to i32
        %cond3A_81 = arith.constant 0 : i32
        %cond3A_82 = arith.cmpi ne, %convert_element_type3A_80, %cond3A_81 : i32
        scf.if %cond3A_82 {
          %dma_wait3A_97 = arith.constant 0 : i32
          %dma_wait3A_98 = arith.constant 0 : i32
          %dma_wait3A_99 = tpu.memref_slice %arg6[%dma_wait3A_97, %dma_wait3A_98] : memref<320000x128xf32, #tpu.memory_space<hbm>> -> memref<80x128xf32, #tpu.memory_space<hbm>>
          %dma_wait3A_100 = arith.constant 0 : i32
          %dma_wait3A_101 = arith.constant 0 : i32
          %dma_wait3A_102 = tpu.memref_slice %arg6[%dma_wait3A_100, %dma_wait3A_101] : memref<320000x128xf32, #tpu.memory_space<hbm>> -> memref<80x128xf32, #tpu.memory_space<hbm>>
          tpu.wait_dma2 semaphore(%arg18 : memref<!tpu.dma_semaphore, #tpu.memory_space<semaphore_mem>>) src(%arg13 : memref<80x128xf32, #tpu.memory_space<vmem>>) dst(%dma_wait3A_102 : memref<80x128xf32, #tpu.memory_space<hbm>>)
        } else {
        }
        %add3A_83 = arith.constant 1 : i32
        %add3A_84 = arith.addi %mul3A_30, %add3A_83 : i32
        %mul3A_85 = arith.constant 10000 : i32
        %mul3A_86 = arith.muli %add3A, %mul3A_85 : i32
        %mul3A_87 = arith.constant 80 : i32
        %mul3A_88 = arith.muli %add3A_84, %mul3A_87 : i32
        %add3A_89 = arith.addi %mul3A_86, %mul3A_88 : i32
        %multiple_of3A_90 = tpu.assume_multiple %add3A_89, 16 : i32
        "tpu.region"() ({
          %run_scoped3A = tpu.sem_alloc : memref<!tpu.dma_semaphore, #tpu.memory_space<semaphore_mem>>
          %dma_start3A_97 = tpu.memref_slice %arg5[%multiple_of3A_90] : memref<320000xi32, #tpu.memory_space<hbm>> -> memref<80xi32, #tpu.memory_space<hbm>>
          %dma_start3A_98 = tpu.memref_slice %arg5[%multiple_of3A_90] : memref<320000xi32, #tpu.memory_space<hbm>> -> memref<80xi32, #tpu.memory_space<hbm>>
          tpu.enqueue_dma source(%dma_start3A_98 : memref<80xi32, #tpu.memory_space<hbm>>) target(%arg11 : memref<80xi32, #tpu.memory_space<vmem>>) target_semaphore(%run_scoped3A : memref<!tpu.dma_semaphore, #tpu.memory_space<semaphore_mem>>)
          %dma_wait3A_99 = tpu.memref_slice %arg5[%multiple_of3A_90] : memref<320000xi32, #tpu.memory_space<hbm>> -> memref<80xi32, #tpu.memory_space<hbm>>
          %dma_wait3A_100 = tpu.memref_slice %arg5[%multiple_of3A_90] : memref<320000xi32, #tpu.memory_space<hbm>> -> memref<80xi32, #tpu.memory_space<hbm>>
          tpu.wait_dma2 semaphore(%run_scoped3A : memref<!tpu.dma_semaphore, #tpu.memory_space<semaphore_mem>>) src(%dma_wait3A_100 : memref<80xi32, #tpu.memory_space<hbm>>) dst(%arg11 : memref<80xi32, #tpu.memory_space<vmem>>)
          tpu.yield
        }) : () -> ()
        "tpu.region"() ({
          %run_scoped3A = tpu.sem_alloc : memref<!tpu.dma_semaphore, #tpu.memory_space<semaphore_mem>>
          %dma_start3A_97 = tpu.memref_slice %arg4[%multiple_of3A_90] : memref<320000xi32, #tpu.memory_space<hbm>> -> memref<80xi32, #tpu.memory_space<hbm>>
          %dma_start3A_98 = tpu.memref_slice %arg4[%multiple_of3A_90] : memref<320000xi32, #tpu.memory_space<hbm>> -> memref<80xi32, #tpu.memory_space<hbm>>
          tpu.enqueue_dma source(%dma_start3A_98 : memref<80xi32, #tpu.memory_space<hbm>>) target(%arg12 : memref<80xi32, #tpu.memory_space<vmem>>) target_semaphore(%run_scoped3A : memref<!tpu.dma_semaphore, #tpu.memory_space<semaphore_mem>>)
          %dma_wait3A_99 = tpu.memref_slice %arg4[%multiple_of3A_90] : memref<320000xi32, #tpu.memory_space<hbm>> -> memref<80xi32, #tpu.memory_space<hbm>>
          %dma_wait3A_100 = tpu.memref_slice %arg4[%multiple_of3A_90] : memref<320000xi32, #tpu.memory_space<hbm>> -> memref<80xi32, #tpu.memory_space<hbm>>
          tpu.wait_dma2 semaphore(%run_scoped3A : memref<!tpu.dma_semaphore, #tpu.memory_space<semaphore_mem>>) src(%dma_wait3A_100 : memref<80xi32, #tpu.memory_space<hbm>>) dst(%arg12 : memref<80xi32, #tpu.memory_space<vmem>>)
          tpu.yield
        }) : () -> ()
        %dma_start3A_91 = arith.constant 0 : i32
        %dma_start3A_92 = arith.constant 0 : i32
        %dma_start3A_93 = tpu.memref_slice %arg2[%dma_start3A_91, %dma_start3A_92] : memref<10000x128xf32, #tpu.memory_space<hbm>> -> memref<10000x128xf32, #tpu.memory_space<hbm>>
        tpu.enqueue_indirect_dma source(%dma_start3A_93 : memref<10000x128xf32, #tpu.memory_space<hbm>>) target(%arg13 : memref<80x128xf32, #tpu.memory_space<vmem>>) offsets(%arg11 : memref<80xi32, #tpu.memory_space<vmem>>) semaphore(%arg16 : memref<!tpu.dma_semaphore, #tpu.memory_space<semaphore_mem>>)
        %dma_start3A_94 = arith.constant 0 : i32
        %dma_start3A_95 = arith.constant 0 : i32
        %dma_start3A_96 = tpu.memref_slice %arg3[%dma_start3A_94, %dma_start3A_95] : memref<10000x128xf32, #tpu.memory_space<hbm>> -> memref<10000x128xf32, #tpu.memory_space<hbm>>
        tpu.enqueue_indirect_dma source(%dma_start3A_96 : memref<10000x128xf32, #tpu.memory_space<hbm>>) target(%arg14 : memref<80x128xf32, #tpu.memory_space<vmem>>) offsets(%arg12 : memref<80xi32, #tpu.memory_space<vmem>>) semaphore(%arg16 : memref<!tpu.dma_semaphore, #tpu.memory_space<semaphore_mem>>)
      } else {
      }
      %dma_wait3A_35 = arith.constant 0 : i32
      %dma_wait3A_36 = arith.constant 0 : i32
      %dma_wait3A_37 = tpu.memref_slice %arg2[%dma_wait3A_35, %dma_wait3A_36] : memref<10000x128xf32, #tpu.memory_space<hbm>> -> memref<80x128xf32, #tpu.memory_space<hbm>>
      %dma_wait3A_38 = arith.constant 0 : i32
      %dma_wait3A_39 = arith.constant 0 : i32
      %dma_wait3A_40 = tpu.memref_slice %arg2[%dma_wait3A_38, %dma_wait3A_39] : memref<10000x128xf32, #tpu.memory_space<hbm>> -> memref<80x128xf32, #tpu.memory_space<hbm>>
      tpu.wait_dma2 semaphore(%arg15 : memref<!tpu.dma_semaphore, #tpu.memory_space<semaphore_mem>>) src(%dma_wait3A_40 : memref<80x128xf32, #tpu.memory_space<hbm>>) dst(%arg9 : memref<80x128xf32, #tpu.memory_space<vmem>>)
      %dma_wait3A_41 = arith.constant 0 : i32
      %dma_wait3A_42 = arith.constant 0 : i32
      %dma_wait3A_43 = tpu.memref_slice %arg3[%dma_wait3A_41, %dma_wait3A_42] : memref<10000x128xf32, #tpu.memory_space<hbm>> -> memref<80x128xf32, #tpu.memory_space<hbm>>
      %dma_wait3A_44 = arith.constant 0 : i32
      %dma_wait3A_45 = arith.constant 0 : i32
      %dma_wait3A_46 = tpu.memref_slice %arg3[%dma_wait3A_44, %dma_wait3A_45] : memref<10000x128xf32, #tpu.memory_space<hbm>> -> memref<80x128xf32, #tpu.memory_space<hbm>>
      tpu.wait_dma2 semaphore(%arg15 : memref<!tpu.dma_semaphore, #tpu.memory_space<semaphore_mem>>) src(%dma_wait3A_46 : memref<80x128xf32, #tpu.memory_space<hbm>>) dst(%arg10 : memref<80x128xf32, #tpu.memory_space<vmem>>)
      %scan3A_47 = arith.constant 0 : i32
      %scan3A_48 = arith.constant 0 : i32
      %scan3A_49 = arith.constant 80 : i32
      %scan3A_50 = arith.addi %scan3A_48, %scan3A_49 : i32
      %scan3A_51 = arith.constant 1 : i32
      %scan3A_52 = scf.for %scan3A_79 = %scan3A_48 to %scan3A_50 step %scan3A_51 iter_args(%scan3A_80 = %scan3A_47) -> (i32)  : i32 {
        %get3A = arith.index_cast %scan3A_79 : i32 to index
        %get3A_81 = arith.constant 0 : index
        %get3A_82 = tpu.vector_load %arg9[%get3A, %get3A_81] {strides = array<i32>} : memref<80x128xf32, #tpu.memory_space<vmem>>, vector<16xf32>,
        %get3A_83 = arith.index_cast %scan3A_79 : i32 to index
        %get3A_84 = arith.constant 0 : index
        %get3A_85 = tpu.vector_load %arg10[%get3A_83, %get3A_84] {strides = array<i32>} : memref<80x128xf32, #tpu.memory_space<vmem>>, vector<16xf32>,
        %add3A_86 = arith.addf %get3A_82, %get3A_85 : vector<16xf32>
        %swap3A = arith.index_cast %scan3A_79 : i32 to index
        %swap3A_87 = arith.constant 0 : index
        %swap3A_88 = tpu.vector_load %arg9[%swap3A, %swap3A_87] {strides = array<i32>} : memref<80x128xf32, #tpu.memory_space<vmem>>, vector<16xf32>,
        tpu.vector_store %arg9[%swap3A, %swap3A_87], %add3A_86 {strides = array<i32>} : memref<80x128xf32, #tpu.memory_space<vmem>>, vector<16xf32>,
        %get3A_89 = arith.index_cast %scan3A_79 : i32 to index
        %get3A_90 = arith.constant 16 : index
        %get3A_91 = tpu.vector_load %arg9[%get3A_89, %get3A_90] {strides = array<i32>} : memref<80x128xf32, #tpu.memory_space<vmem>>, vector<16xf32>,
        %get3A_92 = arith.index_cast %scan3A_79 : i32 to index
        %get3A_93 = arith.constant 16 : index
        %get3A_94 = tpu.vector_load %arg10[%get3A_92, %get3A_93] {strides = array<i32>} : memref<80x128xf32, #tpu.memory_space<vmem>>, vector<16xf32>,
        %add3A_95 = arith.addf %get3A_91, %get3A_94 : vector<16xf32>
        %swap3A_96 = arith.index_cast %scan3A_79 : i32 to index
        %swap3A_97 = arith.constant 16 : index
        %swap3A_98 = tpu.vector_load %arg9[%swap3A_96, %swap3A_97] {strides = array<i32>} : memref<80x128xf32, #tpu.memory_space<vmem>>, vector<16xf32>,
        tpu.vector_store %arg9[%swap3A_96, %swap3A_97], %add3A_95 {strides = array<i32>} : memref<80x128xf32, #tpu.memory_space<vmem>>, vector<16xf32>,
        %get3A_99 = arith.index_cast %scan3A_79 : i32 to index
        %get3A_100 = arith.constant 32 : index
        %get3A_101 = tpu.vector_load %arg9[%get3A_99, %get3A_100] {strides = array<i32>} : memref<80x128xf32, #tpu.memory_space<vmem>>, vector<16xf32>,
        %get3A_102 = arith.index_cast %scan3A_79 : i32 to index
        %get3A_103 = arith.constant 32 : index
        %get3A_104 = tpu.vector_load %arg10[%get3A_102, %get3A_103] {strides = array<i32>} : memref<80x128xf32, #tpu.memory_space<vmem>>, vector<16xf32>,
        %add3A_105 = arith.addf %get3A_101, %get3A_104 : vector<16xf32>
        %swap3A_106 = arith.index_cast %scan3A_79 : i32 to index
        %swap3A_107 = arith.constant 32 : index
        %swap3A_108 = tpu.vector_load %arg9[%swap3A_106, %swap3A_107] {strides = array<i32>} : memref<80x128xf32, #tpu.memory_space<vmem>>, vector<16xf32>,
        tpu.vector_store %arg9[%swap3A_106, %swap3A_107], %add3A_105 {strides = array<i32>} : memref<80x128xf32, #tpu.memory_space<vmem>>, vector<16xf32>,
        %get3A_109 = arith.index_cast %scan3A_79 : i32 to index
        %get3A_110 = arith.constant 48 : index
        %get3A_111 = tpu.vector_load %arg9[%get3A_109, %get3A_110] {strides = array<i32>} : memref<80x128xf32, #tpu.memory_space<vmem>>, vector<16xf32>,
        %get3A_112 = arith.index_cast %scan3A_79 : i32 to index
        %get3A_113 = arith.constant 48 : index
        %get3A_114 = tpu.vector_load %arg10[%get3A_112, %get3A_113] {strides = array<i32>} : memref<80x128xf32, #tpu.memory_space<vmem>>, vector<16xf32>,
        %add3A_115 = arith.addf %get3A_111, %get3A_114 : vector<16xf32>
        %swap3A_116 = arith.index_cast %scan3A_79 : i32 to index
        %swap3A_117 = arith.constant 48 : index
        %swap3A_118 = tpu.vector_load %arg9[%swap3A_116, %swap3A_117] {strides = array<i32>} : memref<80x128xf32, #tpu.memory_space<vmem>>, vector<16xf32>,
        tpu.vector_store %arg9[%swap3A_116, %swap3A_117], %add3A_115 {strides = array<i32>} : memref<80x128xf32, #tpu.memory_space<vmem>>, vector<16xf32>,
        %get3A_119 = arith.index_cast %scan3A_79 : i32 to index
        %get3A_120 = arith.constant 64 : index
        %get3A_121 = tpu.vector_load %arg9[%get3A_119, %get3A_120] {strides = array<i32>} : memref<80x128xf32, #tpu.memory_space<vmem>>, vector<16xf32>,
        %get3A_122 = arith.index_cast %scan3A_79 : i32 to index
        %get3A_123 = arith.constant 64 : index
        %get3A_124 = tpu.vector_load %arg10[%get3A_122, %get3A_123] {strides = array<i32>} : memref<80x128xf32, #tpu.memory_space<vmem>>, vector<16xf32>,
        %add3A_125 = arith.addf %get3A_121, %get3A_124 : vector<16xf32>
        %swap3A_126 = arith.index_cast %scan3A_79 : i32 to index
        %swap3A_127 = arith.constant 64 : index
        %swap3A_128 = tpu.vector_load %arg9[%swap3A_126, %swap3A_127] {strides = array<i32>} : memref<80x128xf32, #tpu.memory_space<vmem>>, vector<16xf32>,
        tpu.vector_store %arg9[%swap3A_126, %swap3A_127], %add3A_125 {strides = array<i32>} : memref<80x128xf32, #tpu.memory_space<vmem>>, vector<16xf32>,
        %get3A_129 = arith.index_cast %scan3A_79 : i32 to index
        %get3A_130 = arith.constant 80 : index
        %get3A_131 = tpu.vector_load %arg9[%get3A_129, %get3A_130] {strides = array<i32>} : memref<80x128xf32, #tpu.memory_space<vmem>>, vector<16xf32>,
        %get3A_132 = arith.index_cast %scan3A_79 : i32 to index
        %get3A_133 = arith.constant 80 : index
        %get3A_134 = tpu.vector_load %arg10[%get3A_132, %get3A_133] {strides = array<i32>} : memref<80x128xf32, #tpu.memory_space<vmem>>, vector<16xf32>,
        %add3A_135 = arith.addf %get3A_131, %get3A_134 : vector<16xf32>
        %swap3A_136 = arith.index_cast %scan3A_79 : i32 to index
        %swap3A_137 = arith.constant 80 : index
        %swap3A_138 = tpu.vector_load %arg9[%swap3A_136, %swap3A_137] {strides = array<i32>} : memref<80x128xf32, #tpu.memory_space<vmem>>, vector<16xf32>,
        tpu.vector_store %arg9[%swap3A_136, %swap3A_137], %add3A_135 {strides = array<i32>} : memref<80x128xf32, #tpu.memory_space<vmem>>, vector<16xf32>,
        %get3A_139 = arith.index_cast %scan3A_79 : i32 to index
        %get3A_140 = arith.constant 96 : index
        %get3A_141 = tpu.vector_load %arg9[%get3A_139, %get3A_140] {strides = array<i32>} : memref<80x128xf32, #tpu.memory_space<vmem>>, vector<16xf32>,
        %get3A_142 = arith.index_cast %scan3A_79 : i32 to index
        %get3A_143 = arith.constant 96 : index
        %get3A_144 = tpu.vector_load %arg10[%get3A_142, %get3A_143] {strides = array<i32>} : memref<80x128xf32, #tpu.memory_space<vmem>>, vector<16xf32>,
        %add3A_145 = arith.addf %get3A_141, %get3A_144 : vector<16xf32>
        %swap3A_146 = arith.index_cast %scan3A_79 : i32 to index
        %swap3A_147 = arith.constant 96 : index
        %swap3A_148 = tpu.vector_load %arg9[%swap3A_146, %swap3A_147] {strides = array<i32>} : memref<80x128xf32, #tpu.memory_space<vmem>>, vector<16xf32>,
        tpu.vector_store %arg9[%swap3A_146, %swap3A_147], %add3A_145 {strides = array<i32>} : memref<80x128xf32, #tpu.memory_space<vmem>>, vector<16xf32>,
        %get3A_149 = arith.index_cast %scan3A_79 : i32 to index
        %get3A_150 = arith.constant 112 : index
        %get3A_151 = tpu.vector_load %arg9[%get3A_149, %get3A_150] {strides = array<i32>} : memref<80x128xf32, #tpu.memory_space<vmem>>, vector<16xf32>,
        %get3A_152 = arith.index_cast %scan3A_79 : i32 to index
        %get3A_153 = arith.constant 112 : index
        %get3A_154 = tpu.vector_load %arg10[%get3A_152, %get3A_153] {strides = array<i32>} : memref<80x128xf32, #tpu.memory_space<vmem>>, vector<16xf32>,
        %add3A_155 = arith.addf %get3A_151, %get3A_154 : vector<16xf32>
        %swap3A_156 = arith.index_cast %scan3A_79 : i32 to index
        %swap3A_157 = arith.constant 112 : index
        %swap3A_158 = tpu.vector_load %arg9[%swap3A_156, %swap3A_157] {strides = array<i32>} : memref<80x128xf32, #tpu.memory_space<vmem>>, vector<16xf32>,
        tpu.vector_store %arg9[%swap3A_156, %swap3A_157], %add3A_155 {strides = array<i32>} : memref<80x128xf32, #tpu.memory_space<vmem>>, vector<16xf32>,
        %scan3A_159 = arith.constant 0 : i32
        scf.yield %scan3A_159 : i32
      }
      %scan3A_53 = arith.constant 80 : i32
      %mul3A_54 = arith.constant 10000 : i32
      %mul3A_55 = arith.muli %add3A, %mul3A_54 : i32
      %mul3A_56 = arith.constant 80 : i32
      %mul3A_57 = arith.muli %mul3A_30, %mul3A_56 : i32
      %add3A_58 = arith.addi %mul3A_55, %mul3A_57 : i32
      %multiple_of3A_59 = tpu.assume_multiple %add3A_58, 16 : i32
      %dma_start3A_60 = arith.constant 0 : i32
      %dma_start3A_61 = tpu.memref_slice %arg6[%multiple_of3A_59, %dma_start3A_60] : memref<320000x128xf32, #tpu.memory_space<hbm>> -> memref<80x128xf32, #tpu.memory_space<hbm>>
      %dma_start3A_62 = arith.constant 0 : i32
      %dma_start3A_63 = tpu.memref_slice %arg6[%multiple_of3A_59, %dma_start3A_62] : memref<320000x128xf32, #tpu.memory_space<hbm>> -> memref<80x128xf32, #tpu.memory_space<hbm>>
      tpu.enqueue_dma source(%arg9 : memref<80x128xf32, #tpu.memory_space<vmem>>) target(%dma_start3A_63 : memref<80x128xf32, #tpu.memory_space<hbm>>) target_semaphore(%arg17 : memref<!tpu.dma_semaphore, #tpu.memory_space<semaphore_mem>>)
      %add3A_64 = arith.constant 2 : i32
      %add3A_65 = arith.addi %mul3A_30, %add3A_64 : i32
      %lt3A_66 = arith.constant 125 : i32
      %lt3A_67 = arith.cmpi slt, %add3A_65, %lt3A_66 : i32
      %convert_element_type3A_68 = arith.extui %lt3A_67 : i1 to i32
      %cond3A_69 = arith.constant 0 : i32
      %cond3A_70 = arith.cmpi ne, %convert_element_type3A_68, %cond3A_69 : i32
      scf.if %cond3A_70 {
        %dma_wait3A_79 = arith.constant 0 : i32
        %dma_wait3A_80 = arith.constant 0 : i32
        %dma_wait3A_81 = tpu.memref_slice %arg6[%dma_wait3A_79, %dma_wait3A_80] : memref<320000x128xf32, #tpu.memory_space<hbm>> -> memref<80x128xf32, #tpu.memory_space<hbm>>
        %dma_wait3A_82 = arith.constant 0 : i32
        %dma_wait3A_83 = arith.constant 0 : i32
        %dma_wait3A_84 = tpu.memref_slice %arg6[%dma_wait3A_82, %dma_wait3A_83] : memref<320000x128xf32, #tpu.memory_space<hbm>> -> memref<80x128xf32, #tpu.memory_space<hbm>>
        tpu.wait_dma2 semaphore(%arg17 : memref<!tpu.dma_semaphore, #tpu.memory_space<semaphore_mem>>) src(%arg9 : memref<80x128xf32, #tpu.memory_space<vmem>>) dst(%dma_wait3A_84 : memref<80x128xf32, #tpu.memory_space<hbm>>)
        %add3A_85 = arith.constant 2 : i32
        %add3A_86 = arith.addi %mul3A_30, %add3A_85 : i32
        %mul3A_87 = arith.constant 10000 : i32
        %mul3A_88 = arith.muli %add3A, %mul3A_87 : i32
        %mul3A_89 = arith.constant 80 : i32
        %mul3A_90 = arith.muli %add3A_86, %mul3A_89 : i32
        %add3A_91 = arith.addi %mul3A_88, %mul3A_90 : i32
        %multiple_of3A_92 = tpu.assume_multiple %add3A_91, 16 : i32
        "tpu.region"() ({
          %run_scoped3A = tpu.sem_alloc : memref<!tpu.dma_semaphore, #tpu.memory_space<semaphore_mem>>
          %dma_start3A_99 = tpu.memref_slice %arg5[%multiple_of3A_92] : memref<320000xi32, #tpu.memory_space<hbm>> -> memref<80xi32, #tpu.memory_space<hbm>>
          %dma_start3A_100 = tpu.memref_slice %arg5[%multiple_of3A_92] : memref<320000xi32, #tpu.memory_space<hbm>> -> memref<80xi32, #tpu.memory_space<hbm>>
          tpu.enqueue_dma source(%dma_start3A_100 : memref<80xi32, #tpu.memory_space<hbm>>) target(%arg7 : memref<80xi32, #tpu.memory_space<vmem>>) target_semaphore(%run_scoped3A : memref<!tpu.dma_semaphore, #tpu.memory_space<semaphore_mem>>)
          %dma_wait3A_101 = tpu.memref_slice %arg5[%multiple_of3A_92] : memref<320000xi32, #tpu.memory_space<hbm>> -> memref<80xi32, #tpu.memory_space<hbm>>
          %dma_wait3A_102 = tpu.memref_slice %arg5[%multiple_of3A_92] : memref<320000xi32, #tpu.memory_space<hbm>> -> memref<80xi32, #tpu.memory_space<hbm>>
          tpu.wait_dma2 semaphore(%run_scoped3A : memref<!tpu.dma_semaphore, #tpu.memory_space<semaphore_mem>>) src(%dma_wait3A_102 : memref<80xi32, #tpu.memory_space<hbm>>) dst(%arg7 : memref<80xi32, #tpu.memory_space<vmem>>)
          tpu.yield
        }) : () -> ()
        "tpu.region"() ({
          %run_scoped3A = tpu.sem_alloc : memref<!tpu.dma_semaphore, #tpu.memory_space<semaphore_mem>>
          %dma_start3A_99 = tpu.memref_slice %arg4[%multiple_of3A_92] : memref<320000xi32, #tpu.memory_space<hbm>> -> memref<80xi32, #tpu.memory_space<hbm>>
          %dma_start3A_100 = tpu.memref_slice %arg4[%multiple_of3A_92] : memref<320000xi32, #tpu.memory_space<hbm>> -> memref<80xi32, #tpu.memory_space<hbm>>
          tpu.enqueue_dma source(%dma_start3A_100 : memref<80xi32, #tpu.memory_space<hbm>>) target(%arg8 : memref<80xi32, #tpu.memory_space<vmem>>) target_semaphore(%run_scoped3A : memref<!tpu.dma_semaphore, #tpu.memory_space<semaphore_mem>>)
          %dma_wait3A_101 = tpu.memref_slice %arg4[%multiple_of3A_92] : memref<320000xi32, #tpu.memory_space<hbm>> -> memref<80xi32, #tpu.memory_space<hbm>>
          %dma_wait3A_102 = tpu.memref_slice %arg4[%multiple_of3A_92] : memref<320000xi32, #tpu.memory_space<hbm>> -> memref<80xi32, #tpu.memory_space<hbm>>
          tpu.wait_dma2 semaphore(%run_scoped3A : memref<!tpu.dma_semaphore, #tpu.memory_space<semaphore_mem>>) src(%dma_wait3A_102 : memref<80xi32, #tpu.memory_space<hbm>>) dst(%arg8 : memref<80xi32, #tpu.memory_space<vmem>>)
          tpu.yield
        }) : () -> ()
        %dma_start3A_93 = arith.constant 0 : i32
        %dma_start3A_94 = arith.constant 0 : i32
        %dma_start3A_95 = tpu.memref_slice %arg2[%dma_start3A_93, %dma_start3A_94] : memref<10000x128xf32, #tpu.memory_space<hbm>> -> memref<10000x128xf32, #tpu.memory_space<hbm>>
        tpu.enqueue_indirect_dma source(%dma_start3A_95 : memref<10000x128xf32, #tpu.memory_space<hbm>>) target(%arg9 : memref<80x128xf32, #tpu.memory_space<vmem>>) offsets(%arg7 : memref<80xi32, #tpu.memory_space<vmem>>) semaphore(%arg15 : memref<!tpu.dma_semaphore, #tpu.memory_space<semaphore_mem>>)
        %dma_start3A_96 = arith.constant 0 : i32
        %dma_start3A_97 = arith.constant 0 : i32
        %dma_start3A_98 = tpu.memref_slice %arg3[%dma_start3A_96, %dma_start3A_97] : memref<10000x128xf32, #tpu.memory_space<hbm>> -> memref<10000x128xf32, #tpu.memory_space<hbm>>
        tpu.enqueue_indirect_dma source(%dma_start3A_98 : memref<10000x128xf32, #tpu.memory_space<hbm>>) target(%arg10 : memref<80x128xf32, #tpu.memory_space<vmem>>) offsets(%arg8 : memref<80xi32, #tpu.memory_space<vmem>>) semaphore(%arg15 : memref<!tpu.dma_semaphore, #tpu.memory_space<semaphore_mem>>)
      } else {
      }
      %add3A_71 = arith.constant 1 : i32
      %add3A_72 = arith.addi %mul3A_30, %add3A_71 : i32
      %lt3A_73 = arith.constant 125 : i32
      %lt3A_74 = arith.cmpi slt, %add3A_72, %lt3A_73 : i32
      %convert_element_type3A_75 = arith.extui %lt3A_74 : i1 to i32
      %cond3A_76 = arith.constant 0 : i32
      %cond3A_77 = arith.cmpi ne, %convert_element_type3A_75, %cond3A_76 : i32
      scf.if %cond3A_77 {
        %add3A_79 = arith.constant 1 : i32
        %add3A_80 = arith.addi %mul3A_30, %add3A_79 : i32
        %dma_wait3A_81 = arith.constant 0 : i32
        %dma_wait3A_82 = arith.constant 0 : i32
        %dma_wait3A_83 = tpu.memref_slice %arg2[%dma_wait3A_81, %dma_wait3A_82] : memref<10000x128xf32, #tpu.memory_space<hbm>> -> memref<80x128xf32, #tpu.memory_space<hbm>>
        %dma_wait3A_84 = arith.constant 0 : i32
        %dma_wait3A_85 = arith.constant 0 : i32
        %dma_wait3A_86 = tpu.memref_slice %arg2[%dma_wait3A_84, %dma_wait3A_85] : memref<10000x128xf32, #tpu.memory_space<hbm>> -> memref<80x128xf32, #tpu.memory_space<hbm>>
        tpu.wait_dma2 semaphore(%arg16 : memref<!tpu.dma_semaphore, #tpu.memory_space<semaphore_mem>>) src(%dma_wait3A_86 : memref<80x128xf32, #tpu.memory_space<hbm>>) dst(%arg13 : memref<80x128xf32, #tpu.memory_space<vmem>>)
        %dma_wait3A_87 = arith.constant 0 : i32
        %dma_wait3A_88 = arith.constant 0 : i32
        %dma_wait3A_89 = tpu.memref_slice %arg3[%dma_wait3A_87, %dma_wait3A_88] : memref<10000x128xf32, #tpu.memory_space<hbm>> -> memref<80x128xf32, #tpu.memory_space<hbm>>
        %dma_wait3A_90 = arith.constant 0 : i32
        %dma_wait3A_91 = arith.constant 0 : i32
        %dma_wait3A_92 = tpu.memref_slice %arg3[%dma_wait3A_90, %dma_wait3A_91] : memref<10000x128xf32, #tpu.memory_space<hbm>> -> memref<80x128xf32, #tpu.memory_space<hbm>>
        tpu.wait_dma2 semaphore(%arg16 : memref<!tpu.dma_semaphore, #tpu.memory_space<semaphore_mem>>) src(%dma_wait3A_92 : memref<80x128xf32, #tpu.memory_space<hbm>>) dst(%arg14 : memref<80x128xf32, #tpu.memory_space<vmem>>)
        %scan3A_93 = arith.constant 0 : i32
        %scan3A_94 = arith.constant 0 : i32
        %scan3A_95 = arith.constant 80 : i32
        %scan3A_96 = arith.addi %scan3A_94, %scan3A_95 : i32
        %scan3A_97 = arith.constant 1 : i32
        %scan3A_98 = scf.for %scan3A_110 = %scan3A_94 to %scan3A_96 step %scan3A_97 iter_args(%scan3A_111 = %scan3A_93) -> (i32)  : i32 {
          %get3A = arith.index_cast %scan3A_110 : i32 to index
          %get3A_112 = arith.constant 0 : index
          %get3A_113 = tpu.vector_load %arg13[%get3A, %get3A_112] {strides = array<i32>} : memref<80x128xf32, #tpu.memory_space<vmem>>, vector<16xf32>,
          %get3A_114 = arith.index_cast %scan3A_110 : i32 to index
          %get3A_115 = arith.constant 0 : index
          %get3A_116 = tpu.vector_load %arg14[%get3A_114, %get3A_115] {strides = array<i32>} : memref<80x128xf32, #tpu.memory_space<vmem>>, vector<16xf32>,
          %add3A_117 = arith.addf %get3A_113, %get3A_116 : vector<16xf32>
          %swap3A = arith.index_cast %scan3A_110 : i32 to index
          %swap3A_118 = arith.constant 0 : index
          %swap3A_119 = tpu.vector_load %arg13[%swap3A, %swap3A_118] {strides = array<i32>} : memref<80x128xf32, #tpu.memory_space<vmem>>, vector<16xf32>,
          tpu.vector_store %arg13[%swap3A, %swap3A_118], %add3A_117 {strides = array<i32>} : memref<80x128xf32, #tpu.memory_space<vmem>>, vector<16xf32>,
          %get3A_120 = arith.index_cast %scan3A_110 : i32 to index
          %get3A_121 = arith.constant 16 : index
          %get3A_122 = tpu.vector_load %arg13[%get3A_120, %get3A_121] {strides = array<i32>} : memref<80x128xf32, #tpu.memory_space<vmem>>, vector<16xf32>,
          %get3A_123 = arith.index_cast %scan3A_110 : i32 to index
          %get3A_124 = arith.constant 16 : index
          %get3A_125 = tpu.vector_load %arg14[%get3A_123, %get3A_124] {strides = array<i32>} : memref<80x128xf32, #tpu.memory_space<vmem>>, vector<16xf32>,
          %add3A_126 = arith.addf %get3A_122, %get3A_125 : vector<16xf32>
          %swap3A_127 = arith.index_cast %scan3A_110 : i32 to index
          %swap3A_128 = arith.constant 16 : index
          %swap3A_129 = tpu.vector_load %arg13[%swap3A_127, %swap3A_128] {strides = array<i32>} : memref<80x128xf32, #tpu.memory_space<vmem>>, vector<16xf32>,
          tpu.vector_store %arg13[%swap3A_127, %swap3A_128], %add3A_126 {strides = array<i32>} : memref<80x128xf32, #tpu.memory_space<vmem>>, vector<16xf32>,
          %get3A_130 = arith.index_cast %scan3A_110 : i32 to index
          %get3A_131 = arith.constant 32 : index
          %get3A_132 = tpu.vector_load %arg13[%get3A_130, %get3A_131] {strides = array<i32>} : memref<80x128xf32, #tpu.memory_space<vmem>>, vector<16xf32>,
          %get3A_133 = arith.index_cast %scan3A_110 : i32 to index
          %get3A_134 = arith.constant 32 : index
          %get3A_135 = tpu.vector_load %arg14[%get3A_133, %get3A_134] {strides = array<i32>} : memref<80x128xf32, #tpu.memory_space<vmem>>, vector<16xf32>,
          %add3A_136 = arith.addf %get3A_132, %get3A_135 : vector<16xf32>
          %swap3A_137 = arith.index_cast %scan3A_110 : i32 to index
          %swap3A_138 = arith.constant 32 : index
          %swap3A_139 = tpu.vector_load %arg13[%swap3A_137, %swap3A_138] {strides = array<i32>} : memref<80x128xf32, #tpu.memory_space<vmem>>, vector<16xf32>,
          tpu.vector_store %arg13[%swap3A_137, %swap3A_138], %add3A_136 {strides = array<i32>} : memref<80x128xf32, #tpu.memory_space<vmem>>, vector<16xf32>,
          %get3A_140 = arith.index_cast %scan3A_110 : i32 to index
          %get3A_141 = arith.constant 48 : index
          %get3A_142 = tpu.vector_load %arg13[%get3A_140, %get3A_141] {strides = array<i32>} : memref<80x128xf32, #tpu.memory_space<vmem>>, vector<16xf32>,
          %get3A_143 = arith.index_cast %scan3A_110 : i32 to index
          %get3A_144 = arith.constant 48 : index
          %get3A_145 = tpu.vector_load %arg14[%get3A_143, %get3A_144] {strides = array<i32>} : memref<80x128xf32, #tpu.memory_space<vmem>>, vector<16xf32>,
          %add3A_146 = arith.addf %get3A_142, %get3A_145 : vector<16xf32>
          %swap3A_147 = arith.index_cast %scan3A_110 : i32 to index
          %swap3A_148 = arith.constant 48 : index
          %swap3A_149 = tpu.vector_load %arg13[%swap3A_147, %swap3A_148] {strides = array<i32>} : memref<80x128xf32, #tpu.memory_space<vmem>>, vector<16xf32>,
          tpu.vector_store %arg13[%swap3A_147, %swap3A_148], %add3A_146 {strides = array<i32>} : memref<80x128xf32, #tpu.memory_space<vmem>>, vector<16xf32>,
          %get3A_150 = arith.index_cast %scan3A_110 : i32 to index
          %get3A_151 = arith.constant 64 : index
          %get3A_152 = tpu.vector_load %arg13[%get3A_150, %get3A_151] {strides = array<i32>} : memref<80x128xf32, #tpu.memory_space<vmem>>, vector<16xf32>,
          %get3A_153 = arith.index_cast %scan3A_110 : i32 to index
          %get3A_154 = arith.constant 64 : index
          %get3A_155 = tpu.vector_load %arg14[%get3A_153, %get3A_154] {strides = array<i32>} : memref<80x128xf32, #tpu.memory_space<vmem>>, vector<16xf32>,
          %add3A_156 = arith.addf %get3A_152, %get3A_155 : vector<16xf32>
          %swap3A_157 = arith.index_cast %scan3A_110 : i32 to index
          %swap3A_158 = arith.constant 64 : index
          %swap3A_159 = tpu.vector_load %arg13[%swap3A_157, %swap3A_158] {strides = array<i32>} : memref<80x128xf32, #tpu.memory_space<vmem>>, vector<16xf32>,
          tpu.vector_store %arg13[%swap3A_157, %swap3A_158], %add3A_156 {strides = array<i32>} : memref<80x128xf32, #tpu.memory_space<vmem>>, vector<16xf32>,
          %get3A_160 = arith.index_cast %scan3A_110 : i32 to index
          %get3A_161 = arith.constant 80 : index
          %get3A_162 = tpu.vector_load %arg13[%get3A_160, %get3A_161] {strides = array<i32>} : memref<80x128xf32, #tpu.memory_space<vmem>>, vector<16xf32>,
          %get3A_163 = arith.index_cast %scan3A_110 : i32 to index
          %get3A_164 = arith.constant 80 : index
          %get3A_165 = tpu.vector_load %arg14[%get3A_163, %get3A_164] {strides = array<i32>} : memref<80x128xf32, #tpu.memory_space<vmem>>, vector<16xf32>,
          %add3A_166 = arith.addf %get3A_162, %get3A_165 : vector<16xf32>
          %swap3A_167 = arith.index_cast %scan3A_110 : i32 to index
          %swap3A_168 = arith.constant 80 : index
          %swap3A_169 = tpu.vector_load %arg13[%swap3A_167, %swap3A_168] {strides = array<i32>} : memref<80x128xf32, #tpu.memory_space<vmem>>, vector<16xf32>,
          tpu.vector_store %arg13[%swap3A_167, %swap3A_168], %add3A_166 {strides = array<i32>} : memref<80x128xf32, #tpu.memory_space<vmem>>, vector<16xf32>,
          %get3A_170 = arith.index_cast %scan3A_110 : i32 to index
          %get3A_171 = arith.constant 96 : index
          %get3A_172 = tpu.vector_load %arg13[%get3A_170, %get3A_171] {strides = array<i32>} : memref<80x128xf32, #tpu.memory_space<vmem>>, vector<16xf32>,
          %get3A_173 = arith.index_cast %scan3A_110 : i32 to index
          %get3A_174 = arith.constant 96 : index
          %get3A_175 = tpu.vector_load %arg14[%get3A_173, %get3A_174] {strides = array<i32>} : memref<80x128xf32, #tpu.memory_space<vmem>>, vector<16xf32>,
          %add3A_176 = arith.addf %get3A_172, %get3A_175 : vector<16xf32>
          %swap3A_177 = arith.index_cast %scan3A_110 : i32 to index
          %swap3A_178 = arith.constant 96 : index
          %swap3A_179 = tpu.vector_load %arg13[%swap3A_177, %swap3A_178] {strides = array<i32>} : memref<80x128xf32, #tpu.memory_space<vmem>>, vector<16xf32>,
          tpu.vector_store %arg13[%swap3A_177, %swap3A_178], %add3A_176 {strides = array<i32>} : memref<80x128xf32, #tpu.memory_space<vmem>>, vector<16xf32>,
          %get3A_180 = arith.index_cast %scan3A_110 : i32 to index
          %get3A_181 = arith.constant 112 : index
          %get3A_182 = tpu.vector_load %arg13[%get3A_180, %get3A_181] {strides = array<i32>} : memref<80x128xf32, #tpu.memory_space<vmem>>, vector<16xf32>,
          %get3A_183 = arith.index_cast %scan3A_110 : i32 to index
          %get3A_184 = arith.constant 112 : index
          %get3A_185 = tpu.vector_load %arg14[%get3A_183, %get3A_184] {strides = array<i32>} : memref<80x128xf32, #tpu.memory_space<vmem>>, vector<16xf32>,
          %add3A_186 = arith.addf %get3A_182, %get3A_185 : vector<16xf32>
          %swap3A_187 = arith.index_cast %scan3A_110 : i32 to index
          %swap3A_188 = arith.constant 112 : index
          %swap3A_189 = tpu.vector_load %arg13[%swap3A_187, %swap3A_188] {strides = array<i32>} : memref<80x128xf32, #tpu.memory_space<vmem>>, vector<16xf32>,
          tpu.vector_store %arg13[%swap3A_187, %swap3A_188], %add3A_186 {strides = array<i32>} : memref<80x128xf32, #tpu.memory_space<vmem>>, vector<16xf32>,
          %scan3A_190 = arith.constant 0 : i32
          scf.yield %scan3A_190 : i32
        }
        %scan3A_99 = arith.constant 80 : i32
        %mul3A_100 = arith.constant 10000 : i32
        %mul3A_101 = arith.muli %add3A, %mul3A_100 : i32
        %mul3A_102 = arith.constant 80 : i32
        %mul3A_103 = arith.muli %add3A_80, %mul3A_102 : i32
        %add3A_104 = arith.addi %mul3A_101, %mul3A_103 : i32
        %multiple_of3A_105 = tpu.assume_multiple %add3A_104, 16 : i32
        %dma_start3A_106 = arith.constant 0 : i32
        %dma_start3A_107 = tpu.memref_slice %arg6[%multiple_of3A_105, %dma_start3A_106] : memref<320000x128xf32, #tpu.memory_space<hbm>> -> memref<80x128xf32, #tpu.memory_space<hbm>>
        %dma_start3A_108 = arith.constant 0 : i32
        %dma_start3A_109 = tpu.memref_slice %arg6[%multiple_of3A_105, %dma_start3A_108] : memref<320000x128xf32, #tpu.memory_space<hbm>> -> memref<80x128xf32, #tpu.memory_space<hbm>>
        tpu.enqueue_dma source(%arg13 : memref<80x128xf32, #tpu.memory_space<vmem>>) target(%dma_start3A_109 : memref<80x128xf32, #tpu.memory_space<hbm>>) target_semaphore(%arg18 : memref<!tpu.dma_semaphore, #tpu.memory_space<semaphore_mem>>)
      } else {
      }
      %scan3A_78 = arith.constant 0 : i32
      scf.yield %scan3A_78 : i32
    }
    %scan3A_15 = arith.constant 63 : i32
    %dma_wait3A = arith.constant 0 : i32
    %dma_wait3A_16 = arith.constant 0 : i32
    %dma_wait3A_17 = tpu.memref_slice %arg6[%dma_wait3A, %dma_wait3A_16] : memref<320000x128xf32, #tpu.memory_space<hbm>> -> memref<80x128xf32, #tpu.memory_space<hbm>>
    %dma_wait3A_18 = arith.constant 0 : i32
    %dma_wait3A_19 = arith.constant 0 : i32
    %dma_wait3A_20 = tpu.memref_slice %arg6[%dma_wait3A_18, %dma_wait3A_19] : memref<320000x128xf32, #tpu.memory_space<hbm>> -> memref<80x128xf32, #tpu.memory_space<hbm>>
    tpu.wait_dma2 semaphore(%arg17 : memref<!tpu.dma_semaphore, #tpu.memory_space<semaphore_mem>>) src(%arg9 : memref<80x128xf32, #tpu.memory_space<vmem>>) dst(%dma_wait3A_20 : memref<80x128xf32, #tpu.memory_space<hbm>>)
    %dma_wait3A_21 = arith.constant 0 : i32
    %dma_wait3A_22 = arith.constant 0 : i32
    %dma_wait3A_23 = tpu.memref_slice %arg6[%dma_wait3A_21, %dma_wait3A_22] : memref<320000x128xf32, #tpu.memory_space<hbm>> -> memref<80x128xf32, #tpu.memory_space<hbm>>
    %dma_wait3A_24 = arith.constant 0 : i32
    %dma_wait3A_25 = arith.constant 0 : i32
    %dma_wait3A_26 = tpu.memref_slice %arg6[%dma_wait3A_24, %dma_wait3A_25] : memref<320000x128xf32, #tpu.memory_space<hbm>> -> memref<80x128xf32, #tpu.memory_space<hbm>>
    tpu.wait_dma2 semaphore(%arg18 : memref<!tpu.dma_semaphore, #tpu.memory_space<semaphore_mem>>) src(%arg13 : memref<80x128xf32, #tpu.memory_space<vmem>>) dst(%dma_wait3A_26 : memref<80x128xf32, #tpu.memory_space<hbm>>)
    return
  }
}

#map = affine_map<(d0, d1) -> (0, 0)>
#map1 = affine_map<(d0, d1) -> (0)>
#map2 = affine_map<(d0, d1) -> (0, 0, 0)>
module attributes {stable_mosaic.version = 14 : i64} {
  func.func @_s2_body(%arg0: i32, %arg1: i32, %arg2: memref<320000x128xf32, #tpu.memory_space<hbm>>, %arg3: memref<320000xi32, #tpu.memory_space<hbm>>, %arg4: memref<10000x8xf32, #tpu.memory_space<hbm>>, %arg5: memref<32x10000x8xf32, #tpu.memory_space<hbm>>, %arg6: memref<10000x8xf32, #tpu.memory_space<vmem>>, %arg7: memref<2000x8xf32, #tpu.memory_space<vmem>>, %arg8: memref<2000xi32, #tpu.memory_space<vmem>>) attributes {dimension_semantics = [#tpu.dimension_semantics<core_parallel>, #tpu.dimension_semantics<subcore_parallel>], iteration_bounds = array<i64: 2, 16>, scalar_prefetch = 0 : i64, scratch_operands = 3 : i64, tpu.core_type = #tpu.core_type<sc_vector_subcore>, window_params = [{transform_indices = #map}, {transform_indices = #map1}, {transform_indices = #map}, {transform_indices = #map2}]} {
    %mul3A = arith.constant 2 : i32
    %mul3A_0 = arith.muli %arg1, %mul3A : i32
    %add3A = arith.addi %mul3A_0, %arg0 : i32
    %jit3A = arith.constant 16 : i32
    %eq3A = arith.constant 0 : i32
    %eq3A_1 = arith.cmpi eq, %jit3A, %eq3A : i32
    %jit3A_2 = arith.constant 1 : i32
    %select_n3A = arith.select %eq3A_1, %jit3A_2, %jit3A : i32
    %rem3A = arith.remsi %add3A, %select_n3A : i32
    %ne3A = arith.constant 0 : i32
    %ne3A_3 = arith.cmpi ne, %rem3A, %ne3A : i32
    %lt3A = arith.constant 0 : i32
    %lt3A_4 = arith.cmpi slt, %rem3A, %lt3A : i32
    %lt3A_5 = arith.constant 0 : i32
    %lt3A_6 = arith.cmpi slt, %select_n3A, %lt3A_5 : i32
    %ne3A_7 = arith.xori %lt3A_4, %lt3A_6 : i1
    %and3A = arith.andi %ne3A_7, %ne3A_3 : i1
    %add3A_8 = arith.addi %rem3A, %select_n3A : i32
    %select_n3A_9 = arith.select %and3A, %add3A_8, %rem3A : i32
    %jit3A_10 = arith.constant 16 : i32
    %div3A = arith.divsi %add3A, %jit3A_10 : i32
    %sign3A = arith.constant 0 : i32
    %sign3A_11 = arith.cmpi sgt, %add3A, %sign3A : i32
    %sign3A_12 = arith.extui %sign3A_11 : i1 to i32
    %sign3A_13 = arith.constant 0 : i32
    %sign3A_14 = arith.cmpi slt, %add3A, %sign3A_13 : i32
    %sign3A_15 = arith.extui %sign3A_14 : i1 to i32
    %sign3A_16 = arith.subi %sign3A_12, %sign3A_15 : i32
    %sign3A_17 = arith.constant 0 : i32
    %sign3A_18 = arith.cmpi sgt, %jit3A_10, %sign3A_17 : i32
    %sign3A_19 = arith.extui %sign3A_18 : i1 to i32
    %sign3A_20 = arith.constant 0 : i32
    %sign3A_21 = arith.cmpi slt, %jit3A_10, %sign3A_20 : i32
    %sign3A_22 = arith.extui %sign3A_21 : i1 to i32
    %sign3A_23 = arith.subi %sign3A_19, %sign3A_22 : i32
    %ne3A_24 = arith.cmpi ne, %sign3A_16, %sign3A_23 : i32
    %rem3A_25 = arith.remsi %add3A, %jit3A_10 : i32
    %ne3A_26 = arith.constant 0 : i32
    %ne3A_27 = arith.cmpi ne, %rem3A_25, %ne3A_26 : i32
    %and3A_28 = arith.andi %ne3A_24, %ne3A_27 : i1
    %sub3A = arith.constant 1 : i32
    %sub3A_29 = arith.subi %div3A, %sub3A : i32
    %select_n3A_30 = arith.select %and3A_28, %sub3A_29, %div3A : i32
    "tpu.region"() ({
      %run_scoped3A = tpu.sem_alloc : memref<!tpu.dma_semaphore, #tpu.memory_space<semaphore_mem>>
      tpu.enqueue_dma source(%arg4 : memref<10000x8xf32, #tpu.memory_space<hbm>>) target(%arg6 : memref<10000x8xf32, #tpu.memory_space<vmem>>) target_semaphore(%run_scoped3A : memref<!tpu.dma_semaphore, #tpu.memory_space<semaphore_mem>>)
      tpu.wait_dma2 semaphore(%run_scoped3A : memref<!tpu.dma_semaphore, #tpu.memory_space<semaphore_mem>>) src(%arg4 : memref<10000x8xf32, #tpu.memory_space<hbm>>) dst(%arg6 : memref<10000x8xf32, #tpu.memory_space<vmem>>)
      tpu.yield
    }) : () -> ()
    %iota3A = tpu.iota {dimensions = array<i32: 0>} : vector<16xi32>
    %shift_right_arithmetic3A = arith.constant 3 : i32
    %shift_right_arithmetic3A_31 = vector.broadcast %shift_right_arithmetic3A : i32 to vector<16xi32>
    %shift_right_arithmetic3A_32 = arith.shrsi %iota3A, %shift_right_arithmetic3A_31 : vector<16xi32>
    %and3A_33 = arith.constant 7 : i32
    %and3A_34 = vector.broadcast %and3A_33 : i32 to vector<16xi32>
    %and3A_35 = arith.andi %iota3A, %and3A_34 : vector<16xi32>
    %scan3A = arith.constant 0 : i32
    %scan3A_36 = arith.constant 0 : i32
    %scan3A_37 = arith.constant 80 : i32
    %scan3A_38 = arith.addi %scan3A_36, %scan3A_37 : i32
    %scan3A_39 = arith.constant 1 : i32
    %scan3A_40 = scf.for %scan3A_42 = %scan3A_36 to %scan3A_38 step %scan3A_39 iter_args(%scan3A_43 = %scan3A) -> (i32)  : i32 {
      %mul3A_44 = arith.constant 160000 : i32
      %mul3A_45 = arith.muli %select_n3A_30, %mul3A_44 : i32
      %mul3A_46 = arith.constant 2000 : i32
      %mul3A_47 = arith.muli %scan3A_42, %mul3A_46 : i32
      %add3A_48 = arith.addi %mul3A_45, %mul3A_47 : i32
      %multiple_of3A = tpu.assume_multiple %add3A_48, 16 : i32
      "tpu.region"() ({
        %run_scoped3A = tpu.sem_alloc : memref<!tpu.dma_semaphore, #tpu.memory_space<semaphore_mem>>
        %dma_start3A = tpu.memref_slice %arg3[%multiple_of3A] : memref<320000xi32, #tpu.memory_space<hbm>> -> memref<2000xi32, #tpu.memory_space<hbm>>
        %dma_start3A_59 = tpu.memref_slice %arg3[%multiple_of3A] : memref<320000xi32, #tpu.memory_space<hbm>> -> memref<2000xi32, #tpu.memory_space<hbm>>
        tpu.enqueue_dma source(%dma_start3A_59 : memref<2000xi32, #tpu.memory_space<hbm>>) target(%arg8 : memref<2000xi32, #tpu.memory_space<vmem>>) target_semaphore(%run_scoped3A : memref<!tpu.dma_semaphore, #tpu.memory_space<semaphore_mem>>)
        %dma_wait3A = tpu.memref_slice %arg3[%multiple_of3A] : memref<320000xi32, #tpu.memory_space<hbm>> -> memref<2000xi32, #tpu.memory_space<hbm>>
        %dma_wait3A_60 = tpu.memref_slice %arg3[%multiple_of3A] : memref<320000xi32, #tpu.memory_space<hbm>> -> memref<2000xi32, #tpu.memory_space<hbm>>
        tpu.wait_dma2 semaphore(%run_scoped3A : memref<!tpu.dma_semaphore, #tpu.memory_space<semaphore_mem>>) src(%dma_wait3A_60 : memref<2000xi32, #tpu.memory_space<hbm>>) dst(%arg8 : memref<2000xi32, #tpu.memory_space<vmem>>)
        tpu.yield
      }) : () -> ()
      %mul3A_49 = arith.constant 8 : i32
      %mul3A_50 = arith.muli %select_n3A_9, %mul3A_49 : i32
      "tpu.region"() ({
        %run_scoped3A = tpu.sem_alloc : memref<!tpu.dma_semaphore, #tpu.memory_space<semaphore_mem>>
        %dma_start3A = tpu.memref_slice %arg2[%multiple_of3A, %mul3A_50] : memref<320000x128xf32, #tpu.memory_space<hbm>> -> memref<2000x8xf32, #tpu.memory_space<hbm>>
        %dma_start3A_59 = tpu.memref_slice %arg2[%multiple_of3A, %mul3A_50] : memref<320000x128xf32, #tpu.memory_space<hbm>> -> memref<2000x8xf32, #tpu.memory_space<hbm>>
        tpu.enqueue_dma source(%dma_start3A_59 : memref<2000x8xf32, #tpu.memory_space<hbm>>) target(%arg7 : memref<2000x8xf32, #tpu.memory_space<vmem>>) target_semaphore(%run_scoped3A : memref<!tpu.dma_semaphore, #tpu.memory_space<semaphore_mem>>)
        %dma_wait3A = tpu.memref_slice %arg2[%multiple_of3A, %mul3A_50] : memref<320000x128xf32, #tpu.memory_space<hbm>> -> memref<2000x8xf32, #tpu.memory_space<hbm>>
        %dma_wait3A_60 = tpu.memref_slice %arg2[%multiple_of3A, %mul3A_50] : memref<320000x128xf32, #tpu.memory_space<hbm>> -> memref<2000x8xf32, #tpu.memory_space<hbm>>
        tpu.wait_dma2 semaphore(%run_scoped3A : memref<!tpu.dma_semaphore, #tpu.memory_space<semaphore_mem>>) src(%dma_wait3A_60 : memref<2000x8xf32, #tpu.memory_space<hbm>>) dst(%arg7 : memref<2000x8xf32, #tpu.memory_space<vmem>>)
        tpu.yield
      }) : () -> ()
      %scan3A_51 = arith.constant 0 : i32
      %scan3A_52 = arith.constant 0 : i32
      %scan3A_53 = arith.constant 1000 : i32
      %scan3A_54 = arith.addi %scan3A_52, %scan3A_53 : i32
      %scan3A_55 = arith.constant 1 : i32
      %scan3A_56 = scf.for %scan3A_59 = %scan3A_52 to %scan3A_54 step %scan3A_55 iter_args(%scan3A_60 = %scan3A_51) -> (i32)  : i32 {
        %mul3A_61 = arith.constant 2 : i32
        %mul3A_62 = arith.muli %mul3A_61, %scan3A_59 : i32
        %add3A_63 = vector.broadcast %mul3A_62 : i32 to vector<16xi32>
        %add3A_64 = arith.addi %add3A_63, %shift_right_arithmetic3A_32 : vector<16xi32>
        %gather3A = tpu.vector_load_idx %arg8[%add3A_64] : memref<2000xi32, #tpu.memory_space<vmem>>[vector<16xi32>], vector<16xi32>,
        %xor3A = arith.constant 1 : i32
        %xor3A_65 = vector.broadcast %xor3A : i32 to vector<16xi32>
        %xor3A_66 = arith.xori %add3A_64, %xor3A_65 : vector<16xi32>
        %gather3A_67 = tpu.vector_load_idx %arg8[%xor3A_66] : memref<2000xi32, #tpu.memory_space<vmem>>[vector<16xi32>], vector<16xi32>,
        %gather3A_68 = tpu.vector_load_idx %arg7[%add3A_64, %and3A_35] : memref<2000x8xf32, #tpu.memory_space<vmem>>[vector<16xi32>, vector<16xi32>], vector<16xf32>,
        %xor3A_69 = arith.constant 1 : i32
        %xor3A_70 = vector.broadcast %xor3A_69 : i32 to vector<16xi32>
        %xor3A_71 = arith.xori %add3A_64, %xor3A_70 : vector<16xi32>
        %gather3A_72 = tpu.vector_load_idx %arg7[%xor3A_71, %and3A_35] : memref<2000x8xf32, #tpu.memory_space<vmem>>[vector<16xi32>, vector<16xi32>], vector<16xf32>,
        %eq3A_73 = arith.cmpi eq, %gather3A, %gather3A_67 : vector<16xi32>
        %max3A = arith.maximumf %gather3A_68, %gather3A_72 : vector<16xf32>
        %select_n3A_74 = arith.select %eq3A_73, %max3A, %gather3A_68 : vector<16xi1>, vector<16xf32>
        %gather3A_75 = tpu.vector_load_idx %arg6[%gather3A, %and3A_35] : memref<10000x8xf32, #tpu.memory_space<vmem>>[vector<16xi32>, vector<16xi32>], vector<16xf32>,
        %max3A_76 = arith.maximumf %gather3A_75, %select_n3A_74 : vector<16xf32>
        tpu.vector_store_idx %arg6[%gather3A, %and3A_35], %max3A_76 : memref<10000x8xf32, #tpu.memory_space<vmem>>[vector<16xi32>, vector<16xi32>], vector<16xf32>,
        %scan3A_77 = arith.constant 0 : i32
        scf.yield %scan3A_77 : i32
      }
      %scan3A_57 = arith.constant 1000 : i32
      %scan3A_58 = arith.constant 0 : i32
      scf.yield %scan3A_58 : i32
    }
    %scan3A_41 = arith.constant 80 : i32
    "tpu.region"() ({
      %run_scoped3A = tpu.sem_alloc : memref<!tpu.dma_semaphore, #tpu.memory_space<semaphore_mem>>
      %dma_start3A = arith.constant 0 : i32
      %dma_start3A_42 = arith.constant 0 : i32
      %dma_start3A_43 = tpu.memref_slice %arg5[%add3A, %dma_start3A, %dma_start3A_42] : memref<32x10000x8xf32, #tpu.memory_space<hbm>> -> memref<1x10000x8xf32, #tpu.memory_space<hbm>>
      %dma_start3A_44 = tpu.memref_squeeze %dma_start3A_43 : memref<1x10000x8xf32, #tpu.memory_space<hbm>> -> memref<10000x8xf32, #tpu.memory_space<hbm>>
      %dma_start3A_45 = arith.constant 0 : i32
      %dma_start3A_46 = arith.constant 0 : i32
      %dma_start3A_47 = tpu.memref_slice %arg5[%add3A, %dma_start3A_45, %dma_start3A_46] : memref<32x10000x8xf32, #tpu.memory_space<hbm>> -> memref<1x10000x8xf32, #tpu.memory_space<hbm>>
      %dma_start3A_48 = tpu.memref_squeeze %dma_start3A_47 : memref<1x10000x8xf32, #tpu.memory_space<hbm>> -> memref<10000x8xf32, #tpu.memory_space<hbm>>
      tpu.enqueue_dma source(%arg6 : memref<10000x8xf32, #tpu.memory_space<vmem>>) target(%dma_start3A_48 : memref<10000x8xf32, #tpu.memory_space<hbm>>) target_semaphore(%run_scoped3A : memref<!tpu.dma_semaphore, #tpu.memory_space<semaphore_mem>>)
      %dma_wait3A = arith.constant 0 : i32
      %dma_wait3A_49 = arith.constant 0 : i32
      %dma_wait3A_50 = tpu.memref_slice %arg5[%add3A, %dma_wait3A, %dma_wait3A_49] : memref<32x10000x8xf32, #tpu.memory_space<hbm>> -> memref<1x10000x8xf32, #tpu.memory_space<hbm>>
      %dma_wait3A_51 = tpu.memref_squeeze %dma_wait3A_50 : memref<1x10000x8xf32, #tpu.memory_space<hbm>> -> memref<10000x8xf32, #tpu.memory_space<hbm>>
      %dma_wait3A_52 = arith.constant 0 : i32
      %dma_wait3A_53 = arith.constant 0 : i32
      %dma_wait3A_54 = tpu.memref_slice %arg5[%add3A, %dma_wait3A_52, %dma_wait3A_53] : memref<32x10000x8xf32, #tpu.memory_space<hbm>> -> memref<1x10000x8xf32, #tpu.memory_space<hbm>>
      %dma_wait3A_55 = tpu.memref_squeeze %dma_wait3A_54 : memref<1x10000x8xf32, #tpu.memory_space<hbm>> -> memref<10000x8xf32, #tpu.memory_space<hbm>>
      tpu.wait_dma2 semaphore(%run_scoped3A : memref<!tpu.dma_semaphore, #tpu.memory_space<semaphore_mem>>) src(%arg6 : memref<10000x8xf32, #tpu.memory_space<vmem>>) dst(%dma_wait3A_55 : memref<10000x8xf32, #tpu.memory_space<hbm>>)
      tpu.yield
    }) : () -> ()
    return
  }
}

#map = affine_map<(d0, d1) -> (0, 0)>
#map1 = affine_map<(d0, d1) -> (0)>
module attributes {stable_mosaic.version = 14 : i64} {
  func.func @_s1_body(%arg0: i32, %arg1: i32, %arg2: memref<10000x128xf32, #tpu.memory_space<hbm>>, %arg3: memref<10000x128xf32, #tpu.memory_space<hbm>>, %arg4: memref<320000xi32, #tpu.memory_space<hbm>>, %arg5: memref<320000xi32, #tpu.memory_space<hbm>>, %arg6: memref<320000x128xf32, #tpu.memory_space<hbm>>, %arg7: memref<80xi32, #tpu.memory_space<vmem>>, %arg8: memref<80xi32, #tpu.memory_space<vmem>>, %arg9: memref<80x128xf32, #tpu.memory_space<vmem>>, %arg10: memref<80x128xf32, #tpu.memory_space<vmem>>, %arg11: memref<80xi32, #tpu.memory_space<vmem>>, %arg12: memref<80xi32, #tpu.memory_space<vmem>>, %arg13: memref<80x128xf32, #tpu.memory_space<vmem>>, %arg14: memref<80x128xf32, #tpu.memory_space<vmem>>, %arg15: memref<!tpu.dma_semaphore, #tpu.memory_space<semaphore_mem>>, %arg16: memref<!tpu.dma_semaphore, #tpu.memory_space<semaphore_mem>>, %arg17: memref<!tpu.dma_semaphore, #tpu.memory_space<semaphore_mem>>, %arg18: memref<!tpu.dma_semaphore, #tpu.memory_space<semaphore_mem>>) attributes {dimension_semantics = [#tpu.dimension_semantics<core_parallel>, #tpu.dimension_semantics<subcore_parallel>], iteration_bounds = array<i64: 2, 16>, scalar_prefetch = 0 : i64, scratch_operands = 12 : i64, tpu.core_type = #tpu.core_type<sc_vector_subcore>, window_params = [{transform_indices = #map}, {transform_indices = #map}, {transform_indices = #map1}, {transform_indices = #map1}, {transform_indices = #map}]} {
    %mul3A = arith.constant 2 : i32
    %mul3A_0 = arith.muli %arg1, %mul3A : i32
    %add3A = arith.addi %mul3A_0, %arg0 : i32
    %mul3A_1 = arith.constant 10000 : i32
    %mul3A_2 = arith.muli %add3A, %mul3A_1 : i32
    %add3A_3 = arith.constant 0 : i32
    %add3A_4 = arith.addi %mul3A_2, %add3A_3 : i32
    %multiple_of3A = tpu.assume_multiple %add3A_4, 16 : i32
    "tpu.region"() ({
      %run_scoped3A = tpu.sem_alloc : memref<!tpu.dma_semaphore, #tpu.memory_space<semaphore_mem>>
      %dma_start3A_27 = tpu.memref_slice %arg5[%multiple_of3A] : memref<320000xi32, #tpu.memory_space<hbm>> -> memref<80xi32, #tpu.memory_space<hbm>>
      %dma_start3A_28 = tpu.memref_slice %arg5[%multiple_of3A] : memref<320000xi32, #tpu.memory_space<hbm>> -> memref<80xi32, #tpu.memory_space<hbm>>
      tpu.enqueue_dma source(%dma_start3A_28 : memref<80xi32, #tpu.memory_space<hbm>>) target(%arg7 : memref<80xi32, #tpu.memory_space<vmem>>) target_semaphore(%run_scoped3A : memref<!tpu.dma_semaphore, #tpu.memory_space<semaphore_mem>>)
      %dma_wait3A_29 = tpu.memref_slice %arg5[%multiple_of3A] : memref<320000xi32, #tpu.memory_space<hbm>> -> memref<80xi32, #tpu.memory_space<hbm>>
      %dma_wait3A_30 = tpu.memref_slice %arg5[%multiple_of3A] : memref<320000xi32, #tpu.memory_space<hbm>> -> memref<80xi32, #tpu.memory_space<hbm>>
      tpu.wait_dma2 semaphore(%run_scoped3A : memref<!tpu.dma_semaphore, #tpu.memory_space<semaphore_mem>>) src(%dma_wait3A_30 : memref<80xi32, #tpu.memory_space<hbm>>) dst(%arg7 : memref<80xi32, #tpu.memory_space<vmem>>)
      tpu.yield
    }) : () -> ()
    "tpu.region"() ({
      %run_scoped3A = tpu.sem_alloc : memref<!tpu.dma_semaphore, #tpu.memory_space<semaphore_mem>>
      %dma_start3A_27 = tpu.memref_slice %arg4[%multiple_of3A] : memref<320000xi32, #tpu.memory_space<hbm>> -> memref<80xi32, #tpu.memory_space<hbm>>
      %dma_start3A_28 = tpu.memref_slice %arg4[%multiple_of3A] : memref<320000xi32, #tpu.memory_space<hbm>> -> memref<80xi32, #tpu.memory_space<hbm>>
      tpu.enqueue_dma source(%dma_start3A_28 : memref<80xi32, #tpu.memory_space<hbm>>) target(%arg8 : memref<80xi32, #tpu.memory_space<vmem>>) target_semaphore(%run_scoped3A : memref<!tpu.dma_semaphore, #tpu.memory_space<semaphore_mem>>)
      %dma_wait3A_29 = tpu.memref_slice %arg4[%multiple_of3A] : memref<320000xi32, #tpu.memory_space<hbm>> -> memref<80xi32, #tpu.memory_space<hbm>>
      %dma_wait3A_30 = tpu.memref_slice %arg4[%multiple_of3A] : memref<320000xi32, #tpu.memory_space<hbm>> -> memref<80xi32, #tpu.memory_space<hbm>>
      tpu.wait_dma2 semaphore(%run_scoped3A : memref<!tpu.dma_semaphore, #tpu.memory_space<semaphore_mem>>) src(%dma_wait3A_30 : memref<80xi32, #tpu.memory_space<hbm>>) dst(%arg8 : memref<80xi32, #tpu.memory_space<vmem>>)
      tpu.yield
    }) : () -> ()
    %dma_start3A = arith.constant 0 : i32
    %dma_start3A_5 = arith.constant 0 : i32
    %dma_start3A_6 = tpu.memref_slice %arg2[%dma_start3A, %dma_start3A_5] : memref<10000x128xf32, #tpu.memory_space<hbm>> -> memref<10000x128xf32, #tpu.memory_space<hbm>>
    tpu.enqueue_indirect_dma source(%dma_start3A_6 : memref<10000x128xf32, #tpu.memory_space<hbm>>) target(%arg9 : memref<80x128xf32, #tpu.memory_space<vmem>>) offsets(%arg7 : memref<80xi32, #tpu.memory_space<vmem>>) semaphore(%arg15 : memref<!tpu.dma_semaphore, #tpu.memory_space<semaphore_mem>>)
    %dma_start3A_7 = arith.constant 0 : i32
    %dma_start3A_8 = arith.constant 0 : i32
    %dma_start3A_9 = tpu.memref_slice %arg3[%dma_start3A_7, %dma_start3A_8] : memref<10000x128xf32, #tpu.memory_space<hbm>> -> memref<10000x128xf32, #tpu.memory_space<hbm>>
    tpu.enqueue_indirect_dma source(%dma_start3A_9 : memref<10000x128xf32, #tpu.memory_space<hbm>>) target(%arg10 : memref<80x128xf32, #tpu.memory_space<vmem>>) offsets(%arg8 : memref<80xi32, #tpu.memory_space<vmem>>) semaphore(%arg15 : memref<!tpu.dma_semaphore, #tpu.memory_space<semaphore_mem>>)
    %scan3A = arith.constant 0 : i32
    %scan3A_10 = arith.constant 0 : i32
    %scan3A_11 = arith.constant 63 : i32
    %scan3A_12 = arith.addi %scan3A_10, %scan3A_11 : i32
    %scan3A_13 = arith.constant 1 : i32
    %scan3A_14 = scf.for %scan3A_27 = %scan3A_10 to %scan3A_12 step %scan3A_13 iter_args(%scan3A_28 = %scan3A) -> (i32)  : i32 {
      %mul3A_29 = arith.constant 2 : i32
      %mul3A_30 = arith.muli %mul3A_29, %scan3A_27 : i32
      %add3A_31 = arith.constant 1 : i32
      %add3A_32 = arith.addi %mul3A_30, %add3A_31 : i32
      %lt3A = arith.constant 125 : i32
      %lt3A_33 = arith.cmpi slt, %add3A_32, %lt3A : i32
      %convert_element_type3A = arith.extui %lt3A_33 : i1 to i32
      %cond3A = arith.constant 0 : i32
      %cond3A_34 = arith.cmpi ne, %convert_element_type3A, %cond3A : i32
      scf.if %cond3A_34 {
        %gt3A = arith.constant 0 : i32
        %gt3A_79 = arith.cmpi sgt, %mul3A_30, %gt3A : i32
        %convert_element_type3A_80 = arith.extui %gt3A_79 : i1 to i32
        %cond3A_81 = arith.constant 0 : i32
        %cond3A_82 = arith.cmpi ne, %convert_element_type3A_80, %cond3A_81 : i32
        scf.if %cond3A_82 {
          %dma_wait3A_97 = arith.constant 0 : i32
          %dma_wait3A_98 = arith.constant 0 : i32
          %dma_wait3A_99 = tpu.memref_slice %arg6[%dma_wait3A_97, %dma_wait3A_98] : memref<320000x128xf32, #tpu.memory_space<hbm>> -> memref<80x128xf32, #tpu.memory_space<hbm>>
          %dma_wait3A_100 = arith.constant 0 : i32
          %dma_wait3A_101 = arith.constant 0 : i32
          %dma_wait3A_102 = tpu.memref_slice %arg6[%dma_wait3A_100, %dma_wait3A_101] : memref<320000x128xf32, #tpu.memory_space<hbm>> -> memref<80x128xf32, #tpu.memory_space<hbm>>
          tpu.wait_dma2 semaphore(%arg18 : memref<!tpu.dma_semaphore, #tpu.memory_space<semaphore_mem>>) src(%arg13 : memref<80x128xf32, #tpu.memory_space<vmem>>) dst(%dma_wait3A_102 : memref<80x128xf32, #tpu.memory_space<hbm>>)
        } else {
        }
        %add3A_83 = arith.constant 1 : i32
        %add3A_84 = arith.addi %mul3A_30, %add3A_83 : i32
        %mul3A_85 = arith.constant 10000 : i32
        %mul3A_86 = arith.muli %add3A, %mul3A_85 : i32
        %mul3A_87 = arith.constant 80 : i32
        %mul3A_88 = arith.muli %add3A_84, %mul3A_87 : i32
        %add3A_89 = arith.addi %mul3A_86, %mul3A_88 : i32
        %multiple_of3A_90 = tpu.assume_multiple %add3A_89, 16 : i32
        "tpu.region"() ({
          %run_scoped3A = tpu.sem_alloc : memref<!tpu.dma_semaphore, #tpu.memory_space<semaphore_mem>>
          %dma_start3A_97 = tpu.memref_slice %arg5[%multiple_of3A_90] : memref<320000xi32, #tpu.memory_space<hbm>> -> memref<80xi32, #tpu.memory_space<hbm>>
          %dma_start3A_98 = tpu.memref_slice %arg5[%multiple_of3A_90] : memref<320000xi32, #tpu.memory_space<hbm>> -> memref<80xi32, #tpu.memory_space<hbm>>
          tpu.enqueue_dma source(%dma_start3A_98 : memref<80xi32, #tpu.memory_space<hbm>>) target(%arg11 : memref<80xi32, #tpu.memory_space<vmem>>) target_semaphore(%run_scoped3A : memref<!tpu.dma_semaphore, #tpu.memory_space<semaphore_mem>>)
          %dma_wait3A_99 = tpu.memref_slice %arg5[%multiple_of3A_90] : memref<320000xi32, #tpu.memory_space<hbm>> -> memref<80xi32, #tpu.memory_space<hbm>>
          %dma_wait3A_100 = tpu.memref_slice %arg5[%multiple_of3A_90] : memref<320000xi32, #tpu.memory_space<hbm>> -> memref<80xi32, #tpu.memory_space<hbm>>
          tpu.wait_dma2 semaphore(%run_scoped3A : memref<!tpu.dma_semaphore, #tpu.memory_space<semaphore_mem>>) src(%dma_wait3A_100 : memref<80xi32, #tpu.memory_space<hbm>>) dst(%arg11 : memref<80xi32, #tpu.memory_space<vmem>>)
          tpu.yield
        }) : () -> ()
        "tpu.region"() ({
          %run_scoped3A = tpu.sem_alloc : memref<!tpu.dma_semaphore, #tpu.memory_space<semaphore_mem>>
          %dma_start3A_97 = tpu.memref_slice %arg4[%multiple_of3A_90] : memref<320000xi32, #tpu.memory_space<hbm>> -> memref<80xi32, #tpu.memory_space<hbm>>
          %dma_start3A_98 = tpu.memref_slice %arg4[%multiple_of3A_90] : memref<320000xi32, #tpu.memory_space<hbm>> -> memref<80xi32, #tpu.memory_space<hbm>>
          tpu.enqueue_dma source(%dma_start3A_98 : memref<80xi32, #tpu.memory_space<hbm>>) target(%arg12 : memref<80xi32, #tpu.memory_space<vmem>>) target_semaphore(%run_scoped3A : memref<!tpu.dma_semaphore, #tpu.memory_space<semaphore_mem>>)
          %dma_wait3A_99 = tpu.memref_slice %arg4[%multiple_of3A_90] : memref<320000xi32, #tpu.memory_space<hbm>> -> memref<80xi32, #tpu.memory_space<hbm>>
          %dma_wait3A_100 = tpu.memref_slice %arg4[%multiple_of3A_90] : memref<320000xi32, #tpu.memory_space<hbm>> -> memref<80xi32, #tpu.memory_space<hbm>>
          tpu.wait_dma2 semaphore(%run_scoped3A : memref<!tpu.dma_semaphore, #tpu.memory_space<semaphore_mem>>) src(%dma_wait3A_100 : memref<80xi32, #tpu.memory_space<hbm>>) dst(%arg12 : memref<80xi32, #tpu.memory_space<vmem>>)
          tpu.yield
        }) : () -> ()
        %dma_start3A_91 = arith.constant 0 : i32
        %dma_start3A_92 = arith.constant 0 : i32
        %dma_start3A_93 = tpu.memref_slice %arg2[%dma_start3A_91, %dma_start3A_92] : memref<10000x128xf32, #tpu.memory_space<hbm>> -> memref<10000x128xf32, #tpu.memory_space<hbm>>
        tpu.enqueue_indirect_dma source(%dma_start3A_93 : memref<10000x128xf32, #tpu.memory_space<hbm>>) target(%arg13 : memref<80x128xf32, #tpu.memory_space<vmem>>) offsets(%arg11 : memref<80xi32, #tpu.memory_space<vmem>>) semaphore(%arg16 : memref<!tpu.dma_semaphore, #tpu.memory_space<semaphore_mem>>)
        %dma_start3A_94 = arith.constant 0 : i32
        %dma_start3A_95 = arith.constant 0 : i32
        %dma_start3A_96 = tpu.memref_slice %arg3[%dma_start3A_94, %dma_start3A_95] : memref<10000x128xf32, #tpu.memory_space<hbm>> -> memref<10000x128xf32, #tpu.memory_space<hbm>>
        tpu.enqueue_indirect_dma source(%dma_start3A_96 : memref<10000x128xf32, #tpu.memory_space<hbm>>) target(%arg14 : memref<80x128xf32, #tpu.memory_space<vmem>>) offsets(%arg12 : memref<80xi32, #tpu.memory_space<vmem>>) semaphore(%arg16 : memref<!tpu.dma_semaphore, #tpu.memory_space<semaphore_mem>>)
      } else {
      }
      %dma_wait3A_35 = arith.constant 0 : i32
      %dma_wait3A_36 = arith.constant 0 : i32
      %dma_wait3A_37 = tpu.memref_slice %arg2[%dma_wait3A_35, %dma_wait3A_36] : memref<10000x128xf32, #tpu.memory_space<hbm>> -> memref<80x128xf32, #tpu.memory_space<hbm>>
      %dma_wait3A_38 = arith.constant 0 : i32
      %dma_wait3A_39 = arith.constant 0 : i32
      %dma_wait3A_40 = tpu.memref_slice %arg2[%dma_wait3A_38, %dma_wait3A_39] : memref<10000x128xf32, #tpu.memory_space<hbm>> -> memref<80x128xf32, #tpu.memory_space<hbm>>
      tpu.wait_dma2 semaphore(%arg15 : memref<!tpu.dma_semaphore, #tpu.memory_space<semaphore_mem>>) src(%dma_wait3A_40 : memref<80x128xf32, #tpu.memory_space<hbm>>) dst(%arg9 : memref<80x128xf32, #tpu.memory_space<vmem>>)
      %dma_wait3A_41 = arith.constant 0 : i32
      %dma_wait3A_42 = arith.constant 0 : i32
      %dma_wait3A_43 = tpu.memref_slice %arg3[%dma_wait3A_41, %dma_wait3A_42] : memref<10000x128xf32, #tpu.memory_space<hbm>> -> memref<80x128xf32, #tpu.memory_space<hbm>>
      %dma_wait3A_44 = arith.constant 0 : i32
      %dma_wait3A_45 = arith.constant 0 : i32
      %dma_wait3A_46 = tpu.memref_slice %arg3[%dma_wait3A_44, %dma_wait3A_45] : memref<10000x128xf32, #tpu.memory_space<hbm>> -> memref<80x128xf32, #tpu.memory_space<hbm>>
      tpu.wait_dma2 semaphore(%arg15 : memref<!tpu.dma_semaphore, #tpu.memory_space<semaphore_mem>>) src(%dma_wait3A_46 : memref<80x128xf32, #tpu.memory_space<hbm>>) dst(%arg10 : memref<80x128xf32, #tpu.memory_space<vmem>>)
      %scan3A_47 = arith.constant 0 : i32
      %scan3A_48 = arith.constant 0 : i32
      %scan3A_49 = arith.constant 80 : i32
      %scan3A_50 = arith.addi %scan3A_48, %scan3A_49 : i32
      %scan3A_51 = arith.constant 1 : i32
      %scan3A_52 = scf.for %scan3A_79 = %scan3A_48 to %scan3A_50 step %scan3A_51 iter_args(%scan3A_80 = %scan3A_47) -> (i32)  : i32 {
        %get3A = arith.index_cast %scan3A_79 : i32 to index
        %get3A_81 = arith.constant 0 : index
        %get3A_82 = tpu.vector_load %arg9[%get3A, %get3A_81] {strides = array<i32>} : memref<80x128xf32, #tpu.memory_space<vmem>>, vector<16xf32>,
        %get3A_83 = arith.index_cast %scan3A_79 : i32 to index
        %get3A_84 = arith.constant 0 : index
        %get3A_85 = tpu.vector_load %arg10[%get3A_83, %get3A_84] {strides = array<i32>} : memref<80x128xf32, #tpu.memory_space<vmem>>, vector<16xf32>,
        %add3A_86 = arith.addf %get3A_82, %get3A_85 : vector<16xf32>
        %swap3A = arith.index_cast %scan3A_79 : i32 to index
        %swap3A_87 = arith.constant 0 : index
        %swap3A_88 = tpu.vector_load %arg9[%swap3A, %swap3A_87] {strides = array<i32>} : memref<80x128xf32, #tpu.memory_space<vmem>>, vector<16xf32>,
        tpu.vector_store %arg9[%swap3A, %swap3A_87], %add3A_86 {strides = array<i32>} : memref<80x128xf32, #tpu.memory_space<vmem>>, vector<16xf32>,
        %get3A_89 = arith.index_cast %scan3A_79 : i32 to index
        %get3A_90 = arith.constant 16 : index
        %get3A_91 = tpu.vector_load %arg9[%get3A_89, %get3A_90] {strides = array<i32>} : memref<80x128xf32, #tpu.memory_space<vmem>>, vector<16xf32>,
        %get3A_92 = arith.index_cast %scan3A_79 : i32 to index
        %get3A_93 = arith.constant 16 : index
        %get3A_94 = tpu.vector_load %arg10[%get3A_92, %get3A_93] {strides = array<i32>} : memref<80x128xf32, #tpu.memory_space<vmem>>, vector<16xf32>,
        %add3A_95 = arith.addf %get3A_91, %get3A_94 : vector<16xf32>
        %swap3A_96 = arith.index_cast %scan3A_79 : i32 to index
        %swap3A_97 = arith.constant 16 : index
        %swap3A_98 = tpu.vector_load %arg9[%swap3A_96, %swap3A_97] {strides = array<i32>} : memref<80x128xf32, #tpu.memory_space<vmem>>, vector<16xf32>,
        tpu.vector_store %arg9[%swap3A_96, %swap3A_97], %add3A_95 {strides = array<i32>} : memref<80x128xf32, #tpu.memory_space<vmem>>, vector<16xf32>,
        %get3A_99 = arith.index_cast %scan3A_79 : i32 to index
        %get3A_100 = arith.constant 32 : index
        %get3A_101 = tpu.vector_load %arg9[%get3A_99, %get3A_100] {strides = array<i32>} : memref<80x128xf32, #tpu.memory_space<vmem>>, vector<16xf32>,
        %get3A_102 = arith.index_cast %scan3A_79 : i32 to index
        %get3A_103 = arith.constant 32 : index
        %get3A_104 = tpu.vector_load %arg10[%get3A_102, %get3A_103] {strides = array<i32>} : memref<80x128xf32, #tpu.memory_space<vmem>>, vector<16xf32>,
        %add3A_105 = arith.addf %get3A_101, %get3A_104 : vector<16xf32>
        %swap3A_106 = arith.index_cast %scan3A_79 : i32 to index
        %swap3A_107 = arith.constant 32 : index
        %swap3A_108 = tpu.vector_load %arg9[%swap3A_106, %swap3A_107] {strides = array<i32>} : memref<80x128xf32, #tpu.memory_space<vmem>>, vector<16xf32>,
        tpu.vector_store %arg9[%swap3A_106, %swap3A_107], %add3A_105 {strides = array<i32>} : memref<80x128xf32, #tpu.memory_space<vmem>>, vector<16xf32>,
        %get3A_109 = arith.index_cast %scan3A_79 : i32 to index
        %get3A_110 = arith.constant 48 : index
        %get3A_111 = tpu.vector_load %arg9[%get3A_109, %get3A_110] {strides = array<i32>} : memref<80x128xf32, #tpu.memory_space<vmem>>, vector<16xf32>,
        %get3A_112 = arith.index_cast %scan3A_79 : i32 to index
        %get3A_113 = arith.constant 48 : index
        %get3A_114 = tpu.vector_load %arg10[%get3A_112, %get3A_113] {strides = array<i32>} : memref<80x128xf32, #tpu.memory_space<vmem>>, vector<16xf32>,
        %add3A_115 = arith.addf %get3A_111, %get3A_114 : vector<16xf32>
        %swap3A_116 = arith.index_cast %scan3A_79 : i32 to index
        %swap3A_117 = arith.constant 48 : index
        %swap3A_118 = tpu.vector_load %arg9[%swap3A_116, %swap3A_117] {strides = array<i32>} : memref<80x128xf32, #tpu.memory_space<vmem>>, vector<16xf32>,
        tpu.vector_store %arg9[%swap3A_116, %swap3A_117], %add3A_115 {strides = array<i32>} : memref<80x128xf32, #tpu.memory_space<vmem>>, vector<16xf32>,
        %get3A_119 = arith.index_cast %scan3A_79 : i32 to index
        %get3A_120 = arith.constant 64 : index
        %get3A_121 = tpu.vector_load %arg9[%get3A_119, %get3A_120] {strides = array<i32>} : memref<80x128xf32, #tpu.memory_space<vmem>>, vector<16xf32>,
        %get3A_122 = arith.index_cast %scan3A_79 : i32 to index
        %get3A_123 = arith.constant 64 : index
        %get3A_124 = tpu.vector_load %arg10[%get3A_122, %get3A_123] {strides = array<i32>} : memref<80x128xf32, #tpu.memory_space<vmem>>, vector<16xf32>,
        %add3A_125 = arith.addf %get3A_121, %get3A_124 : vector<16xf32>
        %swap3A_126 = arith.index_cast %scan3A_79 : i32 to index
        %swap3A_127 = arith.constant 64 : index
        %swap3A_128 = tpu.vector_load %arg9[%swap3A_126, %swap3A_127] {strides = array<i32>} : memref<80x128xf32, #tpu.memory_space<vmem>>, vector<16xf32>,
        tpu.vector_store %arg9[%swap3A_126, %swap3A_127], %add3A_125 {strides = array<i32>} : memref<80x128xf32, #tpu.memory_space<vmem>>, vector<16xf32>,
        %get3A_129 = arith.index_cast %scan3A_79 : i32 to index
        %get3A_130 = arith.constant 80 : index
        %get3A_131 = tpu.vector_load %arg9[%get3A_129, %get3A_130] {strides = array<i32>} : memref<80x128xf32, #tpu.memory_space<vmem>>, vector<16xf32>,
        %get3A_132 = arith.index_cast %scan3A_79 : i32 to index
        %get3A_133 = arith.constant 80 : index
        %get3A_134 = tpu.vector_load %arg10[%get3A_132, %get3A_133] {strides = array<i32>} : memref<80x128xf32, #tpu.memory_space<vmem>>, vector<16xf32>,
        %add3A_135 = arith.addf %get3A_131, %get3A_134 : vector<16xf32>
        %swap3A_136 = arith.index_cast %scan3A_79 : i32 to index
        %swap3A_137 = arith.constant 80 : index
        %swap3A_138 = tpu.vector_load %arg9[%swap3A_136, %swap3A_137] {strides = array<i32>} : memref<80x128xf32, #tpu.memory_space<vmem>>, vector<16xf32>,
        tpu.vector_store %arg9[%swap3A_136, %swap3A_137], %add3A_135 {strides = array<i32>} : memref<80x128xf32, #tpu.memory_space<vmem>>, vector<16xf32>,
        %get3A_139 = arith.index_cast %scan3A_79 : i32 to index
        %get3A_140 = arith.constant 96 : index
        %get3A_141 = tpu.vector_load %arg9[%get3A_139, %get3A_140] {strides = array<i32>} : memref<80x128xf32, #tpu.memory_space<vmem>>, vector<16xf32>,
        %get3A_142 = arith.index_cast %scan3A_79 : i32 to index
        %get3A_143 = arith.constant 96 : index
        %get3A_144 = tpu.vector_load %arg10[%get3A_142, %get3A_143] {strides = array<i32>} : memref<80x128xf32, #tpu.memory_space<vmem>>, vector<16xf32>,
        %add3A_145 = arith.addf %get3A_141, %get3A_144 : vector<16xf32>
        %swap3A_146 = arith.index_cast %scan3A_79 : i32 to index
        %swap3A_147 = arith.constant 96 : index
        %swap3A_148 = tpu.vector_load %arg9[%swap3A_146, %swap3A_147] {strides = array<i32>} : memref<80x128xf32, #tpu.memory_space<vmem>>, vector<16xf32>,
        tpu.vector_store %arg9[%swap3A_146, %swap3A_147], %add3A_145 {strides = array<i32>} : memref<80x128xf32, #tpu.memory_space<vmem>>, vector<16xf32>,
        %get3A_149 = arith.index_cast %scan3A_79 : i32 to index
        %get3A_150 = arith.constant 112 : index
        %get3A_151 = tpu.vector_load %arg9[%get3A_149, %get3A_150] {strides = array<i32>} : memref<80x128xf32, #tpu.memory_space<vmem>>, vector<16xf32>,
        %get3A_152 = arith.index_cast %scan3A_79 : i32 to index
        %get3A_153 = arith.constant 112 : index
        %get3A_154 = tpu.vector_load %arg10[%get3A_152, %get3A_153] {strides = array<i32>} : memref<80x128xf32, #tpu.memory_space<vmem>>, vector<16xf32>,
        %add3A_155 = arith.addf %get3A_151, %get3A_154 : vector<16xf32>
        %swap3A_156 = arith.index_cast %scan3A_79 : i32 to index
        %swap3A_157 = arith.constant 112 : index
        %swap3A_158 = tpu.vector_load %arg9[%swap3A_156, %swap3A_157] {strides = array<i32>} : memref<80x128xf32, #tpu.memory_space<vmem>>, vector<16xf32>,
        tpu.vector_store %arg9[%swap3A_156, %swap3A_157], %add3A_155 {strides = array<i32>} : memref<80x128xf32, #tpu.memory_space<vmem>>, vector<16xf32>,
        %scan3A_159 = arith.constant 0 : i32
        scf.yield %scan3A_159 : i32
      }
      %scan3A_53 = arith.constant 80 : i32
      %mul3A_54 = arith.constant 10000 : i32
      %mul3A_55 = arith.muli %add3A, %mul3A_54 : i32
      %mul3A_56 = arith.constant 80 : i32
      %mul3A_57 = arith.muli %mul3A_30, %mul3A_56 : i32
      %add3A_58 = arith.addi %mul3A_55, %mul3A_57 : i32
      %multiple_of3A_59 = tpu.assume_multiple %add3A_58, 16 : i32
      %dma_start3A_60 = arith.constant 0 : i32
      %dma_start3A_61 = tpu.memref_slice %arg6[%multiple_of3A_59, %dma_start3A_60] : memref<320000x128xf32, #tpu.memory_space<hbm>> -> memref<80x128xf32, #tpu.memory_space<hbm>>
      %dma_start3A_62 = arith.constant 0 : i32
      %dma_start3A_63 = tpu.memref_slice %arg6[%multiple_of3A_59, %dma_start3A_62] : memref<320000x128xf32, #tpu.memory_space<hbm>> -> memref<80x128xf32, #tpu.memory_space<hbm>>
      tpu.enqueue_dma source(%arg9 : memref<80x128xf32, #tpu.memory_space<vmem>>) target(%dma_start3A_63 : memref<80x128xf32, #tpu.memory_space<hbm>>) target_semaphore(%arg17 : memref<!tpu.dma_semaphore, #tpu.memory_space<semaphore_mem>>)
      %add3A_64 = arith.constant 2 : i32
      %add3A_65 = arith.addi %mul3A_30, %add3A_64 : i32
      %lt3A_66 = arith.constant 125 : i32
      %lt3A_67 = arith.cmpi slt, %add3A_65, %lt3A_66 : i32
      %convert_element_type3A_68 = arith.extui %lt3A_67 : i1 to i32
      %cond3A_69 = arith.constant 0 : i32
      %cond3A_70 = arith.cmpi ne, %convert_element_type3A_68, %cond3A_69 : i32
      scf.if %cond3A_70 {
        %dma_wait3A_79 = arith.constant 0 : i32
        %dma_wait3A_80 = arith.constant 0 : i32
        %dma_wait3A_81 = tpu.memref_slice %arg6[%dma_wait3A_79, %dma_wait3A_80] : memref<320000x128xf32, #tpu.memory_space<hbm>> -> memref<80x128xf32, #tpu.memory_space<hbm>>
        %dma_wait3A_82 = arith.constant 0 : i32
        %dma_wait3A_83 = arith.constant 0 : i32
        %dma_wait3A_84 = tpu.memref_slice %arg6[%dma_wait3A_82, %dma_wait3A_83] : memref<320000x128xf32, #tpu.memory_space<hbm>> -> memref<80x128xf32, #tpu.memory_space<hbm>>
        tpu.wait_dma2 semaphore(%arg17 : memref<!tpu.dma_semaphore, #tpu.memory_space<semaphore_mem>>) src(%arg9 : memref<80x128xf32, #tpu.memory_space<vmem>>) dst(%dma_wait3A_84 : memref<80x128xf32, #tpu.memory_space<hbm>>)
        %add3A_85 = arith.constant 2 : i32
        %add3A_86 = arith.addi %mul3A_30, %add3A_85 : i32
        %mul3A_87 = arith.constant 10000 : i32
        %mul3A_88 = arith.muli %add3A, %mul3A_87 : i32
        %mul3A_89 = arith.constant 80 : i32
        %mul3A_90 = arith.muli %add3A_86, %mul3A_89 : i32
        %add3A_91 = arith.addi %mul3A_88, %mul3A_90 : i32
        %multiple_of3A_92 = tpu.assume_multiple %add3A_91, 16 : i32
        "tpu.region"() ({
          %run_scoped3A = tpu.sem_alloc : memref<!tpu.dma_semaphore, #tpu.memory_space<semaphore_mem>>
          %dma_start3A_99 = tpu.memref_slice %arg5[%multiple_of3A_92] : memref<320000xi32, #tpu.memory_space<hbm>> -> memref<80xi32, #tpu.memory_space<hbm>>
          %dma_start3A_100 = tpu.memref_slice %arg5[%multiple_of3A_92] : memref<320000xi32, #tpu.memory_space<hbm>> -> memref<80xi32, #tpu.memory_space<hbm>>
          tpu.enqueue_dma source(%dma_start3A_100 : memref<80xi32, #tpu.memory_space<hbm>>) target(%arg7 : memref<80xi32, #tpu.memory_space<vmem>>) target_semaphore(%run_scoped3A : memref<!tpu.dma_semaphore, #tpu.memory_space<semaphore_mem>>)
          %dma_wait3A_101 = tpu.memref_slice %arg5[%multiple_of3A_92] : memref<320000xi32, #tpu.memory_space<hbm>> -> memref<80xi32, #tpu.memory_space<hbm>>
          %dma_wait3A_102 = tpu.memref_slice %arg5[%multiple_of3A_92] : memref<320000xi32, #tpu.memory_space<hbm>> -> memref<80xi32, #tpu.memory_space<hbm>>
          tpu.wait_dma2 semaphore(%run_scoped3A : memref<!tpu.dma_semaphore, #tpu.memory_space<semaphore_mem>>) src(%dma_wait3A_102 : memref<80xi32, #tpu.memory_space<hbm>>) dst(%arg7 : memref<80xi32, #tpu.memory_space<vmem>>)
          tpu.yield
        }) : () -> ()
        "tpu.region"() ({
          %run_scoped3A = tpu.sem_alloc : memref<!tpu.dma_semaphore, #tpu.memory_space<semaphore_mem>>
          %dma_start3A_99 = tpu.memref_slice %arg4[%multiple_of3A_92] : memref<320000xi32, #tpu.memory_space<hbm>> -> memref<80xi32, #tpu.memory_space<hbm>>
          %dma_start3A_100 = tpu.memref_slice %arg4[%multiple_of3A_92] : memref<320000xi32, #tpu.memory_space<hbm>> -> memref<80xi32, #tpu.memory_space<hbm>>
          tpu.enqueue_dma source(%dma_start3A_100 : memref<80xi32, #tpu.memory_space<hbm>>) target(%arg8 : memref<80xi32, #tpu.memory_space<vmem>>) target_semaphore(%run_scoped3A : memref<!tpu.dma_semaphore, #tpu.memory_space<semaphore_mem>>)
          %dma_wait3A_101 = tpu.memref_slice %arg4[%multiple_of3A_92] : memref<320000xi32, #tpu.memory_space<hbm>> -> memref<80xi32, #tpu.memory_space<hbm>>
          %dma_wait3A_102 = tpu.memref_slice %arg4[%multiple_of3A_92] : memref<320000xi32, #tpu.memory_space<hbm>> -> memref<80xi32, #tpu.memory_space<hbm>>
          tpu.wait_dma2 semaphore(%run_scoped3A : memref<!tpu.dma_semaphore, #tpu.memory_space<semaphore_mem>>) src(%dma_wait3A_102 : memref<80xi32, #tpu.memory_space<hbm>>) dst(%arg8 : memref<80xi32, #tpu.memory_space<vmem>>)
          tpu.yield
        }) : () -> ()
        %dma_start3A_93 = arith.constant 0 : i32
        %dma_start3A_94 = arith.constant 0 : i32
        %dma_start3A_95 = tpu.memref_slice %arg2[%dma_start3A_93, %dma_start3A_94] : memref<10000x128xf32, #tpu.memory_space<hbm>> -> memref<10000x128xf32, #tpu.memory_space<hbm>>
        tpu.enqueue_indirect_dma source(%dma_start3A_95 : memref<10000x128xf32, #tpu.memory_space<hbm>>) target(%arg9 : memref<80x128xf32, #tpu.memory_space<vmem>>) offsets(%arg7 : memref<80xi32, #tpu.memory_space<vmem>>) semaphore(%arg15 : memref<!tpu.dma_semaphore, #tpu.memory_space<semaphore_mem>>)
        %dma_start3A_96 = arith.constant 0 : i32
        %dma_start3A_97 = arith.constant 0 : i32
        %dma_start3A_98 = tpu.memref_slice %arg3[%dma_start3A_96, %dma_start3A_97] : memref<10000x128xf32, #tpu.memory_space<hbm>> -> memref<10000x128xf32, #tpu.memory_space<hbm>>
        tpu.enqueue_indirect_dma source(%dma_start3A_98 : memref<10000x128xf32, #tpu.memory_space<hbm>>) target(%arg10 : memref<80x128xf32, #tpu.memory_space<vmem>>) offsets(%arg8 : memref<80xi32, #tpu.memory_space<vmem>>) semaphore(%arg15 : memref<!tpu.dma_semaphore, #tpu.memory_space<semaphore_mem>>)
      } else {
      }
      %add3A_71 = arith.constant 1 : i32
      %add3A_72 = arith.addi %mul3A_30, %add3A_71 : i32
      %lt3A_73 = arith.constant 125 : i32
      %lt3A_74 = arith.cmpi slt, %add3A_72, %lt3A_73 : i32
      %convert_element_type3A_75 = arith.extui %lt3A_74 : i1 to i32
      %cond3A_76 = arith.constant 0 : i32
      %cond3A_77 = arith.cmpi ne, %convert_element_type3A_75, %cond3A_76 : i32
      scf.if %cond3A_77 {
        %add3A_79 = arith.constant 1 : i32
        %add3A_80 = arith.addi %mul3A_30, %add3A_79 : i32
        %dma_wait3A_81 = arith.constant 0 : i32
        %dma_wait3A_82 = arith.constant 0 : i32
        %dma_wait3A_83 = tpu.memref_slice %arg2[%dma_wait3A_81, %dma_wait3A_82] : memref<10000x128xf32, #tpu.memory_space<hbm>> -> memref<80x128xf32, #tpu.memory_space<hbm>>
        %dma_wait3A_84 = arith.constant 0 : i32
        %dma_wait3A_85 = arith.constant 0 : i32
        %dma_wait3A_86 = tpu.memref_slice %arg2[%dma_wait3A_84, %dma_wait3A_85] : memref<10000x128xf32, #tpu.memory_space<hbm>> -> memref<80x128xf32, #tpu.memory_space<hbm>>
        tpu.wait_dma2 semaphore(%arg16 : memref<!tpu.dma_semaphore, #tpu.memory_space<semaphore_mem>>) src(%dma_wait3A_86 : memref<80x128xf32, #tpu.memory_space<hbm>>) dst(%arg13 : memref<80x128xf32, #tpu.memory_space<vmem>>)
        %dma_wait3A_87 = arith.constant 0 : i32
        %dma_wait3A_88 = arith.constant 0 : i32
        %dma_wait3A_89 = tpu.memref_slice %arg3[%dma_wait3A_87, %dma_wait3A_88] : memref<10000x128xf32, #tpu.memory_space<hbm>> -> memref<80x128xf32, #tpu.memory_space<hbm>>
        %dma_wait3A_90 = arith.constant 0 : i32
        %dma_wait3A_91 = arith.constant 0 : i32
        %dma_wait3A_92 = tpu.memref_slice %arg3[%dma_wait3A_90, %dma_wait3A_91] : memref<10000x128xf32, #tpu.memory_space<hbm>> -> memref<80x128xf32, #tpu.memory_space<hbm>>
        tpu.wait_dma2 semaphore(%arg16 : memref<!tpu.dma_semaphore, #tpu.memory_space<semaphore_mem>>) src(%dma_wait3A_92 : memref<80x128xf32, #tpu.memory_space<hbm>>) dst(%arg14 : memref<80x128xf32, #tpu.memory_space<vmem>>)
        %scan3A_93 = arith.constant 0 : i32
        %scan3A_94 = arith.constant 0 : i32
        %scan3A_95 = arith.constant 80 : i32
        %scan3A_96 = arith.addi %scan3A_94, %scan3A_95 : i32
        %scan3A_97 = arith.constant 1 : i32
        %scan3A_98 = scf.for %scan3A_110 = %scan3A_94 to %scan3A_96 step %scan3A_97 iter_args(%scan3A_111 = %scan3A_93) -> (i32)  : i32 {
          %get3A = arith.index_cast %scan3A_110 : i32 to index
          %get3A_112 = arith.constant 0 : index
          %get3A_113 = tpu.vector_load %arg13[%get3A, %get3A_112] {strides = array<i32>} : memref<80x128xf32, #tpu.memory_space<vmem>>, vector<16xf32>,
          %get3A_114 = arith.index_cast %scan3A_110 : i32 to index
          %get3A_115 = arith.constant 0 : index
          %get3A_116 = tpu.vector_load %arg14[%get3A_114, %get3A_115] {strides = array<i32>} : memref<80x128xf32, #tpu.memory_space<vmem>>, vector<16xf32>,
          %add3A_117 = arith.addf %get3A_113, %get3A_116 : vector<16xf32>
          %swap3A = arith.index_cast %scan3A_110 : i32 to index
          %swap3A_118 = arith.constant 0 : index
          %swap3A_119 = tpu.vector_load %arg13[%swap3A, %swap3A_118] {strides = array<i32>} : memref<80x128xf32, #tpu.memory_space<vmem>>, vector<16xf32>,
          tpu.vector_store %arg13[%swap3A, %swap3A_118], %add3A_117 {strides = array<i32>} : memref<80x128xf32, #tpu.memory_space<vmem>>, vector<16xf32>,
          %get3A_120 = arith.index_cast %scan3A_110 : i32 to index
          %get3A_121 = arith.constant 16 : index
          %get3A_122 = tpu.vector_load %arg13[%get3A_120, %get3A_121] {strides = array<i32>} : memref<80x128xf32, #tpu.memory_space<vmem>>, vector<16xf32>,
          %get3A_123 = arith.index_cast %scan3A_110 : i32 to index
          %get3A_124 = arith.constant 16 : index
          %get3A_125 = tpu.vector_load %arg14[%get3A_123, %get3A_124] {strides = array<i32>} : memref<80x128xf32, #tpu.memory_space<vmem>>, vector<16xf32>,
          %add3A_126 = arith.addf %get3A_122, %get3A_125 : vector<16xf32>
          %swap3A_127 = arith.index_cast %scan3A_110 : i32 to index
          %swap3A_128 = arith.constant 16 : index
          %swap3A_129 = tpu.vector_load %arg13[%swap3A_127, %swap3A_128] {strides = array<i32>} : memref<80x128xf32, #tpu.memory_space<vmem>>, vector<16xf32>,
          tpu.vector_store %arg13[%swap3A_127, %swap3A_128], %add3A_126 {strides = array<i32>} : memref<80x128xf32, #tpu.memory_space<vmem>>, vector<16xf32>,
          %get3A_130 = arith.index_cast %scan3A_110 : i32 to index
          %get3A_131 = arith.constant 32 : index
          %get3A_132 = tpu.vector_load %arg13[%get3A_130, %get3A_131] {strides = array<i32>} : memref<80x128xf32, #tpu.memory_space<vmem>>, vector<16xf32>,
          %get3A_133 = arith.index_cast %scan3A_110 : i32 to index
          %get3A_134 = arith.constant 32 : index
          %get3A_135 = tpu.vector_load %arg14[%get3A_133, %get3A_134] {strides = array<i32>} : memref<80x128xf32, #tpu.memory_space<vmem>>, vector<16xf32>,
          %add3A_136 = arith.addf %get3A_132, %get3A_135 : vector<16xf32>
          %swap3A_137 = arith.index_cast %scan3A_110 : i32 to index
          %swap3A_138 = arith.constant 32 : index
          %swap3A_139 = tpu.vector_load %arg13[%swap3A_137, %swap3A_138] {strides = array<i32>} : memref<80x128xf32, #tpu.memory_space<vmem>>, vector<16xf32>,
          tpu.vector_store %arg13[%swap3A_137, %swap3A_138], %add3A_136 {strides = array<i32>} : memref<80x128xf32, #tpu.memory_space<vmem>>, vector<16xf32>,
          %get3A_140 = arith.index_cast %scan3A_110 : i32 to index
          %get3A_141 = arith.constant 48 : index
          %get3A_142 = tpu.vector_load %arg13[%get3A_140, %get3A_141] {strides = array<i32>} : memref<80x128xf32, #tpu.memory_space<vmem>>, vector<16xf32>,
          %get3A_143 = arith.index_cast %scan3A_110 : i32 to index
          %get3A_144 = arith.constant 48 : index
          %get3A_145 = tpu.vector_load %arg14[%get3A_143, %get3A_144] {strides = array<i32>} : memref<80x128xf32, #tpu.memory_space<vmem>>, vector<16xf32>,
          %add3A_146 = arith.addf %get3A_142, %get3A_145 : vector<16xf32>
          %swap3A_147 = arith.index_cast %scan3A_110 : i32 to index
          %swap3A_148 = arith.constant 48 : index
          %swap3A_149 = tpu.vector_load %arg13[%swap3A_147, %swap3A_148] {strides = array<i32>} : memref<80x128xf32, #tpu.memory_space<vmem>>, vector<16xf32>,
          tpu.vector_store %arg13[%swap3A_147, %swap3A_148], %add3A_146 {strides = array<i32>} : memref<80x128xf32, #tpu.memory_space<vmem>>, vector<16xf32>,
          %get3A_150 = arith.index_cast %scan3A_110 : i32 to index
          %get3A_151 = arith.constant 64 : index
          %get3A_152 = tpu.vector_load %arg13[%get3A_150, %get3A_151] {strides = array<i32>} : memref<80x128xf32, #tpu.memory_space<vmem>>, vector<16xf32>,
          %get3A_153 = arith.index_cast %scan3A_110 : i32 to index
          %get3A_154 = arith.constant 64 : index
          %get3A_155 = tpu.vector_load %arg14[%get3A_153, %get3A_154] {strides = array<i32>} : memref<80x128xf32, #tpu.memory_space<vmem>>, vector<16xf32>,
          %add3A_156 = arith.addf %get3A_152, %get3A_155 : vector<16xf32>
          %swap3A_157 = arith.index_cast %scan3A_110 : i32 to index
          %swap3A_158 = arith.constant 64 : index
          %swap3A_159 = tpu.vector_load %arg13[%swap3A_157, %swap3A_158] {strides = array<i32>} : memref<80x128xf32, #tpu.memory_space<vmem>>, vector<16xf32>,
          tpu.vector_store %arg13[%swap3A_157, %swap3A_158], %add3A_156 {strides = array<i32>} : memref<80x128xf32, #tpu.memory_space<vmem>>, vector<16xf32>,
          %get3A_160 = arith.index_cast %scan3A_110 : i32 to index
          %get3A_161 = arith.constant 80 : index
          %get3A_162 = tpu.vector_load %arg13[%get3A_160, %get3A_161] {strides = array<i32>} : memref<80x128xf32, #tpu.memory_space<vmem>>, vector<16xf32>,
          %get3A_163 = arith.index_cast %scan3A_110 : i32 to index
          %get3A_164 = arith.constant 80 : index
          %get3A_165 = tpu.vector_load %arg14[%get3A_163, %get3A_164] {strides = array<i32>} : memref<80x128xf32, #tpu.memory_space<vmem>>, vector<16xf32>,
          %add3A_166 = arith.addf %get3A_162, %get3A_165 : vector<16xf32>
          %swap3A_167 = arith.index_cast %scan3A_110 : i32 to index
          %swap3A_168 = arith.constant 80 : index
          %swap3A_169 = tpu.vector_load %arg13[%swap3A_167, %swap3A_168] {strides = array<i32>} : memref<80x128xf32, #tpu.memory_space<vmem>>, vector<16xf32>,
          tpu.vector_store %arg13[%swap3A_167, %swap3A_168], %add3A_166 {strides = array<i32>} : memref<80x128xf32, #tpu.memory_space<vmem>>, vector<16xf32>,
          %get3A_170 = arith.index_cast %scan3A_110 : i32 to index
          %get3A_171 = arith.constant 96 : index
          %get3A_172 = tpu.vector_load %arg13[%get3A_170, %get3A_171] {strides = array<i32>} : memref<80x128xf32, #tpu.memory_space<vmem>>, vector<16xf32>,
          %get3A_173 = arith.index_cast %scan3A_110 : i32 to index
          %get3A_174 = arith.constant 96 : index
          %get3A_175 = tpu.vector_load %arg14[%get3A_173, %get3A_174] {strides = array<i32>} : memref<80x128xf32, #tpu.memory_space<vmem>>, vector<16xf32>,
          %add3A_176 = arith.addf %get3A_172, %get3A_175 : vector<16xf32>
          %swap3A_177 = arith.index_cast %scan3A_110 : i32 to index
          %swap3A_178 = arith.constant 96 : index
          %swap3A_179 = tpu.vector_load %arg13[%swap3A_177, %swap3A_178] {strides = array<i32>} : memref<80x128xf32, #tpu.memory_space<vmem>>, vector<16xf32>,
          tpu.vector_store %arg13[%swap3A_177, %swap3A_178], %add3A_176 {strides = array<i32>} : memref<80x128xf32, #tpu.memory_space<vmem>>, vector<16xf32>,
          %get3A_180 = arith.index_cast %scan3A_110 : i32 to index
          %get3A_181 = arith.constant 112 : index
          %get3A_182 = tpu.vector_load %arg13[%get3A_180, %get3A_181] {strides = array<i32>} : memref<80x128xf32, #tpu.memory_space<vmem>>, vector<16xf32>,
          %get3A_183 = arith.index_cast %scan3A_110 : i32 to index
          %get3A_184 = arith.constant 112 : index
          %get3A_185 = tpu.vector_load %arg14[%get3A_183, %get3A_184] {strides = array<i32>} : memref<80x128xf32, #tpu.memory_space<vmem>>, vector<16xf32>,
          %add3A_186 = arith.addf %get3A_182, %get3A_185 : vector<16xf32>
          %swap3A_187 = arith.index_cast %scan3A_110 : i32 to index
          %swap3A_188 = arith.constant 112 : index
          %swap3A_189 = tpu.vector_load %arg13[%swap3A_187, %swap3A_188] {strides = array<i32>} : memref<80x128xf32, #tpu.memory_space<vmem>>, vector<16xf32>,
          tpu.vector_store %arg13[%swap3A_187, %swap3A_188], %add3A_186 {strides = array<i32>} : memref<80x128xf32, #tpu.memory_space<vmem>>, vector<16xf32>,
          %scan3A_190 = arith.constant 0 : i32
          scf.yield %scan3A_190 : i32
        }
        %scan3A_99 = arith.constant 80 : i32
        %mul3A_100 = arith.constant 10000 : i32
        %mul3A_101 = arith.muli %add3A, %mul3A_100 : i32
        %mul3A_102 = arith.constant 80 : i32
        %mul3A_103 = arith.muli %add3A_80, %mul3A_102 : i32
        %add3A_104 = arith.addi %mul3A_101, %mul3A_103 : i32
        %multiple_of3A_105 = tpu.assume_multiple %add3A_104, 16 : i32
        %dma_start3A_106 = arith.constant 0 : i32
        %dma_start3A_107 = tpu.memref_slice %arg6[%multiple_of3A_105, %dma_start3A_106] : memref<320000x128xf32, #tpu.memory_space<hbm>> -> memref<80x128xf32, #tpu.memory_space<hbm>>
        %dma_start3A_108 = arith.constant 0 : i32
        %dma_start3A_109 = tpu.memref_slice %arg6[%multiple_of3A_105, %dma_start3A_108] : memref<320000x128xf32, #tpu.memory_space<hbm>> -> memref<80x128xf32, #tpu.memory_space<hbm>>
        tpu.enqueue_dma source(%arg13 : memref<80x128xf32, #tpu.memory_space<vmem>>) target(%dma_start3A_109 : memref<80x128xf32, #tpu.memory_space<hbm>>) target_semaphore(%arg18 : memref<!tpu.dma_semaphore, #tpu.memory_space<semaphore_mem>>)
      } else {
      }
      %scan3A_78 = arith.constant 0 : i32
      scf.yield %scan3A_78 : i32
    }
    %scan3A_15 = arith.constant 63 : i32
    %dma_wait3A = arith.constant 0 : i32
    %dma_wait3A_16 = arith.constant 0 : i32
    %dma_wait3A_17 = tpu.memref_slice %arg6[%dma_wait3A, %dma_wait3A_16] : memref<320000x128xf32, #tpu.memory_space<hbm>> -> memref<80x128xf32, #tpu.memory_space<hbm>>
    %dma_wait3A_18 = arith.constant 0 : i32
    %dma_wait3A_19 = arith.constant 0 : i32
    %dma_wait3A_20 = tpu.memref_slice %arg6[%dma_wait3A_18, %dma_wait3A_19] : memref<320000x128xf32, #tpu.memory_space<hbm>> -> memref<80x128xf32, #tpu.memory_space<hbm>>
    tpu.wait_dma2 semaphore(%arg17 : memref<!tpu.dma_semaphore, #tpu.memory_space<semaphore_mem>>) src(%arg9 : memref<80x128xf32, #tpu.memory_space<vmem>>) dst(%dma_wait3A_20 : memref<80x128xf32, #tpu.memory_space<hbm>>)
    %dma_wait3A_21 = arith.constant 0 : i32
    %dma_wait3A_22 = arith.constant 0 : i32
    %dma_wait3A_23 = tpu.memref_slice %arg6[%dma_wait3A_21, %dma_wait3A_22] : memref<320000x128xf32, #tpu.memory_space<hbm>> -> memref<80x128xf32, #tpu.memory_space<hbm>>
    %dma_wait3A_24 = arith.constant 0 : i32
    %dma_wait3A_25 = arith.constant 0 : i32
    %dma_wait3A_26 = tpu.memref_slice %arg6[%dma_wait3A_24, %dma_wait3A_25] : memref<320000x128xf32, #tpu.memory_space<hbm>> -> memref<80x128xf32, #tpu.memory_space<hbm>>
    tpu.wait_dma2 semaphore(%arg18 : memref<!tpu.dma_semaphore, #tpu.memory_space<semaphore_mem>>) src(%arg13 : memref<80x128xf32, #tpu.memory_space<vmem>>) dst(%dma_wait3A_26 : memref<80x128xf32, #tpu.memory_space<hbm>>)
    return
  }
}

#map = affine_map<(d0, d1) -> (0, 0)>
#map1 = affine_map<(d0, d1) -> (0)>
#map2 = affine_map<(d0, d1) -> (0, 0, 0)>
module attributes {stable_mosaic.version = 14 : i64} {
  func.func @_s2_body(%arg0: i32, %arg1: i32, %arg2: memref<320000x128xf32, #tpu.memory_space<hbm>>, %arg3: memref<320000xi32, #tpu.memory_space<hbm>>, %arg4: memref<10000x8xf32, #tpu.memory_space<hbm>>, %arg5: memref<32x10000x8xf32, #tpu.memory_space<hbm>>, %arg6: memref<10000x8xf32, #tpu.memory_space<vmem>>, %arg7: memref<2000x8xf32, #tpu.memory_space<vmem>>, %arg8: memref<2000xi32, #tpu.memory_space<vmem>>) attributes {dimension_semantics = [#tpu.dimension_semantics<core_parallel>, #tpu.dimension_semantics<subcore_parallel>], iteration_bounds = array<i64: 2, 16>, scalar_prefetch = 0 : i64, scratch_operands = 3 : i64, tpu.core_type = #tpu.core_type<sc_vector_subcore>, window_params = [{transform_indices = #map}, {transform_indices = #map1}, {transform_indices = #map}, {transform_indices = #map2}]} {
    %mul3A = arith.constant 2 : i32
    %mul3A_0 = arith.muli %arg1, %mul3A : i32
    %add3A = arith.addi %mul3A_0, %arg0 : i32
    %jit3A = arith.constant 16 : i32
    %eq3A = arith.constant 0 : i32
    %eq3A_1 = arith.cmpi eq, %jit3A, %eq3A : i32
    %jit3A_2 = arith.constant 1 : i32
    %select_n3A = arith.select %eq3A_1, %jit3A_2, %jit3A : i32
    %rem3A = arith.remsi %add3A, %select_n3A : i32
    %ne3A = arith.constant 0 : i32
    %ne3A_3 = arith.cmpi ne, %rem3A, %ne3A : i32
    %lt3A = arith.constant 0 : i32
    %lt3A_4 = arith.cmpi slt, %rem3A, %lt3A : i32
    %lt3A_5 = arith.constant 0 : i32
    %lt3A_6 = arith.cmpi slt, %select_n3A, %lt3A_5 : i32
    %ne3A_7 = arith.xori %lt3A_4, %lt3A_6 : i1
    %and3A = arith.andi %ne3A_7, %ne3A_3 : i1
    %add3A_8 = arith.addi %rem3A, %select_n3A : i32
    %select_n3A_9 = arith.select %and3A, %add3A_8, %rem3A : i32
    %jit3A_10 = arith.constant 16 : i32
    %div3A = arith.divsi %add3A, %jit3A_10 : i32
    %sign3A = arith.constant 0 : i32
    %sign3A_11 = arith.cmpi sgt, %add3A, %sign3A : i32
    %sign3A_12 = arith.extui %sign3A_11 : i1 to i32
    %sign3A_13 = arith.constant 0 : i32
    %sign3A_14 = arith.cmpi slt, %add3A, %sign3A_13 : i32
    %sign3A_15 = arith.extui %sign3A_14 : i1 to i32
    %sign3A_16 = arith.subi %sign3A_12, %sign3A_15 : i32
    %sign3A_17 = arith.constant 0 : i32
    %sign3A_18 = arith.cmpi sgt, %jit3A_10, %sign3A_17 : i32
    %sign3A_19 = arith.extui %sign3A_18 : i1 to i32
    %sign3A_20 = arith.constant 0 : i32
    %sign3A_21 = arith.cmpi slt, %jit3A_10, %sign3A_20 : i32
    %sign3A_22 = arith.extui %sign3A_21 : i1 to i32
    %sign3A_23 = arith.subi %sign3A_19, %sign3A_22 : i32
    %ne3A_24 = arith.cmpi ne, %sign3A_16, %sign3A_23 : i32
    %rem3A_25 = arith.remsi %add3A, %jit3A_10 : i32
    %ne3A_26 = arith.constant 0 : i32
    %ne3A_27 = arith.cmpi ne, %rem3A_25, %ne3A_26 : i32
    %and3A_28 = arith.andi %ne3A_24, %ne3A_27 : i1
    %sub3A = arith.constant 1 : i32
    %sub3A_29 = arith.subi %div3A, %sub3A : i32
    %select_n3A_30 = arith.select %and3A_28, %sub3A_29, %div3A : i32
    "tpu.region"() ({
      %run_scoped3A = tpu.sem_alloc : memref<!tpu.dma_semaphore, #tpu.memory_space<semaphore_mem>>
      tpu.enqueue_dma source(%arg4 : memref<10000x8xf32, #tpu.memory_space<hbm>>) target(%arg6 : memref<10000x8xf32, #tpu.memory_space<vmem>>) target_semaphore(%run_scoped3A : memref<!tpu.dma_semaphore, #tpu.memory_space<semaphore_mem>>)
      tpu.wait_dma2 semaphore(%run_scoped3A : memref<!tpu.dma_semaphore, #tpu.memory_space<semaphore_mem>>) src(%arg4 : memref<10000x8xf32, #tpu.memory_space<hbm>>) dst(%arg6 : memref<10000x8xf32, #tpu.memory_space<vmem>>)
      tpu.yield
    }) : () -> ()
    %iota3A = tpu.iota {dimensions = array<i32: 0>} : vector<16xi32>
    %shift_right_arithmetic3A = arith.constant 3 : i32
    %shift_right_arithmetic3A_31 = vector.broadcast %shift_right_arithmetic3A : i32 to vector<16xi32>
    %shift_right_arithmetic3A_32 = arith.shrsi %iota3A, %shift_right_arithmetic3A_31 : vector<16xi32>
    %and3A_33 = arith.constant 7 : i32
    %and3A_34 = vector.broadcast %and3A_33 : i32 to vector<16xi32>
    %and3A_35 = arith.andi %iota3A, %and3A_34 : vector<16xi32>
    %scan3A = arith.constant 0 : i32
    %scan3A_36 = arith.constant 0 : i32
    %scan3A_37 = arith.constant 80 : i32
    %scan3A_38 = arith.addi %scan3A_36, %scan3A_37 : i32
    %scan3A_39 = arith.constant 1 : i32
    %scan3A_40 = scf.for %scan3A_42 = %scan3A_36 to %scan3A_38 step %scan3A_39 iter_args(%scan3A_43 = %scan3A) -> (i32)  : i32 {
      %mul3A_44 = arith.constant 160000 : i32
      %mul3A_45 = arith.muli %select_n3A_30, %mul3A_44 : i32
      %mul3A_46 = arith.constant 2000 : i32
      %mul3A_47 = arith.muli %scan3A_42, %mul3A_46 : i32
      %add3A_48 = arith.addi %mul3A_45, %mul3A_47 : i32
      %multiple_of3A = tpu.assume_multiple %add3A_48, 16 : i32
      "tpu.region"() ({
        %run_scoped3A = tpu.sem_alloc : memref<!tpu.dma_semaphore, #tpu.memory_space<semaphore_mem>>
        %dma_start3A = tpu.memref_slice %arg3[%multiple_of3A] : memref<320000xi32, #tpu.memory_space<hbm>> -> memref<2000xi32, #tpu.memory_space<hbm>>
        %dma_start3A_59 = tpu.memref_slice %arg3[%multiple_of3A] : memref<320000xi32, #tpu.memory_space<hbm>> -> memref<2000xi32, #tpu.memory_space<hbm>>
        tpu.enqueue_dma source(%dma_start3A_59 : memref<2000xi32, #tpu.memory_space<hbm>>) target(%arg8 : memref<2000xi32, #tpu.memory_space<vmem>>) target_semaphore(%run_scoped3A : memref<!tpu.dma_semaphore, #tpu.memory_space<semaphore_mem>>)
        %dma_wait3A = tpu.memref_slice %arg3[%multiple_of3A] : memref<320000xi32, #tpu.memory_space<hbm>> -> memref<2000xi32, #tpu.memory_space<hbm>>
        %dma_wait3A_60 = tpu.memref_slice %arg3[%multiple_of3A] : memref<320000xi32, #tpu.memory_space<hbm>> -> memref<2000xi32, #tpu.memory_space<hbm>>
        tpu.wait_dma2 semaphore(%run_scoped3A : memref<!tpu.dma_semaphore, #tpu.memory_space<semaphore_mem>>) src(%dma_wait3A_60 : memref<2000xi32, #tpu.memory_space<hbm>>) dst(%arg8 : memref<2000xi32, #tpu.memory_space<vmem>>)
        tpu.yield
      }) : () -> ()
      %mul3A_49 = arith.constant 8 : i32
      %mul3A_50 = arith.muli %select_n3A_9, %mul3A_49 : i32
      "tpu.region"() ({
        %run_scoped3A = tpu.sem_alloc : memref<!tpu.dma_semaphore, #tpu.memory_space<semaphore_mem>>
        %dma_start3A = tpu.memref_slice %arg2[%multiple_of3A, %mul3A_50] : memref<320000x128xf32, #tpu.memory_space<hbm>> -> memref<2000x8xf32, #tpu.memory_space<hbm>>
        %dma_start3A_59 = tpu.memref_slice %arg2[%multiple_of3A, %mul3A_50] : memref<320000x128xf32, #tpu.memory_space<hbm>> -> memref<2000x8xf32, #tpu.memory_space<hbm>>
        tpu.enqueue_dma source(%dma_start3A_59 : memref<2000x8xf32, #tpu.memory_space<hbm>>) target(%arg7 : memref<2000x8xf32, #tpu.memory_space<vmem>>) target_semaphore(%run_scoped3A : memref<!tpu.dma_semaphore, #tpu.memory_space<semaphore_mem>>)
        %dma_wait3A = tpu.memref_slice %arg2[%multiple_of3A, %mul3A_50] : memref<320000x128xf32, #tpu.memory_space<hbm>> -> memref<2000x8xf32, #tpu.memory_space<hbm>>
        %dma_wait3A_60 = tpu.memref_slice %arg2[%multiple_of3A, %mul3A_50] : memref<320000x128xf32, #tpu.memory_space<hbm>> -> memref<2000x8xf32, #tpu.memory_space<hbm>>
        tpu.wait_dma2 semaphore(%run_scoped3A : memref<!tpu.dma_semaphore, #tpu.memory_space<semaphore_mem>>) src(%dma_wait3A_60 : memref<2000x8xf32, #tpu.memory_space<hbm>>) dst(%arg7 : memref<2000x8xf32, #tpu.memory_space<vmem>>)
        tpu.yield
      }) : () -> ()
      %scan3A_51 = arith.constant 0 : i32
      %scan3A_52 = arith.constant 0 : i32
      %scan3A_53 = arith.constant 1000 : i32
      %scan3A_54 = arith.addi %scan3A_52, %scan3A_53 : i32
      %scan3A_55 = arith.constant 1 : i32
      %scan3A_56 = scf.for %scan3A_59 = %scan3A_52 to %scan3A_54 step %scan3A_55 iter_args(%scan3A_60 = %scan3A_51) -> (i32)  : i32 {
        %mul3A_61 = arith.constant 2 : i32
        %mul3A_62 = arith.muli %mul3A_61, %scan3A_59 : i32
        %add3A_63 = vector.broadcast %mul3A_62 : i32 to vector<16xi32>
        %add3A_64 = arith.addi %add3A_63, %shift_right_arithmetic3A_32 : vector<16xi32>
        %gather3A = tpu.vector_load_idx %arg8[%add3A_64] : memref<2000xi32, #tpu.memory_space<vmem>>[vector<16xi32>], vector<16xi32>,
        %xor3A = arith.constant 1 : i32
        %xor3A_65 = vector.broadcast %xor3A : i32 to vector<16xi32>
        %xor3A_66 = arith.xori %add3A_64, %xor3A_65 : vector<16xi32>
        %gather3A_67 = tpu.vector_load_idx %arg8[%xor3A_66] : memref<2000xi32, #tpu.memory_space<vmem>>[vector<16xi32>], vector<16xi32>,
        %gather3A_68 = tpu.vector_load_idx %arg7[%add3A_64, %and3A_35] : memref<2000x8xf32, #tpu.memory_space<vmem>>[vector<16xi32>, vector<16xi32>], vector<16xf32>,
        %xor3A_69 = arith.constant 1 : i32
        %xor3A_70 = vector.broadcast %xor3A_69 : i32 to vector<16xi32>
        %xor3A_71 = arith.xori %add3A_64, %xor3A_70 : vector<16xi32>
        %gather3A_72 = tpu.vector_load_idx %arg7[%xor3A_71, %and3A_35] : memref<2000x8xf32, #tpu.memory_space<vmem>>[vector<16xi32>, vector<16xi32>], vector<16xf32>,
        %eq3A_73 = arith.cmpi eq, %gather3A, %gather3A_67 : vector<16xi32>
        %max3A = arith.maximumf %gather3A_68, %gather3A_72 : vector<16xf32>
        %select_n3A_74 = arith.select %eq3A_73, %max3A, %gather3A_68 : vector<16xi1>, vector<16xf32>
        %gather3A_75 = tpu.vector_load_idx %arg6[%gather3A, %and3A_35] : memref<10000x8xf32, #tpu.memory_space<vmem>>[vector<16xi32>, vector<16xi32>], vector<16xf32>,
        %max3A_76 = arith.maximumf %gather3A_75, %select_n3A_74 : vector<16xf32>
        tpu.vector_store_idx %arg6[%gather3A, %and3A_35], %max3A_76 : memref<10000x8xf32, #tpu.memory_space<vmem>>[vector<16xi32>, vector<16xi32>], vector<16xf32>,
        %scan3A_77 = arith.constant 0 : i32
        scf.yield %scan3A_77 : i32
      }
      %scan3A_57 = arith.constant 1000 : i32
      %scan3A_58 = arith.constant 0 : i32
      scf.yield %scan3A_58 : i32
    }
    %scan3A_41 = arith.constant 80 : i32
    "tpu.region"() ({
      %run_scoped3A = tpu.sem_alloc : memref<!tpu.dma_semaphore, #tpu.memory_space<semaphore_mem>>
      %dma_start3A = arith.constant 0 : i32
      %dma_start3A_42 = arith.constant 0 : i32
      %dma_start3A_43 = tpu.memref_slice %arg5[%add3A, %dma_start3A, %dma_start3A_42] : memref<32x10000x8xf32, #tpu.memory_space<hbm>> -> memref<1x10000x8xf32, #tpu.memory_space<hbm>>
      %dma_start3A_44 = tpu.memref_squeeze %dma_start3A_43 : memref<1x10000x8xf32, #tpu.memory_space<hbm>> -> memref<10000x8xf32, #tpu.memory_space<hbm>>
      %dma_start3A_45 = arith.constant 0 : i32
      %dma_start3A_46 = arith.constant 0 : i32
      %dma_start3A_47 = tpu.memref_slice %arg5[%add3A, %dma_start3A_45, %dma_start3A_46] : memref<32x10000x8xf32, #tpu.memory_space<hbm>> -> memref<1x10000x8xf32, #tpu.memory_space<hbm>>
      %dma_start3A_48 = tpu.memref_squeeze %dma_start3A_47 : memref<1x10000x8xf32, #tpu.memory_space<hbm>> -> memref<10000x8xf32, #tpu.memory_space<hbm>>
      tpu.enqueue_dma source(%arg6 : memref<10000x8xf32, #tpu.memory_space<vmem>>) target(%dma_start3A_48 : memref<10000x8xf32, #tpu.memory_space<hbm>>) target_semaphore(%run_scoped3A : memref<!tpu.dma_semaphore, #tpu.memory_space<semaphore_mem>>)
      %dma_wait3A = arith.constant 0 : i32
      %dma_wait3A_49 = arith.constant 0 : i32
      %dma_wait3A_50 = tpu.memref_slice %arg5[%add3A, %dma_wait3A, %dma_wait3A_49] : memref<32x10000x8xf32, #tpu.memory_space<hbm>> -> memref<1x10000x8xf32, #tpu.memory_space<hbm>>
      %dma_wait3A_51 = tpu.memref_squeeze %dma_wait3A_50 : memref<1x10000x8xf32, #tpu.memory_space<hbm>> -> memref<10000x8xf32, #tpu.memory_space<hbm>>
      %dma_wait3A_52 = arith.constant 0 : i32
      %dma_wait3A_53 = arith.constant 0 : i32
      %dma_wait3A_54 = tpu.memref_slice %arg5[%add3A, %dma_wait3A_52, %dma_wait3A_53] : memref<32x10000x8xf32, #tpu.memory_space<hbm>> -> memref<1x10000x8xf32, #tpu.memory_space<hbm>>
      %dma_wait3A_55 = tpu.memref_squeeze %dma_wait3A_54 : memref<1x10000x8xf32, #tpu.memory_space<hbm>> -> memref<10000x8xf32, #tpu.memory_space<hbm>>
      tpu.wait_dma2 semaphore(%run_scoped3A : memref<!tpu.dma_semaphore, #tpu.memory_space<semaphore_mem>>) src(%arg6 : memref<10000x8xf32, #tpu.memory_space<vmem>>) dst(%dma_wait3A_55 : memref<10000x8xf32, #tpu.memory_space<hbm>>)
      tpu.yield
    }) : () -> ()
    return
  }
}

module attributes {stable_mosaic.version = 14 : i64} {
  func.func @_t0_body(%arg0: i32, %arg1: memref<1000x16xf32, #tpu.memory_space<vmem>>, %arg2: memref<1000x8xf32, #tpu.memory_space<vmem>>, %arg3: memref<100x1xf32, #tpu.memory_space<vmem>>, %arg4: memref<1x1x1000xi32, #tpu.memory_space<vmem>>, %arg5: memref<1x1x1000xi32, #tpu.memory_space<vmem>>, %arg6: memref<2x10x32xf32, #tpu.memory_space<vmem>>, %arg7: memref<2x2x32x32xf32, #tpu.memory_space<vmem>>, %arg8: memref<2x4x64x64xf32, #tpu.memory_space<vmem>>, %arg9: memref<2x4x32x32xf32, #tpu.memory_space<vmem>>, %arg10: memref<2x4x32x32xf32, #tpu.memory_space<vmem>>, %arg11: memref<4x160x64xf32, #tpu.memory_space<vmem>>, %arg12: memref<4x160x64xf32, #tpu.memory_space<vmem>>, %arg13: memref<1000x128xf32, #tpu.memory_space<vmem>>, %arg14: memref<1000x128xf32, #tpu.memory_space<vmem>>, %arg15: memref<1000x192xf32, #tpu.memory_space<vmem>>) attributes {dimension_semantics = [#tpu.dimension_semantics<arbitrary>], iteration_bounds = array<i64: 10>, scalar_prefetch = 0 : i64, scratch_operands = 0 : i64, tpu.core_type = #tpu.core_type<tc>, window_params = [{transform_indices = @transform_0, window_bounds = array<i64: 1000, 16>}, {transform_indices = @transform_1, window_bounds = array<i64: 1000, 8>}, {pipeline_mode = #tpu.pipeline_mode<synchronous>, transform_indices = @transform_2, window_bounds = array<i64: 100, 1>}, {transform_indices = @transform_3, window_bounds = array<i64: 1, 1, 1000>}, {transform_indices = @transform_4, window_bounds = array<i64: 1, 1, 1000>}, {pipeline_mode = #tpu.pipeline_mode<synchronous>, transform_indices = @transform_5, window_bounds = array<i64: 2, 10, 32>}, {pipeline_mode = #tpu.pipeline_mode<synchronous>, transform_indices = @transform_6, window_bounds = array<i64: 2, 2, 32, 32>}, {pipeline_mode = #tpu.pipeline_mode<synchronous>, transform_indices = @transform_7, window_bounds = array<i64: 2, 4, 64, 64>}, {pipeline_mode = #tpu.pipeline_mode<synchronous>, transform_indices = @transform_8, window_bounds = array<i64: 2, 4, 32, 32>}, {pipeline_mode = #tpu.pipeline_mode<synchronous>, transform_indices = @transform_9, window_bounds = array<i64: 2, 4, 32, 32>}, {pipeline_mode = #tpu.pipeline_mode<synchronous>, transform_indices = @transform_10, window_bounds = array<i64: 4, 160, 64>}, {pipeline_mode = #tpu.pipeline_mode<synchronous>, transform_indices = @transform_11, window_bounds = array<i64: 4, 160, 64>}, {transform_indices = @transform_12, window_bounds = array<i64: 1000, 128>}, {transform_indices = @transform_13, window_bounds = array<i64: 1000, 128>}, {transform_indices = @transform_14, window_bounds = array<i64: 1000, 192>}]} {
    %get3A = arith.constant 0 : index
    %get3A_0 = arith.constant 0 : index
    %get3A_1 = vector.load %arg1[%get3A, %get3A_0] : memref<1000x16xf32, #tpu.memory_space<vmem>>, vector<1000x16xf32>
    %get3A_2 = arith.constant 0 : index
    %get3A_3 = arith.constant 0 : index
    %get3A_4 = vector.load %arg2[%get3A_2, %get3A_3] : memref<1000x8xf32, #tpu.memory_space<vmem>>, vector<1000x8xf32>
    %get3A_5 = arith.constant 0 : index
    %get3A_6 = arith.constant 0 : index
    %get3A_7 = vector.load %arg3[%get3A_5, %get3A_6] : memref<100x1xf32, #tpu.memory_space<vmem>>, vector<100x1xf32>
    %get3A_8 = arith.constant 0 : index
    %get3A_9 = arith.constant 0 : index
    %get3A_10 = arith.constant 0 : index
    %get3A_11 = vector.load %arg4[%get3A_8, %get3A_9, %get3A_10] : memref<1x1x1000xi32, #tpu.memory_space<vmem>>, vector<1x1x1000xi32>
    %get3A_12 = vector.shape_cast %get3A_11 : vector<1x1x1000xi32> to vector<1000xi32>
    %get3A_13 = arith.constant 0 : index
    %get3A_14 = arith.constant 0 : index
    %get3A_15 = arith.constant 0 : index
    %get3A_16 = vector.load %arg5[%get3A_13, %get3A_14, %get3A_15] : memref<1x1x1000xi32, #tpu.memory_space<vmem>>, vector<1x1x1000xi32>
    %get3A_17 = vector.shape_cast %get3A_16 : vector<1x1x1000xi32> to vector<1000xi32>
    %broadcast_in_dim3A = vector.shape_cast %get3A_12 : vector<1000xi32> to vector<1000x1xi32>
    %iota3A = tpu.iota {dimensions = array<i32: 1>} : vector<1000x10xi32>
    %eq3A = vector.broadcast %broadcast_in_dim3A : vector<1000x1xi32> to vector<1000x10xi32>
    %eq3A_18 = arith.cmpi eq, %eq3A, %iota3A : vector<1000x10xi32>
    %convert_element_type3A = arith.extui %eq3A_18 : vector<1000x10xi1> to vector<1000x10xi32>
    %convert_element_type3A_19 = arith.sitofp %convert_element_type3A : vector<1000x10xi32> to vector<1000x10xf32>
    %broadcast_in_dim3A_20 = vector.shape_cast %get3A_17 : vector<1000xi32> to vector<1000x1xi32>
    %iota3A_21 = tpu.iota {dimensions = array<i32: 1>} : vector<1000x100xi32>
    %eq3A_22 = vector.broadcast %broadcast_in_dim3A_20 : vector<1000x1xi32> to vector<1000x100xi32>
    %eq3A_23 = arith.cmpi eq, %eq3A_22, %iota3A_21 : vector<1000x100xi32>
    %convert_element_type3A_24 = arith.extui %eq3A_23 : vector<1000x100xi1> to vector<1000x100xi32>
    %convert_element_type3A_25 = arith.sitofp %convert_element_type3A_24 : vector<1000x100xi32> to vector<1000x100xf32>
    %get3A_26 = arith.constant 0 : index
    %get3A_27 = arith.constant 0 : index
    %get3A_28 = arith.constant 0 : index
    %get3A_29 = vector.load %arg6[%get3A_26, %get3A_27, %get3A_28] : memref<2x10x32xf32, #tpu.memory_space<vmem>>, vector<1x10x32xf32>
    %get3A_30 = vector.shape_cast %get3A_29 : vector<1x10x32xf32> to vector<10x32xf32>
    %get3A_31 = arith.constant 0 : index
    %get3A_32 = arith.constant 0 : index
    %get3A_33 = arith.constant 0 : index
    %get3A_34 = arith.constant 0 : index
    %get3A_35 = vector.load %arg7[%get3A_31, %get3A_32, %get3A_33, %get3A_34] : memref<2x2x32x32xf32, #tpu.memory_space<vmem>>, vector<1x1x32x32xf32>
    %get3A_36 = vector.shape_cast %get3A_35 : vector<1x1x32x32xf32> to vector<32x32xf32>
    %get3A_37 = arith.constant 0 : index
    %get3A_38 = arith.constant 1 : index
    %get3A_39 = arith.constant 0 : index
    %get3A_40 = arith.constant 0 : index
    %get3A_41 = vector.load %arg7[%get3A_37, %get3A_38, %get3A_39, %get3A_40] : memref<2x2x32x32xf32, #tpu.memory_space<vmem>>, vector<1x1x32x32xf32>
    %get3A_42 = vector.shape_cast %get3A_41 : vector<1x1x32x32xf32> to vector<32x32xf32>
    %tanh3A = math.tanh %get3A_30 : vector<10x32xf32>
    %dot_general3A = arith.constant dense<0.000000e+00> : vector<10x32xf32>
    %dot_general3A_43 = tpu.matmul %tanh3A, %get3A_36, %dot_general3A {dimension_numbers = #tpu.dot_dimension_numbers<[1], [0], [0], [1], [0, 0, 1, 1], [], []>, transpose_lhs_hint = false} : vector<10x32xf32>, vector<32x32xf32>, vector<10x32xf32> -> vector<10x32xf32>
    %dot_general3A_44 = arith.constant dense<0.000000e+00> : vector<1000x32xf32>
    %dot_general3A_45 = tpu.matmul %convert_element_type3A_19, %dot_general3A_43, %dot_general3A_44 {dimension_numbers = #tpu.dot_dimension_numbers<[1], [0], [0], [1], [0, 0, 1, 1], [], []>, transpose_lhs_hint = false} : vector<1000x10xf32>, vector<10x32xf32>, vector<1000x32xf32> -> vector<1000x32xf32>
    %slice3A = vector.extract_strided_slice %get3A_42 {offsets = [0, 0], sizes = [1, 32], strides = [1, 1]} : vector<32x32xf32> to vector<1x32xf32>
    %add3A = vector.broadcast %slice3A : vector<1x32xf32> to vector<1000x32xf32>
    %add3A_46 = arith.addf %dot_general3A_45, %add3A : vector<1000x32xf32>
    %tanh3A_47 = math.tanh %add3A_46 : vector<1000x32xf32>
    %get3A_48 = arith.constant 0 : index
    %get3A_49 = arith.constant 0 : index
    %get3A_50 = arith.constant 0 : index
    %get3A_51 = arith.constant 0 : index
    %get3A_52 = vector.load %arg10[%get3A_48, %get3A_49, %get3A_50, %get3A_51] : memref<2x4x32x32xf32, #tpu.memory_space<vmem>>, vector<1x1x1x32xf32>
    %get3A_53 = vector.shape_cast %get3A_52 : vector<1x1x1x32xf32> to vector<1x32xf32>
    %get3A_54 = arith.constant 0 : index
    %get3A_55 = arith.constant 1 : index
    %get3A_56 = arith.constant 0 : index
    %get3A_57 = arith.constant 0 : index
    %get3A_58 = vector.load %arg10[%get3A_54, %get3A_55, %get3A_56, %get3A_57] : memref<2x4x32x32xf32, #tpu.memory_space<vmem>>, vector<1x1x1x32xf32>
    %get3A_59 = vector.shape_cast %get3A_58 : vector<1x1x1x32xf32> to vector<1x32xf32>
    %get3A_60 = arith.constant 0 : index
    %get3A_61 = arith.constant 2 : index
    %get3A_62 = arith.constant 0 : index
    %get3A_63 = arith.constant 0 : index
    %get3A_64 = vector.load %arg10[%get3A_60, %get3A_61, %get3A_62, %get3A_63] : memref<2x4x32x32xf32, #tpu.memory_space<vmem>>, vector<1x1x32x32xf32>
    %get3A_65 = vector.shape_cast %get3A_64 : vector<1x1x32x32xf32> to vector<32x32xf32>
    %get3A_66 = arith.constant 0 : index
    %get3A_67 = arith.constant 3 : index
    %get3A_68 = arith.constant 0 : index
    %get3A_69 = arith.constant 0 : index
    %get3A_70 = vector.load %arg10[%get3A_66, %get3A_67, %get3A_68, %get3A_69] : memref<2x4x32x32xf32, #tpu.memory_space<vmem>>, vector<1x1x1x32xf32>
    %get3A_71 = vector.shape_cast %get3A_70 : vector<1x1x1x32xf32> to vector<1x32xf32>
    %mul3A = vector.broadcast %get3A_7 : vector<100x1xf32> to vector<100x32xf32>
    %mul3A_72 = vector.broadcast %get3A_53 : vector<1x32xf32> to vector<100x32xf32>
    %mul3A_73 = arith.mulf %mul3A, %mul3A_72 : vector<100x32xf32>
    %add3A_74 = vector.broadcast %get3A_59 : vector<1x32xf32> to vector<100x32xf32>
    %add3A_75 = arith.addf %mul3A_73, %add3A_74 : vector<100x32xf32>
    %tanh3A_76 = math.tanh %add3A_75 : vector<100x32xf32>
    %dot_general3A_77 = arith.constant dense<0.000000e+00> : vector<100x32xf32>
    %dot_general3A_78 = tpu.matmul %tanh3A_76, %get3A_65, %dot_general3A_77 {dimension_numbers = #tpu.dot_dimension_numbers<[1], [0], [0], [1], [0, 0, 1, 1], [], []>, transpose_lhs_hint = false} : vector<100x32xf32>, vector<32x32xf32>, vector<100x32xf32> -> vector<100x32xf32>
    %add3A_79 = vector.broadcast %get3A_71 : vector<1x32xf32> to vector<100x32xf32>
    %add3A_80 = arith.addf %dot_general3A_78, %add3A_79 : vector<100x32xf32>
    %tanh3A_81 = math.tanh %add3A_80 : vector<100x32xf32>
    %dot_general3A_82 = arith.constant dense<0.000000e+00> : vector<1000x32xf32>
    %dot_general3A_83 = tpu.matmul %convert_element_type3A_25, %tanh3A_81, %dot_general3A_82 {dimension_numbers = #tpu.dot_dimension_numbers<[1], [0], [0], [1], [0, 0, 1, 1], [], []>, transpose_lhs_hint = false} : vector<1000x100xf32>, vector<100x32xf32>, vector<1000x32xf32> -> vector<1000x32xf32>
    %get3A_84 = arith.constant 0 : index
    %get3A_85 = arith.constant 0 : index
    %get3A_86 = arith.constant 0 : index
    %get3A_87 = arith.constant 0 : index
    %get3A_88 = vector.load %arg9[%get3A_84, %get3A_85, %get3A_86, %get3A_87] : memref<2x4x32x32xf32, #tpu.memory_space<vmem>>, vector<1x1x8x32xf32>
    %get3A_89 = vector.shape_cast %get3A_88 : vector<1x1x8x32xf32> to vector<8x32xf32>
    %get3A_90 = arith.constant 0 : index
    %get3A_91 = arith.constant 1 : index
    %get3A_92 = arith.constant 0 : index
    %get3A_93 = arith.constant 0 : index
    %get3A_94 = vector.load %arg9[%get3A_90, %get3A_91, %get3A_92, %get3A_93] : memref<2x4x32x32xf32, #tpu.memory_space<vmem>>, vector<1x1x1x32xf32>
    %get3A_95 = vector.shape_cast %get3A_94 : vector<1x1x1x32xf32> to vector<1x32xf32>
    %get3A_96 = arith.constant 0 : index
    %get3A_97 = arith.constant 2 : index
    %get3A_98 = arith.constant 0 : index
    %get3A_99 = arith.constant 0 : index
    %get3A_100 = vector.load %arg9[%get3A_96, %get3A_97, %get3A_98, %get3A_99] : memref<2x4x32x32xf32, #tpu.memory_space<vmem>>, vector<1x1x32x32xf32>
    %get3A_101 = vector.shape_cast %get3A_100 : vector<1x1x32x32xf32> to vector<32x32xf32>
    %get3A_102 = arith.constant 0 : index
    %get3A_103 = arith.constant 3 : index
    %get3A_104 = arith.constant 0 : index
    %get3A_105 = arith.constant 0 : index
    %get3A_106 = vector.load %arg9[%get3A_102, %get3A_103, %get3A_104, %get3A_105] : memref<2x4x32x32xf32, #tpu.memory_space<vmem>>, vector<1x1x1x32xf32>
    %get3A_107 = vector.shape_cast %get3A_106 : vector<1x1x1x32xf32> to vector<1x32xf32>
    %dot_general3A_108 = arith.constant dense<0.000000e+00> : vector<1000x32xf32>
    %dot_general3A_109 = tpu.matmul %get3A_4, %get3A_89, %dot_general3A_108 {dimension_numbers = #tpu.dot_dimension_numbers<[1], [0], [0], [1], [0, 0, 1, 1], [], []>, transpose_lhs_hint = false} : vector<1000x8xf32>, vector<8x32xf32>, vector<1000x32xf32> -> vector<1000x32xf32>
    %add3A_110 = vector.broadcast %get3A_95 : vector<1x32xf32> to vector<1000x32xf32>
    %add3A_111 = arith.addf %dot_general3A_109, %add3A_110 : vector<1000x32xf32>
    %tanh3A_112 = math.tanh %add3A_111 : vector<1000x32xf32>
    %dot_general3A_113 = arith.constant dense<0.000000e+00> : vector<1000x32xf32>
    %dot_general3A_114 = tpu.matmul %tanh3A_112, %get3A_101, %dot_general3A_113 {dimension_numbers = #tpu.dot_dimension_numbers<[1], [0], [0], [1], [0, 0, 1, 1], [], []>, transpose_lhs_hint = false} : vector<1000x32xf32>, vector<32x32xf32>, vector<1000x32xf32> -> vector<1000x32xf32>
    %add3A_115 = vector.broadcast %get3A_107 : vector<1x32xf32> to vector<1000x32xf32>
    %add3A_116 = arith.addf %dot_general3A_114, %add3A_115 : vector<1000x32xf32>
    %tanh3A_117 = math.tanh %add3A_116 : vector<1000x32xf32>
    %get3A_118 = arith.constant 0 : index
    %get3A_119 = arith.constant 0 : index
    %get3A_120 = arith.constant 0 : index
    %get3A_121 = arith.constant 0 : index
    %get3A_122 = vector.load %arg8[%get3A_118, %get3A_119, %get3A_120, %get3A_121] : memref<2x4x64x64xf32, #tpu.memory_space<vmem>>, vector<1x1x16x64xf32>
    %get3A_123 = vector.shape_cast %get3A_122 : vector<1x1x16x64xf32> to vector<16x64xf32>
    %get3A_124 = arith.constant 0 : index
    %get3A_125 = arith.constant 1 : index
    %get3A_126 = arith.constant 0 : index
    %get3A_127 = arith.constant 0 : index
    %get3A_128 = vector.load %arg8[%get3A_124, %get3A_125, %get3A_126, %get3A_127] : memref<2x4x64x64xf32, #tpu.memory_space<vmem>>, vector<1x1x1x64xf32>
    %get3A_129 = vector.shape_cast %get3A_128 : vector<1x1x1x64xf32> to vector<1x64xf32>
    %get3A_130 = arith.constant 0 : index
    %get3A_131 = arith.constant 2 : index
    %get3A_132 = arith.constant 0 : index
    %get3A_133 = arith.constant 0 : index
    %get3A_134 = vector.load %arg8[%get3A_130, %get3A_131, %get3A_132, %get3A_133] : memref<2x4x64x64xf32, #tpu.memory_space<vmem>>, vector<1x1x64x64xf32>
    %get3A_135 = vector.shape_cast %get3A_134 : vector<1x1x64x64xf32> to vector<64x64xf32>
    %get3A_136 = arith.constant 0 : index
    %get3A_137 = arith.constant 3 : index
    %get3A_138 = arith.constant 0 : index
    %get3A_139 = arith.constant 0 : index
    %get3A_140 = vector.load %arg8[%get3A_136, %get3A_137, %get3A_138, %get3A_139] : memref<2x4x64x64xf32, #tpu.memory_space<vmem>>, vector<1x1x1x64xf32>
    %get3A_141 = vector.shape_cast %get3A_140 : vector<1x1x1x64xf32> to vector<1x64xf32>
    %dot_general3A_142 = arith.constant dense<0.000000e+00> : vector<1000x64xf32>
    %dot_general3A_143 = tpu.matmul %get3A_1, %get3A_123, %dot_general3A_142 {dimension_numbers = #tpu.dot_dimension_numbers<[1], [0], [0], [1], [0, 0, 1, 1], [], []>, transpose_lhs_hint = false} : vector<1000x16xf32>, vector<16x64xf32>, vector<1000x64xf32> -> vector<1000x64xf32>
    %add3A_144 = vector.broadcast %get3A_129 : vector<1x64xf32> to vector<1000x64xf32>
    %add3A_145 = arith.addf %dot_general3A_143, %add3A_144 : vector<1000x64xf32>
    %tanh3A_146 = math.tanh %add3A_145 : vector<1000x64xf32>
    %dot_general3A_147 = arith.constant dense<0.000000e+00> : vector<1000x64xf32>
    %dot_general3A_148 = tpu.matmul %tanh3A_146, %get3A_135, %dot_general3A_147 {dimension_numbers = #tpu.dot_dimension_numbers<[1], [0], [0], [1], [0, 0, 1, 1], [], []>, transpose_lhs_hint = false} : vector<1000x64xf32>, vector<64x64xf32>, vector<1000x64xf32> -> vector<1000x64xf32>
    %add3A_149 = vector.broadcast %get3A_141 : vector<1x64xf32> to vector<1000x64xf32>
    %add3A_150 = arith.addf %dot_general3A_148, %add3A_149 : vector<1000x64xf32>
    %tanh3A_151 = math.tanh %add3A_150 : vector<1000x64xf32>
    %concatenate3A = tpu.concatenate %tanh3A_47, %dot_general3A_83, %tanh3A_117 in 1 : vector<1000x32xf32>, vector<1000x32xf32>, vector<1000x32xf32> -> vector<1000x96xf32>
    %concatenate3A_152 = tpu.concatenate %tanh3A_151, %concatenate3A in 1 : vector<1000x64xf32>, vector<1000x96xf32> -> vector<1000x160xf32>
    %get3A_153 = arith.constant 0 : index
    %get3A_154 = arith.constant 0 : index
    %get3A_155 = arith.constant 0 : index
    %get3A_156 = vector.load %arg11[%get3A_153, %get3A_154, %get3A_155] : memref<4x160x64xf32, #tpu.memory_space<vmem>>, vector<1x160x64xf32>
    %get3A_157 = vector.shape_cast %get3A_156 : vector<1x160x64xf32> to vector<160x64xf32>
    %get3A_158 = arith.constant 2 : index
    %get3A_159 = arith.constant 0 : index
    %get3A_160 = arith.constant 0 : index
    %get3A_161 = vector.load %arg11[%get3A_158, %get3A_159, %get3A_160] : memref<4x160x64xf32, #tpu.memory_space<vmem>>, vector<1x1x64xf32>
    %get3A_162 = vector.shape_cast %get3A_161 : vector<1x1x64xf32> to vector<1x64xf32>
    %get3A_163 = arith.constant 0 : index
    %get3A_164 = arith.constant 0 : index
    %get3A_165 = arith.constant 0 : index
    %get3A_166 = vector.load %arg12[%get3A_163, %get3A_164, %get3A_165] : memref<4x160x64xf32, #tpu.memory_space<vmem>>, vector<1x160x64xf32>
    %get3A_167 = vector.shape_cast %get3A_166 : vector<1x160x64xf32> to vector<160x64xf32>
    %dot_general3A_168 = arith.constant dense<0.000000e+00> : vector<1000x64xf32>
    %dot_general3A_169 = tpu.matmul %concatenate3A_152, %get3A_157, %dot_general3A_168 {dimension_numbers = #tpu.dot_dimension_numbers<[1], [0], [0], [1], [0, 0, 1, 1], [], []>, transpose_lhs_hint = false} : vector<1000x160xf32>, vector<160x64xf32>, vector<1000x64xf32> -> vector<1000x64xf32>
    %add3A_170 = vector.broadcast %get3A_162 : vector<1x64xf32> to vector<1000x64xf32>
    %add3A_171 = arith.addf %dot_general3A_169, %add3A_170 : vector<1000x64xf32>
    %swap3A = arith.constant 0 : index
    %swap3A_172 = arith.constant 0 : index
    %swap3A_173 = vector.load %arg13[%swap3A, %swap3A_172] : memref<1000x128xf32, #tpu.memory_space<vmem>>, vector<1000x64xf32>
    tpu.vector_store %arg13[%swap3A, %swap3A_172], %add3A_171 {strides = array<i32>} : memref<1000x128xf32, #tpu.memory_space<vmem>>, vector<1000x64xf32>,
    %dot_general3A_174 = arith.constant dense<0.000000e+00> : vector<1000x64xf32>
    %dot_general3A_175 = tpu.matmul %concatenate3A_152, %get3A_167, %dot_general3A_174 {dimension_numbers = #tpu.dot_dimension_numbers<[1], [0], [0], [1], [0, 0, 1, 1], [], []>, transpose_lhs_hint = false} : vector<1000x160xf32>, vector<160x64xf32>, vector<1000x64xf32> -> vector<1000x64xf32>
    %swap3A_176 = arith.constant 0 : index
    %swap3A_177 = arith.constant 0 : index
    %swap3A_178 = vector.load %arg14[%swap3A_176, %swap3A_177] : memref<1000x128xf32, #tpu.memory_space<vmem>>, vector<1000x64xf32>
    tpu.vector_store %arg14[%swap3A_176, %swap3A_177], %dot_general3A_175 {strides = array<i32>} : memref<1000x128xf32, #tpu.memory_space<vmem>>, vector<1000x64xf32>,
    %swap3A_179 = arith.constant 0 : index
    %swap3A_180 = arith.constant 0 : index
    %swap3A_181 = vector.load %arg15[%swap3A_179, %swap3A_180] : memref<1000x192xf32, #tpu.memory_space<vmem>>, vector<1000x96xf32>
    tpu.vector_store %arg15[%swap3A_179, %swap3A_180], %concatenate3A {strides = array<i32>} : memref<1000x192xf32, #tpu.memory_space<vmem>>, vector<1000x96xf32>,
    %get3A_182 = arith.constant 1 : index
    %get3A_183 = arith.constant 0 : index
    %get3A_184 = arith.constant 0 : index
    %get3A_185 = vector.load %arg6[%get3A_182, %get3A_183, %get3A_184] : memref<2x10x32xf32, #tpu.memory_space<vmem>>, vector<1x10x32xf32>
    %get3A_186 = vector.shape_cast %get3A_185 : vector<1x10x32xf32> to vector<10x32xf32>
    %get3A_187 = arith.constant 1 : index
    %get3A_188 = arith.constant 0 : index
    %get3A_189 = arith.constant 0 : index
    %get3A_190 = arith.constant 0 : index
    %get3A_191 = vector.load %arg7[%get3A_187, %get3A_188, %get3A_189, %get3A_190] : memref<2x2x32x32xf32, #tpu.memory_space<vmem>>, vector<1x1x32x32xf32>
    %get3A_192 = vector.shape_cast %get3A_191 : vector<1x1x32x32xf32> to vector<32x32xf32>
    %get3A_193 = arith.constant 1 : index
    %get3A_194 = arith.constant 1 : index
    %get3A_195 = arith.constant 0 : index
    %get3A_196 = arith.constant 0 : index
    %get3A_197 = vector.load %arg7[%get3A_193, %get3A_194, %get3A_195, %get3A_196] : memref<2x2x32x32xf32, #tpu.memory_space<vmem>>, vector<1x1x32x32xf32>
    %get3A_198 = vector.shape_cast %get3A_197 : vector<1x1x32x32xf32> to vector<32x32xf32>
    %tanh3A_199 = math.tanh %get3A_186 : vector<10x32xf32>
    %dot_general3A_200 = arith.constant dense<0.000000e+00> : vector<10x32xf32>
    %dot_general3A_201 = tpu.matmul %tanh3A_199, %get3A_192, %dot_general3A_200 {dimension_numbers = #tpu.dot_dimension_numbers<[1], [0], [0], [1], [0, 0, 1, 1], [], []>, transpose_lhs_hint = false} : vector<10x32xf32>, vector<32x32xf32>, vector<10x32xf32> -> vector<10x32xf32>
    %dot_general3A_202 = arith.constant dense<0.000000e+00> : vector<1000x32xf32>
    %dot_general3A_203 = tpu.matmul %convert_element_type3A_19, %dot_general3A_201, %dot_general3A_202 {dimension_numbers = #tpu.dot_dimension_numbers<[1], [0], [0], [1], [0, 0, 1, 1], [], []>, transpose_lhs_hint = false} : vector<1000x10xf32>, vector<10x32xf32>, vector<1000x32xf32> -> vector<1000x32xf32>
    %slice3A_204 = vector.extract_strided_slice %get3A_198 {offsets = [0, 0], sizes = [1, 32], strides = [1, 1]} : vector<32x32xf32> to vector<1x32xf32>
    %add3A_205 = vector.broadcast %slice3A_204 : vector<1x32xf32> to vector<1000x32xf32>
    %add3A_206 = arith.addf %dot_general3A_203, %add3A_205 : vector<1000x32xf32>
    %tanh3A_207 = math.tanh %add3A_206 : vector<1000x32xf32>
    %get3A_208 = arith.constant 1 : index
    %get3A_209 = arith.constant 0 : index
    %get3A_210 = arith.constant 0 : index
    %get3A_211 = arith.constant 0 : index
    %get3A_212 = vector.load %arg10[%get3A_208, %get3A_209, %get3A_210, %get3A_211] : memref<2x4x32x32xf32, #tpu.memory_space<vmem>>, vector<1x1x1x32xf32>
    %get3A_213 = vector.shape_cast %get3A_212 : vector<1x1x1x32xf32> to vector<1x32xf32>
    %get3A_214 = arith.constant 1 : index
    %get3A_215 = arith.constant 1 : index
    %get3A_216 = arith.constant 0 : index
    %get3A_217 = arith.constant 0 : index
    %get3A_218 = vector.load %arg10[%get3A_214, %get3A_215, %get3A_216, %get3A_217] : memref<2x4x32x32xf32, #tpu.memory_space<vmem>>, vector<1x1x1x32xf32>
    %get3A_219 = vector.shape_cast %get3A_218 : vector<1x1x1x32xf32> to vector<1x32xf32>
    %get3A_220 = arith.constant 1 : index
    %get3A_221 = arith.constant 2 : index
    %get3A_222 = arith.constant 0 : index
    %get3A_223 = arith.constant 0 : index
    %get3A_224 = vector.load %arg10[%get3A_220, %get3A_221, %get3A_222, %get3A_223] : memref<2x4x32x32xf32, #tpu.memory_space<vmem>>, vector<1x1x32x32xf32>
    %get3A_225 = vector.shape_cast %get3A_224 : vector<1x1x32x32xf32> to vector<32x32xf32>
    %get3A_226 = arith.constant 1 : index
    %get3A_227 = arith.constant 3 : index
    %get3A_228 = arith.constant 0 : index
    %get3A_229 = arith.constant 0 : index
    %get3A_230 = vector.load %arg10[%get3A_226, %get3A_227, %get3A_228, %get3A_229] : memref<2x4x32x32xf32, #tpu.memory_space<vmem>>, vector<1x1x1x32xf32>
    %get3A_231 = vector.shape_cast %get3A_230 : vector<1x1x1x32xf32> to vector<1x32xf32>
    %mul3A_232 = vector.broadcast %get3A_7 : vector<100x1xf32> to vector<100x32xf32>
    %mul3A_233 = vector.broadcast %get3A_213 : vector<1x32xf32> to vector<100x32xf32>
    %mul3A_234 = arith.mulf %mul3A_232, %mul3A_233 : vector<100x32xf32>
    %add3A_235 = vector.broadcast %get3A_219 : vector<1x32xf32> to vector<100x32xf32>
    %add3A_236 = arith.addf %mul3A_234, %add3A_235 : vector<100x32xf32>
    %tanh3A_237 = math.tanh %add3A_236 : vector<100x32xf32>
    %dot_general3A_238 = arith.constant dense<0.000000e+00> : vector<100x32xf32>
    %dot_general3A_239 = tpu.matmul %tanh3A_237, %get3A_225, %dot_general3A_238 {dimension_numbers = #tpu.dot_dimension_numbers<[1], [0], [0], [1], [0, 0, 1, 1], [], []>, transpose_lhs_hint = false} : vector<100x32xf32>, vector<32x32xf32>, vector<100x32xf32> -> vector<100x32xf32>
    %add3A_240 = vector.broadcast %get3A_231 : vector<1x32xf32> to vector<100x32xf32>
    %add3A_241 = arith.addf %dot_general3A_239, %add3A_240 : vector<100x32xf32>
    %tanh3A_242 = math.tanh %add3A_241 : vector<100x32xf32>
    %dot_general3A_243 = arith.constant dense<0.000000e+00> : vector<1000x32xf32>
    %dot_general3A_244 = tpu.matmul %convert_element_type3A_25, %tanh3A_242, %dot_general3A_243 {dimension_numbers = #tpu.dot_dimension_numbers<[1], [0], [0], [1], [0, 0, 1, 1], [], []>, transpose_lhs_hint = false} : vector<1000x100xf32>, vector<100x32xf32>, vector<1000x32xf32> -> vector<1000x32xf32>
    %get3A_245 = arith.constant 1 : index
    %get3A_246 = arith.constant 0 : index
    %get3A_247 = arith.constant 0 : index
    %get3A_248 = arith.constant 0 : index
    %get3A_249 = vector.load %arg9[%get3A_245, %get3A_246, %get3A_247, %get3A_248] : memref<2x4x32x32xf32, #tpu.memory_space<vmem>>, vector<1x1x8x32xf32>
    %get3A_250 = vector.shape_cast %get3A_249 : vector<1x1x8x32xf32> to vector<8x32xf32>
    %get3A_251 = arith.constant 1 : index
    %get3A_252 = arith.constant 1 : index
    %get3A_253 = arith.constant 0 : index
    %get3A_254 = arith.constant 0 : index
    %get3A_255 = vector.load %arg9[%get3A_251, %get3A_252, %get3A_253, %get3A_254] : memref<2x4x32x32xf32, #tpu.memory_space<vmem>>, vector<1x1x1x32xf32>
    %get3A_256 = vector.shape_cast %get3A_255 : vector<1x1x1x32xf32> to vector<1x32xf32>
    %get3A_257 = arith.constant 1 : index
    %get3A_258 = arith.constant 2 : index
    %get3A_259 = arith.constant 0 : index
    %get3A_260 = arith.constant 0 : index
    %get3A_261 = vector.load %arg9[%get3A_257, %get3A_258, %get3A_259, %get3A_260] : memref<2x4x32x32xf32, #tpu.memory_space<vmem>>, vector<1x1x32x32xf32>
    %get3A_262 = vector.shape_cast %get3A_261 : vector<1x1x32x32xf32> to vector<32x32xf32>
    %get3A_263 = arith.constant 1 : index
    %get3A_264 = arith.constant 3 : index
    %get3A_265 = arith.constant 0 : index
    %get3A_266 = arith.constant 0 : index
    %get3A_267 = vector.load %arg9[%get3A_263, %get3A_264, %get3A_265, %get3A_266] : memref<2x4x32x32xf32, #tpu.memory_space<vmem>>, vector<1x1x1x32xf32>
    %get3A_268 = vector.shape_cast %get3A_267 : vector<1x1x1x32xf32> to vector<1x32xf32>
    %dot_general3A_269 = arith.constant dense<0.000000e+00> : vector<1000x32xf32>
    %dot_general3A_270 = tpu.matmul %get3A_4, %get3A_250, %dot_general3A_269 {dimension_numbers = #tpu.dot_dimension_numbers<[1], [0], [0], [1], [0, 0, 1, 1], [], []>, transpose_lhs_hint = false} : vector<1000x8xf32>, vector<8x32xf32>, vector<1000x32xf32> -> vector<1000x32xf32>
    %add3A_271 = vector.broadcast %get3A_256 : vector<1x32xf32> to vector<1000x32xf32>
    %add3A_272 = arith.addf %dot_general3A_270, %add3A_271 : vector<1000x32xf32>
    %tanh3A_273 = math.tanh %add3A_272 : vector<1000x32xf32>
    %dot_general3A_274 = arith.constant dense<0.000000e+00> : vector<1000x32xf32>
    %dot_general3A_275 = tpu.matmul %tanh3A_273, %get3A_262, %dot_general3A_274 {dimension_numbers = #tpu.dot_dimension_numbers<[1], [0], [0], [1], [0, 0, 1, 1], [], []>, transpose_lhs_hint = false} : vector<1000x32xf32>, vector<32x32xf32>, vector<1000x32xf32> -> vector<1000x32xf32>
    %add3A_276 = vector.broadcast %get3A_268 : vector<1x32xf32> to vector<1000x32xf32>
    %add3A_277 = arith.addf %dot_general3A_275, %add3A_276 : vector<1000x32xf32>
    %tanh3A_278 = math.tanh %add3A_277 : vector<1000x32xf32>
    %get3A_279 = arith.constant 1 : index
    %get3A_280 = arith.constant 0 : index
    %get3A_281 = arith.constant 0 : index
    %get3A_282 = arith.constant 0 : index
    %get3A_283 = vector.load %arg8[%get3A_279, %get3A_280, %get3A_281, %get3A_282] : memref<2x4x64x64xf32, #tpu.memory_space<vmem>>, vector<1x1x16x64xf32>
    %get3A_284 = vector.shape_cast %get3A_283 : vector<1x1x16x64xf32> to vector<16x64xf32>
    %get3A_285 = arith.constant 1 : index
    %get3A_286 = arith.constant 1 : index
    %get3A_287 = arith.constant 0 : index
    %get3A_288 = arith.constant 0 : index
    %get3A_289 = vector.load %arg8[%get3A_285, %get3A_286, %get3A_287, %get3A_288] : memref<2x4x64x64xf32, #tpu.memory_space<vmem>>, vector<1x1x1x64xf32>
    %get3A_290 = vector.shape_cast %get3A_289 : vector<1x1x1x64xf32> to vector<1x64xf32>
    %get3A_291 = arith.constant 1 : index
    %get3A_292 = arith.constant 2 : index
    %get3A_293 = arith.constant 0 : index
    %get3A_294 = arith.constant 0 : index
    %get3A_295 = vector.load %arg8[%get3A_291, %get3A_292, %get3A_293, %get3A_294] : memref<2x4x64x64xf32, #tpu.memory_space<vmem>>, vector<1x1x64x64xf32>
    %get3A_296 = vector.shape_cast %get3A_295 : vector<1x1x64x64xf32> to vector<64x64xf32>
    %get3A_297 = arith.constant 1 : index
    %get3A_298 = arith.constant 3 : index
    %get3A_299 = arith.constant 0 : index
    %get3A_300 = arith.constant 0 : index
    %get3A_301 = vector.load %arg8[%get3A_297, %get3A_298, %get3A_299, %get3A_300] : memref<2x4x64x64xf32, #tpu.memory_space<vmem>>, vector<1x1x1x64xf32>
    %get3A_302 = vector.shape_cast %get3A_301 : vector<1x1x1x64xf32> to vector<1x64xf32>
    %dot_general3A_303 = arith.constant dense<0.000000e+00> : vector<1000x64xf32>
    %dot_general3A_304 = tpu.matmul %get3A_1, %get3A_284, %dot_general3A_303 {dimension_numbers = #tpu.dot_dimension_numbers<[1], [0], [0], [1], [0, 0, 1, 1], [], []>, transpose_lhs_hint = false} : vector<1000x16xf32>, vector<16x64xf32>, vector<1000x64xf32> -> vector<1000x64xf32>
    %add3A_305 = vector.broadcast %get3A_290 : vector<1x64xf32> to vector<1000x64xf32>
    %add3A_306 = arith.addf %dot_general3A_304, %add3A_305 : vector<1000x64xf32>
    %tanh3A_307 = math.tanh %add3A_306 : vector<1000x64xf32>
    %dot_general3A_308 = arith.constant dense<0.000000e+00> : vector<1000x64xf32>
    %dot_general3A_309 = tpu.matmul %tanh3A_307, %get3A_296, %dot_general3A_308 {dimension_numbers = #tpu.dot_dimension_numbers<[1], [0], [0], [1], [0, 0, 1, 1], [], []>, transpose_lhs_hint = false} : vector<1000x64xf32>, vector<64x64xf32>, vector<1000x64xf32> -> vector<1000x64xf32>
    %add3A_310 = vector.broadcast %get3A_302 : vector<1x64xf32> to vector<1000x64xf32>
    %add3A_311 = arith.addf %dot_general3A_309, %add3A_310 : vector<1000x64xf32>
    %tanh3A_312 = math.tanh %add3A_311 : vector<1000x64xf32>
    %concatenate3A_313 = tpu.concatenate %tanh3A_207, %dot_general3A_244, %tanh3A_278 in 1 : vector<1000x32xf32>, vector<1000x32xf32>, vector<1000x32xf32> -> vector<1000x96xf32>
    %concatenate3A_314 = tpu.concatenate %tanh3A_312, %concatenate3A_313 in 1 : vector<1000x64xf32>, vector<1000x96xf32> -> vector<1000x160xf32>
    %get3A_315 = arith.constant 1 : index
    %get3A_316 = arith.constant 0 : index
    %get3A_317 = arith.constant 0 : index
    %get3A_318 = vector.load %arg11[%get3A_315, %get3A_316, %get3A_317] : memref<4x160x64xf32, #tpu.memory_space<vmem>>, vector<1x160x64xf32>
    %get3A_319 = vector.shape_cast %get3A_318 : vector<1x160x64xf32> to vector<160x64xf32>
    %get3A_320 = arith.constant 3 : index
    %get3A_321 = arith.constant 0 : index
    %get3A_322 = arith.constant 0 : index
    %get3A_323 = vector.load %arg11[%get3A_320, %get3A_321, %get3A_322] : memref<4x160x64xf32, #tpu.memory_space<vmem>>, vector<1x1x64xf32>
    %get3A_324 = vector.shape_cast %get3A_323 : vector<1x1x64xf32> to vector<1x64xf32>
    %get3A_325 = arith.constant 1 : index
    %get3A_326 = arith.constant 0 : index
    %get3A_327 = arith.constant 0 : index
    %get3A_328 = vector.load %arg12[%get3A_325, %get3A_326, %get3A_327] : memref<4x160x64xf32, #tpu.memory_space<vmem>>, vector<1x160x64xf32>
    %get3A_329 = vector.shape_cast %get3A_328 : vector<1x160x64xf32> to vector<160x64xf32>
    %dot_general3A_330 = arith.constant dense<0.000000e+00> : vector<1000x64xf32>
    %dot_general3A_331 = tpu.matmul %concatenate3A_314, %get3A_319, %dot_general3A_330 {dimension_numbers = #tpu.dot_dimension_numbers<[1], [0], [0], [1], [0, 0, 1, 1], [], []>, transpose_lhs_hint = false} : vector<1000x160xf32>, vector<160x64xf32>, vector<1000x64xf32> -> vector<1000x64xf32>
    %add3A_332 = vector.broadcast %get3A_324 : vector<1x64xf32> to vector<1000x64xf32>
    %add3A_333 = arith.addf %dot_general3A_331, %add3A_332 : vector<1000x64xf32>
    %swap3A_334 = arith.constant 0 : index
    %swap3A_335 = arith.constant 64 : index
    %swap3A_336 = vector.load %arg13[%swap3A_334, %swap3A_335] : memref<1000x128xf32, #tpu.memory_space<vmem>>, vector<1000x64xf32>
    tpu.vector_store %arg13[%swap3A_334, %swap3A_335], %add3A_333 {strides = array<i32>} : memref<1000x128xf32, #tpu.memory_space<vmem>>, vector<1000x64xf32>,
    %dot_general3A_337 = arith.constant dense<0.000000e+00> : vector<1000x64xf32>
    %dot_general3A_338 = tpu.matmul %concatenate3A_314, %get3A_329, %dot_general3A_337 {dimension_numbers = #tpu.dot_dimension_numbers<[1], [0], [0], [1], [0, 0, 1, 1], [], []>, transpose_lhs_hint = false} : vector<1000x160xf32>, vector<160x64xf32>, vector<1000x64xf32> -> vector<1000x64xf32>
    %swap3A_339 = arith.constant 0 : index
    %swap3A_340 = arith.constant 64 : index
    %swap3A_341 = vector.load %arg14[%swap3A_339, %swap3A_340] : memref<1000x128xf32, #tpu.memory_space<vmem>>, vector<1000x64xf32>
    tpu.vector_store %arg14[%swap3A_339, %swap3A_340], %dot_general3A_338 {strides = array<i32>} : memref<1000x128xf32, #tpu.memory_space<vmem>>, vector<1000x64xf32>,
    %swap3A_342 = arith.constant 0 : index
    %swap3A_343 = arith.constant 96 : index
    %swap3A_344 = vector.load %arg15[%swap3A_342, %swap3A_343] : memref<1000x192xf32, #tpu.memory_space<vmem>>, vector<1000x96xf32>
    tpu.vector_store %arg15[%swap3A_342, %swap3A_343], %concatenate3A_313 {strides = array<i32>} : memref<1000x192xf32, #tpu.memory_space<vmem>>, vector<1000x96xf32>,
    return
  }
  func.func @transform_0(%arg0: i32) -> (i32, i32) {
    %c0_i32 = arith.constant 0 : i32
    %c0_i32_0 = arith.constant 0 : i32
    return %arg0, %c0_i32 : i32, i32
  }
  func.func @transform_1(%arg0: i32) -> (i32, i32) {
    %c0_i32 = arith.constant 0 : i32
    %c0_i32_0 = arith.constant 0 : i32
    return %arg0, %c0_i32 : i32, i32
  }
  func.func @transform_2(%arg0: i32) -> (i32, i32) {
    %c0_i32 = arith.constant 0 : i32
    %c0_i32_0 = arith.constant 0 : i32
    %c0_i32_1 = arith.constant 0 : i32
    return %c0_i32, %c0_i32_0 : i32, i32
  }
  func.func @transform_3(%arg0: i32) -> (i32, i32, i32) {
    %c0_i32 = arith.constant 0 : i32
    %c0_i32_0 = arith.constant 0 : i32
    %c0_i32_1 = arith.constant 0 : i32
    return %arg0, %c0_i32, %c0_i32_0 : i32, i32, i32
  }
  func.func @transform_4(%arg0: i32) -> (i32, i32, i32) {
    %c0_i32 = arith.constant 0 : i32
    %c0_i32_0 = arith.constant 0 : i32
    %c0_i32_1 = arith.constant 0 : i32
    return %arg0, %c0_i32, %c0_i32_0 : i32, i32, i32
  }
  func.func @transform_5(%arg0: i32) -> (i32, i32, i32) {
    %c0_i32 = arith.constant 0 : i32
    %c0_i32_0 = arith.constant 0 : i32
    %c0_i32_1 = arith.constant 0 : i32
    %c0_i32_2 = arith.constant 0 : i32
    return %c0_i32, %c0_i32_0, %c0_i32_1 : i32, i32, i32
  }
  func.func @transform_6(%arg0: i32) -> (i32, i32, i32, i32) {
    %c0_i32 = arith.constant 0 : i32
    %c0_i32_0 = arith.constant 0 : i32
    %c0_i32_1 = arith.constant 0 : i32
    %c0_i32_2 = arith.constant 0 : i32
    %c0_i32_3 = arith.constant 0 : i32
    return %c0_i32, %c0_i32_0, %c0_i32_1, %c0_i32_2 : i32, i32, i32, i32
  }
  func.func @transform_7(%arg0: i32) -> (i32, i32, i32, i32) {
    %c0_i32 = arith.constant 0 : i32
    %c0_i32_0 = arith.constant 0 : i32
    %c0_i32_1 = arith.constant 0 : i32
    %c0_i32_2 = arith.constant 0 : i32
    %c0_i32_3 = arith.constant 0 : i32
    return %c0_i32, %c0_i32_0, %c0_i32_1, %c0_i32_2 : i32, i32, i32, i32
  }
  func.func @transform_8(%arg0: i32) -> (i32, i32, i32, i32) {
    %c0_i32 = arith.constant 0 : i32
    %c0_i32_0 = arith.constant 0 : i32
    %c0_i32_1 = arith.constant 0 : i32
    %c0_i32_2 = arith.constant 0 : i32
    %c0_i32_3 = arith.constant 0 : i32
    return %c0_i32, %c0_i32_0, %c0_i32_1, %c0_i32_2 : i32, i32, i32, i32
  }
  func.func @transform_9(%arg0: i32) -> (i32, i32, i32, i32) {
    %c0_i32 = arith.constant 0 : i32
    %c0_i32_0 = arith.constant 0 : i32
    %c0_i32_1 = arith.constant 0 : i32
    %c0_i32_2 = arith.constant 0 : i32
    %c0_i32_3 = arith.constant 0 : i32
    return %c0_i32, %c0_i32_0, %c0_i32_1, %c0_i32_2 : i32, i32, i32, i32
  }
  func.func @transform_10(%arg0: i32) -> (i32, i32, i32) {
    %c0_i32 = arith.constant 0 : i32
    %c0_i32_0 = arith.constant 0 : i32
    %c0_i32_1 = arith.constant 0 : i32
    %c0_i32_2 = arith.constant 0 : i32
    return %c0_i32, %c0_i32_0, %c0_i32_1 : i32, i32, i32
  }
  func.func @transform_11(%arg0: i32) -> (i32, i32, i32) {
    %c0_i32 = arith.constant 0 : i32
    %c0_i32_0 = arith.constant 0 : i32
    %c0_i32_1 = arith.constant 0 : i32
    %c0_i32_2 = arith.constant 0 : i32
    return %c0_i32, %c0_i32_0, %c0_i32_1 : i32, i32, i32
  }
  func.func @transform_12(%arg0: i32) -> (i32, i32) {
    %c0_i32 = arith.constant 0 : i32
    %c0_i32_0 = arith.constant 0 : i32
    return %arg0, %c0_i32 : i32, i32
  }
  func.func @transform_13(%arg0: i32) -> (i32, i32) {
    %c0_i32 = arith.constant 0 : i32
    %c0_i32_0 = arith.constant 0 : i32
    return %arg0, %c0_i32 : i32, i32
  }
  func.func @transform_14(%arg0: i32) -> (i32, i32) {
    %c0_i32 = arith.constant 0 : i32
    %c0_i32_0 = arith.constant 0 : i32
    return %arg0, %c0_i32 : i32, i32
  }
}

module attributes {stable_mosaic.version = 14 : i64} {
  func.func @_t1_body(%arg0: i32, %arg1: memref<4000x128xf32, #tpu.memory_space<vmem>>, %arg2: memref<128x128xf32, #tpu.memory_space<vmem>>, %arg3: memref<1x128xf32, #tpu.memory_space<vmem>>, %arg4: memref<4000x128xf32, #tpu.memory_space<vmem>>) attributes {dimension_semantics = [#tpu.dimension_semantics<arbitrary>], iteration_bounds = array<i64: 80>, scalar_prefetch = 0 : i64, scratch_operands = 0 : i64, tpu.core_type = #tpu.core_type<tc>, window_params = [{transform_indices = @transform_0, window_bounds = array<i64: 4000, 128>}, {pipeline_mode = #tpu.pipeline_mode<synchronous>, transform_indices = @transform_1, window_bounds = array<i64: 128, 128>}, {pipeline_mode = #tpu.pipeline_mode<synchronous>, transform_indices = @transform_2, window_bounds = array<i64: 1, 128>}, {transform_indices = @transform_3, window_bounds = array<i64: 4000, 128>}]} {
    %get3A = arith.constant 0 : index
    %get3A_0 = arith.constant 0 : index
    %get3A_1 = vector.load %arg1[%get3A, %get3A_0] : memref<4000x128xf32, #tpu.memory_space<vmem>>, vector<4000x128xf32>
    %tanh3A = math.tanh %get3A_1 : vector<4000x128xf32>
    %get3A_2 = arith.constant 0 : index
    %get3A_3 = arith.constant 0 : index
    %get3A_4 = vector.load %arg2[%get3A_2, %get3A_3] : memref<128x128xf32, #tpu.memory_space<vmem>>, vector<128x128xf32>
    %dot_general3A = arith.constant dense<0.000000e+00> : vector<4000x128xf32>
    %dot_general3A_5 = tpu.matmul %tanh3A, %get3A_4, %dot_general3A {dimension_numbers = #tpu.dot_dimension_numbers<[1], [0], [0], [1], [0, 0, 1, 1], [], []>, transpose_lhs_hint = false} : vector<4000x128xf32>, vector<128x128xf32>, vector<4000x128xf32> -> vector<4000x128xf32>
    %get3A_6 = arith.constant 0 : index
    %get3A_7 = arith.constant 0 : index
    %get3A_8 = vector.load %arg3[%get3A_6, %get3A_7] : memref<1x128xf32, #tpu.memory_space<vmem>>, vector<1x128xf32>
    %add3A = vector.broadcast %get3A_8 : vector<1x128xf32> to vector<4000x128xf32>
    %add3A_9 = arith.addf %dot_general3A_5, %add3A : vector<4000x128xf32>
    %swap3A = arith.constant 0 : index
    %swap3A_10 = arith.constant 0 : index
    %swap3A_11 = vector.load %arg4[%swap3A, %swap3A_10] : memref<4000x128xf32, #tpu.memory_space<vmem>>, vector<4000x128xf32>
    tpu.vector_store %arg4[%swap3A, %swap3A_10], %add3A_9 {strides = array<i32>} : memref<4000x128xf32, #tpu.memory_space<vmem>>, vector<4000x128xf32>,
    return
  }
  func.func @transform_0(%arg0: i32) -> (i32, i32) {
    %c0_i32 = arith.constant 0 : i32
    %c0_i32_0 = arith.constant 0 : i32
    return %arg0, %c0_i32 : i32, i32
  }
  func.func @transform_1(%arg0: i32) -> (i32, i32) {
    %c0_i32 = arith.constant 0 : i32
    %c0_i32_0 = arith.constant 0 : i32
    %c0_i32_1 = arith.constant 0 : i32
    return %c0_i32, %c0_i32_0 : i32, i32
  }
  func.func @transform_2(%arg0: i32) -> (i32, i32) {
    %c0_i32 = arith.constant 0 : i32
    %c0_i32_0 = arith.constant 0 : i32
    %c0_i32_1 = arith.constant 0 : i32
    return %c0_i32, %c0_i32_0 : i32, i32
  }
  func.func @transform_3(%arg0: i32) -> (i32, i32) {
    %c0_i32 = arith.constant 0 : i32
    %c0_i32_0 = arith.constant 0 : i32
    return %arg0, %c0_i32 : i32, i32
  }
}

module attributes {stable_mosaic.version = 14 : i64} {
  func.func @_tmid_body(%arg0: i32, %arg1: memref<32x1000x8xf32, #tpu.memory_space<vmem>>, %arg2: memref<1000x192xf32, #tpu.memory_space<vmem>>, %arg3: memref<4x160x64xf32, #tpu.memory_space<vmem>>, %arg4: memref<4x160x64xf32, #tpu.memory_space<vmem>>, %arg5: memref<1000x128xf32, #tpu.memory_space<vmem>>, %arg6: memref<1000x128xf32, #tpu.memory_space<vmem>>) attributes {dimension_semantics = [#tpu.dimension_semantics<arbitrary>], iteration_bounds = array<i64: 10>, scalar_prefetch = 0 : i64, scratch_operands = 0 : i64, tpu.core_type = #tpu.core_type<tc>, window_params = [{transform_indices = @transform_0, window_bounds = array<i64: 32, 1000, 8>}, {transform_indices = @transform_1, window_bounds = array<i64: 1000, 192>}, {pipeline_mode = #tpu.pipeline_mode<synchronous>, transform_indices = @transform_2, window_bounds = array<i64: 4, 160, 64>}, {pipeline_mode = #tpu.pipeline_mode<synchronous>, transform_indices = @transform_3, window_bounds = array<i64: 4, 160, 64>}, {transform_indices = @transform_4, window_bounds = array<i64: 1000, 128>}, {transform_indices = @transform_5, window_bounds = array<i64: 1000, 128>}]} {
    %get3A = arith.constant 0 : index
    %get3A_0 = arith.constant 0 : index
    %get3A_1 = arith.constant 0 : index
    %get3A_2 = vector.load %arg1[%get3A, %get3A_0, %get3A_1] : memref<32x1000x8xf32, #tpu.memory_space<vmem>>, vector<32x1000x8xf32>
    %slice3A = vector.extract_strided_slice %get3A_2 {offsets = [0, 0, 0], sizes = [1, 1000, 8], strides = [1, 1, 1]} : vector<32x1000x8xf32> to vector<1x1000x8xf32>
    %squeeze3A = vector.shape_cast %slice3A : vector<1x1000x8xf32> to vector<1000x8xf32>
    %slice3A_3 = vector.extract_strided_slice %get3A_2 {offsets = [16, 0, 0], sizes = [1, 1000, 8], strides = [1, 1, 1]} : vector<32x1000x8xf32> to vector<1x1000x8xf32>
    %squeeze3A_4 = vector.shape_cast %slice3A_3 : vector<1x1000x8xf32> to vector<1000x8xf32>
    %max3A = arith.maximumf %squeeze3A, %squeeze3A_4 : vector<1000x8xf32>
    %is_finite3A = tpu.weird %max3A : vector<1000x8xf32> -> vector<1000x8xi1>
    %is_finite3A_5 = arith.constant dense<true> : vector<1000x8xi1>
    %is_finite3A_6 = arith.xori %is_finite3A, %is_finite3A_5 : vector<1000x8xi1>
    %jit3A = arith.constant 0.000000e+00 : f32
    %broadcast_in_dim3A = vector.broadcast %jit3A : f32 to vector<1000x8xf32>
    %select_n3A = arith.select %is_finite3A_6, %max3A, %broadcast_in_dim3A : vector<1000x8xi1>, vector<1000x8xf32>
    %tanh3A = math.tanh %select_n3A : vector<1000x8xf32>
    %slice3A_7 = vector.extract_strided_slice %get3A_2 {offsets = [1, 0, 0], sizes = [1, 1000, 8], strides = [1, 1, 1]} : vector<32x1000x8xf32> to vector<1x1000x8xf32>
    %squeeze3A_8 = vector.shape_cast %slice3A_7 : vector<1x1000x8xf32> to vector<1000x8xf32>
    %slice3A_9 = vector.extract_strided_slice %get3A_2 {offsets = [17, 0, 0], sizes = [1, 1000, 8], strides = [1, 1, 1]} : vector<32x1000x8xf32> to vector<1x1000x8xf32>
    %squeeze3A_10 = vector.shape_cast %slice3A_9 : vector<1x1000x8xf32> to vector<1000x8xf32>
    %max3A_11 = arith.maximumf %squeeze3A_8, %squeeze3A_10 : vector<1000x8xf32>
    %is_finite3A_12 = tpu.weird %max3A_11 : vector<1000x8xf32> -> vector<1000x8xi1>
    %is_finite3A_13 = arith.constant dense<true> : vector<1000x8xi1>
    %is_finite3A_14 = arith.xori %is_finite3A_12, %is_finite3A_13 : vector<1000x8xi1>
    %jit3A_15 = arith.constant 0.000000e+00 : f32
    %broadcast_in_dim3A_16 = vector.broadcast %jit3A_15 : f32 to vector<1000x8xf32>
    %select_n3A_17 = arith.select %is_finite3A_14, %max3A_11, %broadcast_in_dim3A_16 : vector<1000x8xi1>, vector<1000x8xf32>
    %tanh3A_18 = math.tanh %select_n3A_17 : vector<1000x8xf32>
    %slice3A_19 = vector.extract_strided_slice %get3A_2 {offsets = [2, 0, 0], sizes = [1, 1000, 8], strides = [1, 1, 1]} : vector<32x1000x8xf32> to vector<1x1000x8xf32>
    %squeeze3A_20 = vector.shape_cast %slice3A_19 : vector<1x1000x8xf32> to vector<1000x8xf32>
    %slice3A_21 = vector.extract_strided_slice %get3A_2 {offsets = [18, 0, 0], sizes = [1, 1000, 8], strides = [1, 1, 1]} : vector<32x1000x8xf32> to vector<1x1000x8xf32>
    %squeeze3A_22 = vector.shape_cast %slice3A_21 : vector<1x1000x8xf32> to vector<1000x8xf32>
    %max3A_23 = arith.maximumf %squeeze3A_20, %squeeze3A_22 : vector<1000x8xf32>
    %is_finite3A_24 = tpu.weird %max3A_23 : vector<1000x8xf32> -> vector<1000x8xi1>
    %is_finite3A_25 = arith.constant dense<true> : vector<1000x8xi1>
    %is_finite3A_26 = arith.xori %is_finite3A_24, %is_finite3A_25 : vector<1000x8xi1>
    %jit3A_27 = arith.constant 0.000000e+00 : f32
    %broadcast_in_dim3A_28 = vector.broadcast %jit3A_27 : f32 to vector<1000x8xf32>
    %select_n3A_29 = arith.select %is_finite3A_26, %max3A_23, %broadcast_in_dim3A_28 : vector<1000x8xi1>, vector<1000x8xf32>
    %tanh3A_30 = math.tanh %select_n3A_29 : vector<1000x8xf32>
    %slice3A_31 = vector.extract_strided_slice %get3A_2 {offsets = [3, 0, 0], sizes = [1, 1000, 8], strides = [1, 1, 1]} : vector<32x1000x8xf32> to vector<1x1000x8xf32>
    %squeeze3A_32 = vector.shape_cast %slice3A_31 : vector<1x1000x8xf32> to vector<1000x8xf32>
    %slice3A_33 = vector.extract_strided_slice %get3A_2 {offsets = [19, 0, 0], sizes = [1, 1000, 8], strides = [1, 1, 1]} : vector<32x1000x8xf32> to vector<1x1000x8xf32>
    %squeeze3A_34 = vector.shape_cast %slice3A_33 : vector<1x1000x8xf32> to vector<1000x8xf32>
    %max3A_35 = arith.maximumf %squeeze3A_32, %squeeze3A_34 : vector<1000x8xf32>
    %is_finite3A_36 = tpu.weird %max3A_35 : vector<1000x8xf32> -> vector<1000x8xi1>
    %is_finite3A_37 = arith.constant dense<true> : vector<1000x8xi1>
    %is_finite3A_38 = arith.xori %is_finite3A_36, %is_finite3A_37 : vector<1000x8xi1>
    %jit3A_39 = arith.constant 0.000000e+00 : f32
    %broadcast_in_dim3A_40 = vector.broadcast %jit3A_39 : f32 to vector<1000x8xf32>
    %select_n3A_41 = arith.select %is_finite3A_38, %max3A_35, %broadcast_in_dim3A_40 : vector<1000x8xi1>, vector<1000x8xf32>
    %tanh3A_42 = math.tanh %select_n3A_41 : vector<1000x8xf32>
    %slice3A_43 = vector.extract_strided_slice %get3A_2 {offsets = [4, 0, 0], sizes = [1, 1000, 8], strides = [1, 1, 1]} : vector<32x1000x8xf32> to vector<1x1000x8xf32>
    %squeeze3A_44 = vector.shape_cast %slice3A_43 : vector<1x1000x8xf32> to vector<1000x8xf32>
    %slice3A_45 = vector.extract_strided_slice %get3A_2 {offsets = [20, 0, 0], sizes = [1, 1000, 8], strides = [1, 1, 1]} : vector<32x1000x8xf32> to vector<1x1000x8xf32>
    %squeeze3A_46 = vector.shape_cast %slice3A_45 : vector<1x1000x8xf32> to vector<1000x8xf32>
    %max3A_47 = arith.maximumf %squeeze3A_44, %squeeze3A_46 : vector<1000x8xf32>
    %is_finite3A_48 = tpu.weird %max3A_47 : vector<1000x8xf32> -> vector<1000x8xi1>
    %is_finite3A_49 = arith.constant dense<true> : vector<1000x8xi1>
    %is_finite3A_50 = arith.xori %is_finite3A_48, %is_finite3A_49 : vector<1000x8xi1>
    %jit3A_51 = arith.constant 0.000000e+00 : f32
    %broadcast_in_dim3A_52 = vector.broadcast %jit3A_51 : f32 to vector<1000x8xf32>
    %select_n3A_53 = arith.select %is_finite3A_50, %max3A_47, %broadcast_in_dim3A_52 : vector<1000x8xi1>, vector<1000x8xf32>
    %tanh3A_54 = math.tanh %select_n3A_53 : vector<1000x8xf32>
    %slice3A_55 = vector.extract_strided_slice %get3A_2 {offsets = [5, 0, 0], sizes = [1, 1000, 8], strides = [1, 1, 1]} : vector<32x1000x8xf32> to vector<1x1000x8xf32>
    %squeeze3A_56 = vector.shape_cast %slice3A_55 : vector<1x1000x8xf32> to vector<1000x8xf32>
    %slice3A_57 = vector.extract_strided_slice %get3A_2 {offsets = [21, 0, 0], sizes = [1, 1000, 8], strides = [1, 1, 1]} : vector<32x1000x8xf32> to vector<1x1000x8xf32>
    %squeeze3A_58 = vector.shape_cast %slice3A_57 : vector<1x1000x8xf32> to vector<1000x8xf32>
    %max3A_59 = arith.maximumf %squeeze3A_56, %squeeze3A_58 : vector<1000x8xf32>
    %is_finite3A_60 = tpu.weird %max3A_59 : vector<1000x8xf32> -> vector<1000x8xi1>
    %is_finite3A_61 = arith.constant dense<true> : vector<1000x8xi1>
    %is_finite3A_62 = arith.xori %is_finite3A_60, %is_finite3A_61 : vector<1000x8xi1>
    %jit3A_63 = arith.constant 0.000000e+00 : f32
    %broadcast_in_dim3A_64 = vector.broadcast %jit3A_63 : f32 to vector<1000x8xf32>
    %select_n3A_65 = arith.select %is_finite3A_62, %max3A_59, %broadcast_in_dim3A_64 : vector<1000x8xi1>, vector<1000x8xf32>
    %tanh3A_66 = math.tanh %select_n3A_65 : vector<1000x8xf32>
    %slice3A_67 = vector.extract_strided_slice %get3A_2 {offsets = [6, 0, 0], sizes = [1, 1000, 8], strides = [1, 1, 1]} : vector<32x1000x8xf32> to vector<1x1000x8xf32>
    %squeeze3A_68 = vector.shape_cast %slice3A_67 : vector<1x1000x8xf32> to vector<1000x8xf32>
    %slice3A_69 = vector.extract_strided_slice %get3A_2 {offsets = [22, 0, 0], sizes = [1, 1000, 8], strides = [1, 1, 1]} : vector<32x1000x8xf32> to vector<1x1000x8xf32>
    %squeeze3A_70 = vector.shape_cast %slice3A_69 : vector<1x1000x8xf32> to vector<1000x8xf32>
    %max3A_71 = arith.maximumf %squeeze3A_68, %squeeze3A_70 : vector<1000x8xf32>
    %is_finite3A_72 = tpu.weird %max3A_71 : vector<1000x8xf32> -> vector<1000x8xi1>
    %is_finite3A_73 = arith.constant dense<true> : vector<1000x8xi1>
    %is_finite3A_74 = arith.xori %is_finite3A_72, %is_finite3A_73 : vector<1000x8xi1>
    %jit3A_75 = arith.constant 0.000000e+00 : f32
    %broadcast_in_dim3A_76 = vector.broadcast %jit3A_75 : f32 to vector<1000x8xf32>
    %select_n3A_77 = arith.select %is_finite3A_74, %max3A_71, %broadcast_in_dim3A_76 : vector<1000x8xi1>, vector<1000x8xf32>
    %tanh3A_78 = math.tanh %select_n3A_77 : vector<1000x8xf32>
    %slice3A_79 = vector.extract_strided_slice %get3A_2 {offsets = [7, 0, 0], sizes = [1, 1000, 8], strides = [1, 1, 1]} : vector<32x1000x8xf32> to vector<1x1000x8xf32>
    %squeeze3A_80 = vector.shape_cast %slice3A_79 : vector<1x1000x8xf32> to vector<1000x8xf32>
    %slice3A_81 = vector.extract_strided_slice %get3A_2 {offsets = [23, 0, 0], sizes = [1, 1000, 8], strides = [1, 1, 1]} : vector<32x1000x8xf32> to vector<1x1000x8xf32>
    %squeeze3A_82 = vector.shape_cast %slice3A_81 : vector<1x1000x8xf32> to vector<1000x8xf32>
    %max3A_83 = arith.maximumf %squeeze3A_80, %squeeze3A_82 : vector<1000x8xf32>
    %is_finite3A_84 = tpu.weird %max3A_83 : vector<1000x8xf32> -> vector<1000x8xi1>
    %is_finite3A_85 = arith.constant dense<true> : vector<1000x8xi1>
    %is_finite3A_86 = arith.xori %is_finite3A_84, %is_finite3A_85 : vector<1000x8xi1>
    %jit3A_87 = arith.constant 0.000000e+00 : f32
    %broadcast_in_dim3A_88 = vector.broadcast %jit3A_87 : f32 to vector<1000x8xf32>
    %select_n3A_89 = arith.select %is_finite3A_86, %max3A_83, %broadcast_in_dim3A_88 : vector<1000x8xi1>, vector<1000x8xf32>
    %tanh3A_90 = math.tanh %select_n3A_89 : vector<1000x8xf32>
    %slice3A_91 = vector.extract_strided_slice %get3A_2 {offsets = [8, 0, 0], sizes = [1, 1000, 8], strides = [1, 1, 1]} : vector<32x1000x8xf32> to vector<1x1000x8xf32>
    %squeeze3A_92 = vector.shape_cast %slice3A_91 : vector<1x1000x8xf32> to vector<1000x8xf32>
    %slice3A_93 = vector.extract_strided_slice %get3A_2 {offsets = [24, 0, 0], sizes = [1, 1000, 8], strides = [1, 1, 1]} : vector<32x1000x8xf32> to vector<1x1000x8xf32>
    %squeeze3A_94 = vector.shape_cast %slice3A_93 : vector<1x1000x8xf32> to vector<1000x8xf32>
    %max3A_95 = arith.maximumf %squeeze3A_92, %squeeze3A_94 : vector<1000x8xf32>
    %is_finite3A_96 = tpu.weird %max3A_95 : vector<1000x8xf32> -> vector<1000x8xi1>
    %is_finite3A_97 = arith.constant dense<true> : vector<1000x8xi1>
    %is_finite3A_98 = arith.xori %is_finite3A_96, %is_finite3A_97 : vector<1000x8xi1>
    %jit3A_99 = arith.constant 0.000000e+00 : f32
    %broadcast_in_dim3A_100 = vector.broadcast %jit3A_99 : f32 to vector<1000x8xf32>
    %select_n3A_101 = arith.select %is_finite3A_98, %max3A_95, %broadcast_in_dim3A_100 : vector<1000x8xi1>, vector<1000x8xf32>
    %tanh3A_102 = math.tanh %select_n3A_101 : vector<1000x8xf32>
    %slice3A_103 = vector.extract_strided_slice %get3A_2 {offsets = [9, 0, 0], sizes = [1, 1000, 8], strides = [1, 1, 1]} : vector<32x1000x8xf32> to vector<1x1000x8xf32>
    %squeeze3A_104 = vector.shape_cast %slice3A_103 : vector<1x1000x8xf32> to vector<1000x8xf32>
    %slice3A_105 = vector.extract_strided_slice %get3A_2 {offsets = [25, 0, 0], sizes = [1, 1000, 8], strides = [1, 1, 1]} : vector<32x1000x8xf32> to vector<1x1000x8xf32>
    %squeeze3A_106 = vector.shape_cast %slice3A_105 : vector<1x1000x8xf32> to vector<1000x8xf32>
    %max3A_107 = arith.maximumf %squeeze3A_104, %squeeze3A_106 : vector<1000x8xf32>
    %is_finite3A_108 = tpu.weird %max3A_107 : vector<1000x8xf32> -> vector<1000x8xi1>
    %is_finite3A_109 = arith.constant dense<true> : vector<1000x8xi1>
    %is_finite3A_110 = arith.xori %is_finite3A_108, %is_finite3A_109 : vector<1000x8xi1>
    %jit3A_111 = arith.constant 0.000000e+00 : f32
    %broadcast_in_dim3A_112 = vector.broadcast %jit3A_111 : f32 to vector<1000x8xf32>
    %select_n3A_113 = arith.select %is_finite3A_110, %max3A_107, %broadcast_in_dim3A_112 : vector<1000x8xi1>, vector<1000x8xf32>
    %tanh3A_114 = math.tanh %select_n3A_113 : vector<1000x8xf32>
    %slice3A_115 = vector.extract_strided_slice %get3A_2 {offsets = [10, 0, 0], sizes = [1, 1000, 8], strides = [1, 1, 1]} : vector<32x1000x8xf32> to vector<1x1000x8xf32>
    %squeeze3A_116 = vector.shape_cast %slice3A_115 : vector<1x1000x8xf32> to vector<1000x8xf32>
    %slice3A_117 = vector.extract_strided_slice %get3A_2 {offsets = [26, 0, 0], sizes = [1, 1000, 8], strides = [1, 1, 1]} : vector<32x1000x8xf32> to vector<1x1000x8xf32>
    %squeeze3A_118 = vector.shape_cast %slice3A_117 : vector<1x1000x8xf32> to vector<1000x8xf32>
    %max3A_119 = arith.maximumf %squeeze3A_116, %squeeze3A_118 : vector<1000x8xf32>
    %is_finite3A_120 = tpu.weird %max3A_119 : vector<1000x8xf32> -> vector<1000x8xi1>
    %is_finite3A_121 = arith.constant dense<true> : vector<1000x8xi1>
    %is_finite3A_122 = arith.xori %is_finite3A_120, %is_finite3A_121 : vector<1000x8xi1>
    %jit3A_123 = arith.constant 0.000000e+00 : f32
    %broadcast_in_dim3A_124 = vector.broadcast %jit3A_123 : f32 to vector<1000x8xf32>
    %select_n3A_125 = arith.select %is_finite3A_122, %max3A_119, %broadcast_in_dim3A_124 : vector<1000x8xi1>, vector<1000x8xf32>
    %tanh3A_126 = math.tanh %select_n3A_125 : vector<1000x8xf32>
    %slice3A_127 = vector.extract_strided_slice %get3A_2 {offsets = [11, 0, 0], sizes = [1, 1000, 8], strides = [1, 1, 1]} : vector<32x1000x8xf32> to vector<1x1000x8xf32>
    %squeeze3A_128 = vector.shape_cast %slice3A_127 : vector<1x1000x8xf32> to vector<1000x8xf32>
    %slice3A_129 = vector.extract_strided_slice %get3A_2 {offsets = [27, 0, 0], sizes = [1, 1000, 8], strides = [1, 1, 1]} : vector<32x1000x8xf32> to vector<1x1000x8xf32>
    %squeeze3A_130 = vector.shape_cast %slice3A_129 : vector<1x1000x8xf32> to vector<1000x8xf32>
    %max3A_131 = arith.maximumf %squeeze3A_128, %squeeze3A_130 : vector<1000x8xf32>
    %is_finite3A_132 = tpu.weird %max3A_131 : vector<1000x8xf32> -> vector<1000x8xi1>
    %is_finite3A_133 = arith.constant dense<true> : vector<1000x8xi1>
    %is_finite3A_134 = arith.xori %is_finite3A_132, %is_finite3A_133 : vector<1000x8xi1>
    %jit3A_135 = arith.constant 0.000000e+00 : f32
    %broadcast_in_dim3A_136 = vector.broadcast %jit3A_135 : f32 to vector<1000x8xf32>
    %select_n3A_137 = arith.select %is_finite3A_134, %max3A_131, %broadcast_in_dim3A_136 : vector<1000x8xi1>, vector<1000x8xf32>
    %tanh3A_138 = math.tanh %select_n3A_137 : vector<1000x8xf32>
    %slice3A_139 = vector.extract_strided_slice %get3A_2 {offsets = [12, 0, 0], sizes = [1, 1000, 8], strides = [1, 1, 1]} : vector<32x1000x8xf32> to vector<1x1000x8xf32>
    %squeeze3A_140 = vector.shape_cast %slice3A_139 : vector<1x1000x8xf32> to vector<1000x8xf32>
    %slice3A_141 = vector.extract_strided_slice %get3A_2 {offsets = [28, 0, 0], sizes = [1, 1000, 8], strides = [1, 1, 1]} : vector<32x1000x8xf32> to vector<1x1000x8xf32>
    %squeeze3A_142 = vector.shape_cast %slice3A_141 : vector<1x1000x8xf32> to vector<1000x8xf32>
    %max3A_143 = arith.maximumf %squeeze3A_140, %squeeze3A_142 : vector<1000x8xf32>
    %is_finite3A_144 = tpu.weird %max3A_143 : vector<1000x8xf32> -> vector<1000x8xi1>
    %is_finite3A_145 = arith.constant dense<true> : vector<1000x8xi1>
    %is_finite3A_146 = arith.xori %is_finite3A_144, %is_finite3A_145 : vector<1000x8xi1>
    %jit3A_147 = arith.constant 0.000000e+00 : f32
    %broadcast_in_dim3A_148 = vector.broadcast %jit3A_147 : f32 to vector<1000x8xf32>
    %select_n3A_149 = arith.select %is_finite3A_146, %max3A_143, %broadcast_in_dim3A_148 : vector<1000x8xi1>, vector<1000x8xf32>
    %tanh3A_150 = math.tanh %select_n3A_149 : vector<1000x8xf32>
    %slice3A_151 = vector.extract_strided_slice %get3A_2 {offsets = [13, 0, 0], sizes = [1, 1000, 8], strides = [1, 1, 1]} : vector<32x1000x8xf32> to vector<1x1000x8xf32>
    %squeeze3A_152 = vector.shape_cast %slice3A_151 : vector<1x1000x8xf32> to vector<1000x8xf32>
    %slice3A_153 = vector.extract_strided_slice %get3A_2 {offsets = [29, 0, 0], sizes = [1, 1000, 8], strides = [1, 1, 1]} : vector<32x1000x8xf32> to vector<1x1000x8xf32>
    %squeeze3A_154 = vector.shape_cast %slice3A_153 : vector<1x1000x8xf32> to vector<1000x8xf32>
    %max3A_155 = arith.maximumf %squeeze3A_152, %squeeze3A_154 : vector<1000x8xf32>
    %is_finite3A_156 = tpu.weird %max3A_155 : vector<1000x8xf32> -> vector<1000x8xi1>
    %is_finite3A_157 = arith.constant dense<true> : vector<1000x8xi1>
    %is_finite3A_158 = arith.xori %is_finite3A_156, %is_finite3A_157 : vector<1000x8xi1>
    %jit3A_159 = arith.constant 0.000000e+00 : f32
    %broadcast_in_dim3A_160 = vector.broadcast %jit3A_159 : f32 to vector<1000x8xf32>
    %select_n3A_161 = arith.select %is_finite3A_158, %max3A_155, %broadcast_in_dim3A_160 : vector<1000x8xi1>, vector<1000x8xf32>
    %tanh3A_162 = math.tanh %select_n3A_161 : vector<1000x8xf32>
    %slice3A_163 = vector.extract_strided_slice %get3A_2 {offsets = [14, 0, 0], sizes = [1, 1000, 8], strides = [1, 1, 1]} : vector<32x1000x8xf32> to vector<1x1000x8xf32>
    %squeeze3A_164 = vector.shape_cast %slice3A_163 : vector<1x1000x8xf32> to vector<1000x8xf32>
    %slice3A_165 = vector.extract_strided_slice %get3A_2 {offsets = [30, 0, 0], sizes = [1, 1000, 8], strides = [1, 1, 1]} : vector<32x1000x8xf32> to vector<1x1000x8xf32>
    %squeeze3A_166 = vector.shape_cast %slice3A_165 : vector<1x1000x8xf32> to vector<1000x8xf32>
    %max3A_167 = arith.maximumf %squeeze3A_164, %squeeze3A_166 : vector<1000x8xf32>
    %is_finite3A_168 = tpu.weird %max3A_167 : vector<1000x8xf32> -> vector<1000x8xi1>
    %is_finite3A_169 = arith.constant dense<true> : vector<1000x8xi1>
    %is_finite3A_170 = arith.xori %is_finite3A_168, %is_finite3A_169 : vector<1000x8xi1>
    %jit3A_171 = arith.constant 0.000000e+00 : f32
    %broadcast_in_dim3A_172 = vector.broadcast %jit3A_171 : f32 to vector<1000x8xf32>
    %select_n3A_173 = arith.select %is_finite3A_170, %max3A_167, %broadcast_in_dim3A_172 : vector<1000x8xi1>, vector<1000x8xf32>
    %tanh3A_174 = math.tanh %select_n3A_173 : vector<1000x8xf32>
    %slice3A_175 = vector.extract_strided_slice %get3A_2 {offsets = [15, 0, 0], sizes = [1, 1000, 8], strides = [1, 1, 1]} : vector<32x1000x8xf32> to vector<1x1000x8xf32>
    %squeeze3A_176 = vector.shape_cast %slice3A_175 : vector<1x1000x8xf32> to vector<1000x8xf32>
    %slice3A_177 = vector.extract_strided_slice %get3A_2 {offsets = [31, 0, 0], sizes = [1, 1000, 8], strides = [1, 1, 1]} : vector<32x1000x8xf32> to vector<1x1000x8xf32>
    %squeeze3A_178 = vector.shape_cast %slice3A_177 : vector<1x1000x8xf32> to vector<1000x8xf32>
    %max3A_179 = arith.maximumf %squeeze3A_176, %squeeze3A_178 : vector<1000x8xf32>
    %is_finite3A_180 = tpu.weird %max3A_179 : vector<1000x8xf32> -> vector<1000x8xi1>
    %is_finite3A_181 = arith.constant dense<true> : vector<1000x8xi1>
    %is_finite3A_182 = arith.xori %is_finite3A_180, %is_finite3A_181 : vector<1000x8xi1>
    %jit3A_183 = arith.constant 0.000000e+00 : f32
    %broadcast_in_dim3A_184 = vector.broadcast %jit3A_183 : f32 to vector<1000x8xf32>
    %select_n3A_185 = arith.select %is_finite3A_182, %max3A_179, %broadcast_in_dim3A_184 : vector<1000x8xi1>, vector<1000x8xf32>
    %tanh3A_186 = math.tanh %select_n3A_185 : vector<1000x8xf32>
    %get3A_187 = arith.constant 0 : index
    %get3A_188 = arith.constant 0 : index
    %get3A_189 = vector.load %arg2[%get3A_187, %get3A_188] : memref<1000x192xf32, #tpu.memory_space<vmem>>, vector<1000x192xf32>
    %slice3A_190 = vector.extract_strided_slice %get3A_189 {offsets = [0, 0], sizes = [1000, 96], strides = [1, 1]} : vector<1000x192xf32> to vector<1000x96xf32>
    %get3A_191 = arith.constant 0 : index
    %get3A_192 = arith.constant 0 : index
    %get3A_193 = arith.constant 0 : index
    %get3A_194 = vector.load %arg3[%get3A_191, %get3A_192, %get3A_193] : memref<4x160x64xf32, #tpu.memory_space<vmem>>, vector<1x160x64xf32>
    %get3A_195 = vector.shape_cast %get3A_194 : vector<1x160x64xf32> to vector<160x64xf32>
    %get3A_196 = arith.constant 2 : index
    %get3A_197 = arith.constant 0 : index
    %get3A_198 = arith.constant 0 : index
    %get3A_199 = vector.load %arg3[%get3A_196, %get3A_197, %get3A_198] : memref<4x160x64xf32, #tpu.memory_space<vmem>>, vector<1x1x64xf32>
    %get3A_200 = vector.shape_cast %get3A_199 : vector<1x1x64xf32> to vector<1x64xf32>
    %get3A_201 = arith.constant 0 : index
    %get3A_202 = arith.constant 0 : index
    %get3A_203 = arith.constant 0 : index
    %get3A_204 = vector.load %arg4[%get3A_201, %get3A_202, %get3A_203] : memref<4x160x64xf32, #tpu.memory_space<vmem>>, vector<1x160x64xf32>
    %get3A_205 = vector.shape_cast %get3A_204 : vector<1x160x64xf32> to vector<160x64xf32>
    %slice3A_206 = vector.extract_strided_slice %get3A_195 {offsets = [64, 0], sizes = [96, 64], strides = [1, 1]} : vector<160x64xf32> to vector<96x64xf32>
    %dot_general3A = arith.constant dense<0.000000e+00> : vector<1000x64xf32>
    %dot_general3A_207 = tpu.matmul %slice3A_190, %slice3A_206, %dot_general3A {dimension_numbers = #tpu.dot_dimension_numbers<[1], [0], [0], [1], [0, 0, 1, 1], [], []>, transpose_lhs_hint = false} : vector<1000x96xf32>, vector<96x64xf32>, vector<1000x64xf32> -> vector<1000x64xf32>
    %add3A = vector.broadcast %get3A_200 : vector<1x64xf32> to vector<1000x64xf32>
    %add3A_208 = arith.addf %dot_general3A_207, %add3A : vector<1000x64xf32>
    %slice3A_209 = vector.extract_strided_slice %get3A_205 {offsets = [64, 0], sizes = [96, 64], strides = [1, 1]} : vector<160x64xf32> to vector<96x64xf32>
    %dot_general3A_210 = arith.constant dense<0.000000e+00> : vector<1000x64xf32>
    %dot_general3A_211 = tpu.matmul %slice3A_190, %slice3A_209, %dot_general3A_210 {dimension_numbers = #tpu.dot_dimension_numbers<[1], [0], [0], [1], [0, 0, 1, 1], [], []>, transpose_lhs_hint = false} : vector<1000x96xf32>, vector<96x64xf32>, vector<1000x64xf32> -> vector<1000x64xf32>
    %slice3A_212 = vector.extract_strided_slice %get3A_195 {offsets = [0, 0], sizes = [8, 64], strides = [1, 1]} : vector<160x64xf32> to vector<8x64xf32>
    %dot_general3A_213 = arith.constant dense<0.000000e+00> : vector<1000x64xf32>
    %dot_general3A_214 = tpu.matmul %tanh3A, %slice3A_212, %dot_general3A_213 {dimension_numbers = #tpu.dot_dimension_numbers<[1], [0], [0], [1], [0, 0, 1, 1], [], []>, transpose_lhs_hint = false} : vector<1000x8xf32>, vector<8x64xf32>, vector<1000x64xf32> -> vector<1000x64xf32>
    %add3A_215 = arith.addf %add3A_208, %dot_general3A_214 : vector<1000x64xf32>
    %slice3A_216 = vector.extract_strided_slice %get3A_205 {offsets = [0, 0], sizes = [8, 64], strides = [1, 1]} : vector<160x64xf32> to vector<8x64xf32>
    %dot_general3A_217 = arith.constant dense<0.000000e+00> : vector<1000x64xf32>
    %dot_general3A_218 = tpu.matmul %tanh3A, %slice3A_216, %dot_general3A_217 {dimension_numbers = #tpu.dot_dimension_numbers<[1], [0], [0], [1], [0, 0, 1, 1], [], []>, transpose_lhs_hint = false} : vector<1000x8xf32>, vector<8x64xf32>, vector<1000x64xf32> -> vector<1000x64xf32>
    %add3A_219 = arith.addf %dot_general3A_211, %dot_general3A_218 : vector<1000x64xf32>
    %slice3A_220 = vector.extract_strided_slice %get3A_195 {offsets = [8, 0], sizes = [8, 64], strides = [1, 1]} : vector<160x64xf32> to vector<8x64xf32>
    %dot_general3A_221 = arith.constant dense<0.000000e+00> : vector<1000x64xf32>
    %dot_general3A_222 = tpu.matmul %tanh3A_18, %slice3A_220, %dot_general3A_221 {dimension_numbers = #tpu.dot_dimension_numbers<[1], [0], [0], [1], [0, 0, 1, 1], [], []>, transpose_lhs_hint = false} : vector<1000x8xf32>, vector<8x64xf32>, vector<1000x64xf32> -> vector<1000x64xf32>
    %add3A_223 = arith.addf %add3A_215, %dot_general3A_222 : vector<1000x64xf32>
    %slice3A_224 = vector.extract_strided_slice %get3A_205 {offsets = [8, 0], sizes = [8, 64], strides = [1, 1]} : vector<160x64xf32> to vector<8x64xf32>
    %dot_general3A_225 = arith.constant dense<0.000000e+00> : vector<1000x64xf32>
    %dot_general3A_226 = tpu.matmul %tanh3A_18, %slice3A_224, %dot_general3A_225 {dimension_numbers = #tpu.dot_dimension_numbers<[1], [0], [0], [1], [0, 0, 1, 1], [], []>, transpose_lhs_hint = false} : vector<1000x8xf32>, vector<8x64xf32>, vector<1000x64xf32> -> vector<1000x64xf32>
    %add3A_227 = arith.addf %add3A_219, %dot_general3A_226 : vector<1000x64xf32>
    %slice3A_228 = vector.extract_strided_slice %get3A_195 {offsets = [16, 0], sizes = [8, 64], strides = [1, 1]} : vector<160x64xf32> to vector<8x64xf32>
    %dot_general3A_229 = arith.constant dense<0.000000e+00> : vector<1000x64xf32>
    %dot_general3A_230 = tpu.matmul %tanh3A_30, %slice3A_228, %dot_general3A_229 {dimension_numbers = #tpu.dot_dimension_numbers<[1], [0], [0], [1], [0, 0, 1, 1], [], []>, transpose_lhs_hint = false} : vector<1000x8xf32>, vector<8x64xf32>, vector<1000x64xf32> -> vector<1000x64xf32>
    %add3A_231 = arith.addf %add3A_223, %dot_general3A_230 : vector<1000x64xf32>
    %slice3A_232 = vector.extract_strided_slice %get3A_205 {offsets = [16, 0], sizes = [8, 64], strides = [1, 1]} : vector<160x64xf32> to vector<8x64xf32>
    %dot_general3A_233 = arith.constant dense<0.000000e+00> : vector<1000x64xf32>
    %dot_general3A_234 = tpu.matmul %tanh3A_30, %slice3A_232, %dot_general3A_233 {dimension_numbers = #tpu.dot_dimension_numbers<[1], [0], [0], [1], [0, 0, 1, 1], [], []>, transpose_lhs_hint = false} : vector<1000x8xf32>, vector<8x64xf32>, vector<1000x64xf32> -> vector<1000x64xf32>
    %add3A_235 = arith.addf %add3A_227, %dot_general3A_234 : vector<1000x64xf32>
    %slice3A_236 = vector.extract_strided_slice %get3A_195 {offsets = [24, 0], sizes = [8, 64], strides = [1, 1]} : vector<160x64xf32> to vector<8x64xf32>
    %dot_general3A_237 = arith.constant dense<0.000000e+00> : vector<1000x64xf32>
    %dot_general3A_238 = tpu.matmul %tanh3A_42, %slice3A_236, %dot_general3A_237 {dimension_numbers = #tpu.dot_dimension_numbers<[1], [0], [0], [1], [0, 0, 1, 1], [], []>, transpose_lhs_hint = false} : vector<1000x8xf32>, vector<8x64xf32>, vector<1000x64xf32> -> vector<1000x64xf32>
    %add3A_239 = arith.addf %add3A_231, %dot_general3A_238 : vector<1000x64xf32>
    %slice3A_240 = vector.extract_strided_slice %get3A_205 {offsets = [24, 0], sizes = [8, 64], strides = [1, 1]} : vector<160x64xf32> to vector<8x64xf32>
    %dot_general3A_241 = arith.constant dense<0.000000e+00> : vector<1000x64xf32>
    %dot_general3A_242 = tpu.matmul %tanh3A_42, %slice3A_240, %dot_general3A_241 {dimension_numbers = #tpu.dot_dimension_numbers<[1], [0], [0], [1], [0, 0, 1, 1], [], []>, transpose_lhs_hint = false} : vector<1000x8xf32>, vector<8x64xf32>, vector<1000x64xf32> -> vector<1000x64xf32>
    %add3A_243 = arith.addf %add3A_235, %dot_general3A_242 : vector<1000x64xf32>
    %slice3A_244 = vector.extract_strided_slice %get3A_195 {offsets = [32, 0], sizes = [8, 64], strides = [1, 1]} : vector<160x64xf32> to vector<8x64xf32>
    %dot_general3A_245 = arith.constant dense<0.000000e+00> : vector<1000x64xf32>
    %dot_general3A_246 = tpu.matmul %tanh3A_54, %slice3A_244, %dot_general3A_245 {dimension_numbers = #tpu.dot_dimension_numbers<[1], [0], [0], [1], [0, 0, 1, 1], [], []>, transpose_lhs_hint = false} : vector<1000x8xf32>, vector<8x64xf32>, vector<1000x64xf32> -> vector<1000x64xf32>
    %add3A_247 = arith.addf %add3A_239, %dot_general3A_246 : vector<1000x64xf32>
    %slice3A_248 = vector.extract_strided_slice %get3A_205 {offsets = [32, 0], sizes = [8, 64], strides = [1, 1]} : vector<160x64xf32> to vector<8x64xf32>
    %dot_general3A_249 = arith.constant dense<0.000000e+00> : vector<1000x64xf32>
    %dot_general3A_250 = tpu.matmul %tanh3A_54, %slice3A_248, %dot_general3A_249 {dimension_numbers = #tpu.dot_dimension_numbers<[1], [0], [0], [1], [0, 0, 1, 1], [], []>, transpose_lhs_hint = false} : vector<1000x8xf32>, vector<8x64xf32>, vector<1000x64xf32> -> vector<1000x64xf32>
    %add3A_251 = arith.addf %add3A_243, %dot_general3A_250 : vector<1000x64xf32>
    %slice3A_252 = vector.extract_strided_slice %get3A_195 {offsets = [40, 0], sizes = [8, 64], strides = [1, 1]} : vector<160x64xf32> to vector<8x64xf32>
    %dot_general3A_253 = arith.constant dense<0.000000e+00> : vector<1000x64xf32>
    %dot_general3A_254 = tpu.matmul %tanh3A_66, %slice3A_252, %dot_general3A_253 {dimension_numbers = #tpu.dot_dimension_numbers<[1], [0], [0], [1], [0, 0, 1, 1], [], []>, transpose_lhs_hint = false} : vector<1000x8xf32>, vector<8x64xf32>, vector<1000x64xf32> -> vector<1000x64xf32>
    %add3A_255 = arith.addf %add3A_247, %dot_general3A_254 : vector<1000x64xf32>
    %slice3A_256 = vector.extract_strided_slice %get3A_205 {offsets = [40, 0], sizes = [8, 64], strides = [1, 1]} : vector<160x64xf32> to vector<8x64xf32>
    %dot_general3A_257 = arith.constant dense<0.000000e+00> : vector<1000x64xf32>
    %dot_general3A_258 = tpu.matmul %tanh3A_66, %slice3A_256, %dot_general3A_257 {dimension_numbers = #tpu.dot_dimension_numbers<[1], [0], [0], [1], [0, 0, 1, 1], [], []>, transpose_lhs_hint = false} : vector<1000x8xf32>, vector<8x64xf32>, vector<1000x64xf32> -> vector<1000x64xf32>
    %add3A_259 = arith.addf %add3A_251, %dot_general3A_258 : vector<1000x64xf32>
    %slice3A_260 = vector.extract_strided_slice %get3A_195 {offsets = [48, 0], sizes = [8, 64], strides = [1, 1]} : vector<160x64xf32> to vector<8x64xf32>
    %dot_general3A_261 = arith.constant dense<0.000000e+00> : vector<1000x64xf32>
    %dot_general3A_262 = tpu.matmul %tanh3A_78, %slice3A_260, %dot_general3A_261 {dimension_numbers = #tpu.dot_dimension_numbers<[1], [0], [0], [1], [0, 0, 1, 1], [], []>, transpose_lhs_hint = false} : vector<1000x8xf32>, vector<8x64xf32>, vector<1000x64xf32> -> vector<1000x64xf32>
    %add3A_263 = arith.addf %add3A_255, %dot_general3A_262 : vector<1000x64xf32>
    %slice3A_264 = vector.extract_strided_slice %get3A_205 {offsets = [48, 0], sizes = [8, 64], strides = [1, 1]} : vector<160x64xf32> to vector<8x64xf32>
    %dot_general3A_265 = arith.constant dense<0.000000e+00> : vector<1000x64xf32>
    %dot_general3A_266 = tpu.matmul %tanh3A_78, %slice3A_264, %dot_general3A_265 {dimension_numbers = #tpu.dot_dimension_numbers<[1], [0], [0], [1], [0, 0, 1, 1], [], []>, transpose_lhs_hint = false} : vector<1000x8xf32>, vector<8x64xf32>, vector<1000x64xf32> -> vector<1000x64xf32>
    %add3A_267 = arith.addf %add3A_259, %dot_general3A_266 : vector<1000x64xf32>
    %slice3A_268 = vector.extract_strided_slice %get3A_195 {offsets = [56, 0], sizes = [8, 64], strides = [1, 1]} : vector<160x64xf32> to vector<8x64xf32>
    %dot_general3A_269 = arith.constant dense<0.000000e+00> : vector<1000x64xf32>
    %dot_general3A_270 = tpu.matmul %tanh3A_90, %slice3A_268, %dot_general3A_269 {dimension_numbers = #tpu.dot_dimension_numbers<[1], [0], [0], [1], [0, 0, 1, 1], [], []>, transpose_lhs_hint = false} : vector<1000x8xf32>, vector<8x64xf32>, vector<1000x64xf32> -> vector<1000x64xf32>
    %add3A_271 = arith.addf %add3A_263, %dot_general3A_270 : vector<1000x64xf32>
    %slice3A_272 = vector.extract_strided_slice %get3A_205 {offsets = [56, 0], sizes = [8, 64], strides = [1, 1]} : vector<160x64xf32> to vector<8x64xf32>
    %dot_general3A_273 = arith.constant dense<0.000000e+00> : vector<1000x64xf32>
    %dot_general3A_274 = tpu.matmul %tanh3A_90, %slice3A_272, %dot_general3A_273 {dimension_numbers = #tpu.dot_dimension_numbers<[1], [0], [0], [1], [0, 0, 1, 1], [], []>, transpose_lhs_hint = false} : vector<1000x8xf32>, vector<8x64xf32>, vector<1000x64xf32> -> vector<1000x64xf32>
    %add3A_275 = arith.addf %add3A_267, %dot_general3A_274 : vector<1000x64xf32>
    %swap3A = arith.constant 0 : index
    %swap3A_276 = arith.constant 0 : index
    %swap3A_277 = vector.load %arg5[%swap3A, %swap3A_276] : memref<1000x128xf32, #tpu.memory_space<vmem>>, vector<1000x64xf32>
    tpu.vector_store %arg5[%swap3A, %swap3A_276], %add3A_271 {strides = array<i32>} : memref<1000x128xf32, #tpu.memory_space<vmem>>, vector<1000x64xf32>,
    %swap3A_278 = arith.constant 0 : index
    %swap3A_279 = arith.constant 0 : index
    %swap3A_280 = vector.load %arg6[%swap3A_278, %swap3A_279] : memref<1000x128xf32, #tpu.memory_space<vmem>>, vector<1000x64xf32>
    tpu.vector_store %arg6[%swap3A_278, %swap3A_279], %add3A_275 {strides = array<i32>} : memref<1000x128xf32, #tpu.memory_space<vmem>>, vector<1000x64xf32>,
    %slice3A_281 = vector.extract_strided_slice %get3A_189 {offsets = [0, 96], sizes = [1000, 96], strides = [1, 1]} : vector<1000x192xf32> to vector<1000x96xf32>
    %get3A_282 = arith.constant 1 : index
    %get3A_283 = arith.constant 0 : index
    %get3A_284 = arith.constant 0 : index
    %get3A_285 = vector.load %arg3[%get3A_282, %get3A_283, %get3A_284] : memref<4x160x64xf32, #tpu.memory_space<vmem>>, vector<1x160x64xf32>
    %get3A_286 = vector.shape_cast %get3A_285 : vector<1x160x64xf32> to vector<160x64xf32>
    %get3A_287 = arith.constant 3 : index
    %get3A_288 = arith.constant 0 : index
    %get3A_289 = arith.constant 0 : index
    %get3A_290 = vector.load %arg3[%get3A_287, %get3A_288, %get3A_289] : memref<4x160x64xf32, #tpu.memory_space<vmem>>, vector<1x1x64xf32>
    %get3A_291 = vector.shape_cast %get3A_290 : vector<1x1x64xf32> to vector<1x64xf32>
    %get3A_292 = arith.constant 1 : index
    %get3A_293 = arith.constant 0 : index
    %get3A_294 = arith.constant 0 : index
    %get3A_295 = vector.load %arg4[%get3A_292, %get3A_293, %get3A_294] : memref<4x160x64xf32, #tpu.memory_space<vmem>>, vector<1x160x64xf32>
    %get3A_296 = vector.shape_cast %get3A_295 : vector<1x160x64xf32> to vector<160x64xf32>
    %slice3A_297 = vector.extract_strided_slice %get3A_286 {offsets = [64, 0], sizes = [96, 64], strides = [1, 1]} : vector<160x64xf32> to vector<96x64xf32>
    %dot_general3A_298 = arith.constant dense<0.000000e+00> : vector<1000x64xf32>
    %dot_general3A_299 = tpu.matmul %slice3A_281, %slice3A_297, %dot_general3A_298 {dimension_numbers = #tpu.dot_dimension_numbers<[1], [0], [0], [1], [0, 0, 1, 1], [], []>, transpose_lhs_hint = false} : vector<1000x96xf32>, vector<96x64xf32>, vector<1000x64xf32> -> vector<1000x64xf32>
    %add3A_300 = vector.broadcast %get3A_291 : vector<1x64xf32> to vector<1000x64xf32>
    %add3A_301 = arith.addf %dot_general3A_299, %add3A_300 : vector<1000x64xf32>
    %slice3A_302 = vector.extract_strided_slice %get3A_296 {offsets = [64, 0], sizes = [96, 64], strides = [1, 1]} : vector<160x64xf32> to vector<96x64xf32>
    %dot_general3A_303 = arith.constant dense<0.000000e+00> : vector<1000x64xf32>
    %dot_general3A_304 = tpu.matmul %slice3A_281, %slice3A_302, %dot_general3A_303 {dimension_numbers = #tpu.dot_dimension_numbers<[1], [0], [0], [1], [0, 0, 1, 1], [], []>, transpose_lhs_hint = false} : vector<1000x96xf32>, vector<96x64xf32>, vector<1000x64xf32> -> vector<1000x64xf32>
    %slice3A_305 = vector.extract_strided_slice %get3A_286 {offsets = [0, 0], sizes = [8, 64], strides = [1, 1]} : vector<160x64xf32> to vector<8x64xf32>
    %dot_general3A_306 = arith.constant dense<0.000000e+00> : vector<1000x64xf32>
    %dot_general3A_307 = tpu.matmul %tanh3A_102, %slice3A_305, %dot_general3A_306 {dimension_numbers = #tpu.dot_dimension_numbers<[1], [0], [0], [1], [0, 0, 1, 1], [], []>, transpose_lhs_hint = false} : vector<1000x8xf32>, vector<8x64xf32>, vector<1000x64xf32> -> vector<1000x64xf32>
    %add3A_308 = arith.addf %add3A_301, %dot_general3A_307 : vector<1000x64xf32>
    %slice3A_309 = vector.extract_strided_slice %get3A_296 {offsets = [0, 0], sizes = [8, 64], strides = [1, 1]} : vector<160x64xf32> to vector<8x64xf32>
    %dot_general3A_310 = arith.constant dense<0.000000e+00> : vector<1000x64xf32>
    %dot_general3A_311 = tpu.matmul %tanh3A_102, %slice3A_309, %dot_general3A_310 {dimension_numbers = #tpu.dot_dimension_numbers<[1], [0], [0], [1], [0, 0, 1, 1], [], []>, transpose_lhs_hint = false} : vector<1000x8xf32>, vector<8x64xf32>, vector<1000x64xf32> -> vector<1000x64xf32>
    %add3A_312 = arith.addf %dot_general3A_304, %dot_general3A_311 : vector<1000x64xf32>
    %slice3A_313 = vector.extract_strided_slice %get3A_286 {offsets = [8, 0], sizes = [8, 64], strides = [1, 1]} : vector<160x64xf32> to vector<8x64xf32>
    %dot_general3A_314 = arith.constant dense<0.000000e+00> : vector<1000x64xf32>
    %dot_general3A_315 = tpu.matmul %tanh3A_114, %slice3A_313, %dot_general3A_314 {dimension_numbers = #tpu.dot_dimension_numbers<[1], [0], [0], [1], [0, 0, 1, 1], [], []>, transpose_lhs_hint = false} : vector<1000x8xf32>, vector<8x64xf32>, vector<1000x64xf32> -> vector<1000x64xf32>
    %add3A_316 = arith.addf %add3A_308, %dot_general3A_315 : vector<1000x64xf32>
    %slice3A_317 = vector.extract_strided_slice %get3A_296 {offsets = [8, 0], sizes = [8, 64], strides = [1, 1]} : vector<160x64xf32> to vector<8x64xf32>
    %dot_general3A_318 = arith.constant dense<0.000000e+00> : vector<1000x64xf32>
    %dot_general3A_319 = tpu.matmul %tanh3A_114, %slice3A_317, %dot_general3A_318 {dimension_numbers = #tpu.dot_dimension_numbers<[1], [0], [0], [1], [0, 0, 1, 1], [], []>, transpose_lhs_hint = false} : vector<1000x8xf32>, vector<8x64xf32>, vector<1000x64xf32> -> vector<1000x64xf32>
    %add3A_320 = arith.addf %add3A_312, %dot_general3A_319 : vector<1000x64xf32>
    %slice3A_321 = vector.extract_strided_slice %get3A_286 {offsets = [16, 0], sizes = [8, 64], strides = [1, 1]} : vector<160x64xf32> to vector<8x64xf32>
    %dot_general3A_322 = arith.constant dense<0.000000e+00> : vector<1000x64xf32>
    %dot_general3A_323 = tpu.matmul %tanh3A_126, %slice3A_321, %dot_general3A_322 {dimension_numbers = #tpu.dot_dimension_numbers<[1], [0], [0], [1], [0, 0, 1, 1], [], []>, transpose_lhs_hint = false} : vector<1000x8xf32>, vector<8x64xf32>, vector<1000x64xf32> -> vector<1000x64xf32>
    %add3A_324 = arith.addf %add3A_316, %dot_general3A_323 : vector<1000x64xf32>
    %slice3A_325 = vector.extract_strided_slice %get3A_296 {offsets = [16, 0], sizes = [8, 64], strides = [1, 1]} : vector<160x64xf32> to vector<8x64xf32>
    %dot_general3A_326 = arith.constant dense<0.000000e+00> : vector<1000x64xf32>
    %dot_general3A_327 = tpu.matmul %tanh3A_126, %slice3A_325, %dot_general3A_326 {dimension_numbers = #tpu.dot_dimension_numbers<[1], [0], [0], [1], [0, 0, 1, 1], [], []>, transpose_lhs_hint = false} : vector<1000x8xf32>, vector<8x64xf32>, vector<1000x64xf32> -> vector<1000x64xf32>
    %add3A_328 = arith.addf %add3A_320, %dot_general3A_327 : vector<1000x64xf32>
    %slice3A_329 = vector.extract_strided_slice %get3A_286 {offsets = [24, 0], sizes = [8, 64], strides = [1, 1]} : vector<160x64xf32> to vector<8x64xf32>
    %dot_general3A_330 = arith.constant dense<0.000000e+00> : vector<1000x64xf32>
    %dot_general3A_331 = tpu.matmul %tanh3A_138, %slice3A_329, %dot_general3A_330 {dimension_numbers = #tpu.dot_dimension_numbers<[1], [0], [0], [1], [0, 0, 1, 1], [], []>, transpose_lhs_hint = false} : vector<1000x8xf32>, vector<8x64xf32>, vector<1000x64xf32> -> vector<1000x64xf32>
    %add3A_332 = arith.addf %add3A_324, %dot_general3A_331 : vector<1000x64xf32>
    %slice3A_333 = vector.extract_strided_slice %get3A_296 {offsets = [24, 0], sizes = [8, 64], strides = [1, 1]} : vector<160x64xf32> to vector<8x64xf32>
    %dot_general3A_334 = arith.constant dense<0.000000e+00> : vector<1000x64xf32>
    %dot_general3A_335 = tpu.matmul %tanh3A_138, %slice3A_333, %dot_general3A_334 {dimension_numbers = #tpu.dot_dimension_numbers<[1], [0], [0], [1], [0, 0, 1, 1], [], []>, transpose_lhs_hint = false} : vector<1000x8xf32>, vector<8x64xf32>, vector<1000x64xf32> -> vector<1000x64xf32>
    %add3A_336 = arith.addf %add3A_328, %dot_general3A_335 : vector<1000x64xf32>
    %slice3A_337 = vector.extract_strided_slice %get3A_286 {offsets = [32, 0], sizes = [8, 64], strides = [1, 1]} : vector<160x64xf32> to vector<8x64xf32>
    %dot_general3A_338 = arith.constant dense<0.000000e+00> : vector<1000x64xf32>
    %dot_general3A_339 = tpu.matmul %tanh3A_150, %slice3A_337, %dot_general3A_338 {dimension_numbers = #tpu.dot_dimension_numbers<[1], [0], [0], [1], [0, 0, 1, 1], [], []>, transpose_lhs_hint = false} : vector<1000x8xf32>, vector<8x64xf32>, vector<1000x64xf32> -> vector<1000x64xf32>
    %add3A_340 = arith.addf %add3A_332, %dot_general3A_339 : vector<1000x64xf32>
    %slice3A_341 = vector.extract_strided_slice %get3A_296 {offsets = [32, 0], sizes = [8, 64], strides = [1, 1]} : vector<160x64xf32> to vector<8x64xf32>
    %dot_general3A_342 = arith.constant dense<0.000000e+00> : vector<1000x64xf32>
    %dot_general3A_343 = tpu.matmul %tanh3A_150, %slice3A_341, %dot_general3A_342 {dimension_numbers = #tpu.dot_dimension_numbers<[1], [0], [0], [1], [0, 0, 1, 1], [], []>, transpose_lhs_hint = false} : vector<1000x8xf32>, vector<8x64xf32>, vector<1000x64xf32> -> vector<1000x64xf32>
    %add3A_344 = arith.addf %add3A_336, %dot_general3A_343 : vector<1000x64xf32>
    %slice3A_345 = vector.extract_strided_slice %get3A_286 {offsets = [40, 0], sizes = [8, 64], strides = [1, 1]} : vector<160x64xf32> to vector<8x64xf32>
    %dot_general3A_346 = arith.constant dense<0.000000e+00> : vector<1000x64xf32>
    %dot_general3A_347 = tpu.matmul %tanh3A_162, %slice3A_345, %dot_general3A_346 {dimension_numbers = #tpu.dot_dimension_numbers<[1], [0], [0], [1], [0, 0, 1, 1], [], []>, transpose_lhs_hint = false} : vector<1000x8xf32>, vector<8x64xf32>, vector<1000x64xf32> -> vector<1000x64xf32>
    %add3A_348 = arith.addf %add3A_340, %dot_general3A_347 : vector<1000x64xf32>
    %slice3A_349 = vector.extract_strided_slice %get3A_296 {offsets = [40, 0], sizes = [8, 64], strides = [1, 1]} : vector<160x64xf32> to vector<8x64xf32>
    %dot_general3A_350 = arith.constant dense<0.000000e+00> : vector<1000x64xf32>
    %dot_general3A_351 = tpu.matmul %tanh3A_162, %slice3A_349, %dot_general3A_350 {dimension_numbers = #tpu.dot_dimension_numbers<[1], [0], [0], [1], [0, 0, 1, 1], [], []>, transpose_lhs_hint = false} : vector<1000x8xf32>, vector<8x64xf32>, vector<1000x64xf32> -> vector<1000x64xf32>
    %add3A_352 = arith.addf %add3A_344, %dot_general3A_351 : vector<1000x64xf32>
    %slice3A_353 = vector.extract_strided_slice %get3A_286 {offsets = [48, 0], sizes = [8, 64], strides = [1, 1]} : vector<160x64xf32> to vector<8x64xf32>
    %dot_general3A_354 = arith.constant dense<0.000000e+00> : vector<1000x64xf32>
    %dot_general3A_355 = tpu.matmul %tanh3A_174, %slice3A_353, %dot_general3A_354 {dimension_numbers = #tpu.dot_dimension_numbers<[1], [0], [0], [1], [0, 0, 1, 1], [], []>, transpose_lhs_hint = false} : vector<1000x8xf32>, vector<8x64xf32>, vector<1000x64xf32> -> vector<1000x64xf32>
    %add3A_356 = arith.addf %add3A_348, %dot_general3A_355 : vector<1000x64xf32>
    %slice3A_357 = vector.extract_strided_slice %get3A_296 {offsets = [48, 0], sizes = [8, 64], strides = [1, 1]} : vector<160x64xf32> to vector<8x64xf32>
    %dot_general3A_358 = arith.constant dense<0.000000e+00> : vector<1000x64xf32>
    %dot_general3A_359 = tpu.matmul %tanh3A_174, %slice3A_357, %dot_general3A_358 {dimension_numbers = #tpu.dot_dimension_numbers<[1], [0], [0], [1], [0, 0, 1, 1], [], []>, transpose_lhs_hint = false} : vector<1000x8xf32>, vector<8x64xf32>, vector<1000x64xf32> -> vector<1000x64xf32>
    %add3A_360 = arith.addf %add3A_352, %dot_general3A_359 : vector<1000x64xf32>
    %slice3A_361 = vector.extract_strided_slice %get3A_286 {offsets = [56, 0], sizes = [8, 64], strides = [1, 1]} : vector<160x64xf32> to vector<8x64xf32>
    %dot_general3A_362 = arith.constant dense<0.000000e+00> : vector<1000x64xf32>
    %dot_general3A_363 = tpu.matmul %tanh3A_186, %slice3A_361, %dot_general3A_362 {dimension_numbers = #tpu.dot_dimension_numbers<[1], [0], [0], [1], [0, 0, 1, 1], [], []>, transpose_lhs_hint = false} : vector<1000x8xf32>, vector<8x64xf32>, vector<1000x64xf32> -> vector<1000x64xf32>
    %add3A_364 = arith.addf %add3A_356, %dot_general3A_363 : vector<1000x64xf32>
    %slice3A_365 = vector.extract_strided_slice %get3A_296 {offsets = [56, 0], sizes = [8, 64], strides = [1, 1]} : vector<160x64xf32> to vector<8x64xf32>
    %dot_general3A_366 = arith.constant dense<0.000000e+00> : vector<1000x64xf32>
    %dot_general3A_367 = tpu.matmul %tanh3A_186, %slice3A_365, %dot_general3A_366 {dimension_numbers = #tpu.dot_dimension_numbers<[1], [0], [0], [1], [0, 0, 1, 1], [], []>, transpose_lhs_hint = false} : vector<1000x8xf32>, vector<8x64xf32>, vector<1000x64xf32> -> vector<1000x64xf32>
    %add3A_368 = arith.addf %add3A_360, %dot_general3A_367 : vector<1000x64xf32>
    %swap3A_369 = arith.constant 0 : index
    %swap3A_370 = arith.constant 64 : index
    %swap3A_371 = vector.load %arg5[%swap3A_369, %swap3A_370] : memref<1000x128xf32, #tpu.memory_space<vmem>>, vector<1000x64xf32>
    tpu.vector_store %arg5[%swap3A_369, %swap3A_370], %add3A_364 {strides = array<i32>} : memref<1000x128xf32, #tpu.memory_space<vmem>>, vector<1000x64xf32>,
    %swap3A_372 = arith.constant 0 : index
    %swap3A_373 = arith.constant 64 : index
    %swap3A_374 = vector.load %arg6[%swap3A_372, %swap3A_373] : memref<1000x128xf32, #tpu.memory_space<vmem>>, vector<1000x64xf32>
    tpu.vector_store %arg6[%swap3A_372, %swap3A_373], %add3A_368 {strides = array<i32>} : memref<1000x128xf32, #tpu.memory_space<vmem>>, vector<1000x64xf32>,
    return
  }
  func.func @transform_0(%arg0: i32) -> (i32, i32, i32) {
    %c0_i32 = arith.constant 0 : i32
    %c0_i32_0 = arith.constant 0 : i32
    %c0_i32_1 = arith.constant 0 : i32
    return %c0_i32, %arg0, %c0_i32_0 : i32, i32, i32
  }
  func.func @transform_1(%arg0: i32) -> (i32, i32) {
    %c0_i32 = arith.constant 0 : i32
    %c0_i32_0 = arith.constant 0 : i32
    return %arg0, %c0_i32 : i32, i32
  }
  func.func @transform_2(%arg0: i32) -> (i32, i32, i32) {
    %c0_i32 = arith.constant 0 : i32
    %c0_i32_0 = arith.constant 0 : i32
    %c0_i32_1 = arith.constant 0 : i32
    %c0_i32_2 = arith.constant 0 : i32
    return %c0_i32, %c0_i32_0, %c0_i32_1 : i32, i32, i32
  }
  func.func @transform_3(%arg0: i32) -> (i32, i32, i32) {
    %c0_i32 = arith.constant 0 : i32
    %c0_i32_0 = arith.constant 0 : i32
    %c0_i32_1 = arith.constant 0 : i32
    %c0_i32_2 = arith.constant 0 : i32
    return %c0_i32, %c0_i32_0, %c0_i32_1 : i32, i32, i32
  }
  func.func @transform_4(%arg0: i32) -> (i32, i32) {
    %c0_i32 = arith.constant 0 : i32
    %c0_i32_0 = arith.constant 0 : i32
    return %arg0, %c0_i32 : i32, i32
  }
  func.func @transform_5(%arg0: i32) -> (i32, i32) {
    %c0_i32 = arith.constant 0 : i32
    %c0_i32_0 = arith.constant 0 : i32
    return %arg0, %c0_i32 : i32, i32
  }
}

module attributes {stable_mosaic.version = 14 : i64} {
  func.func @_ttail_body(%arg0: i32, %arg1: memref<32x1000x8xf32, #tpu.memory_space<vmem>>, %arg2: memref<1000x192xf32, #tpu.memory_space<vmem>>, %arg3: memref<4x160x64xf32, #tpu.memory_space<vmem>>, %arg4: memref<4x64x8xf32, #tpu.memory_space<vmem>>, %arg5: memref<1000x8xf32, #tpu.memory_space<vmem>>, %arg6: memref<1000x8xf32, #tpu.memory_space<vmem>>) attributes {dimension_semantics = [#tpu.dimension_semantics<arbitrary>], iteration_bounds = array<i64: 10>, scalar_prefetch = 0 : i64, scratch_operands = 0 : i64, tpu.core_type = #tpu.core_type<tc>, window_params = [{transform_indices = @transform_0, window_bounds = array<i64: 32, 1000, 8>}, {transform_indices = @transform_1, window_bounds = array<i64: 1000, 192>}, {pipeline_mode = #tpu.pipeline_mode<synchronous>, transform_indices = @transform_2, window_bounds = array<i64: 4, 160, 64>}, {pipeline_mode = #tpu.pipeline_mode<synchronous>, transform_indices = @transform_3, window_bounds = array<i64: 4, 64, 8>}, {transform_indices = @transform_4, window_bounds = array<i64: 1000, 8>}, {transform_indices = @transform_5, window_bounds = array<i64: 1000, 8>}]} {
    %get3A = arith.constant 0 : index
    %get3A_0 = arith.constant 0 : index
    %get3A_1 = arith.constant 0 : index
    %get3A_2 = vector.load %arg1[%get3A, %get3A_0, %get3A_1] : memref<32x1000x8xf32, #tpu.memory_space<vmem>>, vector<32x1000x8xf32>
    %slice3A = vector.extract_strided_slice %get3A_2 {offsets = [0, 0, 0], sizes = [1, 1000, 8], strides = [1, 1, 1]} : vector<32x1000x8xf32> to vector<1x1000x8xf32>
    %squeeze3A = vector.shape_cast %slice3A : vector<1x1000x8xf32> to vector<1000x8xf32>
    %slice3A_3 = vector.extract_strided_slice %get3A_2 {offsets = [16, 0, 0], sizes = [1, 1000, 8], strides = [1, 1, 1]} : vector<32x1000x8xf32> to vector<1x1000x8xf32>
    %squeeze3A_4 = vector.shape_cast %slice3A_3 : vector<1x1000x8xf32> to vector<1000x8xf32>
    %max3A = arith.maximumf %squeeze3A, %squeeze3A_4 : vector<1000x8xf32>
    %is_finite3A = tpu.weird %max3A : vector<1000x8xf32> -> vector<1000x8xi1>
    %is_finite3A_5 = arith.constant dense<true> : vector<1000x8xi1>
    %is_finite3A_6 = arith.xori %is_finite3A, %is_finite3A_5 : vector<1000x8xi1>
    %jit3A = arith.constant 0.000000e+00 : f32
    %broadcast_in_dim3A = vector.broadcast %jit3A : f32 to vector<1000x8xf32>
    %select_n3A = arith.select %is_finite3A_6, %max3A, %broadcast_in_dim3A : vector<1000x8xi1>, vector<1000x8xf32>
    %tanh3A = math.tanh %select_n3A : vector<1000x8xf32>
    %slice3A_7 = vector.extract_strided_slice %get3A_2 {offsets = [1, 0, 0], sizes = [1, 1000, 8], strides = [1, 1, 1]} : vector<32x1000x8xf32> to vector<1x1000x8xf32>
    %squeeze3A_8 = vector.shape_cast %slice3A_7 : vector<1x1000x8xf32> to vector<1000x8xf32>
    %slice3A_9 = vector.extract_strided_slice %get3A_2 {offsets = [17, 0, 0], sizes = [1, 1000, 8], strides = [1, 1, 1]} : vector<32x1000x8xf32> to vector<1x1000x8xf32>
    %squeeze3A_10 = vector.shape_cast %slice3A_9 : vector<1x1000x8xf32> to vector<1000x8xf32>
    %max3A_11 = arith.maximumf %squeeze3A_8, %squeeze3A_10 : vector<1000x8xf32>
    %is_finite3A_12 = tpu.weird %max3A_11 : vector<1000x8xf32> -> vector<1000x8xi1>
    %is_finite3A_13 = arith.constant dense<true> : vector<1000x8xi1>
    %is_finite3A_14 = arith.xori %is_finite3A_12, %is_finite3A_13 : vector<1000x8xi1>
    %jit3A_15 = arith.constant 0.000000e+00 : f32
    %broadcast_in_dim3A_16 = vector.broadcast %jit3A_15 : f32 to vector<1000x8xf32>
    %select_n3A_17 = arith.select %is_finite3A_14, %max3A_11, %broadcast_in_dim3A_16 : vector<1000x8xi1>, vector<1000x8xf32>
    %tanh3A_18 = math.tanh %select_n3A_17 : vector<1000x8xf32>
    %slice3A_19 = vector.extract_strided_slice %get3A_2 {offsets = [2, 0, 0], sizes = [1, 1000, 8], strides = [1, 1, 1]} : vector<32x1000x8xf32> to vector<1x1000x8xf32>
    %squeeze3A_20 = vector.shape_cast %slice3A_19 : vector<1x1000x8xf32> to vector<1000x8xf32>
    %slice3A_21 = vector.extract_strided_slice %get3A_2 {offsets = [18, 0, 0], sizes = [1, 1000, 8], strides = [1, 1, 1]} : vector<32x1000x8xf32> to vector<1x1000x8xf32>
    %squeeze3A_22 = vector.shape_cast %slice3A_21 : vector<1x1000x8xf32> to vector<1000x8xf32>
    %max3A_23 = arith.maximumf %squeeze3A_20, %squeeze3A_22 : vector<1000x8xf32>
    %is_finite3A_24 = tpu.weird %max3A_23 : vector<1000x8xf32> -> vector<1000x8xi1>
    %is_finite3A_25 = arith.constant dense<true> : vector<1000x8xi1>
    %is_finite3A_26 = arith.xori %is_finite3A_24, %is_finite3A_25 : vector<1000x8xi1>
    %jit3A_27 = arith.constant 0.000000e+00 : f32
    %broadcast_in_dim3A_28 = vector.broadcast %jit3A_27 : f32 to vector<1000x8xf32>
    %select_n3A_29 = arith.select %is_finite3A_26, %max3A_23, %broadcast_in_dim3A_28 : vector<1000x8xi1>, vector<1000x8xf32>
    %tanh3A_30 = math.tanh %select_n3A_29 : vector<1000x8xf32>
    %slice3A_31 = vector.extract_strided_slice %get3A_2 {offsets = [3, 0, 0], sizes = [1, 1000, 8], strides = [1, 1, 1]} : vector<32x1000x8xf32> to vector<1x1000x8xf32>
    %squeeze3A_32 = vector.shape_cast %slice3A_31 : vector<1x1000x8xf32> to vector<1000x8xf32>
    %slice3A_33 = vector.extract_strided_slice %get3A_2 {offsets = [19, 0, 0], sizes = [1, 1000, 8], strides = [1, 1, 1]} : vector<32x1000x8xf32> to vector<1x1000x8xf32>
    %squeeze3A_34 = vector.shape_cast %slice3A_33 : vector<1x1000x8xf32> to vector<1000x8xf32>
    %max3A_35 = arith.maximumf %squeeze3A_32, %squeeze3A_34 : vector<1000x8xf32>
    %is_finite3A_36 = tpu.weird %max3A_35 : vector<1000x8xf32> -> vector<1000x8xi1>
    %is_finite3A_37 = arith.constant dense<true> : vector<1000x8xi1>
    %is_finite3A_38 = arith.xori %is_finite3A_36, %is_finite3A_37 : vector<1000x8xi1>
    %jit3A_39 = arith.constant 0.000000e+00 : f32
    %broadcast_in_dim3A_40 = vector.broadcast %jit3A_39 : f32 to vector<1000x8xf32>
    %select_n3A_41 = arith.select %is_finite3A_38, %max3A_35, %broadcast_in_dim3A_40 : vector<1000x8xi1>, vector<1000x8xf32>
    %tanh3A_42 = math.tanh %select_n3A_41 : vector<1000x8xf32>
    %slice3A_43 = vector.extract_strided_slice %get3A_2 {offsets = [4, 0, 0], sizes = [1, 1000, 8], strides = [1, 1, 1]} : vector<32x1000x8xf32> to vector<1x1000x8xf32>
    %squeeze3A_44 = vector.shape_cast %slice3A_43 : vector<1x1000x8xf32> to vector<1000x8xf32>
    %slice3A_45 = vector.extract_strided_slice %get3A_2 {offsets = [20, 0, 0], sizes = [1, 1000, 8], strides = [1, 1, 1]} : vector<32x1000x8xf32> to vector<1x1000x8xf32>
    %squeeze3A_46 = vector.shape_cast %slice3A_45 : vector<1x1000x8xf32> to vector<1000x8xf32>
    %max3A_47 = arith.maximumf %squeeze3A_44, %squeeze3A_46 : vector<1000x8xf32>
    %is_finite3A_48 = tpu.weird %max3A_47 : vector<1000x8xf32> -> vector<1000x8xi1>
    %is_finite3A_49 = arith.constant dense<true> : vector<1000x8xi1>
    %is_finite3A_50 = arith.xori %is_finite3A_48, %is_finite3A_49 : vector<1000x8xi1>
    %jit3A_51 = arith.constant 0.000000e+00 : f32
    %broadcast_in_dim3A_52 = vector.broadcast %jit3A_51 : f32 to vector<1000x8xf32>
    %select_n3A_53 = arith.select %is_finite3A_50, %max3A_47, %broadcast_in_dim3A_52 : vector<1000x8xi1>, vector<1000x8xf32>
    %tanh3A_54 = math.tanh %select_n3A_53 : vector<1000x8xf32>
    %slice3A_55 = vector.extract_strided_slice %get3A_2 {offsets = [5, 0, 0], sizes = [1, 1000, 8], strides = [1, 1, 1]} : vector<32x1000x8xf32> to vector<1x1000x8xf32>
    %squeeze3A_56 = vector.shape_cast %slice3A_55 : vector<1x1000x8xf32> to vector<1000x8xf32>
    %slice3A_57 = vector.extract_strided_slice %get3A_2 {offsets = [21, 0, 0], sizes = [1, 1000, 8], strides = [1, 1, 1]} : vector<32x1000x8xf32> to vector<1x1000x8xf32>
    %squeeze3A_58 = vector.shape_cast %slice3A_57 : vector<1x1000x8xf32> to vector<1000x8xf32>
    %max3A_59 = arith.maximumf %squeeze3A_56, %squeeze3A_58 : vector<1000x8xf32>
    %is_finite3A_60 = tpu.weird %max3A_59 : vector<1000x8xf32> -> vector<1000x8xi1>
    %is_finite3A_61 = arith.constant dense<true> : vector<1000x8xi1>
    %is_finite3A_62 = arith.xori %is_finite3A_60, %is_finite3A_61 : vector<1000x8xi1>
    %jit3A_63 = arith.constant 0.000000e+00 : f32
    %broadcast_in_dim3A_64 = vector.broadcast %jit3A_63 : f32 to vector<1000x8xf32>
    %select_n3A_65 = arith.select %is_finite3A_62, %max3A_59, %broadcast_in_dim3A_64 : vector<1000x8xi1>, vector<1000x8xf32>
    %tanh3A_66 = math.tanh %select_n3A_65 : vector<1000x8xf32>
    %slice3A_67 = vector.extract_strided_slice %get3A_2 {offsets = [6, 0, 0], sizes = [1, 1000, 8], strides = [1, 1, 1]} : vector<32x1000x8xf32> to vector<1x1000x8xf32>
    %squeeze3A_68 = vector.shape_cast %slice3A_67 : vector<1x1000x8xf32> to vector<1000x8xf32>
    %slice3A_69 = vector.extract_strided_slice %get3A_2 {offsets = [22, 0, 0], sizes = [1, 1000, 8], strides = [1, 1, 1]} : vector<32x1000x8xf32> to vector<1x1000x8xf32>
    %squeeze3A_70 = vector.shape_cast %slice3A_69 : vector<1x1000x8xf32> to vector<1000x8xf32>
    %max3A_71 = arith.maximumf %squeeze3A_68, %squeeze3A_70 : vector<1000x8xf32>
    %is_finite3A_72 = tpu.weird %max3A_71 : vector<1000x8xf32> -> vector<1000x8xi1>
    %is_finite3A_73 = arith.constant dense<true> : vector<1000x8xi1>
    %is_finite3A_74 = arith.xori %is_finite3A_72, %is_finite3A_73 : vector<1000x8xi1>
    %jit3A_75 = arith.constant 0.000000e+00 : f32
    %broadcast_in_dim3A_76 = vector.broadcast %jit3A_75 : f32 to vector<1000x8xf32>
    %select_n3A_77 = arith.select %is_finite3A_74, %max3A_71, %broadcast_in_dim3A_76 : vector<1000x8xi1>, vector<1000x8xf32>
    %tanh3A_78 = math.tanh %select_n3A_77 : vector<1000x8xf32>
    %slice3A_79 = vector.extract_strided_slice %get3A_2 {offsets = [7, 0, 0], sizes = [1, 1000, 8], strides = [1, 1, 1]} : vector<32x1000x8xf32> to vector<1x1000x8xf32>
    %squeeze3A_80 = vector.shape_cast %slice3A_79 : vector<1x1000x8xf32> to vector<1000x8xf32>
    %slice3A_81 = vector.extract_strided_slice %get3A_2 {offsets = [23, 0, 0], sizes = [1, 1000, 8], strides = [1, 1, 1]} : vector<32x1000x8xf32> to vector<1x1000x8xf32>
    %squeeze3A_82 = vector.shape_cast %slice3A_81 : vector<1x1000x8xf32> to vector<1000x8xf32>
    %max3A_83 = arith.maximumf %squeeze3A_80, %squeeze3A_82 : vector<1000x8xf32>
    %is_finite3A_84 = tpu.weird %max3A_83 : vector<1000x8xf32> -> vector<1000x8xi1>
    %is_finite3A_85 = arith.constant dense<true> : vector<1000x8xi1>
    %is_finite3A_86 = arith.xori %is_finite3A_84, %is_finite3A_85 : vector<1000x8xi1>
    %jit3A_87 = arith.constant 0.000000e+00 : f32
    %broadcast_in_dim3A_88 = vector.broadcast %jit3A_87 : f32 to vector<1000x8xf32>
    %select_n3A_89 = arith.select %is_finite3A_86, %max3A_83, %broadcast_in_dim3A_88 : vector<1000x8xi1>, vector<1000x8xf32>
    %tanh3A_90 = math.tanh %select_n3A_89 : vector<1000x8xf32>
    %slice3A_91 = vector.extract_strided_slice %get3A_2 {offsets = [8, 0, 0], sizes = [1, 1000, 8], strides = [1, 1, 1]} : vector<32x1000x8xf32> to vector<1x1000x8xf32>
    %squeeze3A_92 = vector.shape_cast %slice3A_91 : vector<1x1000x8xf32> to vector<1000x8xf32>
    %slice3A_93 = vector.extract_strided_slice %get3A_2 {offsets = [24, 0, 0], sizes = [1, 1000, 8], strides = [1, 1, 1]} : vector<32x1000x8xf32> to vector<1x1000x8xf32>
    %squeeze3A_94 = vector.shape_cast %slice3A_93 : vector<1x1000x8xf32> to vector<1000x8xf32>
    %max3A_95 = arith.maximumf %squeeze3A_92, %squeeze3A_94 : vector<1000x8xf32>
    %is_finite3A_96 = tpu.weird %max3A_95 : vector<1000x8xf32> -> vector<1000x8xi1>
    %is_finite3A_97 = arith.constant dense<true> : vector<1000x8xi1>
    %is_finite3A_98 = arith.xori %is_finite3A_96, %is_finite3A_97 : vector<1000x8xi1>
    %jit3A_99 = arith.constant 0.000000e+00 : f32
    %broadcast_in_dim3A_100 = vector.broadcast %jit3A_99 : f32 to vector<1000x8xf32>
    %select_n3A_101 = arith.select %is_finite3A_98, %max3A_95, %broadcast_in_dim3A_100 : vector<1000x8xi1>, vector<1000x8xf32>
    %tanh3A_102 = math.tanh %select_n3A_101 : vector<1000x8xf32>
    %slice3A_103 = vector.extract_strided_slice %get3A_2 {offsets = [9, 0, 0], sizes = [1, 1000, 8], strides = [1, 1, 1]} : vector<32x1000x8xf32> to vector<1x1000x8xf32>
    %squeeze3A_104 = vector.shape_cast %slice3A_103 : vector<1x1000x8xf32> to vector<1000x8xf32>
    %slice3A_105 = vector.extract_strided_slice %get3A_2 {offsets = [25, 0, 0], sizes = [1, 1000, 8], strides = [1, 1, 1]} : vector<32x1000x8xf32> to vector<1x1000x8xf32>
    %squeeze3A_106 = vector.shape_cast %slice3A_105 : vector<1x1000x8xf32> to vector<1000x8xf32>
    %max3A_107 = arith.maximumf %squeeze3A_104, %squeeze3A_106 : vector<1000x8xf32>
    %is_finite3A_108 = tpu.weird %max3A_107 : vector<1000x8xf32> -> vector<1000x8xi1>
    %is_finite3A_109 = arith.constant dense<true> : vector<1000x8xi1>
    %is_finite3A_110 = arith.xori %is_finite3A_108, %is_finite3A_109 : vector<1000x8xi1>
    %jit3A_111 = arith.constant 0.000000e+00 : f32
    %broadcast_in_dim3A_112 = vector.broadcast %jit3A_111 : f32 to vector<1000x8xf32>
    %select_n3A_113 = arith.select %is_finite3A_110, %max3A_107, %broadcast_in_dim3A_112 : vector<1000x8xi1>, vector<1000x8xf32>
    %tanh3A_114 = math.tanh %select_n3A_113 : vector<1000x8xf32>
    %slice3A_115 = vector.extract_strided_slice %get3A_2 {offsets = [10, 0, 0], sizes = [1, 1000, 8], strides = [1, 1, 1]} : vector<32x1000x8xf32> to vector<1x1000x8xf32>
    %squeeze3A_116 = vector.shape_cast %slice3A_115 : vector<1x1000x8xf32> to vector<1000x8xf32>
    %slice3A_117 = vector.extract_strided_slice %get3A_2 {offsets = [26, 0, 0], sizes = [1, 1000, 8], strides = [1, 1, 1]} : vector<32x1000x8xf32> to vector<1x1000x8xf32>
    %squeeze3A_118 = vector.shape_cast %slice3A_117 : vector<1x1000x8xf32> to vector<1000x8xf32>
    %max3A_119 = arith.maximumf %squeeze3A_116, %squeeze3A_118 : vector<1000x8xf32>
    %is_finite3A_120 = tpu.weird %max3A_119 : vector<1000x8xf32> -> vector<1000x8xi1>
    %is_finite3A_121 = arith.constant dense<true> : vector<1000x8xi1>
    %is_finite3A_122 = arith.xori %is_finite3A_120, %is_finite3A_121 : vector<1000x8xi1>
    %jit3A_123 = arith.constant 0.000000e+00 : f32
    %broadcast_in_dim3A_124 = vector.broadcast %jit3A_123 : f32 to vector<1000x8xf32>
    %select_n3A_125 = arith.select %is_finite3A_122, %max3A_119, %broadcast_in_dim3A_124 : vector<1000x8xi1>, vector<1000x8xf32>
    %tanh3A_126 = math.tanh %select_n3A_125 : vector<1000x8xf32>
    %slice3A_127 = vector.extract_strided_slice %get3A_2 {offsets = [11, 0, 0], sizes = [1, 1000, 8], strides = [1, 1, 1]} : vector<32x1000x8xf32> to vector<1x1000x8xf32>
    %squeeze3A_128 = vector.shape_cast %slice3A_127 : vector<1x1000x8xf32> to vector<1000x8xf32>
    %slice3A_129 = vector.extract_strided_slice %get3A_2 {offsets = [27, 0, 0], sizes = [1, 1000, 8], strides = [1, 1, 1]} : vector<32x1000x8xf32> to vector<1x1000x8xf32>
    %squeeze3A_130 = vector.shape_cast %slice3A_129 : vector<1x1000x8xf32> to vector<1000x8xf32>
    %max3A_131 = arith.maximumf %squeeze3A_128, %squeeze3A_130 : vector<1000x8xf32>
    %is_finite3A_132 = tpu.weird %max3A_131 : vector<1000x8xf32> -> vector<1000x8xi1>
    %is_finite3A_133 = arith.constant dense<true> : vector<1000x8xi1>
    %is_finite3A_134 = arith.xori %is_finite3A_132, %is_finite3A_133 : vector<1000x8xi1>
    %jit3A_135 = arith.constant 0.000000e+00 : f32
    %broadcast_in_dim3A_136 = vector.broadcast %jit3A_135 : f32 to vector<1000x8xf32>
    %select_n3A_137 = arith.select %is_finite3A_134, %max3A_131, %broadcast_in_dim3A_136 : vector<1000x8xi1>, vector<1000x8xf32>
    %tanh3A_138 = math.tanh %select_n3A_137 : vector<1000x8xf32>
    %slice3A_139 = vector.extract_strided_slice %get3A_2 {offsets = [12, 0, 0], sizes = [1, 1000, 8], strides = [1, 1, 1]} : vector<32x1000x8xf32> to vector<1x1000x8xf32>
    %squeeze3A_140 = vector.shape_cast %slice3A_139 : vector<1x1000x8xf32> to vector<1000x8xf32>
    %slice3A_141 = vector.extract_strided_slice %get3A_2 {offsets = [28, 0, 0], sizes = [1, 1000, 8], strides = [1, 1, 1]} : vector<32x1000x8xf32> to vector<1x1000x8xf32>
    %squeeze3A_142 = vector.shape_cast %slice3A_141 : vector<1x1000x8xf32> to vector<1000x8xf32>
    %max3A_143 = arith.maximumf %squeeze3A_140, %squeeze3A_142 : vector<1000x8xf32>
    %is_finite3A_144 = tpu.weird %max3A_143 : vector<1000x8xf32> -> vector<1000x8xi1>
    %is_finite3A_145 = arith.constant dense<true> : vector<1000x8xi1>
    %is_finite3A_146 = arith.xori %is_finite3A_144, %is_finite3A_145 : vector<1000x8xi1>
    %jit3A_147 = arith.constant 0.000000e+00 : f32
    %broadcast_in_dim3A_148 = vector.broadcast %jit3A_147 : f32 to vector<1000x8xf32>
    %select_n3A_149 = arith.select %is_finite3A_146, %max3A_143, %broadcast_in_dim3A_148 : vector<1000x8xi1>, vector<1000x8xf32>
    %tanh3A_150 = math.tanh %select_n3A_149 : vector<1000x8xf32>
    %slice3A_151 = vector.extract_strided_slice %get3A_2 {offsets = [13, 0, 0], sizes = [1, 1000, 8], strides = [1, 1, 1]} : vector<32x1000x8xf32> to vector<1x1000x8xf32>
    %squeeze3A_152 = vector.shape_cast %slice3A_151 : vector<1x1000x8xf32> to vector<1000x8xf32>
    %slice3A_153 = vector.extract_strided_slice %get3A_2 {offsets = [29, 0, 0], sizes = [1, 1000, 8], strides = [1, 1, 1]} : vector<32x1000x8xf32> to vector<1x1000x8xf32>
    %squeeze3A_154 = vector.shape_cast %slice3A_153 : vector<1x1000x8xf32> to vector<1000x8xf32>
    %max3A_155 = arith.maximumf %squeeze3A_152, %squeeze3A_154 : vector<1000x8xf32>
    %is_finite3A_156 = tpu.weird %max3A_155 : vector<1000x8xf32> -> vector<1000x8xi1>
    %is_finite3A_157 = arith.constant dense<true> : vector<1000x8xi1>
    %is_finite3A_158 = arith.xori %is_finite3A_156, %is_finite3A_157 : vector<1000x8xi1>
    %jit3A_159 = arith.constant 0.000000e+00 : f32
    %broadcast_in_dim3A_160 = vector.broadcast %jit3A_159 : f32 to vector<1000x8xf32>
    %select_n3A_161 = arith.select %is_finite3A_158, %max3A_155, %broadcast_in_dim3A_160 : vector<1000x8xi1>, vector<1000x8xf32>
    %tanh3A_162 = math.tanh %select_n3A_161 : vector<1000x8xf32>
    %slice3A_163 = vector.extract_strided_slice %get3A_2 {offsets = [14, 0, 0], sizes = [1, 1000, 8], strides = [1, 1, 1]} : vector<32x1000x8xf32> to vector<1x1000x8xf32>
    %squeeze3A_164 = vector.shape_cast %slice3A_163 : vector<1x1000x8xf32> to vector<1000x8xf32>
    %slice3A_165 = vector.extract_strided_slice %get3A_2 {offsets = [30, 0, 0], sizes = [1, 1000, 8], strides = [1, 1, 1]} : vector<32x1000x8xf32> to vector<1x1000x8xf32>
    %squeeze3A_166 = vector.shape_cast %slice3A_165 : vector<1x1000x8xf32> to vector<1000x8xf32>
    %max3A_167 = arith.maximumf %squeeze3A_164, %squeeze3A_166 : vector<1000x8xf32>
    %is_finite3A_168 = tpu.weird %max3A_167 : vector<1000x8xf32> -> vector<1000x8xi1>
    %is_finite3A_169 = arith.constant dense<true> : vector<1000x8xi1>
    %is_finite3A_170 = arith.xori %is_finite3A_168, %is_finite3A_169 : vector<1000x8xi1>
    %jit3A_171 = arith.constant 0.000000e+00 : f32
    %broadcast_in_dim3A_172 = vector.broadcast %jit3A_171 : f32 to vector<1000x8xf32>
    %select_n3A_173 = arith.select %is_finite3A_170, %max3A_167, %broadcast_in_dim3A_172 : vector<1000x8xi1>, vector<1000x8xf32>
    %tanh3A_174 = math.tanh %select_n3A_173 : vector<1000x8xf32>
    %slice3A_175 = vector.extract_strided_slice %get3A_2 {offsets = [15, 0, 0], sizes = [1, 1000, 8], strides = [1, 1, 1]} : vector<32x1000x8xf32> to vector<1x1000x8xf32>
    %squeeze3A_176 = vector.shape_cast %slice3A_175 : vector<1x1000x8xf32> to vector<1000x8xf32>
    %slice3A_177 = vector.extract_strided_slice %get3A_2 {offsets = [31, 0, 0], sizes = [1, 1000, 8], strides = [1, 1, 1]} : vector<32x1000x8xf32> to vector<1x1000x8xf32>
    %squeeze3A_178 = vector.shape_cast %slice3A_177 : vector<1x1000x8xf32> to vector<1000x8xf32>
    %max3A_179 = arith.maximumf %squeeze3A_176, %squeeze3A_178 : vector<1000x8xf32>
    %is_finite3A_180 = tpu.weird %max3A_179 : vector<1000x8xf32> -> vector<1000x8xi1>
    %is_finite3A_181 = arith.constant dense<true> : vector<1000x8xi1>
    %is_finite3A_182 = arith.xori %is_finite3A_180, %is_finite3A_181 : vector<1000x8xi1>
    %jit3A_183 = arith.constant 0.000000e+00 : f32
    %broadcast_in_dim3A_184 = vector.broadcast %jit3A_183 : f32 to vector<1000x8xf32>
    %select_n3A_185 = arith.select %is_finite3A_182, %max3A_179, %broadcast_in_dim3A_184 : vector<1000x8xi1>, vector<1000x8xf32>
    %tanh3A_186 = math.tanh %select_n3A_185 : vector<1000x8xf32>
    %get3A_187 = arith.constant 0 : index
    %get3A_188 = arith.constant 0 : index
    %get3A_189 = vector.load %arg2[%get3A_187, %get3A_188] : memref<1000x192xf32, #tpu.memory_space<vmem>>, vector<1000x192xf32>
    %slice3A_190 = vector.extract_strided_slice %get3A_189 {offsets = [0, 0], sizes = [1000, 96], strides = [1, 1]} : vector<1000x192xf32> to vector<1000x96xf32>
    %get3A_191 = arith.constant 0 : index
    %get3A_192 = arith.constant 0 : index
    %get3A_193 = arith.constant 0 : index
    %get3A_194 = vector.load %arg3[%get3A_191, %get3A_192, %get3A_193] : memref<4x160x64xf32, #tpu.memory_space<vmem>>, vector<1x160x64xf32>
    %get3A_195 = vector.shape_cast %get3A_194 : vector<1x160x64xf32> to vector<160x64xf32>
    %get3A_196 = arith.constant 2 : index
    %get3A_197 = arith.constant 0 : index
    %get3A_198 = arith.constant 0 : index
    %get3A_199 = vector.load %arg3[%get3A_196, %get3A_197, %get3A_198] : memref<4x160x64xf32, #tpu.memory_space<vmem>>, vector<1x1x64xf32>
    %get3A_200 = vector.shape_cast %get3A_199 : vector<1x1x64xf32> to vector<1x64xf32>
    %slice3A_201 = vector.extract_strided_slice %get3A_195 {offsets = [64, 0], sizes = [96, 64], strides = [1, 1]} : vector<160x64xf32> to vector<96x64xf32>
    %dot_general3A = arith.constant dense<0.000000e+00> : vector<1000x64xf32>
    %dot_general3A_202 = tpu.matmul %slice3A_190, %slice3A_201, %dot_general3A {dimension_numbers = #tpu.dot_dimension_numbers<[1], [0], [0], [1], [0, 0, 1, 1], [], []>, transpose_lhs_hint = false} : vector<1000x96xf32>, vector<96x64xf32>, vector<1000x64xf32> -> vector<1000x64xf32>
    %add3A = vector.broadcast %get3A_200 : vector<1x64xf32> to vector<1000x64xf32>
    %add3A_203 = arith.addf %dot_general3A_202, %add3A : vector<1000x64xf32>
    %slice3A_204 = vector.extract_strided_slice %get3A_195 {offsets = [0, 0], sizes = [8, 64], strides = [1, 1]} : vector<160x64xf32> to vector<8x64xf32>
    %dot_general3A_205 = arith.constant dense<0.000000e+00> : vector<1000x64xf32>
    %dot_general3A_206 = tpu.matmul %tanh3A, %slice3A_204, %dot_general3A_205 {dimension_numbers = #tpu.dot_dimension_numbers<[1], [0], [0], [1], [0, 0, 1, 1], [], []>, transpose_lhs_hint = false} : vector<1000x8xf32>, vector<8x64xf32>, vector<1000x64xf32> -> vector<1000x64xf32>
    %add3A_207 = arith.addf %add3A_203, %dot_general3A_206 : vector<1000x64xf32>
    %slice3A_208 = vector.extract_strided_slice %get3A_195 {offsets = [8, 0], sizes = [8, 64], strides = [1, 1]} : vector<160x64xf32> to vector<8x64xf32>
    %dot_general3A_209 = arith.constant dense<0.000000e+00> : vector<1000x64xf32>
    %dot_general3A_210 = tpu.matmul %tanh3A_18, %slice3A_208, %dot_general3A_209 {dimension_numbers = #tpu.dot_dimension_numbers<[1], [0], [0], [1], [0, 0, 1, 1], [], []>, transpose_lhs_hint = false} : vector<1000x8xf32>, vector<8x64xf32>, vector<1000x64xf32> -> vector<1000x64xf32>
    %add3A_211 = arith.addf %add3A_207, %dot_general3A_210 : vector<1000x64xf32>
    %slice3A_212 = vector.extract_strided_slice %get3A_195 {offsets = [16, 0], sizes = [8, 64], strides = [1, 1]} : vector<160x64xf32> to vector<8x64xf32>
    %dot_general3A_213 = arith.constant dense<0.000000e+00> : vector<1000x64xf32>
    %dot_general3A_214 = tpu.matmul %tanh3A_30, %slice3A_212, %dot_general3A_213 {dimension_numbers = #tpu.dot_dimension_numbers<[1], [0], [0], [1], [0, 0, 1, 1], [], []>, transpose_lhs_hint = false} : vector<1000x8xf32>, vector<8x64xf32>, vector<1000x64xf32> -> vector<1000x64xf32>
    %add3A_215 = arith.addf %add3A_211, %dot_general3A_214 : vector<1000x64xf32>
    %slice3A_216 = vector.extract_strided_slice %get3A_195 {offsets = [24, 0], sizes = [8, 64], strides = [1, 1]} : vector<160x64xf32> to vector<8x64xf32>
    %dot_general3A_217 = arith.constant dense<0.000000e+00> : vector<1000x64xf32>
    %dot_general3A_218 = tpu.matmul %tanh3A_42, %slice3A_216, %dot_general3A_217 {dimension_numbers = #tpu.dot_dimension_numbers<[1], [0], [0], [1], [0, 0, 1, 1], [], []>, transpose_lhs_hint = false} : vector<1000x8xf32>, vector<8x64xf32>, vector<1000x64xf32> -> vector<1000x64xf32>
    %add3A_219 = arith.addf %add3A_215, %dot_general3A_218 : vector<1000x64xf32>
    %slice3A_220 = vector.extract_strided_slice %get3A_195 {offsets = [32, 0], sizes = [8, 64], strides = [1, 1]} : vector<160x64xf32> to vector<8x64xf32>
    %dot_general3A_221 = arith.constant dense<0.000000e+00> : vector<1000x64xf32>
    %dot_general3A_222 = tpu.matmul %tanh3A_54, %slice3A_220, %dot_general3A_221 {dimension_numbers = #tpu.dot_dimension_numbers<[1], [0], [0], [1], [0, 0, 1, 1], [], []>, transpose_lhs_hint = false} : vector<1000x8xf32>, vector<8x64xf32>, vector<1000x64xf32> -> vector<1000x64xf32>
    %add3A_223 = arith.addf %add3A_219, %dot_general3A_222 : vector<1000x64xf32>
    %slice3A_224 = vector.extract_strided_slice %get3A_195 {offsets = [40, 0], sizes = [8, 64], strides = [1, 1]} : vector<160x64xf32> to vector<8x64xf32>
    %dot_general3A_225 = arith.constant dense<0.000000e+00> : vector<1000x64xf32>
    %dot_general3A_226 = tpu.matmul %tanh3A_66, %slice3A_224, %dot_general3A_225 {dimension_numbers = #tpu.dot_dimension_numbers<[1], [0], [0], [1], [0, 0, 1, 1], [], []>, transpose_lhs_hint = false} : vector<1000x8xf32>, vector<8x64xf32>, vector<1000x64xf32> -> vector<1000x64xf32>
    %add3A_227 = arith.addf %add3A_223, %dot_general3A_226 : vector<1000x64xf32>
    %slice3A_228 = vector.extract_strided_slice %get3A_195 {offsets = [48, 0], sizes = [8, 64], strides = [1, 1]} : vector<160x64xf32> to vector<8x64xf32>
    %dot_general3A_229 = arith.constant dense<0.000000e+00> : vector<1000x64xf32>
    %dot_general3A_230 = tpu.matmul %tanh3A_78, %slice3A_228, %dot_general3A_229 {dimension_numbers = #tpu.dot_dimension_numbers<[1], [0], [0], [1], [0, 0, 1, 1], [], []>, transpose_lhs_hint = false} : vector<1000x8xf32>, vector<8x64xf32>, vector<1000x64xf32> -> vector<1000x64xf32>
    %add3A_231 = arith.addf %add3A_227, %dot_general3A_230 : vector<1000x64xf32>
    %slice3A_232 = vector.extract_strided_slice %get3A_195 {offsets = [56, 0], sizes = [8, 64], strides = [1, 1]} : vector<160x64xf32> to vector<8x64xf32>
    %dot_general3A_233 = arith.constant dense<0.000000e+00> : vector<1000x64xf32>
    %dot_general3A_234 = tpu.matmul %tanh3A_90, %slice3A_232, %dot_general3A_233 {dimension_numbers = #tpu.dot_dimension_numbers<[1], [0], [0], [1], [0, 0, 1, 1], [], []>, transpose_lhs_hint = false} : vector<1000x8xf32>, vector<8x64xf32>, vector<1000x64xf32> -> vector<1000x64xf32>
    %add3A_235 = arith.addf %add3A_231, %dot_general3A_234 : vector<1000x64xf32>
    %tanh3A_236 = math.tanh %add3A_235 : vector<1000x64xf32>
    %get3A_237 = arith.constant 0 : index
    %get3A_238 = arith.constant 0 : index
    %get3A_239 = arith.constant 0 : index
    %get3A_240 = vector.load %arg4[%get3A_237, %get3A_238, %get3A_239] : memref<4x64x8xf32, #tpu.memory_space<vmem>>, vector<1x64x8xf32>
    %get3A_241 = vector.shape_cast %get3A_240 : vector<1x64x8xf32> to vector<64x8xf32>
    %get3A_242 = arith.constant 2 : index
    %get3A_243 = arith.constant 0 : index
    %get3A_244 = arith.constant 0 : index
    %get3A_245 = vector.load %arg4[%get3A_242, %get3A_243, %get3A_244] : memref<4x64x8xf32, #tpu.memory_space<vmem>>, vector<1x1x8xf32>
    %get3A_246 = vector.shape_cast %get3A_245 : vector<1x1x8xf32> to vector<1x8xf32>
    %dot_general3A_247 = arith.constant dense<0.000000e+00> : vector<1000x8xf32>
    %dot_general3A_248 = tpu.matmul %tanh3A_236, %get3A_241, %dot_general3A_247 {dimension_numbers = #tpu.dot_dimension_numbers<[1], [0], [0], [1], [0, 0, 1, 1], [], []>, transpose_lhs_hint = false} : vector<1000x64xf32>, vector<64x8xf32>, vector<1000x8xf32> -> vector<1000x8xf32>
    %add3A_249 = vector.broadcast %get3A_246 : vector<1x8xf32> to vector<1000x8xf32>
    %add3A_250 = arith.addf %dot_general3A_248, %add3A_249 : vector<1000x8xf32>
    %swap3A = arith.constant 0 : index
    %swap3A_251 = arith.constant 0 : index
    %swap3A_252 = vector.load %arg5[%swap3A, %swap3A_251] : memref<1000x8xf32, #tpu.memory_space<vmem>>, vector<1000x8xf32>
    tpu.vector_store %arg5[%swap3A, %swap3A_251], %add3A_250 {strides = array<i32>} : memref<1000x8xf32, #tpu.memory_space<vmem>>, vector<1000x8xf32>,
    %slice3A_253 = vector.extract_strided_slice %get3A_189 {offsets = [0, 96], sizes = [1000, 96], strides = [1, 1]} : vector<1000x192xf32> to vector<1000x96xf32>
    %get3A_254 = arith.constant 1 : index
    %get3A_255 = arith.constant 0 : index
    %get3A_256 = arith.constant 0 : index
    %get3A_257 = vector.load %arg3[%get3A_254, %get3A_255, %get3A_256] : memref<4x160x64xf32, #tpu.memory_space<vmem>>, vector<1x160x64xf32>
    %get3A_258 = vector.shape_cast %get3A_257 : vector<1x160x64xf32> to vector<160x64xf32>
    %get3A_259 = arith.constant 3 : index
    %get3A_260 = arith.constant 0 : index
    %get3A_261 = arith.constant 0 : index
    %get3A_262 = vector.load %arg3[%get3A_259, %get3A_260, %get3A_261] : memref<4x160x64xf32, #tpu.memory_space<vmem>>, vector<1x1x64xf32>
    %get3A_263 = vector.shape_cast %get3A_262 : vector<1x1x64xf32> to vector<1x64xf32>
    %slice3A_264 = vector.extract_strided_slice %get3A_258 {offsets = [64, 0], sizes = [96, 64], strides = [1, 1]} : vector<160x64xf32> to vector<96x64xf32>
    %dot_general3A_265 = arith.constant dense<0.000000e+00> : vector<1000x64xf32>
    %dot_general3A_266 = tpu.matmul %slice3A_253, %slice3A_264, %dot_general3A_265 {dimension_numbers = #tpu.dot_dimension_numbers<[1], [0], [0], [1], [0, 0, 1, 1], [], []>, transpose_lhs_hint = false} : vector<1000x96xf32>, vector<96x64xf32>, vector<1000x64xf32> -> vector<1000x64xf32>
    %add3A_267 = vector.broadcast %get3A_263 : vector<1x64xf32> to vector<1000x64xf32>
    %add3A_268 = arith.addf %dot_general3A_266, %add3A_267 : vector<1000x64xf32>
    %slice3A_269 = vector.extract_strided_slice %get3A_258 {offsets = [0, 0], sizes = [8, 64], strides = [1, 1]} : vector<160x64xf32> to vector<8x64xf32>
    %dot_general3A_270 = arith.constant dense<0.000000e+00> : vector<1000x64xf32>
    %dot_general3A_271 = tpu.matmul %tanh3A_102, %slice3A_269, %dot_general3A_270 {dimension_numbers = #tpu.dot_dimension_numbers<[1], [0], [0], [1], [0, 0, 1, 1], [], []>, transpose_lhs_hint = false} : vector<1000x8xf32>, vector<8x64xf32>, vector<1000x64xf32> -> vector<1000x64xf32>
    %add3A_272 = arith.addf %add3A_268, %dot_general3A_271 : vector<1000x64xf32>
    %slice3A_273 = vector.extract_strided_slice %get3A_258 {offsets = [8, 0], sizes = [8, 64], strides = [1, 1]} : vector<160x64xf32> to vector<8x64xf32>
    %dot_general3A_274 = arith.constant dense<0.000000e+00> : vector<1000x64xf32>
    %dot_general3A_275 = tpu.matmul %tanh3A_114, %slice3A_273, %dot_general3A_274 {dimension_numbers = #tpu.dot_dimension_numbers<[1], [0], [0], [1], [0, 0, 1, 1], [], []>, transpose_lhs_hint = false} : vector<1000x8xf32>, vector<8x64xf32>, vector<1000x64xf32> -> vector<1000x64xf32>
    %add3A_276 = arith.addf %add3A_272, %dot_general3A_275 : vector<1000x64xf32>
    %slice3A_277 = vector.extract_strided_slice %get3A_258 {offsets = [16, 0], sizes = [8, 64], strides = [1, 1]} : vector<160x64xf32> to vector<8x64xf32>
    %dot_general3A_278 = arith.constant dense<0.000000e+00> : vector<1000x64xf32>
    %dot_general3A_279 = tpu.matmul %tanh3A_126, %slice3A_277, %dot_general3A_278 {dimension_numbers = #tpu.dot_dimension_numbers<[1], [0], [0], [1], [0, 0, 1, 1], [], []>, transpose_lhs_hint = false} : vector<1000x8xf32>, vector<8x64xf32>, vector<1000x64xf32> -> vector<1000x64xf32>
    %add3A_280 = arith.addf %add3A_276, %dot_general3A_279 : vector<1000x64xf32>
    %slice3A_281 = vector.extract_strided_slice %get3A_258 {offsets = [24, 0], sizes = [8, 64], strides = [1, 1]} : vector<160x64xf32> to vector<8x64xf32>
    %dot_general3A_282 = arith.constant dense<0.000000e+00> : vector<1000x64xf32>
    %dot_general3A_283 = tpu.matmul %tanh3A_138, %slice3A_281, %dot_general3A_282 {dimension_numbers = #tpu.dot_dimension_numbers<[1], [0], [0], [1], [0, 0, 1, 1], [], []>, transpose_lhs_hint = false} : vector<1000x8xf32>, vector<8x64xf32>, vector<1000x64xf32> -> vector<1000x64xf32>
    %add3A_284 = arith.addf %add3A_280, %dot_general3A_283 : vector<1000x64xf32>
    %slice3A_285 = vector.extract_strided_slice %get3A_258 {offsets = [32, 0], sizes = [8, 64], strides = [1, 1]} : vector<160x64xf32> to vector<8x64xf32>
    %dot_general3A_286 = arith.constant dense<0.000000e+00> : vector<1000x64xf32>
    %dot_general3A_287 = tpu.matmul %tanh3A_150, %slice3A_285, %dot_general3A_286 {dimension_numbers = #tpu.dot_dimension_numbers<[1], [0], [0], [1], [0, 0, 1, 1], [], []>, transpose_lhs_hint = false} : vector<1000x8xf32>, vector<8x64xf32>, vector<1000x64xf32> -> vector<1000x64xf32>
    %add3A_288 = arith.addf %add3A_284, %dot_general3A_287 : vector<1000x64xf32>
    %slice3A_289 = vector.extract_strided_slice %get3A_258 {offsets = [40, 0], sizes = [8, 64], strides = [1, 1]} : vector<160x64xf32> to vector<8x64xf32>
    %dot_general3A_290 = arith.constant dense<0.000000e+00> : vector<1000x64xf32>
    %dot_general3A_291 = tpu.matmul %tanh3A_162, %slice3A_289, %dot_general3A_290 {dimension_numbers = #tpu.dot_dimension_numbers<[1], [0], [0], [1], [0, 0, 1, 1], [], []>, transpose_lhs_hint = false} : vector<1000x8xf32>, vector<8x64xf32>, vector<1000x64xf32> -> vector<1000x64xf32>
    %add3A_292 = arith.addf %add3A_288, %dot_general3A_291 : vector<1000x64xf32>
    %slice3A_293 = vector.extract_strided_slice %get3A_258 {offsets = [48, 0], sizes = [8, 64], strides = [1, 1]} : vector<160x64xf32> to vector<8x64xf32>
    %dot_general3A_294 = arith.constant dense<0.000000e+00> : vector<1000x64xf32>
    %dot_general3A_295 = tpu.matmul %tanh3A_174, %slice3A_293, %dot_general3A_294 {dimension_numbers = #tpu.dot_dimension_numbers<[1], [0], [0], [1], [0, 0, 1, 1], [], []>, transpose_lhs_hint = false} : vector<1000x8xf32>, vector<8x64xf32>, vector<1000x64xf32> -> vector<1000x64xf32>
    %add3A_296 = arith.addf %add3A_292, %dot_general3A_295 : vector<1000x64xf32>
    %slice3A_297 = vector.extract_strided_slice %get3A_258 {offsets = [56, 0], sizes = [8, 64], strides = [1, 1]} : vector<160x64xf32> to vector<8x64xf32>
    %dot_general3A_298 = arith.constant dense<0.000000e+00> : vector<1000x64xf32>
    %dot_general3A_299 = tpu.matmul %tanh3A_186, %slice3A_297, %dot_general3A_298 {dimension_numbers = #tpu.dot_dimension_numbers<[1], [0], [0], [1], [0, 0, 1, 1], [], []>, transpose_lhs_hint = false} : vector<1000x8xf32>, vector<8x64xf32>, vector<1000x64xf32> -> vector<1000x64xf32>
    %add3A_300 = arith.addf %add3A_296, %dot_general3A_299 : vector<1000x64xf32>
    %tanh3A_301 = math.tanh %add3A_300 : vector<1000x64xf32>
    %get3A_302 = arith.constant 1 : index
    %get3A_303 = arith.constant 0 : index
    %get3A_304 = arith.constant 0 : index
    %get3A_305 = vector.load %arg4[%get3A_302, %get3A_303, %get3A_304] : memref<4x64x8xf32, #tpu.memory_space<vmem>>, vector<1x64x8xf32>
    %get3A_306 = vector.shape_cast %get3A_305 : vector<1x64x8xf32> to vector<64x8xf32>
    %get3A_307 = arith.constant 3 : index
    %get3A_308 = arith.constant 0 : index
    %get3A_309 = arith.constant 0 : index
    %get3A_310 = vector.load %arg4[%get3A_307, %get3A_308, %get3A_309] : memref<4x64x8xf32, #tpu.memory_space<vmem>>, vector<1x1x8xf32>
    %get3A_311 = vector.shape_cast %get3A_310 : vector<1x1x8xf32> to vector<1x8xf32>
    %dot_general3A_312 = arith.constant dense<0.000000e+00> : vector<1000x8xf32>
    %dot_general3A_313 = tpu.matmul %tanh3A_301, %get3A_306, %dot_general3A_312 {dimension_numbers = #tpu.dot_dimension_numbers<[1], [0], [0], [1], [0, 0, 1, 1], [], []>, transpose_lhs_hint = false} : vector<1000x64xf32>, vector<64x8xf32>, vector<1000x8xf32> -> vector<1000x8xf32>
    %add3A_314 = vector.broadcast %get3A_311 : vector<1x8xf32> to vector<1000x8xf32>
    %add3A_315 = arith.addf %dot_general3A_313, %add3A_314 : vector<1000x8xf32>
    %swap3A_316 = arith.constant 0 : index
    %swap3A_317 = arith.constant 0 : index
    %swap3A_318 = vector.load %arg6[%swap3A_316, %swap3A_317] : memref<1000x8xf32, #tpu.memory_space<vmem>>, vector<1000x8xf32>
    tpu.vector_store %arg6[%swap3A_316, %swap3A_317], %add3A_315 {strides = array<i32>} : memref<1000x8xf32, #tpu.memory_space<vmem>>, vector<1000x8xf32>,
    return
  }
  func.func @transform_0(%arg0: i32) -> (i32, i32, i32) {
    %c0_i32 = arith.constant 0 : i32
    %c0_i32_0 = arith.constant 0 : i32
    %c0_i32_1 = arith.constant 0 : i32
    return %c0_i32, %arg0, %c0_i32_0 : i32, i32, i32
  }
  func.func @transform_1(%arg0: i32) -> (i32, i32) {
    %c0_i32 = arith.constant 0 : i32
    %c0_i32_0 = arith.constant 0 : i32
    return %arg0, %c0_i32 : i32, i32
  }
  func.func @transform_2(%arg0: i32) -> (i32, i32, i32) {
    %c0_i32 = arith.constant 0 : i32
    %c0_i32_0 = arith.constant 0 : i32
    %c0_i32_1 = arith.constant 0 : i32
    %c0_i32_2 = arith.constant 0 : i32
    return %c0_i32, %c0_i32_0, %c0_i32_1 : i32, i32, i32
  }
  func.func @transform_3(%arg0: i32) -> (i32, i32, i32) {
    %c0_i32 = arith.constant 0 : i32
    %c0_i32_0 = arith.constant 0 : i32
    %c0_i32_1 = arith.constant 0 : i32
    %c0_i32_2 = arith.constant 0 : i32
    return %c0_i32, %c0_i32_0, %c0_i32_1 : i32, i32, i32
  }
  func.func @transform_4(%arg0: i32) -> (i32, i32) {
    %c0_i32 = arith.constant 0 : i32
    %c0_i32_0 = arith.constant 0 : i32
    return %arg0, %c0_i32 : i32, i32
  }
  func.func @transform_5(%arg0: i32) -> (i32, i32) {
    %c0_i32 = arith.constant 0 : i32
    %c0_i32_0 = arith.constant 0 : i32
    return %arg0, %c0_i32 : i32, i32
  }
}

</mosaic_0001>

<sc_bundles>
// kernel: kernel.11.cloned.1.call-start
scs
__scs_entry_jumppad:
0x0: {  	(pc) =	sbr.rel $0x88, $3  }
0x1: {  	(tag) =	ssettag $0x0;
	lr =	simm.s32 $0x1  }
0x2: {  	[smem:$0x3F63] =	sst lr;
	_ =	strace $0xD0000000  }
0x3: {  	_ = 	snop  }
0x4: {  	_ = 	snop  }
0x5: {  	_ = 	snop  }
0x6: {  	_ = 	snop  }
0x7: {  	_ = 	snop  }
__scs_overlays_trampoline_lowered:
0x8: {  	[smem:$0x3F72] =	sst s0  }
0x9: {  	[smem:$0x3F73] =	sst s1  }
0xa: {  	[smem:$0x3F74] =	sst s2  }
0xb: {  	[smem:$0x3F75] =	sst s3  }
0xc: {  	[smem:$0x3F76] =	sst s4  }
0xd: {  	[smem:$0x3F77] =	sst s5  }
0xe: {  	[smem:$0x3F78] =	sst s6  }
0xf: {  	[smem:$0x3F79] =	sst s7  }
0x10: {  	[smem:$0x3F7A] =	sst s8  }
0x11: {  	[smem:$0x3F7B] =	sst s9;
	s0 =	simm.s32 @!p0 $0x0  }
0x12: {  	s1 =	sld [smem:$0x3F61];
	s0 =	simm.s32 @p0 $0x1  }
0x13: {  	[smem:$0x3F7C] =	sst s0;
	s0 =	simm.s32 @!p1 $0x0  }
0x14: {  	s2 =	sld [smem:$0x3F60];
	s0 =	simm.s32 @p1 $0x1  }
0x15: {  	[smem:$0x3F7D] =	sst s0;
	s0 =	simm.s32 @!p2 $0x0  }
0x16: {  	s3 =	sld [smem:$0x3FDB];
	s0 =	simm.s32 @p2 $0x1  }
0x17: {  	s4 =	simm.s32 $0x1BF5;
	[smem:$0x3F7F] =	sst s0  }
0x18: {  	s0 =	sld [smem:$0x3F62];
	_ =	swait.ge [sflag:s4], $0x0  }
0x19: {  	s7 =	sld [smem:$0x3F63]  }
0x1a: {  	s8 =	sadd.s32 $0xFFFFE003, lr  }
0x1b: {  	s9 =	sadd.s32 $0xFFFFFEF7, lr;
	s5 =	simm.s32 $0xFFFFFFFF;
	p2 =	slt.u32 s8, $0xFFFFF086  }
0x1c: {  	p1 =	slt.u32 s9, $0xF7A;
	s5 =	simm.s32 @!p2 $0x0  }
0x1d: {  	s5 =	simm.s32 @p1 $0x1;
	p0 =	seq.s32 s7, s2  }
0x1e: {  	s7 =	smul.u32 @!p0 $0xF7A, s2;
	p2 =	seq.s32 @!p0 s5, $0x0  }
0x1f: {  	s9 =	smul.u32 $0xF7A, s1;
	s8 =	simm.s32 @!p0 $0x1BF5;
	p2 =	por !p2, p0  }
0x20: {  	[sflag:s8] =	ssyncset.s32 @!p0 $0xFFFFF086;
	s6 =	sadd.s32 @!p0 s3, s7;
	s7 =	simm.s32 @!p0 $0x108  }
0x21: {  	s3 =	sadd.s32 s3, s9;
	s6 =	sadd.s32 @!p0 $0x88, s6;
	s7 =	simm.s32 @p2 $0x1082  }
0x22: {  	[simem:s7], [sflag:s8] =	dma.local @!p0 [hbm:s6], $0xF7A  }
0x23: {  	s9 =	sor.u32 $0xD0000000, s2;
	s6 =	simm.s32 $0x108;
	_ =	swait.ge @!p0 [sflag:s8], $0x0  }
0x24: {  	s3 =	sadd.s32 $0x88, s3;
	s6 =	simm.s32 @!p1 $0x1082;
	[sflag:s4] =	ssyncset.s32 $0xFFFFF086  }
0x25: {  	[simem:s6], [sflag:s4] =	dma.local [hbm:s3], $0xF7A  }
0x26: {  	[smem:$0x3F63] =	sst s1;
	(tag) =	ssettag s2;
	_ =	strace s9  }
0x27: {  	s1 =	sld [smem:$0x3F73]  }
0x28: {  	s2 =	sld [smem:$0x3F74]  }
0x29: {  	s4 =	sld [smem:$0x3F76]  }
0x2a: {  	p0 =	seq.s32 s5, $0x0;
	s5 =	sld [smem:$0x3F77]  }
0x2b: {  	s6 =	sld [smem:$0x3F78]  }
0x2c: {  	s7 =	sld [smem:$0x3F79]  }
0x2d: {  	s3 =	simm.s32 $0x108;
	s8 =	sld [smem:$0x3F7A]  }
0x2e: {  	s3 =	simm.s32 @!p0 $0x1082;
	s9 =	sld [smem:$0x3F7B]  }
0x2f: {  	lr =	sadd.s32 s0, s3;
	s0 =	sld [smem:$0x3F72]  }
0x30: {  	s3 =	sld [smem:$0x3F75]  }
0x31: {  	[smem:$0x3F7E] =	sst s10  }
0x32: {  	s10 =	sld [smem:$0x3F7C];
	_ =	sdelay $0x3  }
0x33: {  	p0 =	seq.s32 s10, $0x1;
	s10 =	sld [smem:$0x3F7E];
	_ =	sdelay $0x3  }
0x34: {  	[smem:$0x3F7E] =	sst s10  }
0x35: {  	s10 =	sld [smem:$0x3F7D];
	_ =	sdelay $0x3  }
0x36: {  	p1 =	seq.s32 s10, $0x1;
	s10 =	sld [smem:$0x3F7E];
	_ =	sdelay $0x3  }
0x37: {  	[smem:$0x3F7E] =	sst s10  }
0x38: {  	s10 =	sld [smem:$0x3F7F]  }
0x39: {  	_ = 	snop;
	(pc) =	sbr.ind lr, $3  }
0x3a: {  	_ = 	snop  }
0x3b: {  	_ = 	snop  }
0x3c: {  	p2 =	seq.s32 s10, $0x1;
	s10 =	sld [smem:$0x3F7E]  }
0x3d: {  	_ =	shalt  }
0x3e: {  	_ =	shalt  }
0x3f: {  	_ =	shalt  }
0x40: {  	_ =	shalt  }
0x41: {  	_ =	shalt  }
0x42: {  	_ =	shalt  }
0x43: {  	_ =	shalt  }
0x44: {  	_ =	shalt  }
0x45: {  	_ =	shalt  }
0x46: {  	_ =	shalt  }
0x47: {  	_ =	shalt  }
0x48: {  	_ =	shalt  }
0x49: {  	_ =	shalt  }
0x4a: {  	_ =	shalt  }
0x4b: {  	_ =	shalt  }
0x4c: {  	_ =	shalt  }
0x4d: {  	_ =	shalt  }
0x4e: {  	_ =	shalt  }
0x4f: {  	_ =	shalt  }
0x50: {  	_ =	shalt  }
0x51: {  	_ =	shalt  }
0x52: {  	_ =	shalt  }
0x53: {  	_ =	shalt  }
0x54: {  	_ =	shalt  }
0x55: {  	_ =	shalt  }
0x56: {  	_ =	shalt  }
0x57: {  	_ =	shalt  }
0x58: {  	_ =	shalt  }
0x59: {  	_ =	shalt  }
0x5a: {  	_ =	shalt  }
0x5b: {  	_ =	shalt  }
0x5c: {  	_ =	shalt  }
0x5d: {  	_ =	shalt  }
0x5e: {  	_ =	shalt  }
0x5f: {  	_ =	shalt  }
0x60: {  	_ =	shalt  }
0x61: {  	_ =	shalt  }
0x62: {  	_ =	shalt  }
0x63: {  	_ =	shalt  }
0x64: {  	_ =	shalt  }
0x65: {  	_ =	shalt  }
0x66: {  	_ =	shalt  }
0x67: {  	_ =	shalt  }
0x68: {  	_ =	shalt  }
0x69: {  	_ =	shalt  }
0x6a: {  	_ =	shalt  }
0x6b: {  	_ =	shalt  }
0x6c: {  	_ =	shalt  }
0x6d: {  	_ =	shalt  }
0x6e: {  	_ =	shalt  }
0x6f: {  	_ =	shalt  }
0x70: {  	_ =	shalt  }
0x71: {  	_ =	shalt  }
0x72: {  	_ =	shalt  }
0x73: {  	_ =	shalt  }
0x74: {  	_ =	shalt  }
0x75: {  	_ =	shalt  }
0x76: {  	_ =	shalt  }
0x77: {  	_ =	shalt  }
0x78: {  	_ =	shalt  }
0x79: {  	_ =	shalt  }
0x7a: {  	_ =	shalt  }
0x7b: {  	_ =	shalt  }
0x7c: {  	_ =	shalt  }
0x7d: {  	_ =	shalt  }
0x7e: {  	_ =	shalt  }
0x7f: {  	_ =	shalt  }
0x80: {  	_ =	shalt  }
0x81: {  	_ =	shalt  }
0x82: {  	_ =	shalt  }
0x83: {  	_ =	shalt  }
0x84: {  	_ =	shalt  }
0x85: {  	_ =	shalt  }
0x86: {  	_ =	shalt  }
0x87: {  	_ =	shalt  }
.Lfunc_end0:
.L_simem_size_0:
called_computation_lowered:
.L_overlay_start_0:
0x88: {  	s2 =	sld [smem:$0x3FD9]  }
0x89: {  	s3 =	sld [smem:$0x3FFE];
	_ =	sdelay $0x1  }
0x8a: {  	s1 =	srdreg.scid  }
0x8b: {  	s0 =	sand.u32 $0x1, s1  }
0x8c: {  	s16 =	sshll.u32 s0, $0xA;
	s2 =	sadd.s32 s3, s2  }
0x8d: {  	s2 =	sadd.s32 s2, s16  }
0x8e: {  	[smem:$0x3F8A] =	sst s2  }
0x8f: {  	_ = 	snop  }
0x90: {  	(tm) =	ssettm $0x1  }
0x91: {  	s17 =	sld [smem:$0x3FFB];
	_ =	sdelay $0x3  }
0x92: {  	_ =	strace s17  }
0x93: {  	s2 =	sld [smem:$0x3FFC];
	_ =	sdelay $0x3  }
0x94: {  	_ =	strace s2  }
0x95: {  	s2 =	sld [smem:$0x3FFD];
	_ =	sdelay $0x3  }
0x96: {  	_ =	strace s2  }
0x97: {  	_ =	strace $0x8FFFFFFF  }
0x98: {  	s18 =	sld [smem:$0x3FDB];
	_ =	sdelay $0x1  }
0x99: {  	s19 =	simm.s32 $_scs_section_size  }
0x9a: {  	s4 =	simm.s32 $_size__tile_overlayer_lowered;
	s5 =	simm.s32 $_tile_overlayer_lowered  }
0x9b: {  	s22 =	simm.s32 $0x1BFF;
	s21 =	sshll.u32 s5, $0x1;
	s2 =	sadd.s32 s19, s18  }
0x9c: {  	s6 =	simm.s32 $0x0;
	s20 =	sshll.u32 s4, $0x1;
	s4 =	sadd.s32 s21, s2  }
0x9d: {  	[timem:s6], [sflag:s22] =	dma.local [hbm:s4], s20  }
0x9e: {  	_ =	swait.ge [sflag:s22], s20  }
0x9f: {  	s3 =	ssub.s32 $0x0, s20;
	[sflag:s22] =	ssyncset.done $0x0  }
0xa0: {  	[sflag:s22] =	ssyncadd.s32 s3;
	_ =	sdelay $0x1  }
0xa1: {  	s23 =	simm.s32 $0x1B8B  }
0xa2: {  	_ =	swait.ge [sflag:s23], $0x1  }
0xa3: {  	[sflag:s23] =	ssyncset.done $0x0  }
0xa4: {  	s25 =	simm.s32 $0x1B8E;
	s24 =	sld [smem:$0x3FFE];
	[sflag:s23] =	ssyncadd.s32 $0xFFFFFFFF  }
0xa5: {  	s26 =	simm.s32 $execute0_lowered;
	[smem:$0x3FD2] =	sst s25  }
0xa6: {  	s4 =	sshll.u32 s26, $0x1;
	_ =	strace $0x80000046;
	[dreg:$0x1] =	wrdreg $0xFFFFFFFF  }
0xa7: {  	s28 =	simm.s32 $_size_execute0_lowered;
	s2 =	sadd.s32 s2, s4;
	[dreg:$0x0] =	wrdreg $0x0  }
0xa8: {  	s4 =	sshll.u32 s28, $0x1;
	[dreg:$0x2] =	wrdreg s2  }
0xa9: {  	[dreg:$0x3] =	wrdreg s4  }
0xaa: {  	[dreg:$0x4] =	wrdreg $0xC0  }
0xab: {  	_ =	task [dreg:s6], $0x5FFFF  }
0xac: {  	[dreg:$0x1] =	wrdreg $0xFFFFFFFF  }
0xad: {  	[dreg:$0x0] =	wrdreg $0x60  }
0xae: {  	[dreg:$0x2] =	wrdreg s24  }
0xaf: {  	[dreg:$0x3] =	wrdreg $0x9  }
0xb0: {  	_ =	task.clear_ibuf [dreg:s6], $0x4FFFF;
	_ =	strace $0x90000046  }
0xb1: {  	s29 =	simm.s32 $0x9;
	_ =	strace $0x80000048  }
0xb2: {  	_ =	swait.ge [sflag:s29], $0x1  }
0xb3: {  	[sflag:s29] =	ssyncadd.s32 $0xFFFFFFFF  }
0xb4: {  	_ =	strace $0x90000048  }
0xb5: {  	_ =	sfence  }
0xb6: {  	s30 =	sld [smem:$0x0];
	_ =	sdelay $0x2  }
0xb7: {  	s31 =	sshll.u32 s1, $0xD;
	s1 =	sshrl.u32 s1, $0x2  }
0xb8: {  	s3 =	sand.u32 $0x4000, s31;
	s1 =	sadd.s32 s1, s30  }
0xb9: {  	s0 =	sor.u32 s3, s0;
	s1 =	sshll.u32 s1, $0x11  }
0xba: {  	s0 =	sor.u32 s1, s0  }
0xbb: {  	s0 =	sadd.s32 $0x8F2B, s0  }
0xbc: {  	[sflag:s0] =	ssyncadd.remote.s32 $0x1  }
0xbd: {  	_ =	sfence.sel $0xFFFF  }
0xbe: {  	[dreg:$0x0] =	wrdreg $0xFFFFFFFF;
	(pc) =	sbr.abs _section_cstart, $3  }
0xbf: {  	[dreg:$0x1] =	wrdreg $0xFFFFFFFF  }
0xc0: {  	_ =	task.clear_ibuf [dreg:s6], $0x2FFFF;
	_ =	strace $0x9FFFFFFF  }
0xc1: {  	(tm) =	ssettm $0x7FFFFFFF  }
tec
execute0_lowered:
.L_overlay_start_1:
0x0: {  	(tag) =	ssettag $0x1  }
0x1: {  	s8 =	rddreg [dreg:$0x0]  }
0x2: {  	s0 =	rddreg [dreg:$0x1]  }
0x3: {  	s2 =	simm.s32 $0x0;
	s3 =	srdreg.scid;
	s1 =	stileid.u32  }
0x4: {  	s13 =	simm.s32 $0x5;
	s14 =	simm.s32 $0x50;
	s15 =	simm.s32 $0xA0  }
0x5: {  	s16 =	simm.s32 $0x28A0;
	s17 =	simm.s32 $0x1;
	s18 =	simm.s32 $0x2  }
0x6: {  	s19 =	simm.s32 $0x5140;
	s20 =	simm.s32 $0x3;
	s21 =	simm.s32 $0x4  }
0x7: {  	s22 =	simm.s32 $0x0;
	[smem:$0x7FF] =	sst s2;
	s9 =	sand.u32 $0x1, s3  }
0x8: {  	s31 =	sshll.u32 s1, $0x1;
	s3 =	sadd.s32 $0x6C400, s8;
	s4 =	sadd.s32 $0x93600, s8  }
.Ltmp0:
0x9: {  	s5 =	sor.u32 s9, s31;
	s9 =	ssub.s32 $0x2, s9;
	(pc) =	sbr.rel .LBB2_1-.Ltmp0, $4  }
0xa: {  	s6 =	sadd.s32 $0xA600, s8;
	s5 =	smul.u32 $0x2710, s5;
	s10 =	sshrl.u32 s9, $0x1  }
0xb: {  	s7 =	sadd.s32 $0x14400, s8;
	s8 =	sadd.s32 $0xBA800, s8;
	s12 =	ssub.s32 s9, s10  }
0xc: {  	_ =	strace $0x80000047;
	s11 =	sshrl.u32 s5, $0x3;
	s12 =	smax.u32 s12, $0x1  }
0xd: {  	s9 =	sadd.s32 s7, s11;
	s10 =	sadd.s32 s6, s11;
	s11 =	sadd.s32 $0xA0, s5  }
.LBB2_9:
0xe: {  	s22 =	sadd.s32 $0x1, s22  }
0xf: {  	_ =	swait.ge [sflag:s20], $0x2800;
	p0 =	sne.s32 s22, s12  }
.Ltmp1:
0x10: {  	[sflag:s20] =	ssyncset.done $0x0;
	(pc) =	sbr.rel @!p0 .LBB2_10-.Ltmp1, $4  }
0x11: {  	[sflag:s20] =	ssyncadd.s32 $0xFFFFD800  }
0x12: {  	_ =	swait.ge [sflag:s21], $0x2800  }
0x13: {  	[sflag:s21] =	ssyncset.done $0x0  }
0x14: {  	[sflag:s21] =	ssyncadd.s32 $0xFFFFD800  }
.LBB2_1:
0x15: {  	[tilespmem:s2], [sflag:$0x5] =	stream.linear.gather [hbm4b:s9+s2], $0x50, $0x38;
	[tilespmem:$0xA140] =	vst v63  }
0x16: {  	_ =	swait.ge [sflag:s13], $0x50  }
0x17: {  	[sflag:s13] =	ssyncset.done $0x0  }
0x18: {  	[sflag:s13] =	ssyncadd.s32 $0xFFFFFFB0  }
0x19: {  	[tilespmem:s14], [sflag:$0x5] =	stream.linear.gather [hbm4b:s10+s2], $0x50, $0x38;
	[tilespmem:$0xA140] =	vst v63  }
0x1a: {  	_ =	swait.ge [sflag:s13], $0x50  }
.Ltmp2:
0x1b: {  	[sflag:s13] =	ssyncset.done $0x0;
	(pc) =	sbr.rel .LBB2_2-.Ltmp2, $4  }
0x1c: {  	[sflag:s13] =	ssyncadd.s32 $0xFFFFFFB0  }
0x1d: {  	[tilespmem:s15], [sflag:$0x1] =	stream.indirect.gather [hbm4b:s3+s14], $0x80, s2, s14, $0xb8;
	[tilespmem:$0xA140] =	vst v63  }
0x1e: {  	s23 =	simm.s32 $0x0  }
0x1f: {  	[tilespmem:s16], [sflag:$0x1] =	stream.indirect.gather [hbm4b:s4+s14], $0x80, s14, s14, $0xb8;
	[tilespmem:$0xA140] =	vst v63  }
.LBB2_8:
0x20: {  	s23 =	sadd.s32 $0x1, s23  }
0x21: {  	p0 =	sne.s32 s23, $0x3F  }
.Ltmp3:
0x22: {  	_ = 	snop;
	(pc) =	sbr.rel @!p0 .LBB2_9-.Ltmp3, $1  }
0x23: {  	_ =	sdelay $0x3  }
.LBB2_2:
0x24: {  	s24 =	sshllo.u32 s23, $0x1  }
0x25: {  	p0 =	sgt.u32 s24, $0x7C  }
0x26: {  	p1 =	seq.s32 @!p0 s23, $0x0  }
0x27: {  	p1 =	por p1, p0  }
0x28: {  	s26 =	smul.u32 @!p0 $0x50, s24;
	s25 =	simm.s32 @!p1 $0x4  }
0x29: {  	_ =	swait.ge @!p1 [sflag:s25], $0x2800  }
0x2a: {  	s26 =	sadd.s32 @!p0 s5, s26;
	[sflag:s25] =	ssyncset.done @!p1 $0x0  }
0x2b: {  	[sflag:s25] =	ssyncadd.s32 @!p1 $0xFFFFD800;
	s25 =	sshrl.u32 @!p0 s26, $0x3  }
0x2c: {  	s28 =	simm.s32 @!p0 $0x0;
	s29 =	simm.s32 @!p0 $0x50A0;
	s26 =	sadd.s32 @!p0 s7, s25  }
0x2d: {  	[tilespmem:s29], [sflag:$0x5] =	stream.linear.gather @!p0 [hbm4b:s26+s28], $0x50, $0x38;
	[tilespmem:$0xA140] =	vst v63  }
0x2e: {  	s26 =	simm.s32 @!p0 $0x5  }
0x2f: {  	_ =	swait.ge @!p0 [sflag:s26], $0x50  }
0x30: {  	[sflag:s26] =	ssyncset.done @!p0 $0x0  }
0x31: {  	s30 =	simm.s32 @!p0 $0x50F0;
	s25 =	sadd.s32 @!p0 s6, s25;
	[sflag:s26] =	ssyncadd.s32 @!p0 $0xFFFFFFB0  }
0x32: {  	[tilespmem:s30], [sflag:$0x5] =	stream.linear.gather @!p0 [hbm4b:s25+s28], $0x50, $0x38;
	[tilespmem:$0xA140] =	vst v63  }
0x33: {  	_ =	swait.ge @!p0 [sflag:s26], $0x50  }
0x34: {  	[sflag:s26] =	ssyncset.done @!p0 $0x0  }
0x35: {  	s25 =	simm.s32 @!p0 $0x50;
	[sflag:s26] =	ssyncadd.s32 @!p0 $0xFFFFFFB0;
	s26 =	simm.s32 @!p0 $0x5140  }
0x36: {  	[tilespmem:s26], [sflag:$0x2] =	stream.indirect.gather @!p0 [hbm4b:s3+s25], $0x80, s29, s25, $0xb8;
	[tilespmem:$0xA140] =	vst v63  }
0x37: {  	s26 =	simm.s32 @!p0 $0x7940  }
0x38: {  	[tilespmem:s26], [sflag:$0x2] =	stream.indirect.gather @!p0 [hbm4b:s4+s25], $0x80, s30, s25, $0xb8;
	[tilespmem:$0xA140] =	vst v63  }
0x39: {  	_ =	swait.ge [sflag:s17], $0x2800  }
0x3a: {  	[sflag:s17] =	ssyncset.done $0x0  }
0x3b: {  	[sflag:s17] =	ssyncadd.s32 $0xFFFFD800  }
0x3c: {  	_ =	swait.ge [sflag:s17], $0x2800  }
0x3d: {  	[sflag:s17] =	ssyncset.done $0x0  }
0x3e: {  	s25 =	simm.s32 $0x0;
	[sflag:s17] =	ssyncadd.s32 $0xFFFFD800  }
0x3f: {  	v6 =	vld [tilespmem:s25+$0x28A0]  }
0x40: {  	v11 =	vld [tilespmem:s25+$0x28B0]  }
0x41: {  	v5 =	vld [tilespmem:s25+$0x28C0]  }
0x42: {  	v4 =	vld [tilespmem:s25+$0x28D0]  }
0x43: {  	v3 =	vld [tilespmem:s25+$0x28E0]  }
0x44: {  	v2 =	vld [tilespmem:s25+$0x28F0]  }
0x45: {  	v1 =	vld [tilespmem:s25+$0x2900]  }
0x46: {  	v0 =	vld [tilespmem:s25+$0x2910]  }
0x47: {  	v12 =	vld [tilespmem:s25+$0xA0]  }
0x48: {  	v13 =	vld [tilespmem:s25+$0xB0]  }
0x49: {  	v10 =	vld [tilespmem:s25+$0xC0]  }
0x4a: {  	v9 =	vld [tilespmem:s25+$0xD0]  }
0x4b: {  	v8 =	vld [tilespmem:s25+$0xE0]  }
0x4c: {  	v7 =	vld [tilespmem:s25+$0xF0];
	v12 =	vadd.f32 v6, v12  }
0x4d: {  	s26 =	simm.s32 $0x200;
	v11 =	vadd.f32 v11, v13;
	v6 =	vld [tilespmem:s25+$0x100]  }
.LBB2_3:
0x4e: {  	s28 =	sshra.s32 s26, $0x2;
	p1 =	sne.s32 s26, $0x9E00;
	[tilespmem:s25+$0xA0] =	vst v12;
	v5 =	vadd.f32 v5, v10;
	v10 =	vld [tilespmem:s25+$0x110]  }
0x4f: {  	v12 =	vld [tilespmem:s28+$0x28A0];
	[tilespmem:s25+$0xB0] =	vst v11;
	v4 =	vadd.f32 v4, v9  }
0x50: {  	v11 =	vld [tilespmem:s28+$0x28B0];
	[tilespmem:s25+$0xC0] =	vst v5;
	v3 =	vadd.f32 v3, v8  }
0x51: {  	v5 =	vld [tilespmem:s28+$0x28C0];
	[tilespmem:s25+$0xD0] =	vst v4;
	v2 =	vadd.f32 v2, v7  }
0x52: {  	v4 =	vld [tilespmem:s28+$0x28D0];
	[tilespmem:s25+$0xE0] =	vst v3;
	v1 =	vadd.f32 v1, v6  }
0x53: {  	v3 =	vld [tilespmem:s28+$0x28E0];
	[tilespmem:s25+$0xF0] =	vst v2;
	v0 =	vadd.f32 v0, v10  }
0x54: {  	v2 =	vld [tilespmem:s28+$0x28F0];
	[tilespmem:s25+$0x100] =	vst v1  }
0x55: {  	v1 =	vld [tilespmem:s28+$0x2900];
	[tilespmem:s25+$0x110] =	vst v0;
	s25 =	smov.u32 s28  }
0x56: {  	v0 =	vld [tilespmem:s25+$0x2910]  }
0x57: {  	v6 =	vld [tilespmem:s25+$0xA0]  }
0x58: {  	v13 =	vld [tilespmem:s25+$0xB0]  }
.Ltmp4:
0x59: {  	v10 =	vld [tilespmem:s25+$0xC0];
	(pc) =	sbr.rel @p1 .LBB2_3-.Ltmp4, $4  }
0x5a: {  	v9 =	vld [tilespmem:s25+$0xD0]  }
0x5b: {  	v8 =	vld [tilespmem:s25+$0xE0]  }
0x5c: {  	v12 =	vadd.f32 v12, v6;
	v7 =	vld [tilespmem:s25+$0xF0]  }
0x5d: {  	s26 =	sadd.s32 $0x200, s26;
	v11 =	vadd.f32 v11, v13;
	v6 =	vld [tilespmem:s25+$0x100]  }
0x5e: {  	[tilespmem:s25+$0xA0] =	vst v12;
	v5 =	vadd.f32 v5, v10;
	v63 =	vld [tilespmem:s25+$0x110]  }
0x5f: {  	[tilespmem:s25+$0xB0] =	vst v11;
	v4 =	vadd.f32 v4, v9  }
0x60: {  	[tilespmem:s25+$0xC0] =	vst v5;
	v3 =	vadd.f32 v3, v8  }
0x61: {  	s26 =	smul.u32 $0xA0, s23;
	[tilespmem:s25+$0xD0] =	vst v4;
	v2 =	vadd.f32 v2, v7  }
0x62: {  	[tilespmem:s25+$0xE0] =	vst v3;
	v1 =	vadd.f32 v1, v6  }
0x63: {  	s28 =	sadd.s32 s5, s26;
	[tilespmem:s25+$0xF0] =	vst v2;
	v0 =	vadd.f32 v0, v63  }
0x64: {  	p1 =	seq.s32 s23, $0x3E;
	s28 =	sshll.u32 s28, $0x4;
	[tilespmem:s25+$0x100] =	vst v1  }
0x65: {  	s31 =	sadd.s32 s8, s28;
	[tilespmem:s25+$0x110] =	vst v0;
	s25 =	simm.s32 @!p1 $0x3  }
0x66: {  	[hbm4b:s31+s2] =	stream.linear.scatter [tilespmem:s15], [sflag:$0x3], $0x2800, $0x38;
	[tilespmem:$0xA140] =	vst v63  }
0x67: {  	s26 =	sadd.s32 @!p1 s26, s11;
	_ =	swait.ge @!p1 [sflag:s25], $0x2800  }
0x68: {  	s26 =	sshrl.u32 @!p1 s26, $0x3;
	[sflag:s25] =	ssyncset.done @!p1 $0x0  }
0x69: {  	s28 =	simm.s32 @!p1 $0x0;
	[sflag:s25] =	ssyncadd.s32 @!p1 $0xFFFFD800;
	s25 =	sadd.s32 @!p1 s7, s26  }
0x6a: {  	[tilespmem:s28], [sflag:$0x5] =	stream.linear.gather @!p1 [hbm4b:s25+s28], $0x50, $0x38;
	[tilespmem:$0xA140] =	vst v63  }
0x6b: {  	s25 =	simm.s32 @!p1 $0x5  }
0x6c: {  	_ =	swait.ge @!p1 [sflag:s25], $0x50  }
0x6d: {  	[sflag:s25] =	ssyncset.done @!p1 $0x0  }
0x6e: {  	s29 =	simm.s32 @!p1 $0x50;
	s26 =	sadd.s32 @!p1 s6, s26;
	[sflag:s25] =	ssyncadd.s32 @!p1 $0xFFFFFFB0  }
0x6f: {  	[tilespmem:s29], [sflag:$0x5] =	stream.linear.gather @!p1 [hbm4b:s26+s28], $0x50, $0x38;
	[tilespmem:$0xA140] =	vst v63  }
0x70: {  	_ =	swait.ge @!p1 [sflag:s25], $0x50  }
.Ltmp5:
0x71: {  	[sflag:s25] =	ssyncset.done @!p1 $0x0;
	(pc) =	sbr.rel @p0 .LBB2_8-.Ltmp5, $4  }
0x72: {  	[sflag:s25] =	ssyncadd.s32 @!p1 $0xFFFFFFB0;
	s25 =	simm.s32 @!p1 $0xA0  }
0x73: {  	[tilespmem:s25], [sflag:$0x1] =	stream.indirect.gather @!p1 [hbm4b:s3+s29], $0x80, s28, s29, $0xb8;
	[tilespmem:$0xA140] =	vst v63  }
0x74: {  	s25 =	simm.s32 @!p1 $0x28A0  }
0x75: {  	[tilespmem:s25], [sflag:$0x1] =	stream.indirect.gather @!p1 [hbm4b:s4+s29], $0x80, s29, s29, $0xb8;
	[tilespmem:$0xA140] =	vst v63  }
0x76: {  	_ =	swait.ge [sflag:s18], $0x2800  }
0x77: {  	[sflag:s18] =	ssyncset.done $0x0  }
0x78: {  	[sflag:s18] =	ssyncadd.s32 $0xFFFFD800  }
0x79: {  	_ =	swait.ge [sflag:s18], $0x2800  }
0x7a: {  	[sflag:s18] =	ssyncset.done $0x0  }
0x7b: {  	s25 =	simm.s32 $0x0;
	[sflag:s18] =	ssyncadd.s32 $0xFFFFD800  }
0x7c: {  	v7 =	vld [tilespmem:s25+$0x7940]  }
0x7d: {  	v11 =	vld [tilespmem:s25+$0x7950]  }
0x7e: {  	v5 =	vld [tilespmem:s25+$0x7960]  }
0x7f: {  	v4 =	vld [tilespmem:s25+$0x7970]  }
0x80: {  	v3 =	vld [tilespmem:s25+$0x7980]  }
0x81: {  	v2 =	vld [tilespmem:s25+$0x7990]  }
0x82: {  	v1 =	vld [tilespmem:s25+$0x79A0]  }
0x83: {  	v0 =	vld [tilespmem:s25+$0x79B0]  }
0x84: {  	v12 =	vld [tilespmem:s25+$0x5140]  }
0x85: {  	v13 =	vld [tilespmem:s25+$0x5150]  }
0x86: {  	v10 =	vld [tilespmem:s25+$0x5160]  }
0x87: {  	v9 =	vld [tilespmem:s25+$0x5170]  }
0x88: {  	v8 =	vld [tilespmem:s25+$0x5180]  }
0x89: {  	v6 =	vld [tilespmem:s25+$0x5190];
	v12 =	vadd.f32 v7, v12  }
0x8a: {  	s26 =	simm.s32 $0x200;
	v11 =	vadd.f32 v11, v13;
	v7 =	vld [tilespmem:s25+$0x51A0]  }
.LBB2_6:
0x8b: {  	s28 =	sshra.s32 s26, $0x2;
	p0 =	sne.s32 s26, $0x9E00;
	[tilespmem:s25+$0x5140] =	vst v12;
	v5 =	vadd.f32 v5, v10;
	v10 =	vld [tilespmem:s25+$0x51B0]  }
0x8c: {  	v12 =	vld [tilespmem:s28+$0x7940];
	[tilespmem:s25+$0x5150] =	vst v11;
	v4 =	vadd.f32 v4, v9  }
0x8d: {  	v11 =	vld [tilespmem:s28+$0x7950];
	[tilespmem:s25+$0x5160] =	vst v5;
	v3 =	vadd.f32 v3, v8  }
0x8e: {  	v5 =	vld [tilespmem:s28+$0x7960];
	[tilespmem:s25+$0x5170] =	vst v4;
	v2 =	vadd.f32 v2, v6  }
0x8f: {  	v4 =	vld [tilespmem:s28+$0x7970];
	[tilespmem:s25+$0x5180] =	vst v3;
	v1 =	vadd.f32 v1, v7  }
0x90: {  	v3 =	vld [tilespmem:s28+$0x7980];
	[tilespmem:s25+$0x5190] =	vst v2;
	v0 =	vadd.f32 v0, v10  }
0x91: {  	v2 =	vld [tilespmem:s28+$0x7990];
	[tilespmem:s25+$0x51A0] =	vst v1  }
0x92: {  	v1 =	vld [tilespmem:s28+$0x79A0];
	[tilespmem:s25+$0x51B0] =	vst v0;
	s25 =	smov.u32 s28  }
0x93: {  	v0 =	vld [tilespmem:s25+$0x79B0]  }
0x94: {  	v6 =	vld [tilespmem:s25+$0x5140]  }
0x95: {  	v7 =	vld [tilespmem:s25+$0x5150]  }
.Ltmp6:
0x96: {  	v10 =	vld [tilespmem:s25+$0x5160];
	(pc) =	sbr.rel @p0 .LBB2_6-.Ltmp6, $4  }
0x97: {  	v9 =	vld [tilespmem:s25+$0x5170]  }
0x98: {  	v8 =	vld [tilespmem:s25+$0x5180]  }
0x99: {  	v12 =	vadd.f32 v12, v6;
	v6 =	vld [tilespmem:s25+$0x5190]  }
0x9a: {  	s26 =	sadd.s32 $0x200, s26;
	v11 =	vadd.f32 v11, v7;
	v7 =	vld [tilespmem:s25+$0x51A0]  }
0x9b: {  	[tilespmem:s25+$0x5140] =	vst v12;
	v5 =	vadd.f32 v5, v10;
	v63 =	vld [tilespmem:s25+$0x51B0]  }
0x9c: {  	[tilespmem:s25+$0x5150] =	vst v11;
	v4 =	vadd.f32 v4, v9  }
0x9d: {  	s24 =	smul.u32 $0x50, s24;
	[tilespmem:s25+$0x5160] =	vst v5;
	v3 =	vadd.f32 v3, v8  }
0x9e: {  	[tilespmem:s25+$0x5170] =	vst v4;
	v2 =	vadd.f32 v2, v6  }
.Ltmp7:
0x9f: {  	s24 =	sadd.s32 s5, s24;
	[tilespmem:s25+$0x5180] =	vst v3;
	v1 =	vadd.f32 v1, v7;
	(pc) =	sbr.rel .LBB2_8-.Ltmp7, $4  }
0xa0: {  	s24 =	sshll.u32 s24, $0x4;
	[tilespmem:s25+$0x5190] =	vst v2;
	v0 =	vadd.f32 v0, v63  }
0xa1: {  	s24 =	sand.u32 $0x1FFFFF00, s24;
	[tilespmem:s25+$0x51A0] =	vst v1  }
0xa2: {  	s24 =	sadd.s32 s8, s24;
	[tilespmem:s25+$0x51B0] =	vst v0  }
0xa3: {  	[hbm4b:s24+s2] =	stream.linear.scatter [tilespmem:s19], [sflag:$0x4], $0x2800, $0x38;
	[tilespmem:$0xA140] =	vst v63  }
.LBB2_10:
0xa4: {  	_ =	sfence.sel $0x180000  }
0xa5: {  	[bflag:$0x0] =	sbarrier.arrive $0xFFFF  }
0xa6: {  	p0 =	sne.s32 s1, $0x0;
	_ =	strace $0x90000047  }
0xa7: {  	s0 =	sadd.s32 @!p0 $0x100000, s0;
	[bflag:$0x2] =	sbarrier.arrive $0xFFFF  }
0xa8: {  	[sflag:s0] =	ssyncadd.tile.s32 @!p0 $0x1;
	_ =	shalt  }
.Lfunc_end2:
_tile_overlayer_lowered:
.L_overlay_start_2:
0xa9: {  	(tag) =	ssettag $0x2  }
0xaa: {  	s0 =	rddreg [dreg:$0x0];
	s2 =	stileid.u32  }
0xab: {  	s1 =	rddreg [dreg:$0x1];
	p0 =	sne.s32 s2, $0x0  }
0xac: {  	s3 =	rddreg [dreg:$0x2];
	[bflag:$0x3] =	sbarrier.arrive $0xFFFF;
	s2 =	simm.s32 @!p0 $0x1C05  }
0xad: {  	[timem:s3], [sflag:s2] =	dma.local @!p0 [hbm:s0], s1  }
0xae: {  	s0 =	simm.s32 @!p0 $0x5  }
0xaf: {  	_ =	swait.ge @!p0 [sflag:s0], s1  }
0xb0: {  	s1 =	ssub.s32 @!p0 $0x0, s1;
	[sflag:s0] =	ssyncset.done @!p0 $0x0  }
0xb1: {  	[sflag:s0] =	ssyncadd.s32 @!p0 s1  }
0xb2: {  	[bflag:$0x3] =	sbarrier.arrive $0xFFFF  }
0xb3: {  	_ =	shalt  }

// kernel: kernel.14.cloned.1.call-start
scs
__scs_entry_jumppad:
0x0: {  	(pc) =	sbr.rel $0x88, $3  }
0x1: {  	(tag) =	ssettag $0x0;
	lr =	simm.s32 $0x1  }
0x2: {  	[smem:$0x3F63] =	sst lr;
	_ =	strace $0xD0000000  }
0x3: {  	_ = 	snop  }
0x4: {  	_ = 	snop  }
0x5: {  	_ = 	snop  }
0x6: {  	_ = 	snop  }
0x7: {  	_ = 	snop  }
__scs_overlays_trampoline_lowered:
0x8: {  	[smem:$0x3F72] =	sst s0  }
0x9: {  	[smem:$0x3F73] =	sst s1  }
0xa: {  	[smem:$0x3F74] =	sst s2  }
0xb: {  	[smem:$0x3F75] =	sst s3  }
0xc: {  	[smem:$0x3F76] =	sst s4  }
0xd: {  	[smem:$0x3F77] =	sst s5  }
0xe: {  	[smem:$0x3F78] =	sst s6  }
0xf: {  	[smem:$0x3F79] =	sst s7  }
0x10: {  	[smem:$0x3F7A] =	sst s8  }
0x11: {  	[smem:$0x3F7B] =	sst s9;
	s0 =	simm.s32 @!p0 $0x0  }
0x12: {  	s1 =	sld [smem:$0x3F61];
	s0 =	simm.s32 @p0 $0x1  }
0x13: {  	[smem:$0x3F7C] =	sst s0;
	s0 =	simm.s32 @!p1 $0x0  }
0x14: {  	s2 =	sld [smem:$0x3F60];
	s0 =	simm.s32 @p1 $0x1  }
0x15: {  	[smem:$0x3F7D] =	sst s0;
	s0 =	simm.s32 @!p2 $0x0  }
0x16: {  	s3 =	sld [smem:$0x3FDB];
	s0 =	simm.s32 @p2 $0x1  }
0x17: {  	s4 =	simm.s32 $0x1BF5;
	[smem:$0x3F7F] =	sst s0  }
0x18: {  	s0 =	sld [smem:$0x3F62];
	_ =	swait.ge [sflag:s4], $0x0  }
0x19: {  	s7 =	sld [smem:$0x3F63]  }
0x1a: {  	s8 =	sadd.s32 $0xFFFFE003, lr  }
0x1b: {  	s9 =	sadd.s32 $0xFFFFFEF7, lr;
	s5 =	simm.s32 $0xFFFFFFFF;
	p2 =	slt.u32 s8, $0xFFFFF086  }
0x1c: {  	p1 =	slt.u32 s9, $0xF7A;
	s5 =	simm.s32 @!p2 $0x0  }
0x1d: {  	s5 =	simm.s32 @p1 $0x1;
	p0 =	seq.s32 s7, s2  }
0x1e: {  	s7 =	smul.u32 @!p0 $0xF7A, s2;
	p2 =	seq.s32 @!p0 s5, $0x0  }
0x1f: {  	s9 =	smul.u32 $0xF7A, s1;
	s8 =	simm.s32 @!p0 $0x1BF5;
	p2 =	por !p2, p0  }
0x20: {  	[sflag:s8] =	ssyncset.s32 @!p0 $0xFFFFF086;
	s6 =	sadd.s32 @!p0 s3, s7;
	s7 =	simm.s32 @!p0 $0x108  }
0x21: {  	s3 =	sadd.s32 s3, s9;
	s6 =	sadd.s32 @!p0 $0x88, s6;
	s7 =	simm.s32 @p2 $0x1082  }
0x22: {  	[simem:s7], [sflag:s8] =	dma.local @!p0 [hbm:s6], $0xF7A  }
0x23: {  	s9 =	sor.u32 $0xD0000000, s2;
	s6 =	simm.s32 $0x108;
	_ =	swait.ge @!p0 [sflag:s8], $0x0  }
0x24: {  	s3 =	sadd.s32 $0x88, s3;
	s6 =	simm.s32 @!p1 $0x1082;
	[sflag:s4] =	ssyncset.s32 $0xFFFFF086  }
0x25: {  	[simem:s6], [sflag:s4] =	dma.local [hbm:s3], $0xF7A  }
0x26: {  	[smem:$0x3F63] =	sst s1;
	(tag) =	ssettag s2;
	_ =	strace s9  }
0x27: {  	s1 =	sld [smem:$0x3F73]  }
0x28: {  	s2 =	sld [smem:$0x3F74]  }
0x29: {  	s4 =	sld [smem:$0x3F76]  }
0x2a: {  	p0 =	seq.s32 s5, $0x0;
	s5 =	sld [smem:$0x3F77]  }
0x2b: {  	s6 =	sld [smem:$0x3F78]  }
0x2c: {  	s7 =	sld [smem:$0x3F79]  }
0x2d: {  	s3 =	simm.s32 $0x108;
	s8 =	sld [smem:$0x3F7A]  }
0x2e: {  	s3 =	simm.s32 @!p0 $0x1082;
	s9 =	sld [smem:$0x3F7B]  }
0x2f: {  	lr =	sadd.s32 s0, s3;
	s0 =	sld [smem:$0x3F72]  }
0x30: {  	s3 =	sld [smem:$0x3F75]  }
0x31: {  	[smem:$0x3F7E] =	sst s10  }
0x32: {  	s10 =	sld [smem:$0x3F7C];
	_ =	sdelay $0x3  }
0x33: {  	p0 =	seq.s32 s10, $0x1;
	s10 =	sld [smem:$0x3F7E];
	_ =	sdelay $0x3  }
0x34: {  	[smem:$0x3F7E] =	sst s10  }
0x35: {  	s10 =	sld [smem:$0x3F7D];
	_ =	sdelay $0x3  }
0x36: {  	p1 =	seq.s32 s10, $0x1;
	s10 =	sld [smem:$0x3F7E];
	_ =	sdelay $0x3  }
0x37: {  	[smem:$0x3F7E] =	sst s10  }
0x38: {  	s10 =	sld [smem:$0x3F7F]  }
0x39: {  	_ = 	snop;
	(pc) =	sbr.ind lr, $3  }
0x3a: {  	_ = 	snop  }
0x3b: {  	_ = 	snop  }
0x3c: {  	p2 =	seq.s32 s10, $0x1;
	s10 =	sld [smem:$0x3F7E]  }
0x3d: {  	_ =	shalt  }
0x3e: {  	_ =	shalt  }
0x3f: {  	_ =	shalt  }
0x40: {  	_ =	shalt  }
0x41: {  	_ =	shalt  }
0x42: {  	_ =	shalt  }
0x43: {  	_ =	shalt  }
0x44: {  	_ =	shalt  }
0x45: {  	_ =	shalt  }
0x46: {  	_ =	shalt  }
0x47: {  	_ =	shalt  }
0x48: {  	_ =	shalt  }
0x49: {  	_ =	shalt  }
0x4a: {  	_ =	shalt  }
0x4b: {  	_ =	shalt  }
0x4c: {  	_ =	shalt  }
0x4d: {  	_ =	shalt  }
0x4e: {  	_ =	shalt  }
0x4f: {  	_ =	shalt  }
0x50: {  	_ =	shalt  }
0x51: {  	_ =	shalt  }
0x52: {  	_ =	shalt  }
0x53: {  	_ =	shalt  }
0x54: {  	_ =	shalt  }
0x55: {  	_ =	shalt  }
0x56: {  	_ =	shalt  }
0x57: {  	_ =	shalt  }
0x58: {  	_ =	shalt  }
0x59: {  	_ =	shalt  }
0x5a: {  	_ =	shalt  }
0x5b: {  	_ =	shalt  }
0x5c: {  	_ =	shalt  }
0x5d: {  	_ =	shalt  }
0x5e: {  	_ =	shalt  }
0x5f: {  	_ =	shalt  }
0x60: {  	_ =	shalt  }
0x61: {  	_ =	shalt  }
0x62: {  	_ =	shalt  }
0x63: {  	_ =	shalt  }
0x64: {  	_ =	shalt  }
0x65: {  	_ =	shalt  }
0x66: {  	_ =	shalt  }
0x67: {  	_ =	shalt  }
0x68: {  	_ =	shalt  }
0x69: {  	_ =	shalt  }
0x6a: {  	_ =	shalt  }
0x6b: {  	_ =	shalt  }
0x6c: {  	_ =	shalt  }
0x6d: {  	_ =	shalt  }
0x6e: {  	_ =	shalt  }
0x6f: {  	_ =	shalt  }
0x70: {  	_ =	shalt  }
0x71: {  	_ =	shalt  }
0x72: {  	_ =	shalt  }
0x73: {  	_ =	shalt  }
0x74: {  	_ =	shalt  }
0x75: {  	_ =	shalt  }
0x76: {  	_ =	shalt  }
0x77: {  	_ =	shalt  }
0x78: {  	_ =	shalt  }
0x79: {  	_ =	shalt  }
0x7a: {  	_ =	shalt  }
0x7b: {  	_ =	shalt  }
0x7c: {  	_ =	shalt  }
0x7d: {  	_ =	shalt  }
0x7e: {  	_ =	shalt  }
0x7f: {  	_ =	shalt  }
0x80: {  	_ =	shalt  }
0x81: {  	_ =	shalt  }
0x82: {  	_ =	shalt  }
0x83: {  	_ =	shalt  }
0x84: {  	_ =	shalt  }
0x85: {  	_ =	shalt  }
0x86: {  	_ =	shalt  }
0x87: {  	_ =	shalt  }
.Lfunc_end0:
.L_simem_size_0:
called_computation.1_lowered:
.L_overlay_start_0:
0x88: {  	s2 =	sld [smem:$0x3FD9]  }
0x89: {  	s3 =	sld [smem:$0x3FFE];
	_ =	sdelay $0x1  }
0x8a: {  	s1 =	srdreg.scid  }
0x8b: {  	s0 =	sand.u32 $0x1, s1  }
0x8c: {  	s16 =	sshll.u32 s0, $0xA;
	s2 =	sadd.s32 s3, s2  }
0x8d: {  	s2 =	sadd.s32 s2, s16  }
0x8e: {  	[smem:$0x3F8A] =	sst s2  }
0x8f: {  	_ = 	snop  }
0x90: {  	(tm) =	ssettm $0x1  }
0x91: {  	s17 =	sld [smem:$0x3FFB];
	_ =	sdelay $0x3  }
0x92: {  	_ =	strace s17  }
0x93: {  	s2 =	sld [smem:$0x3FFC];
	_ =	sdelay $0x3  }
0x94: {  	_ =	strace s2  }
0x95: {  	s2 =	sld [smem:$0x3FFD];
	_ =	sdelay $0x3  }
0x96: {  	_ =	strace s2  }
0x97: {  	_ =	strace $0x8FFFFFFF  }
0x98: {  	s18 =	sld [smem:$0x3FDB];
	_ =	sdelay $0x1  }
0x99: {  	s19 =	simm.s32 $_scs_section_size  }
0x9a: {  	s4 =	simm.s32 $_size__tile_overlayer_lowered;
	s5 =	simm.s32 $_tile_overlayer_lowered  }
0x9b: {  	s22 =	simm.s32 $0x1BFF;
	s21 =	sshll.u32 s5, $0x1;
	s2 =	sadd.s32 s19, s18  }
0x9c: {  	s6 =	simm.s32 $0x0;
	s20 =	sshll.u32 s4, $0x1;
	s4 =	sadd.s32 s21, s2  }
0x9d: {  	[timem:s6], [sflag:s22] =	dma.local [hbm:s4], s20  }
0x9e: {  	_ =	swait.ge [sflag:s22], s20  }
0x9f: {  	s3 =	ssub.s32 $0x0, s20;
	[sflag:s22] =	ssyncset.done $0x0  }
0xa0: {  	[sflag:s22] =	ssyncadd.s32 s3;
	_ =	sdelay $0x1  }
0xa1: {  	s23 =	simm.s32 $0x1B8B  }
0xa2: {  	_ =	swait.ge [sflag:s23], $0x1  }
0xa3: {  	[sflag:s23] =	ssyncset.done $0x0  }
0xa4: {  	s25 =	simm.s32 $0x1B8E;
	s24 =	sld [smem:$0x3FFE];
	[sflag:s23] =	ssyncadd.s32 $0xFFFFFFFF  }
0xa5: {  	s26 =	simm.s32 $execute0_lowered;
	[smem:$0x3FD2] =	sst s25  }
0xa6: {  	s4 =	sshll.u32 s26, $0x1;
	_ =	strace $0x80000049;
	[dreg:$0x1] =	wrdreg $0xFFFFFFFF  }
0xa7: {  	s28 =	simm.s32 $_size_execute0_lowered;
	s2 =	sadd.s32 s2, s4;
	[dreg:$0x0] =	wrdreg $0x0  }
0xa8: {  	s4 =	sshll.u32 s28, $0x1;
	[dreg:$0x2] =	wrdreg s2  }
0xa9: {  	[dreg:$0x3] =	wrdreg s4  }
0xaa: {  	[dreg:$0x4] =	wrdreg $0xC0  }
0xab: {  	_ =	task [dreg:s6], $0x5FFFF  }
0xac: {  	[dreg:$0x1] =	wrdreg $0xFFFFFFFF  }
0xad: {  	[dreg:$0x0] =	wrdreg $0x60  }
0xae: {  	[dreg:$0x2] =	wrdreg s24  }
0xaf: {  	[dreg:$0x3] =	wrdreg $0x9  }
0xb0: {  	_ =	task.clear_ibuf [dreg:s6], $0x4FFFF;
	_ =	strace $0x90000049  }
0xb1: {  	s29 =	simm.s32 $0x9;
	_ =	strace $0x8000004B  }
0xb2: {  	_ =	swait.ge [sflag:s29], $0x1  }
0xb3: {  	[sflag:s29] =	ssyncadd.s32 $0xFFFFFFFF  }
0xb4: {  	_ =	strace $0x9000004B  }
0xb5: {  	_ =	sfence  }
0xb6: {  	s30 =	sld [smem:$0x0];
	_ =	sdelay $0x2  }
0xb7: {  	s31 =	sshll.u32 s1, $0xD;
	s1 =	sshrl.u32 s1, $0x2  }
0xb8: {  	s3 =	sand.u32 $0x4000, s31;
	s1 =	sadd.s32 s1, s30  }
0xb9: {  	s0 =	sor.u32 s3, s0;
	s1 =	sshll.u32 s1, $0x11  }
0xba: {  	s0 =	sor.u32 s1, s0  }
0xbb: {  	s0 =	sadd.s32 $0x8F2B, s0  }
0xbc: {  	[sflag:s0] =	ssyncadd.remote.s32 $0x1  }
0xbd: {  	_ =	sfence.sel $0xFFFF  }
0xbe: {  	[dreg:$0x0] =	wrdreg $0xFFFFFFFF;
	(pc) =	sbr.abs _section_cstart, $3  }
0xbf: {  	[dreg:$0x1] =	wrdreg $0xFFFFFFFF  }
0xc0: {  	_ =	task.clear_ibuf [dreg:s6], $0x2FFFF;
	_ =	strace $0x9FFFFFFF  }
0xc1: {  	(tm) =	ssettm $0x7FFFFFFF  }
tec
execute0_lowered:
.L_overlay_start_1:
0x0: {  	(tag) =	ssettag $0x1  }
0x1: {  	s1 =	srdreg.scid  }
0x2: {  	s0 =	stileid.u32;
	s5 =	rddreg [dreg:$0x0];
	s2 =	simm.s32 $0x0  }
0x3: {  	s12 =	simm.s32 $0x80;
	s13 =	simm.s32 $0x13880;
	s14 =	simm.s32 $0x0  }
0x4: {  	s18 =	simm.s32 $0x0;
	s4 =	sand.u32 $0x1, s1;
	s1 =	rddreg [dreg:$0x1]  }
0x5: {  	s3 =	sshll.u32 s0, $0x1;
	[smem:$0x7FF] =	sst s2;
	s10 =	sshrl.u32 s0, $0x3  }
0x6: {  	s6 =	sor.u32 s4, s3;
	_ =	strace $0x8000004A;
	s8 =	ssub.s32 $0x2, s4  }
0x7: {  	s4 =	sadd.s32 $0x6C400, s5;
	s3 =	sand.u32 $0xF, s6;
	s6 =	smul.u32 $0x2710, s6  }
0x8: {  	s9 =	sshrl.u32 s8, $0x1;
	s7 =	sadd.s32 s3, s5;
	s3 =	sadd.s32 $0x14400, s5  }
0x9: {  	s8 =	ssub.s32 s8, s9;
	s9 =	simm.s32 $0x1;
	s11 =	sadd.s32 s6, s5  }
0xa: {  	v1 =	vlaneseq.u32;
	s5 =	smul.u32 $0x27100, s10;
	s6 =	sadd.s32 $0x59C800, s7;
	s8 =	smax.u32 s8, $0x1  }
0xb: {  	v0 =	vshrl.u32 v1, $0x3;
	v1 =	vand.u32 $0x7, v1;
	s10 =	simm.s32 $0x17700;
	s7 =	sadd.s32 $0x6EC00, s11;
	s11 =	simm.s32 $0x8  }
.LBB2_1:
0xc: {  	[tilespmem:s2], [sflag:$0x1] =	stream.linear.gather [hbm4b:s4+s2], $0x13880, $0x38;
	[tilespmem:$0x17ED0] =	vst v63  }
0xd: {  	_ =	swait.ge [sflag:s9], $0x13880  }
0xe: {  	[sflag:s9] =	ssyncset.done $0x0  }
0xf: {  	s15 =	simm.s32 $0x0;
	[sflag:s9] =	ssyncadd.s32 $0xFFFEC780  }
.LBB2_2:
0x10: {  	s16 =	smul.u32 $0x7D0, s15;
	_ =	sdelay $0x1  }
0x11: {  	s16 =	sadd.s32 s5, s16  }
0x12: {  	s17 =	sshrl.u32 s16, $0x3  }
0x13: {  	s17 =	sadd.s32 s3, s17  }
0x14: {  	[tilespmem:s10], [sflag:$0x1] =	stream.linear.gather [hbm4b:s17+s18], $0x7D0, $0x38;
	[tilespmem:$0x17ED0] =	vst v63  }
0x15: {  	_ =	swait.ge [sflag:s9], $0x7D0  }
0x16: {  	s16 =	sshll.u32 s16, $0x4;
	[sflag:s9] =	ssyncset.done $0x0  }
0x17: {  	v3 =	vor.u32 s18, v0;
	s16 =	sadd.s32 s16, s6;
	[sflag:s9] =	ssyncadd.s32 $0xFFFFF830  }
0x18: {  	[tilespmem:s13], [sflag:$0x1] =	stream.strided.gather [hbm4b:s16+s11], $0x3E80, s12, s11, $0x38;
	[tilespmem:$0x17ED0] =	vst v63  }
0x19: {  	_ =	swait.ge [sflag:s9], $0x3E80  }
0x1a: {  	[sflag:s9] =	ssyncset.done $0x0  }
0x1b: {  	[sflag:s9] =	ssyncadd.s32 $0xFFFFC180  }
0x1c: {  	v4 =	vmov s18;
	v5 =	vxor.u32 $0x1, v3;
	v2 =	vld.idx.msk [tilespmem:v3+s10+$0x0], $0xffff  }
0x1d: {  	v4 =	vand.u32 $0x7F8, v4;
	v6 =	vand.u32 $0x7, v5  }
0x1e: {  	v4 =	vor.u32 v4, v6;
	v3 =	vshll.u32 v3, $0x3  }
0x1f: {  	v7 =	vor.u32 v1, v3;
	v3 =	vshll.u32 v5, $0x3  }
0x20: {  	v8 =	vor.u32 v1, v3  }
0x21: {  	v3 =	vshll.u32 v2, $0x3  }
0x22: {  	v3 =	vor.u32 v1, v3  }
0x23: {  	v6 =	vld.idx.msk [tilespmem:v4+s10+$0x0], $0xffff  }
0x24: {  	v5 =	vld.idx.msk [tilespmem:v7+s13+$0x0], $0xffff  }
0x25: {  	v8 =	vld.idx.msk [tilespmem:v8+s13+$0x0], $0xffff;
	_ =	sdelay $0x1  }
0x26: {  	v7 =	vld.idx.msk [tilespmem:v3+s2+$0x0], $0xffff  }
0x27: {  	s16 =	simm.s32 $0x2  }
0x28: {  	s17 =	simm.s32 $0x4;
	v4 =	vor.u32 s16, v0  }
.LBB2_3:
0x29: {  	p0 =	sne.s32 s17, $0x7CE;
	vm0 =	veq.s32 v2, v6;
	v2 =	vmax.f32 v5, v8  }
0x2a: {  	v2 =	vsel vm0, v2, v5  }
0x2b: {  	v2 =	vmax.f32 v7, v2  }
0x2c: {  	[tilespmem:v3+s2+$0x0] =	vst.idx.msk $0xffff, v2  }
0x2d: {  	v2 =	vld.idx.msk [tilespmem:v4+s10+$0x0], $0xffff  }
0x2e: {  	v5 =	vxor.u32 $0x1, v4;
	v3 =	vmov s16;
	s16 =	smov.u32 s17  }
0x2f: {  	v6 =	vand.u32 $0x7, v5;
	v3 =	vand.u32 $0x7F8, v3  }
0x30: {  	v6 =	vor.u32 v3, v6;
	v3 =	vshll.u32 v4, $0x3  }
0x31: {  	v4 =	vor.u32 v1, v3;
	v3 =	vshll.u32 v5, $0x3  }
0x32: {  	v7 =	vor.u32 v1, v3  }
0x33: {  	v3 =	vshll.u32 v2, $0x3  }
0x34: {  	v3 =	vor.u32 v1, v3  }
0x35: {  	v6 =	vld.idx.msk [tilespmem:v6+s10+$0x0], $0xffff  }
0x36: {  	v5 =	vld.idx.msk [tilespmem:v4+s13+$0x0], $0xffff  }
0x37: {  	v8 =	vld.idx.msk [tilespmem:v7+s13+$0x0], $0xffff  }
.Ltmp0:
0x38: {  	(pc) =	sbr.rel @p0 .LBB2_3-.Ltmp0, $2  }
0x39: {  	v7 =	vld.idx.msk [tilespmem:v3+s2+$0x0], $0xffff;
	_ =	sdelay $0x2  }
0x3a: {  	s17 =	sadd.s32 $0x2, s17;
	v4 =	vor.u32 s16, v0  }
0x3b: {  	_ = 	snop  }
0x3c: {  	vm0 =	veq.s32 v2, v6;
	v2 =	vmax.f32 v5, v8  }
0x3d: {  	v2 =	vsel vm0, v2, v5  }
0x3e: {  	v2 =	vmax.f32 v7, v2  }
0x3f: {  	[tilespmem:v3+s2+$0x0] =	vst.idx.msk $0xffff, v2  }
0x40: {  	v59 =	vxor.u32 $0x1, v4;
	v2 =	vld.idx.msk [tilespmem:v4+s10+$0x0], $0xffff  }
0x41: {  	v5 =	vshll.u32 v59, $0x3  }
0x42: {  	v61 =	vshll.u32 v4, $0x3;
	v5 =	vor.u32 v1, v5;
	v3 =	vmov s16  }
0x43: {  	v60 =	vand.u32 $0x7, v59;
	v3 =	vand.u32 $0x7F8, v3;
	v4 =	vor.u32 v1, v61  }
0x44: {  	v3 =	vor.u32 v3, v60  }
0x45: {  	v62 =	vshll.u32 v2, $0x3  }
0x46: {  	v6 =	vor.u32 v1, v62  }
0x47: {  	v5 =	vld.idx.msk [tilespmem:v5+s13+$0x0], $0xffff  }
0x48: {  	v4 =	vld.idx.msk [tilespmem:v4+s13+$0x0], $0xffff  }
0x49: {  	v3 =	vld.idx.msk [tilespmem:v3+s10+$0x0], $0xffff;
	_ =	sdelay $0x1  }
0x4a: {  	s15 =	sadd.s32 $0x1, s15;
	v63 =	vld.idx.msk [tilespmem:v6+s2+$0x0], $0xffff  }
0x4b: {  	p0 =	sne.s32 s15, $0x50  }
.Ltmp1:
0x4c: {  	_ = 	snop;
	(pc) =	sbr.rel @p0 .LBB2_2-.Ltmp1, $4  }
0x4d: {  	vm15 =	veq.s32 v2, v3;
	v2 =	vmax.f32 v4, v5  }
0x4e: {  	v2 =	vsel vm15, v2, v4  }
0x4f: {  	v2 =	vmax.f32 v63, v2  }
0x50: {  	[tilespmem:v6+s2+$0x0] =	vst.idx.msk $0xffff, v2  }
0x51: {  	s14 =	sadd.s32 $0x1, s14  }
0x52: {  	p0 =	sne.s32 s14, s8  }
.Ltmp2:
0x53: {  	_ = 	snop;
	(pc) =	sbr.rel @p0 .LBB2_1-.Ltmp2, $4  }
0x54: {  	[hbm4b:s7+s2] =	stream.linear.scatter [tilespmem:s2], [sflag:$0x1], $0x13880, $0x38;
	[tilespmem:$0x17ED0] =	vst v63  }
0x55: {  	_ =	swait.ge [sflag:s9], $0x13880  }
0x56: {  	[sflag:s9] =	ssyncset.done $0x0  }
0x57: {  	[sflag:s9] =	ssyncadd.s32 $0xFFFEC780  }
0x58: {  	_ =	sfence.sel $0x180000  }
0x59: {  	[bflag:$0x0] =	sbarrier.arrive $0xFFFF  }
0x5a: {  	p0 =	sne.s32 s0, $0x0;
	_ =	strace $0x9000004A  }
0x5b: {  	s0 =	sadd.s32 @!p0 $0x100000, s1;
	[bflag:$0x2] =	sbarrier.arrive $0xFFFF  }
0x5c: {  	[sflag:s0] =	ssyncadd.tile.s32 @!p0 $0x1;
	_ =	shalt  }
.Lfunc_end2:
_tile_overlayer_lowered:
.L_overlay_start_2:
0x5d: {  	(tag) =	ssettag $0x2  }
0x5e: {  	s0 =	rddreg [dreg:$0x0];
	s2 =	stileid.u32  }
0x5f: {  	s1 =	rddreg [dreg:$0x1];
	p0 =	sne.s32 s2, $0x0  }
0x60: {  	s3 =	rddreg [dreg:$0x2];
	[bflag:$0x3] =	sbarrier.arrive $0xFFFF;
	s2 =	simm.s32 @!p0 $0x1C01  }
0x61: {  	[timem:s3], [sflag:s2] =	dma.local @!p0 [hbm:s0], s1  }
0x62: {  	s0 =	simm.s32 @!p0 $0x1  }
0x63: {  	_ =	swait.ge @!p0 [sflag:s0], s1  }
0x64: {  	s1 =	ssub.s32 @!p0 $0x0, s1;
	[sflag:s0] =	ssyncset.done @!p0 $0x0  }
0x65: {  	[sflag:s0] =	ssyncadd.s32 @!p0 s1  }
0x66: {  	[bflag:$0x3] =	sbarrier.arrive $0xFFFF  }
0x67: {  	_ =	shalt  }

// kernel: kernel.17.cloned.1.call-start
scs
__scs_entry_jumppad:
0x0: {  	(pc) =	sbr.rel $0x88, $3  }
0x1: {  	(tag) =	ssettag $0x0;
	lr =	simm.s32 $0x1  }
0x2: {  	[smem:$0x3F63] =	sst lr;
	_ =	strace $0xD0000000  }
0x3: {  	_ = 	snop  }
0x4: {  	_ = 	snop  }
0x5: {  	_ = 	snop  }
0x6: {  	_ = 	snop  }
0x7: {  	_ = 	snop  }
__scs_overlays_trampoline_lowered:
0x8: {  	[smem:$0x3F72] =	sst s0  }
0x9: {  	[smem:$0x3F73] =	sst s1  }
0xa: {  	[smem:$0x3F74] =	sst s2  }
0xb: {  	[smem:$0x3F75] =	sst s3  }
0xc: {  	[smem:$0x3F76] =	sst s4  }
0xd: {  	[smem:$0x3F77] =	sst s5  }
0xe: {  	[smem:$0x3F78] =	sst s6  }
0xf: {  	[smem:$0x3F79] =	sst s7  }
0x10: {  	[smem:$0x3F7A] =	sst s8  }
0x11: {  	[smem:$0x3F7B] =	sst s9;
	s0 =	simm.s32 @!p0 $0x0  }
0x12: {  	s1 =	sld [smem:$0x3F61];
	s0 =	simm.s32 @p0 $0x1  }
0x13: {  	[smem:$0x3F7C] =	sst s0;
	s0 =	simm.s32 @!p1 $0x0  }
0x14: {  	s2 =	sld [smem:$0x3F60];
	s0 =	simm.s32 @p1 $0x1  }
0x15: {  	[smem:$0x3F7D] =	sst s0;
	s0 =	simm.s32 @!p2 $0x0  }
0x16: {  	s3 =	sld [smem:$0x3FDB];
	s0 =	simm.s32 @p2 $0x1  }
0x17: {  	s4 =	simm.s32 $0x1BF5;
	[smem:$0x3F7F] =	sst s0  }
0x18: {  	s0 =	sld [smem:$0x3F62];
	_ =	swait.ge [sflag:s4], $0x0  }
0x19: {  	s7 =	sld [smem:$0x3F63]  }
0x1a: {  	s8 =	sadd.s32 $0xFFFFE003, lr  }
0x1b: {  	s9 =	sadd.s32 $0xFFFFFEF7, lr;
	s5 =	simm.s32 $0xFFFFFFFF;
	p2 =	slt.u32 s8, $0xFFFFF086  }
0x1c: {  	p1 =	slt.u32 s9, $0xF7A;
	s5 =	simm.s32 @!p2 $0x0  }
0x1d: {  	s5 =	simm.s32 @p1 $0x1;
	p0 =	seq.s32 s7, s2  }
0x1e: {  	s7 =	smul.u32 @!p0 $0xF7A, s2;
	p2 =	seq.s32 @!p0 s5, $0x0  }
0x1f: {  	s9 =	smul.u32 $0xF7A, s1;
	s8 =	simm.s32 @!p0 $0x1BF5;
	p2 =	por !p2, p0  }
0x20: {  	[sflag:s8] =	ssyncset.s32 @!p0 $0xFFFFF086;
	s6 =	sadd.s32 @!p0 s3, s7;
	s7 =	simm.s32 @!p0 $0x108  }
0x21: {  	s3 =	sadd.s32 s3, s9;
	s6 =	sadd.s32 @!p0 $0x88, s6;
	s7 =	simm.s32 @p2 $0x1082  }
0x22: {  	[simem:s7], [sflag:s8] =	dma.local @!p0 [hbm:s6], $0xF7A  }
0x23: {  	s9 =	sor.u32 $0xD0000000, s2;
	s6 =	simm.s32 $0x108;
	_ =	swait.ge @!p0 [sflag:s8], $0x0  }
0x24: {  	s3 =	sadd.s32 $0x88, s3;
	s6 =	simm.s32 @!p1 $0x1082;
	[sflag:s4] =	ssyncset.s32 $0xFFFFF086  }
0x25: {  	[simem:s6], [sflag:s4] =	dma.local [hbm:s3], $0xF7A  }
0x26: {  	[smem:$0x3F63] =	sst s1;
	(tag) =	ssettag s2;
	_ =	strace s9  }
0x27: {  	s1 =	sld [smem:$0x3F73]  }
0x28: {  	s2 =	sld [smem:$0x3F74]  }
0x29: {  	s4 =	sld [smem:$0x3F76]  }
0x2a: {  	p0 =	seq.s32 s5, $0x0;
	s5 =	sld [smem:$0x3F77]  }
0x2b: {  	s6 =	sld [smem:$0x3F78]  }
0x2c: {  	s7 =	sld [smem:$0x3F79]  }
0x2d: {  	s3 =	simm.s32 $0x108;
	s8 =	sld [smem:$0x3F7A]  }
0x2e: {  	s3 =	simm.s32 @!p0 $0x1082;
	s9 =	sld [smem:$0x3F7B]  }
0x2f: {  	lr =	sadd.s32 s0, s3;
	s0 =	sld [smem:$0x3F72]  }
0x30: {  	s3 =	sld [smem:$0x3F75]  }
0x31: {  	[smem:$0x3F7E] =	sst s10  }
0x32: {  	s10 =	sld [smem:$0x3F7C];
	_ =	sdelay $0x3  }
0x33: {  	p0 =	seq.s32 s10, $0x1;
	s10 =	sld [smem:$0x3F7E];
	_ =	sdelay $0x3  }
0x34: {  	[smem:$0x3F7E] =	sst s10  }
0x35: {  	s10 =	sld [smem:$0x3F7D];
	_ =	sdelay $0x3  }
0x36: {  	p1 =	seq.s32 s10, $0x1;
	s10 =	sld [smem:$0x3F7E];
	_ =	sdelay $0x3  }
0x37: {  	[smem:$0x3F7E] =	sst s10  }
0x38: {  	s10 =	sld [smem:$0x3F7F]  }
0x39: {  	_ = 	snop;
	(pc) =	sbr.ind lr, $3  }
0x3a: {  	_ = 	snop  }
0x3b: {  	_ = 	snop  }
0x3c: {  	p2 =	seq.s32 s10, $0x1;
	s10 =	sld [smem:$0x3F7E]  }
0x3d: {  	_ =	shalt  }
0x3e: {  	_ =	shalt  }
0x3f: {  	_ =	shalt  }
0x40: {  	_ =	shalt  }
0x41: {  	_ =	shalt  }
0x42: {  	_ =	shalt  }
0x43: {  	_ =	shalt  }
0x44: {  	_ =	shalt  }
0x45: {  	_ =	shalt  }
0x46: {  	_ =	shalt  }
0x47: {  	_ =	shalt  }
0x48: {  	_ =	shalt  }
0x49: {  	_ =	shalt  }
0x4a: {  	_ =	shalt  }
0x4b: {  	_ =	shalt  }
0x4c: {  	_ =	shalt  }
0x4d: {  	_ =	shalt  }
0x4e: {  	_ =	shalt  }
0x4f: {  	_ =	shalt  }
0x50: {  	_ =	shalt  }
0x51: {  	_ =	shalt  }
0x52: {  	_ =	shalt  }
0x53: {  	_ =	shalt  }
0x54: {  	_ =	shalt  }
0x55: {  	_ =	shalt  }
0x56: {  	_ =	shalt  }
0x57: {  	_ =	shalt  }
0x58: {  	_ =	shalt  }
0x59: {  	_ =	shalt  }
0x5a: {  	_ =	shalt  }
0x5b: {  	_ =	shalt  }
0x5c: {  	_ =	shalt  }
0x5d: {  	_ =	shalt  }
0x5e: {  	_ =	shalt  }
0x5f: {  	_ =	shalt  }
0x60: {  	_ =	shalt  }
0x61: {  	_ =	shalt  }
0x62: {  	_ =	shalt  }
0x63: {  	_ =	shalt  }
0x64: {  	_ =	shalt  }
0x65: {  	_ =	shalt  }
0x66: {  	_ =	shalt  }
0x67: {  	_ =	shalt  }
0x68: {  	_ =	shalt  }
0x69: {  	_ =	shalt  }
0x6a: {  	_ =	shalt  }
0x6b: {  	_ =	shalt  }
0x6c: {  	_ =	shalt  }
0x6d: {  	_ =	shalt  }
0x6e: {  	_ =	shalt  }
0x6f: {  	_ =	shalt  }
0x70: {  	_ =	shalt  }
0x71: {  	_ =	shalt  }
0x72: {  	_ =	shalt  }
0x73: {  	_ =	shalt  }
0x74: {  	_ =	shalt  }
0x75: {  	_ =	shalt  }
0x76: {  	_ =	shalt  }
0x77: {  	_ =	shalt  }
0x78: {  	_ =	shalt  }
0x79: {  	_ =	shalt  }
0x7a: {  	_ =	shalt  }
0x7b: {  	_ =	shalt  }
0x7c: {  	_ =	shalt  }
0x7d: {  	_ =	shalt  }
0x7e: {  	_ =	shalt  }
0x7f: {  	_ =	shalt  }
0x80: {  	_ =	shalt  }
0x81: {  	_ =	shalt  }
0x82: {  	_ =	shalt  }
0x83: {  	_ =	shalt  }
0x84: {  	_ =	shalt  }
0x85: {  	_ =	shalt  }
0x86: {  	_ =	shalt  }
0x87: {  	_ =	shalt  }
.Lfunc_end0:
.L_simem_size_0:
called_computation.2_lowered:
.L_overlay_start_0:
0x88: {  	s2 =	sld [smem:$0x3FD9]  }
0x89: {  	s3 =	sld [smem:$0x3FFE];
	_ =	sdelay $0x1  }
0x8a: {  	s1 =	srdreg.scid  }
0x8b: {  	s0 =	sand.u32 $0x1, s1  }
0x8c: {  	s16 =	sshll.u32 s0, $0xA;
	s2 =	sadd.s32 s3, s2  }
0x8d: {  	s2 =	sadd.s32 s2, s16  }
0x8e: {  	[smem:$0x3F8A] =	sst s2  }
0x8f: {  	_ = 	snop  }
0x90: {  	(tm) =	ssettm $0x1  }
0x91: {  	s17 =	sld [smem:$0x3FFB];
	_ =	sdelay $0x3  }
0x92: {  	_ =	strace s17  }
0x93: {  	s2 =	sld [smem:$0x3FFC];
	_ =	sdelay $0x3  }
0x94: {  	_ =	strace s2  }
0x95: {  	s2 =	sld [smem:$0x3FFD];
	_ =	sdelay $0x3  }
0x96: {  	_ =	strace s2  }
0x97: {  	_ =	strace $0x8FFFFFFF  }
0x98: {  	s18 =	sld [smem:$0x3FDB];
	_ =	sdelay $0x1  }
0x99: {  	s19 =	simm.s32 $_scs_section_size  }
0x9a: {  	s4 =	simm.s32 $_size__tile_overlayer_lowered;
	s5 =	simm.s32 $_tile_overlayer_lowered  }
0x9b: {  	s22 =	simm.s32 $0x1BFF;
	s21 =	sshll.u32 s5, $0x1;
	s2 =	sadd.s32 s19, s18  }
0x9c: {  	s6 =	simm.s32 $0x0;
	s20 =	sshll.u32 s4, $0x1;
	s4 =	sadd.s32 s21, s2  }
0x9d: {  	[timem:s6], [sflag:s22] =	dma.local [hbm:s4], s20  }
0x9e: {  	_ =	swait.ge [sflag:s22], s20  }
0x9f: {  	s3 =	ssub.s32 $0x0, s20;
	[sflag:s22] =	ssyncset.done $0x0  }
0xa0: {  	[sflag:s22] =	ssyncadd.s32 s3;
	_ =	sdelay $0x1  }
0xa1: {  	s23 =	simm.s32 $0x1B8B  }
0xa2: {  	_ =	swait.ge [sflag:s23], $0x1  }
0xa3: {  	[sflag:s23] =	ssyncset.done $0x0  }
0xa4: {  	s25 =	simm.s32 $0x1B8E;
	s24 =	sld [smem:$0x3FFE];
	[sflag:s23] =	ssyncadd.s32 $0xFFFFFFFF  }
0xa5: {  	s26 =	simm.s32 $execute0_lowered;
	[smem:$0x3FD2] =	sst s25  }
0xa6: {  	s4 =	sshll.u32 s26, $0x1;
	_ =	strace $0x8000004C;
	[dreg:$0x1] =	wrdreg $0xFFFFFFFF  }
0xa7: {  	s28 =	simm.s32 $_size_execute0_lowered;
	s2 =	sadd.s32 s2, s4;
	[dreg:$0x0] =	wrdreg $0x0  }
0xa8: {  	s4 =	sshll.u32 s28, $0x1;
	[dreg:$0x2] =	wrdreg s2  }
0xa9: {  	[dreg:$0x3] =	wrdreg s4  }
0xaa: {  	[dreg:$0x4] =	wrdreg $0xC0  }
0xab: {  	_ =	task [dreg:s6], $0x5FFFF  }
0xac: {  	[dreg:$0x1] =	wrdreg $0xFFFFFFFF  }
0xad: {  	[dreg:$0x0] =	wrdreg $0x60  }
0xae: {  	[dreg:$0x2] =	wrdreg s24  }
0xaf: {  	[dreg:$0x3] =	wrdreg $0x9  }
0xb0: {  	_ =	task.clear_ibuf [dreg:s6], $0x4FFFF;
	_ =	strace $0x9000004C  }
0xb1: {  	s29 =	simm.s32 $0x9;
	_ =	strace $0x8000004E  }
0xb2: {  	_ =	swait.ge [sflag:s29], $0x1  }
0xb3: {  	[sflag:s29] =	ssyncadd.s32 $0xFFFFFFFF  }
0xb4: {  	_ =	strace $0x9000004E  }
0xb5: {  	_ =	sfence  }
0xb6: {  	s30 =	sld [smem:$0x0];
	_ =	sdelay $0x2  }
0xb7: {  	s31 =	sshll.u32 s1, $0xD;
	s1 =	sshrl.u32 s1, $0x2  }
0xb8: {  	s3 =	sand.u32 $0x4000, s31;
	s1 =	sadd.s32 s1, s30  }
0xb9: {  	s0 =	sor.u32 s3, s0;
	s1 =	sshll.u32 s1, $0x11  }
0xba: {  	s0 =	sor.u32 s1, s0  }
0xbb: {  	s0 =	sadd.s32 $0x8F2B, s0  }
0xbc: {  	[sflag:s0] =	ssyncadd.remote.s32 $0x1  }
0xbd: {  	_ =	sfence.sel $0xFFFF  }
0xbe: {  	[dreg:$0x0] =	wrdreg $0xFFFFFFFF;
	(pc) =	sbr.abs _section_cstart, $3  }
0xbf: {  	[dreg:$0x1] =	wrdreg $0xFFFFFFFF  }
0xc0: {  	_ =	task.clear_ibuf [dreg:s6], $0x2FFFF;
	_ =	strace $0x9FFFFFFF  }
0xc1: {  	(tm) =	ssettm $0x7FFFFFFF  }
tec
execute0_lowered:
.L_overlay_start_1:
0x0: {  	(tag) =	ssettag $0x1  }
0x1: {  	s8 =	rddreg [dreg:$0x0]  }
0x2: {  	s0 =	rddreg [dreg:$0x1]  }
0x3: {  	s2 =	simm.s32 $0x0;
	s3 =	srdreg.scid;
	s1 =	stileid.u32  }
0x4: {  	s13 =	simm.s32 $0x5;
	s14 =	simm.s32 $0x50;
	s15 =	simm.s32 $0xA0  }
0x5: {  	s16 =	simm.s32 $0x28A0;
	s17 =	simm.s32 $0x1;
	s18 =	simm.s32 $0x2  }
0x6: {  	s19 =	simm.s32 $0x5140;
	s20 =	simm.s32 $0x3;
	s21 =	simm.s32 $0x4  }
0x7: {  	s22 =	simm.s32 $0x0;
	[smem:$0x7FF] =	sst s2;
	s9 =	sand.u32 $0x1, s3  }
0x8: {  	s31 =	sshll.u32 s1, $0x1;
	s3 =	sadd.s32 $0x6EC00, s8;
	s4 =	sadd.s32 $0x95E00, s8  }
.Ltmp0:
0x9: {  	s5 =	sor.u32 s9, s31;
	s9 =	ssub.s32 $0x2, s9;
	(pc) =	sbr.rel .LBB2_1-.Ltmp0, $4  }
0xa: {  	s6 =	sadd.s32 $0xA600, s8;
	s5 =	smul.u32 $0x2710, s5;
	s10 =	sshrl.u32 s9, $0x1  }
0xb: {  	s7 =	sadd.s32 $0x14400, s8;
	s8 =	sadd.s32 $0xBD000, s8;
	s12 =	ssub.s32 s9, s10  }
0xc: {  	_ =	strace $0x8000004D;
	s11 =	sshrl.u32 s5, $0x3;
	s12 =	smax.u32 s12, $0x1  }
0xd: {  	s9 =	sadd.s32 s7, s11;
	s10 =	sadd.s32 s6, s11;
	s11 =	sadd.s32 $0xA0, s5  }
.LBB2_9:
0xe: {  	s22 =	sadd.s32 $0x1, s22  }
0xf: {  	_ =	swait.ge [sflag:s20], $0x2800;
	p0 =	sne.s32 s22, s12  }
.Ltmp1:
0x10: {  	[sflag:s20] =	ssyncset.done $0x0;
	(pc) =	sbr.rel @!p0 .LBB2_10-.Ltmp1, $4  }
0x11: {  	[sflag:s20] =	ssyncadd.s32 $0xFFFFD800  }
0x12: {  	_ =	swait.ge [sflag:s21], $0x2800  }
0x13: {  	[sflag:s21] =	ssyncset.done $0x0  }
0x14: {  	[sflag:s21] =	ssyncadd.s32 $0xFFFFD800  }
.LBB2_1:
0x15: {  	[tilespmem:s2], [sflag:$0x5] =	stream.linear.gather [hbm4b:s9+s2], $0x50, $0x38;
	[tilespmem:$0xA140] =	vst v63  }
0x16: {  	_ =	swait.ge [sflag:s13], $0x50  }
0x17: {  	[sflag:s13] =	ssyncset.done $0x0  }
0x18: {  	[sflag:s13] =	ssyncadd.s32 $0xFFFFFFB0  }
0x19: {  	[tilespmem:s14], [sflag:$0x5] =	stream.linear.gather [hbm4b:s10+s2], $0x50, $0x38;
	[tilespmem:$0xA140] =	vst v63  }
0x1a: {  	_ =	swait.ge [sflag:s13], $0x50  }
.Ltmp2:
0x1b: {  	[sflag:s13] =	ssyncset.done $0x0;
	(pc) =	sbr.rel .LBB2_2-.Ltmp2, $4  }
0x1c: {  	[sflag:s13] =	ssyncadd.s32 $0xFFFFFFB0  }
0x1d: {  	[tilespmem:s15], [sflag:$0x1] =	stream.indirect.gather [hbm4b:s3+s14], $0x80, s2, s14, $0xb8;
	[tilespmem:$0xA140] =	vst v63  }
0x1e: {  	s23 =	simm.s32 $0x0  }
0x1f: {  	[tilespmem:s16], [sflag:$0x1] =	stream.indirect.gather [hbm4b:s4+s14], $0x80, s14, s14, $0xb8;
	[tilespmem:$0xA140] =	vst v63  }
.LBB2_8:
0x20: {  	s23 =	sadd.s32 $0x1, s23  }
0x21: {  	p0 =	sne.s32 s23, $0x3F  }
.Ltmp3:
0x22: {  	_ = 	snop;
	(pc) =	sbr.rel @!p0 .LBB2_9-.Ltmp3, $1  }
0x23: {  	_ =	sdelay $0x3  }
.LBB2_2:
0x24: {  	s24 =	sshllo.u32 s23, $0x1  }
0x25: {  	p0 =	sgt.u32 s24, $0x7C  }
0x26: {  	p1 =	seq.s32 @!p0 s23, $0x0  }
0x27: {  	p1 =	por p1, p0  }
0x28: {  	s26 =	smul.u32 @!p0 $0x50, s24;
	s25 =	simm.s32 @!p1 $0x4  }
0x29: {  	_ =	swait.ge @!p1 [sflag:s25], $0x2800  }
0x2a: {  	s26 =	sadd.s32 @!p0 s5, s26;
	[sflag:s25] =	ssyncset.done @!p1 $0x0  }
0x2b: {  	[sflag:s25] =	ssyncadd.s32 @!p1 $0xFFFFD800;
	s25 =	sshrl.u32 @!p0 s26, $0x3  }
0x2c: {  	s28 =	simm.s32 @!p0 $0x0;
	s29 =	simm.s32 @!p0 $0x50A0;
	s26 =	sadd.s32 @!p0 s7, s25  }
0x2d: {  	[tilespmem:s29], [sflag:$0x5] =	stream.linear.gather @!p0 [hbm4b:s26+s28], $0x50, $0x38;
	[tilespmem:$0xA140] =	vst v63  }
0x2e: {  	s26 =	simm.s32 @!p0 $0x5  }
0x2f: {  	_ =	swait.ge @!p0 [sflag:s26], $0x50  }
0x30: {  	[sflag:s26] =	ssyncset.done @!p0 $0x0  }
0x31: {  	s30 =	simm.s32 @!p0 $0x50F0;
	s25 =	sadd.s32 @!p0 s6, s25;
	[sflag:s26] =	ssyncadd.s32 @!p0 $0xFFFFFFB0  }
0x32: {  	[tilespmem:s30], [sflag:$0x5] =	stream.linear.gather @!p0 [hbm4b:s25+s28], $0x50, $0x38;
	[tilespmem:$0xA140] =	vst v63  }
0x33: {  	_ =	swait.ge @!p0 [sflag:s26], $0x50  }
0x34: {  	[sflag:s26] =	ssyncset.done @!p0 $0x0  }
0x35: {  	s25 =	simm.s32 @!p0 $0x50;
	[sflag:s26] =	ssyncadd.s32 @!p0 $0xFFFFFFB0;
	s26 =	simm.s32 @!p0 $0x5140  }
0x36: {  	[tilespmem:s26], [sflag:$0x2] =	stream.indirect.gather @!p0 [hbm4b:s3+s25], $0x80, s29, s25, $0xb8;
	[tilespmem:$0xA140] =	vst v63  }
0x37: {  	s26 =	simm.s32 @!p0 $0x7940  }
0x38: {  	[tilespmem:s26], [sflag:$0x2] =	stream.indirect.gather @!p0 [hbm4b:s4+s25], $0x80, s30, s25, $0xb8;
	[tilespmem:$0xA140] =	vst v63  }
0x39: {  	_ =	swait.ge [sflag:s17], $0x2800  }
0x3a: {  	[sflag:s17] =	ssyncset.done $0x0  }
0x3b: {  	[sflag:s17] =	ssyncadd.s32 $0xFFFFD800  }
0x3c: {  	_ =	swait.ge [sflag:s17], $0x2800  }
0x3d: {  	[sflag:s17] =	ssyncset.done $0x0  }
0x3e: {  	s25 =	simm.s32 $0x0;
	[sflag:s17] =	ssyncadd.s32 $0xFFFFD800  }
0x3f: {  	v6 =	vld [tilespmem:s25+$0x28A0]  }
0x40: {  	v11 =	vld [tilespmem:s25+$0x28B0]  }
0x41: {  	v5 =	vld [tilespmem:s25+$0x28C0]  }
0x42: {  	v4 =	vld [tilespmem:s25+$0x28D0]  }
0x43: {  	v3 =	vld [tilespmem:s25+$0x28E0]  }
0x44: {  	v2 =	vld [tilespmem:s25+$0x28F0]  }
0x45: {  	v1 =	vld [tilespmem:s25+$0x2900]  }
0x46: {  	v0 =	vld [tilespmem:s25+$0x2910]  }
0x47: {  	v12 =	vld [tilespmem:s25+$0xA0]  }
0x48: {  	v13 =	vld [tilespmem:s25+$0xB0]  }
0x49: {  	v10 =	vld [tilespmem:s25+$0xC0]  }
0x4a: {  	v9 =	vld [tilespmem:s25+$0xD0]  }
0x4b: {  	v8 =	vld [tilespmem:s25+$0xE0]  }
0x4c: {  	v7 =	vld [tilespmem:s25+$0xF0];
	v12 =	vadd.f32 v6, v12  }
0x4d: {  	s26 =	simm.s32 $0x200;
	v11 =	vadd.f32 v11, v13;
	v6 =	vld [tilespmem:s25+$0x100]  }
.LBB2_3:
0x4e: {  	s28 =	sshra.s32 s26, $0x2;
	p1 =	sne.s32 s26, $0x9E00;
	[tilespmem:s25+$0xA0] =	vst v12;
	v5 =	vadd.f32 v5, v10;
	v10 =	vld [tilespmem:s25+$0x110]  }
0x4f: {  	v12 =	vld [tilespmem:s28+$0x28A0];
	[tilespmem:s25+$0xB0] =	vst v11;
	v4 =	vadd.f32 v4, v9  }
0x50: {  	v11 =	vld [tilespmem:s28+$0x28B0];
	[tilespmem:s25+$0xC0] =	vst v5;
	v3 =	vadd.f32 v3, v8  }
0x51: {  	v5 =	vld [tilespmem:s28+$0x28C0];
	[tilespmem:s25+$0xD0] =	vst v4;
	v2 =	vadd.f32 v2, v7  }
0x52: {  	v4 =	vld [tilespmem:s28+$0x28D0];
	[tilespmem:s25+$0xE0] =	vst v3;
	v1 =	vadd.f32 v1, v6  }
0x53: {  	v3 =	vld [tilespmem:s28+$0x28E0];
	[tilespmem:s25+$0xF0] =	vst v2;
	v0 =	vadd.f32 v0, v10  }
0x54: {  	v2 =	vld [tilespmem:s28+$0x28F0];
	[tilespmem:s25+$0x100] =	vst v1  }
0x55: {  	v1 =	vld [tilespmem:s28+$0x2900];
	[tilespmem:s25+$0x110] =	vst v0;
	s25 =	smov.u32 s28  }
0x56: {  	v0 =	vld [tilespmem:s25+$0x2910]  }
0x57: {  	v6 =	vld [tilespmem:s25+$0xA0]  }
0x58: {  	v13 =	vld [tilespmem:s25+$0xB0]  }
.Ltmp4:
0x59: {  	v10 =	vld [tilespmem:s25+$0xC0];
	(pc) =	sbr.rel @p1 .LBB2_3-.Ltmp4, $4  }
0x5a: {  	v9 =	vld [tilespmem:s25+$0xD0]  }
0x5b: {  	v8 =	vld [tilespmem:s25+$0xE0]  }
0x5c: {  	v12 =	vadd.f32 v12, v6;
	v7 =	vld [tilespmem:s25+$0xF0]  }
0x5d: {  	s26 =	sadd.s32 $0x200, s26;
	v11 =	vadd.f32 v11, v13;
	v6 =	vld [tilespmem:s25+$0x100]  }
0x5e: {  	[tilespmem:s25+$0xA0] =	vst v12;
	v5 =	vadd.f32 v5, v10;
	v63 =	vld [tilespmem:s25+$0x110]  }
0x5f: {  	[tilespmem:s25+$0xB0] =	vst v11;
	v4 =	vadd.f32 v4, v9  }
0x60: {  	[tilespmem:s25+$0xC0] =	vst v5;
	v3 =	vadd.f32 v3, v8  }
0x61: {  	s26 =	smul.u32 $0xA0, s23;
	[tilespmem:s25+$0xD0] =	vst v4;
	v2 =	vadd.f32 v2, v7  }
0x62: {  	[tilespmem:s25+$0xE0] =	vst v3;
	v1 =	vadd.f32 v1, v6  }
0x63: {  	s28 =	sadd.s32 s5, s26;
	[tilespmem:s25+$0xF0] =	vst v2;
	v0 =	vadd.f32 v0, v63  }
0x64: {  	p1 =	seq.s32 s23, $0x3E;
	s28 =	sshll.u32 s28, $0x4;
	[tilespmem:s25+$0x100] =	vst v1  }
0x65: {  	s31 =	sadd.s32 s8, s28;
	[tilespmem:s25+$0x110] =	vst v0;
	s25 =	simm.s32 @!p1 $0x3  }
0x66: {  	[hbm4b:s31+s2] =	stream.linear.scatter [tilespmem:s15], [sflag:$0x3], $0x2800, $0x38;
	[tilespmem:$0xA140] =	vst v63  }
0x67: {  	s26 =	sadd.s32 @!p1 s26, s11;
	_ =	swait.ge @!p1 [sflag:s25], $0x2800  }
0x68: {  	s26 =	sshrl.u32 @!p1 s26, $0x3;
	[sflag:s25] =	ssyncset.done @!p1 $0x0  }
0x69: {  	s28 =	simm.s32 @!p1 $0x0;
	[sflag:s25] =	ssyncadd.s32 @!p1 $0xFFFFD800;
	s25 =	sadd.s32 @!p1 s7, s26  }
0x6a: {  	[tilespmem:s28], [sflag:$0x5] =	stream.linear.gather @!p1 [hbm4b:s25+s28], $0x50, $0x38;
	[tilespmem:$0xA140] =	vst v63  }
0x6b: {  	s25 =	simm.s32 @!p1 $0x5  }
0x6c: {  	_ =	swait.ge @!p1 [sflag:s25], $0x50  }
0x6d: {  	[sflag:s25] =	ssyncset.done @!p1 $0x0  }
0x6e: {  	s29 =	simm.s32 @!p1 $0x50;
	s26 =	sadd.s32 @!p1 s6, s26;
	[sflag:s25] =	ssyncadd.s32 @!p1 $0xFFFFFFB0  }
0x6f: {  	[tilespmem:s29], [sflag:$0x5] =	stream.linear.gather @!p1 [hbm4b:s26+s28], $0x50, $0x38;
	[tilespmem:$0xA140] =	vst v63  }
0x70: {  	_ =	swait.ge @!p1 [sflag:s25], $0x50  }
.Ltmp5:
0x71: {  	[sflag:s25] =	ssyncset.done @!p1 $0x0;
	(pc) =	sbr.rel @p0 .LBB2_8-.Ltmp5, $4  }
0x72: {  	[sflag:s25] =	ssyncadd.s32 @!p1 $0xFFFFFFB0;
	s25 =	simm.s32 @!p1 $0xA0  }
0x73: {  	[tilespmem:s25], [sflag:$0x1] =	stream.indirect.gather @!p1 [hbm4b:s3+s29], $0x80, s28, s29, $0xb8;
	[tilespmem:$0xA140] =	vst v63  }
0x74: {  	s25 =	simm.s32 @!p1 $0x28A0  }
0x75: {  	[tilespmem:s25], [sflag:$0x1] =	stream.indirect.gather @!p1 [hbm4b:s4+s29], $0x80, s29, s29, $0xb8;
	[tilespmem:$0xA140] =	vst v63  }
0x76: {  	_ =	swait.ge [sflag:s18], $0x2800  }
0x77: {  	[sflag:s18] =	ssyncset.done $0x0  }
0x78: {  	[sflag:s18] =	ssyncadd.s32 $0xFFFFD800  }
0x79: {  	_ =	swait.ge [sflag:s18], $0x2800  }
0x7a: {  	[sflag:s18] =	ssyncset.done $0x0  }
0x7b: {  	s25 =	simm.s32 $0x0;
	[sflag:s18] =	ssyncadd.s32 $0xFFFFD800  }
0x7c: {  	v7 =	vld [tilespmem:s25+$0x7940]  }
0x7d: {  	v11 =	vld [tilespmem:s25+$0x7950]  }
0x7e: {  	v5 =	vld [tilespmem:s25+$0x7960]  }
0x7f: {  	v4 =	vld [tilespmem:s25+$0x7970]  }
0x80: {  	v3 =	vld [tilespmem:s25+$0x7980]  }
0x81: {  	v2 =	vld [tilespmem:s25+$0x7990]  }
0x82: {  	v1 =	vld [tilespmem:s25+$0x79A0]  }
0x83: {  	v0 =	vld [tilespmem:s25+$0x79B0]  }
0x84: {  	v12 =	vld [tilespmem:s25+$0x5140]  }
0x85: {  	v13 =	vld [tilespmem:s25+$0x5150]  }
0x86: {  	v10 =	vld [tilespmem:s25+$0x5160]  }
0x87: {  	v9 =	vld [tilespmem:s25+$0x5170]  }
0x88: {  	v8 =	vld [tilespmem:s25+$0x5180]  }
0x89: {  	v6 =	vld [tilespmem:s25+$0x5190];
	v12 =	vadd.f32 v7, v12  }
0x8a: {  	s26 =	simm.s32 $0x200;
	v11 =	vadd.f32 v11, v13;
	v7 =	vld [tilespmem:s25+$0x51A0]  }
.LBB2_6:
0x8b: {  	s28 =	sshra.s32 s26, $0x2;
	p0 =	sne.s32 s26, $0x9E00;
	[tilespmem:s25+$0x5140] =	vst v12;
	v5 =	vadd.f32 v5, v10;
	v10 =	vld [tilespmem:s25+$0x51B0]  }
0x8c: {  	v12 =	vld [tilespmem:s28+$0x7940];
	[tilespmem:s25+$0x5150] =	vst v11;
	v4 =	vadd.f32 v4, v9  }
0x8d: {  	v11 =	vld [tilespmem:s28+$0x7950];
	[tilespmem:s25+$0x5160] =	vst v5;
	v3 =	vadd.f32 v3, v8  }
0x8e: {  	v5 =	vld [tilespmem:s28+$0x7960];
	[tilespmem:s25+$0x5170] =	vst v4;
	v2 =	vadd.f32 v2, v6  }
0x8f: {  	v4 =	vld [tilespmem:s28+$0x7970];
	[tilespmem:s25+$0x5180] =	vst v3;
	v1 =	vadd.f32 v1, v7  }
0x90: {  	v3 =	vld [tilespmem:s28+$0x7980];
	[tilespmem:s25+$0x5190] =	vst v2;
	v0 =	vadd.f32 v0, v10  }
0x91: {  	v2 =	vld [tilespmem:s28+$0x7990];
	[tilespmem:s25+$0x51A0] =	vst v1  }
0x92: {  	v1 =	vld [tilespmem:s28+$0x79A0];
	[tilespmem:s25+$0x51B0] =	vst v0;
	s25 =	smov.u32 s28  }
0x93: {  	v0 =	vld [tilespmem:s25+$0x79B0]  }
0x94: {  	v6 =	vld [tilespmem:s25+$0x5140]  }
0x95: {  	v7 =	vld [tilespmem:s25+$0x5150]  }
.Ltmp6:
0x96: {  	v10 =	vld [tilespmem:s25+$0x5160];
	(pc) =	sbr.rel @p0 .LBB2_6-.Ltmp6, $4  }
0x97: {  	v9 =	vld [tilespmem:s25+$0x5170]  }
0x98: {  	v8 =	vld [tilespmem:s25+$0x5180]  }
0x99: {  	v12 =	vadd.f32 v12, v6;
	v6 =	vld [tilespmem:s25+$0x5190]  }
0x9a: {  	s26 =	sadd.s32 $0x200, s26;
	v11 =	vadd.f32 v11, v7;
	v7 =	vld [tilespmem:s25+$0x51A0]  }
0x9b: {  	[tilespmem:s25+$0x5140] =	vst v12;
	v5 =	vadd.f32 v5, v10;
	v63 =	vld [tilespmem:s25+$0x51B0]  }
0x9c: {  	[tilespmem:s25+$0x5150] =	vst v11;
	v4 =	vadd.f32 v4, v9  }
0x9d: {  	s24 =	smul.u32 $0x50, s24;
	[tilespmem:s25+$0x5160] =	vst v5;
	v3 =	vadd.f32 v3, v8  }
0x9e: {  	[tilespmem:s25+$0x5170] =	vst v4;
	v2 =	vadd.f32 v2, v6  }
.Ltmp7:
0x9f: {  	s24 =	sadd.s32 s5, s24;
	[tilespmem:s25+$0x5180] =	vst v3;
	v1 =	vadd.f32 v1, v7;
	(pc) =	sbr.rel .LBB2_8-.Ltmp7, $4  }
0xa0: {  	s24 =	sshll.u32 s24, $0x4;
	[tilespmem:s25+$0x5190] =	vst v2;
	v0 =	vadd.f32 v0, v63  }
0xa1: {  	s24 =	sand.u32 $0x1FFFFF00, s24;
	[tilespmem:s25+$0x51A0] =	vst v1  }
0xa2: {  	s24 =	sadd.s32 s8, s24;
	[tilespmem:s25+$0x51B0] =	vst v0  }
0xa3: {  	[hbm4b:s24+s2] =	stream.linear.scatter [tilespmem:s19], [sflag:$0x4], $0x2800, $0x38;
	[tilespmem:$0xA140] =	vst v63  }
.LBB2_10:
0xa4: {  	_ =	sfence.sel $0x180000  }
0xa5: {  	[bflag:$0x0] =	sbarrier.arrive $0xFFFF  }
0xa6: {  	p0 =	sne.s32 s1, $0x0;
	_ =	strace $0x9000004D  }
0xa7: {  	s0 =	sadd.s32 @!p0 $0x100000, s0;
	[bflag:$0x2] =	sbarrier.arrive $0xFFFF  }
0xa8: {  	[sflag:s0] =	ssyncadd.tile.s32 @!p0 $0x1;
	_ =	shalt  }
.Lfunc_end2:
_tile_overlayer_lowered:
.L_overlay_start_2:
0xa9: {  	(tag) =	ssettag $0x2  }
0xaa: {  	s0 =	rddreg [dreg:$0x0];
	s2 =	stileid.u32  }
0xab: {  	s1 =	rddreg [dreg:$0x1];
	p0 =	sne.s32 s2, $0x0  }
0xac: {  	s3 =	rddreg [dreg:$0x2];
	[bflag:$0x3] =	sbarrier.arrive $0xFFFF;
	s2 =	simm.s32 @!p0 $0x1C05  }
0xad: {  	[timem:s3], [sflag:s2] =	dma.local @!p0 [hbm:s0], s1  }
0xae: {  	s0 =	simm.s32 @!p0 $0x5  }
0xaf: {  	_ =	swait.ge @!p0 [sflag:s0], s1  }
0xb0: {  	s1 =	ssub.s32 @!p0 $0x0, s1;
	[sflag:s0] =	ssyncset.done @!p0 $0x0  }
0xb1: {  	[sflag:s0] =	ssyncadd.s32 @!p0 s1  }
0xb2: {  	[bflag:$0x3] =	sbarrier.arrive $0xFFFF  }
0xb3: {  	_ =	shalt  }

// kernel: kernel.20.cloned.1.call-start
scs
__scs_entry_jumppad:
0x0: {  	(pc) =	sbr.rel $0x88, $3  }
0x1: {  	(tag) =	ssettag $0x0;
	lr =	simm.s32 $0x1  }
0x2: {  	[smem:$0x3F63] =	sst lr;
	_ =	strace $0xD0000000  }
0x3: {  	_ = 	snop  }
0x4: {  	_ = 	snop  }
0x5: {  	_ = 	snop  }
0x6: {  	_ = 	snop  }
0x7: {  	_ = 	snop  }
__scs_overlays_trampoline_lowered:
0x8: {  	[smem:$0x3F72] =	sst s0  }
0x9: {  	[smem:$0x3F73] =	sst s1  }
0xa: {  	[smem:$0x3F74] =	sst s2  }
0xb: {  	[smem:$0x3F75] =	sst s3  }
0xc: {  	[smem:$0x3F76] =	sst s4  }
0xd: {  	[smem:$0x3F77] =	sst s5  }
0xe: {  	[smem:$0x3F78] =	sst s6  }
0xf: {  	[smem:$0x3F79] =	sst s7  }
0x10: {  	[smem:$0x3F7A] =	sst s8  }
0x11: {  	[smem:$0x3F7B] =	sst s9;
	s0 =	simm.s32 @!p0 $0x0  }
0x12: {  	s1 =	sld [smem:$0x3F61];
	s0 =	simm.s32 @p0 $0x1  }
0x13: {  	[smem:$0x3F7C] =	sst s0;
	s0 =	simm.s32 @!p1 $0x0  }
0x14: {  	s2 =	sld [smem:$0x3F60];
	s0 =	simm.s32 @p1 $0x1  }
0x15: {  	[smem:$0x3F7D] =	sst s0;
	s0 =	simm.s32 @!p2 $0x0  }
0x16: {  	s3 =	sld [smem:$0x3FDB];
	s0 =	simm.s32 @p2 $0x1  }
0x17: {  	s4 =	simm.s32 $0x1BF5;
	[smem:$0x3F7F] =	sst s0  }
0x18: {  	s0 =	sld [smem:$0x3F62];
	_ =	swait.ge [sflag:s4], $0x0  }
0x19: {  	s7 =	sld [smem:$0x3F63]  }
0x1a: {  	s8 =	sadd.s32 $0xFFFFE003, lr  }
0x1b: {  	s9 =	sadd.s32 $0xFFFFFEF7, lr;
	s5 =	simm.s32 $0xFFFFFFFF;
	p2 =	slt.u32 s8, $0xFFFFF086  }
0x1c: {  	p1 =	slt.u32 s9, $0xF7A;
	s5 =	simm.s32 @!p2 $0x0  }
0x1d: {  	s5 =	simm.s32 @p1 $0x1;
	p0 =	seq.s32 s7, s2  }
0x1e: {  	s7 =	smul.u32 @!p0 $0xF7A, s2;
	p2 =	seq.s32 @!p0 s5, $0x0  }
0x1f: {  	s9 =	smul.u32 $0xF7A, s1;
	s8 =	simm.s32 @!p0 $0x1BF5;
	p2 =	por !p2, p0  }
0x20: {  	[sflag:s8] =	ssyncset.s32 @!p0 $0xFFFFF086;
	s6 =	sadd.s32 @!p0 s3, s7;
	s7 =	simm.s32 @!p0 $0x108  }
0x21: {  	s3 =	sadd.s32 s3, s9;
	s6 =	sadd.s32 @!p0 $0x88, s6;
	s7 =	simm.s32 @p2 $0x1082  }
0x22: {  	[simem:s7], [sflag:s8] =	dma.local @!p0 [hbm:s6], $0xF7A  }
0x23: {  	s9 =	sor.u32 $0xD0000000, s2;
	s6 =	simm.s32 $0x108;
	_ =	swait.ge @!p0 [sflag:s8], $0x0  }
0x24: {  	s3 =	sadd.s32 $0x88, s3;
	s6 =	simm.s32 @!p1 $0x1082;
	[sflag:s4] =	ssyncset.s32 $0xFFFFF086  }
0x25: {  	[simem:s6], [sflag:s4] =	dma.local [hbm:s3], $0xF7A  }
0x26: {  	[smem:$0x3F63] =	sst s1;
	(tag) =	ssettag s2;
	_ =	strace s9  }
0x27: {  	s1 =	sld [smem:$0x3F73]  }
0x28: {  	s2 =	sld [smem:$0x3F74]  }
0x29: {  	s4 =	sld [smem:$0x3F76]  }
0x2a: {  	p0 =	seq.s32 s5, $0x0;
	s5 =	sld [smem:$0x3F77]  }
0x2b: {  	s6 =	sld [smem:$0x3F78]  }
0x2c: {  	s7 =	sld [smem:$0x3F79]  }
0x2d: {  	s3 =	simm.s32 $0x108;
	s8 =	sld [smem:$0x3F7A]  }
0x2e: {  	s3 =	simm.s32 @!p0 $0x1082;
	s9 =	sld [smem:$0x3F7B]  }
0x2f: {  	lr =	sadd.s32 s0, s3;
	s0 =	sld [smem:$0x3F72]  }
0x30: {  	s3 =	sld [smem:$0x3F75]  }
0x31: {  	[smem:$0x3F7E] =	sst s10  }
0x32: {  	s10 =	sld [smem:$0x3F7C];
	_ =	sdelay $0x3  }
0x33: {  	p0 =	seq.s32 s10, $0x1;
	s10 =	sld [smem:$0x3F7E];
	_ =	sdelay $0x3  }
0x34: {  	[smem:$0x3F7E] =	sst s10  }
0x35: {  	s10 =	sld [smem:$0x3F7D];
	_ =	sdelay $0x3  }
0x36: {  	p1 =	seq.s32 s10, $0x1;
	s10 =	sld [smem:$0x3F7E];
	_ =	sdelay $0x3  }
0x37: {  	[smem:$0x3F7E] =	sst s10  }
0x38: {  	s10 =	sld [smem:$0x3F7F]  }
0x39: {  	_ = 	snop;
	(pc) =	sbr.ind lr, $3  }
0x3a: {  	_ = 	snop  }
0x3b: {  	_ = 	snop  }
0x3c: {  	p2 =	seq.s32 s10, $0x1;
	s10 =	sld [smem:$0x3F7E]  }
0x3d: {  	_ =	shalt  }
0x3e: {  	_ =	shalt  }
0x3f: {  	_ =	shalt  }
0x40: {  	_ =	shalt  }
0x41: {  	_ =	shalt  }
0x42: {  	_ =	shalt  }
0x43: {  	_ =	shalt  }
0x44: {  	_ =	shalt  }
0x45: {  	_ =	shalt  }
0x46: {  	_ =	shalt  }
0x47: {  	_ =	shalt  }
0x48: {  	_ =	shalt  }
0x49: {  	_ =	shalt  }
0x4a: {  	_ =	shalt  }
0x4b: {  	_ =	shalt  }
0x4c: {  	_ =	shalt  }
0x4d: {  	_ =	shalt  }
0x4e: {  	_ =	shalt  }
0x4f: {  	_ =	shalt  }
0x50: {  	_ =	shalt  }
0x51: {  	_ =	shalt  }
0x52: {  	_ =	shalt  }
0x53: {  	_ =	shalt  }
0x54: {  	_ =	shalt  }
0x55: {  	_ =	shalt  }
0x56: {  	_ =	shalt  }
0x57: {  	_ =	shalt  }
0x58: {  	_ =	shalt  }
0x59: {  	_ =	shalt  }
0x5a: {  	_ =	shalt  }
0x5b: {  	_ =	shalt  }
0x5c: {  	_ =	shalt  }
0x5d: {  	_ =	shalt  }
0x5e: {  	_ =	shalt  }
0x5f: {  	_ =	shalt  }
0x60: {  	_ =	shalt  }
0x61: {  	_ =	shalt  }
0x62: {  	_ =	shalt  }
0x63: {  	_ =	shalt  }
0x64: {  	_ =	shalt  }
0x65: {  	_ =	shalt  }
0x66: {  	_ =	shalt  }
0x67: {  	_ =	shalt  }
0x68: {  	_ =	shalt  }
0x69: {  	_ =	shalt  }
0x6a: {  	_ =	shalt  }
0x6b: {  	_ =	shalt  }
0x6c: {  	_ =	shalt  }
0x6d: {  	_ =	shalt  }
0x6e: {  	_ =	shalt  }
0x6f: {  	_ =	shalt  }
0x70: {  	_ =	shalt  }
0x71: {  	_ =	shalt  }
0x72: {  	_ =	shalt  }
0x73: {  	_ =	shalt  }
0x74: {  	_ =	shalt  }
0x75: {  	_ =	shalt  }
0x76: {  	_ =	shalt  }
0x77: {  	_ =	shalt  }
0x78: {  	_ =	shalt  }
0x79: {  	_ =	shalt  }
0x7a: {  	_ =	shalt  }
0x7b: {  	_ =	shalt  }
0x7c: {  	_ =	shalt  }
0x7d: {  	_ =	shalt  }
0x7e: {  	_ =	shalt  }
0x7f: {  	_ =	shalt  }
0x80: {  	_ =	shalt  }
0x81: {  	_ =	shalt  }
0x82: {  	_ =	shalt  }
0x83: {  	_ =	shalt  }
0x84: {  	_ =	shalt  }
0x85: {  	_ =	shalt  }
0x86: {  	_ =	shalt  }
0x87: {  	_ =	shalt  }
.Lfunc_end0:
.L_simem_size_0:
called_computation.3_lowered:
.L_overlay_start_0:
0x88: {  	s2 =	sld [smem:$0x3FD9]  }
0x89: {  	s3 =	sld [smem:$0x3FFE];
	_ =	sdelay $0x1  }
0x8a: {  	s1 =	srdreg.scid  }
0x8b: {  	s0 =	sand.u32 $0x1, s1  }
0x8c: {  	s16 =	sshll.u32 s0, $0xA;
	s2 =	sadd.s32 s3, s2  }
0x8d: {  	s2 =	sadd.s32 s2, s16  }
0x8e: {  	[smem:$0x3F8A] =	sst s2  }
0x8f: {  	_ = 	snop  }
0x90: {  	(tm) =	ssettm $0x1  }
0x91: {  	s17 =	sld [smem:$0x3FFB];
	_ =	sdelay $0x3  }
0x92: {  	_ =	strace s17  }
0x93: {  	s2 =	sld [smem:$0x3FFC];
	_ =	sdelay $0x3  }
0x94: {  	_ =	strace s2  }
0x95: {  	s2 =	sld [smem:$0x3FFD];
	_ =	sdelay $0x3  }
0x96: {  	_ =	strace s2  }
0x97: {  	_ =	strace $0x8FFFFFFF  }
0x98: {  	s18 =	sld [smem:$0x3FDB];
	_ =	sdelay $0x1  }
0x99: {  	s19 =	simm.s32 $_scs_section_size  }
0x9a: {  	s4 =	simm.s32 $_size__tile_overlayer_lowered;
	s5 =	simm.s32 $_tile_overlayer_lowered  }
0x9b: {  	s22 =	simm.s32 $0x1BFF;
	s21 =	sshll.u32 s5, $0x1;
	s2 =	sadd.s32 s19, s18  }
0x9c: {  	s6 =	simm.s32 $0x0;
	s20 =	sshll.u32 s4, $0x1;
	s4 =	sadd.s32 s21, s2  }
0x9d: {  	[timem:s6], [sflag:s22] =	dma.local [hbm:s4], s20  }
0x9e: {  	_ =	swait.ge [sflag:s22], s20  }
0x9f: {  	s3 =	ssub.s32 $0x0, s20;
	[sflag:s22] =	ssyncset.done $0x0  }
0xa0: {  	[sflag:s22] =	ssyncadd.s32 s3;
	_ =	sdelay $0x1  }
0xa1: {  	s23 =	simm.s32 $0x1B8B  }
0xa2: {  	_ =	swait.ge [sflag:s23], $0x1  }
0xa3: {  	[sflag:s23] =	ssyncset.done $0x0  }
0xa4: {  	s25 =	simm.s32 $0x1B8E;
	s24 =	sld [smem:$0x3FFE];
	[sflag:s23] =	ssyncadd.s32 $0xFFFFFFFF  }
0xa5: {  	s26 =	simm.s32 $execute0_lowered;
	[smem:$0x3FD2] =	sst s25  }
0xa6: {  	s4 =	sshll.u32 s26, $0x1;
	_ =	strace $0x8000004F;
	[dreg:$0x1] =	wrdreg $0xFFFFFFFF  }
0xa7: {  	s28 =	simm.s32 $_size_execute0_lowered;
	s2 =	sadd.s32 s2, s4;
	[dreg:$0x0] =	wrdreg $0x0  }
0xa8: {  	s4 =	sshll.u32 s28, $0x1;
	[dreg:$0x2] =	wrdreg s2  }
0xa9: {  	[dreg:$0x3] =	wrdreg s4  }
0xaa: {  	[dreg:$0x4] =	wrdreg $0xC0  }
0xab: {  	_ =	task [dreg:s6], $0x5FFFF  }
0xac: {  	[dreg:$0x1] =	wrdreg $0xFFFFFFFF  }
0xad: {  	[dreg:$0x0] =	wrdreg $0x60  }
0xae: {  	[dreg:$0x2] =	wrdreg s24  }
0xaf: {  	[dreg:$0x3] =	wrdreg $0x9  }
0xb0: {  	_ =	task.clear_ibuf [dreg:s6], $0x4FFFF;
	_ =	strace $0x9000004F  }
0xb1: {  	s29 =	simm.s32 $0x9;
	_ =	strace $0x80000051  }
0xb2: {  	_ =	swait.ge [sflag:s29], $0x1  }
0xb3: {  	[sflag:s29] =	ssyncadd.s32 $0xFFFFFFFF  }
0xb4: {  	_ =	strace $0x90000051  }
0xb5: {  	_ =	sfence  }
0xb6: {  	s30 =	sld [smem:$0x0];
	_ =	sdelay $0x2  }
0xb7: {  	s31 =	sshll.u32 s1, $0xD;
	s1 =	sshrl.u32 s1, $0x2  }
0xb8: {  	s3 =	sand.u32 $0x4000, s31;
	s1 =	sadd.s32 s1, s30  }
0xb9: {  	s0 =	sor.u32 s3, s0;
	s1 =	sshll.u32 s1, $0x11  }
0xba: {  	s0 =	sor.u32 s1, s0  }
0xbb: {  	s0 =	sadd.s32 $0x8F2B, s0  }
0xbc: {  	[sflag:s0] =	ssyncadd.remote.s32 $0x1  }
0xbd: {  	_ =	sfence.sel $0xFFFF  }
0xbe: {  	[dreg:$0x0] =	wrdreg $0xFFFFFFFF;
	(pc) =	sbr.abs _section_cstart, $3  }
0xbf: {  	[dreg:$0x1] =	wrdreg $0xFFFFFFFF  }
0xc0: {  	_ =	task.clear_ibuf [dreg:s6], $0x2FFFF;
	_ =	strace $0x9FFFFFFF  }
0xc1: {  	(tm) =	ssettm $0x7FFFFFFF  }
tec
execute0_lowered:
.L_overlay_start_1:
0x0: {  	(tag) =	ssettag $0x1  }
0x1: {  	s1 =	srdreg.scid  }
0x2: {  	s0 =	stileid.u32;
	s5 =	rddreg [dreg:$0x0];
	s2 =	simm.s32 $0x0  }
0x3: {  	s12 =	simm.s32 $0x80;
	s13 =	simm.s32 $0x13880;
	s14 =	simm.s32 $0x0  }
0x4: {  	s18 =	simm.s32 $0x0;
	s4 =	sand.u32 $0x1, s1;
	s1 =	rddreg [dreg:$0x1]  }
0x5: {  	s3 =	sshll.u32 s0, $0x1;
	[smem:$0x7FF] =	sst s2;
	s10 =	sshrl.u32 s0, $0x3  }
0x6: {  	s6 =	sor.u32 s4, s3;
	_ =	strace $0x80000050;
	s8 =	ssub.s32 $0x2, s4  }
0x7: {  	s4 =	sadd.s32 $0x6C400, s5;
	s3 =	sand.u32 $0xF, s6;
	s6 =	smul.u32 $0x2710, s6  }
0x8: {  	s9 =	sshrl.u32 s8, $0x1;
	s7 =	sadd.s32 s3, s5;
	s3 =	sadd.s32 $0x14400, s5  }
0x9: {  	s8 =	ssub.s32 s8, s9;
	s9 =	simm.s32 $0x1;
	s11 =	sadd.s32 s6, s5  }
0xa: {  	v1 =	vlaneseq.u32;
	s5 =	smul.u32 $0x27100, s10;
	s6 =	sadd.s32 $0x59F000, s7;
	s8 =	smax.u32 s8, $0x1  }
0xb: {  	v0 =	vshrl.u32 v1, $0x3;
	v1 =	vand.u32 $0x7, v1;
	s10 =	simm.s32 $0x17700;
	s7 =	sadd.s32 $0x6EC00, s11;
	s11 =	simm.s32 $0x8  }
.LBB2_1:
0xc: {  	[tilespmem:s2], [sflag:$0x1] =	stream.linear.gather [hbm4b:s4+s2], $0x13880, $0x38;
	[tilespmem:$0x17ED0] =	vst v63  }
0xd: {  	_ =	swait.ge [sflag:s9], $0x13880  }
0xe: {  	[sflag:s9] =	ssyncset.done $0x0  }
0xf: {  	s15 =	simm.s32 $0x0;
	[sflag:s9] =	ssyncadd.s32 $0xFFFEC780  }
.LBB2_2:
0x10: {  	s16 =	smul.u32 $0x7D0, s15;
	_ =	sdelay $0x1  }
0x11: {  	s16 =	sadd.s32 s5, s16  }
0x12: {  	s17 =	sshrl.u32 s16, $0x3  }
0x13: {  	s17 =	sadd.s32 s3, s17  }
0x14: {  	[tilespmem:s10], [sflag:$0x1] =	stream.linear.gather [hbm4b:s17+s18], $0x7D0, $0x38;
	[tilespmem:$0x17ED0] =	vst v63  }
0x15: {  	_ =	swait.ge [sflag:s9], $0x7D0  }
0x16: {  	s16 =	sshll.u32 s16, $0x4;
	[sflag:s9] =	ssyncset.done $0x0  }
0x17: {  	v3 =	vor.u32 s18, v0;
	s16 =	sadd.s32 s16, s6;
	[sflag:s9] =	ssyncadd.s32 $0xFFFFF830  }
0x18: {  	[tilespmem:s13], [sflag:$0x1] =	stream.strided.gather [hbm4b:s16+s11], $0x3E80, s12, s11, $0x38;
	[tilespmem:$0x17ED0] =	vst v63  }
0x19: {  	_ =	swait.ge [sflag:s9], $0x3E80  }
0x1a: {  	[sflag:s9] =	ssyncset.done $0x0  }
0x1b: {  	[sflag:s9] =	ssyncadd.s32 $0xFFFFC180  }
0x1c: {  	v4 =	vmov s18;
	v5 =	vxor.u32 $0x1, v3;
	v2 =	vld.idx.msk [tilespmem:v3+s10+$0x0], $0xffff  }
0x1d: {  	v4 =	vand.u32 $0x7F8, v4;
	v6 =	vand.u32 $0x7, v5  }
0x1e: {  	v4 =	vor.u32 v4, v6;
	v3 =	vshll.u32 v3, $0x3  }
0x1f: {  	v7 =	vor.u32 v1, v3;
	v3 =	vshll.u32 v5, $0x3  }
0x20: {  	v8 =	vor.u32 v1, v3  }
0x21: {  	v3 =	vshll.u32 v2, $0x3  }
0x22: {  	v3 =	vor.u32 v1, v3  }
0x23: {  	v6 =	vld.idx.msk [tilespmem:v4+s10+$0x0], $0xffff  }
0x24: {  	v5 =	vld.idx.msk [tilespmem:v7+s13+$0x0], $0xffff  }
0x25: {  	v8 =	vld.idx.msk [tilespmem:v8+s13+$0x0], $0xffff;
	_ =	sdelay $0x1  }
0x26: {  	v7 =	vld.idx.msk [tilespmem:v3+s2+$0x0], $0xffff  }
0x27: {  	s16 =	simm.s32 $0x2  }
0x28: {  	s17 =	simm.s32 $0x4;
	v4 =	vor.u32 s16, v0  }
.LBB2_3:
0x29: {  	p0 =	sne.s32 s17, $0x7CE;
	vm0 =	veq.s32 v2, v6;
	v2 =	vmax.f32 v5, v8  }
0x2a: {  	v2 =	vsel vm0, v2, v5  }
0x2b: {  	v2 =	vmax.f32 v7, v2  }
0x2c: {  	[tilespmem:v3+s2+$0x0] =	vst.idx.msk $0xffff, v2  }
0x2d: {  	v2 =	vld.idx.msk [tilespmem:v4+s10+$0x0], $0xffff  }
0x2e: {  	v5 =	vxor.u32 $0x1, v4;
	v3 =	vmov s16;
	s16 =	smov.u32 s17  }
0x2f: {  	v6 =	vand.u32 $0x7, v5;
	v3 =	vand.u32 $0x7F8, v3  }
0x30: {  	v6 =	vor.u32 v3, v6;
	v3 =	vshll.u32 v4, $0x3  }
0x31: {  	v4 =	vor.u32 v1, v3;
	v3 =	vshll.u32 v5, $0x3  }
0x32: {  	v7 =	vor.u32 v1, v3  }
0x33: {  	v3 =	vshll.u32 v2, $0x3  }
0x34: {  	v3 =	vor.u32 v1, v3  }
0x35: {  	v6 =	vld.idx.msk [tilespmem:v6+s10+$0x0], $0xffff  }
0x36: {  	v5 =	vld.idx.msk [tilespmem:v4+s13+$0x0], $0xffff  }
0x37: {  	v8 =	vld.idx.msk [tilespmem:v7+s13+$0x0], $0xffff  }
.Ltmp0:
0x38: {  	(pc) =	sbr.rel @p0 .LBB2_3-.Ltmp0, $2  }
0x39: {  	v7 =	vld.idx.msk [tilespmem:v3+s2+$0x0], $0xffff;
	_ =	sdelay $0x2  }
0x3a: {  	s17 =	sadd.s32 $0x2, s17;
	v4 =	vor.u32 s16, v0  }
0x3b: {  	_ = 	snop  }
0x3c: {  	vm0 =	veq.s32 v2, v6;
	v2 =	vmax.f32 v5, v8  }
0x3d: {  	v2 =	vsel vm0, v2, v5  }
0x3e: {  	v2 =	vmax.f32 v7, v2  }
0x3f: {  	[tilespmem:v3+s2+$0x0] =	vst.idx.msk $0xffff, v2  }
0x40: {  	v59 =	vxor.u32 $0x1, v4;
	v2 =	vld.idx.msk [tilespmem:v4+s10+$0x0], $0xffff  }
0x41: {  	v5 =	vshll.u32 v59, $0x3  }
0x42: {  	v61 =	vshll.u32 v4, $0x3;
	v5 =	vor.u32 v1, v5;
	v3 =	vmov s16  }
0x43: {  	v60 =	vand.u32 $0x7, v59;
	v3 =	vand.u32 $0x7F8, v3;
	v4 =	vor.u32 v1, v61  }
0x44: {  	v3 =	vor.u32 v3, v60  }
0x45: {  	v62 =	vshll.u32 v2, $0x3  }
0x46: {  	v6 =	vor.u32 v1, v62  }
0x47: {  	v5 =	vld.idx.msk [tilespmem:v5+s13+$0x0], $0xffff  }
0x48: {  	v4 =	vld.idx.msk [tilespmem:v4+s13+$0x0], $0xffff  }
0x49: {  	v3 =	vld.idx.msk [tilespmem:v3+s10+$0x0], $0xffff;
	_ =	sdelay $0x1  }
0x4a: {  	s15 =	sadd.s32 $0x1, s15;
	v63 =	vld.idx.msk [tilespmem:v6+s2+$0x0], $0xffff  }
0x4b: {  	p0 =	sne.s32 s15, $0x50  }
.Ltmp1:
0x4c: {  	_ = 	snop;
	(pc) =	sbr.rel @p0 .LBB2_2-.Ltmp1, $4  }
0x4d: {  	vm15 =	veq.s32 v2, v3;
	v2 =	vmax.f32 v4, v5  }
0x4e: {  	v2 =	vsel vm15, v2, v4  }
0x4f: {  	v2 =	vmax.f32 v63, v2  }
0x50: {  	[tilespmem:v6+s2+$0x0] =	vst.idx.msk $0xffff, v2  }
0x51: {  	s14 =	sadd.s32 $0x1, s14  }
0x52: {  	p0 =	sne.s32 s14, s8  }
.Ltmp2:
0x53: {  	_ = 	snop;
	(pc) =	sbr.rel @p0 .LBB2_1-.Ltmp2, $4  }
0x54: {  	[hbm4b:s7+s2] =	stream.linear.scatter [tilespmem:s2], [sflag:$0x1], $0x13880, $0x38;
	[tilespmem:$0x17ED0] =	vst v63  }
0x55: {  	_ =	swait.ge [sflag:s9], $0x13880  }
0x56: {  	[sflag:s9] =	ssyncset.done $0x0  }
0x57: {  	[sflag:s9] =	ssyncadd.s32 $0xFFFEC780  }
0x58: {  	_ =	sfence.sel $0x180000  }
0x59: {  	[bflag:$0x0] =	sbarrier.arrive $0xFFFF  }
0x5a: {  	p0 =	sne.s32 s0, $0x0;
	_ =	strace $0x90000050  }
0x5b: {  	s0 =	sadd.s32 @!p0 $0x100000, s1;
	[bflag:$0x2] =	sbarrier.arrive $0xFFFF  }
0x5c: {  	[sflag:s0] =	ssyncadd.tile.s32 @!p0 $0x1;
	_ =	shalt  }
.Lfunc_end2:
_tile_overlayer_lowered:
.L_overlay_start_2:
0x5d: {  	(tag) =	ssettag $0x2  }
0x5e: {  	s0 =	rddreg [dreg:$0x0];
	s2 =	stileid.u32  }
0x5f: {  	s1 =	rddreg [dreg:$0x1];
	p0 =	sne.s32 s2, $0x0  }
0x60: {  	s3 =	rddreg [dreg:$0x2];
	[bflag:$0x3] =	sbarrier.arrive $0xFFFF;
	s2 =	simm.s32 @!p0 $0x1C01  }
0x61: {  	[timem:s3], [sflag:s2] =	dma.local @!p0 [hbm:s0], s1  }
0x62: {  	s0 =	simm.s32 @!p0 $0x1  }
0x63: {  	_ =	swait.ge @!p0 [sflag:s0], s1  }
0x64: {  	s1 =	ssub.s32 @!p0 $0x0, s1;
	[sflag:s0] =	ssyncset.done @!p0 $0x0  }
0x65: {  	[sflag:s0] =	ssyncadd.s32 @!p0 s1  }
0x66: {  	[bflag:$0x3] =	sbarrier.arrive $0xFFFF  }
0x67: {  	_ =	shalt  }

</sc_bundles>
